<compile_context>
chip_gen: v7x
topology: tpu7x:2x2x1
jax: 0.10.2.dev20260603
libtpu: 0.0.44.dev20260713+nightly
codegen_flags: <defaults>
</compile_context>

<pallas_src>
import functools

import jax
import jax.numpy as jnp
from jax import lax
from jax.experimental import pallas as pl
from jax.experimental.pallas import tpu as pltpu
from jax.experimental.pallas import tpu_sc as plsc

LANES = 16
NC = 2
NS = 16
NW = NC * NS
NBUF = 2
DRING = 4
NSPLIT = 2
PHASE_FRAC = (0.5, 0.5)


def _matmul_bias_kernel(x_ref, w_ref, b_ref, o_ref):
    o_ref[...] = (
        jnp.dot(x_ref[...], w_ref[...], preferred_element_type=jnp.float32)
        + b_ref[...]
    )


def _matmul_kernel(x_ref, w_ref, o_ref):
    o_ref[...] = jnp.dot(x_ref[...], w_ref[...], preferred_element_type=jnp.float32)


def _head_kernel(n, a, nsplit, x_ref, *rest):
    agg_refs = rest[:nsplit]
    (wux_ref, wua_ref, bu_ref, wmu_ref, bmu_ref, sp_ref, mu_ref,
     sig_ref) = rest[nsplit:]
    agg = agg_refs[0][0, :n, :] + agg_refs[0][1, :n, :]
    for r in agg_refs[1:]:
        agg = agg + r[0, :n, :] + r[1, :n, :]
    h = jnp.maximum(
        jnp.dot(x_ref[...], wux_ref[...], preferred_element_type=jnp.float32)
        + jnp.dot(agg, wua_ref[...], preferred_element_type=jnp.float32)
        + bu_ref[...],
        0.0,
    )
    mu_ref[...] = (
        jnp.dot(h, wmu_ref[...], preferred_element_type=jnp.float32) + bmu_ref[...]
    )
    sig_ref[...] = jnp.broadcast_to(jnp.exp(sp_ref[...]), (n, a))


def _sc_edge_kernel(CH, chunk0, nchunks_call, aggrows, h, src_hbm, dst_hbm, p_hbm,
                    q_hbm, zero_hbm, out_hbm, agg_s, src_v, dst_v, p_v, q_v,
                    isem, gsem, ssem):
    c = lax.axis_index("c")
    s = lax.axis_index("s")
    wid = c * NS + s
    rows_per_tile = aggrows // NS

    base_cnt = nchunks_call // NW
    extra = nchunks_call % NW
    start_w = wid * base_cnt + jnp.minimum(wid, extra)
    cnt = base_cnt + jnp.where(wid < extra, 1, 0)

    pltpu.sync_copy(
        zero_hbm.at[pl.ds(s * rows_per_tile, rows_per_tile)],
        agg_s.at[pl.ds(s * rows_per_tile, rows_per_tile)],
    )
    plsc.subcore_barrier()

    def issue_idx(i, b):
        base = (chunk0 + start_w + i) * CH
        pltpu.async_copy(src_hbm.at[pl.ds(base, CH)], src_v[b], isem[b])
        for d in range(DRING):
            @pl.when(i % DRING == d)
            def _():
                pltpu.async_copy(dst_hbm.at[pl.ds(base, CH)], dst_v[d], isem[b])

    def wait_idx(b):
        pltpu.make_async_copy(src_hbm.at[pl.ds(0, CH)], src_v[b], isem[b]).wait()
        pltpu.make_async_copy(dst_hbm.at[pl.ds(0, CH)], dst_v[0], isem[b]).wait()

    def issue_data(i, b):
        qbase = (start_w + i) * CH
        pltpu.async_copy(p_hbm.at[src_v[b]], p_v[b], gsem[b])
        pltpu.async_copy(q_hbm.at[pl.ds(qbase, CH)], q_v[b], gsem[b])

    def wait_data(b):
        pltpu.make_async_copy(p_hbm.at[src_v[b]], p_v[b], gsem[b]).wait()
        pltpu.make_async_copy(q_hbm.at[pl.ds(0, CH)], q_v[b], gsem[b]).wait()

    def issue_scatter(i, b):
        for d in range(DRING):
            @pl.when(i % DRING == d)
            def _():
                pltpu.async_copy(p_v[b], agg_s.at[dst_v[d]], ssem[b], add=True)

    def wait_scatter(b):
        pltpu.make_async_copy(p_v[b], agg_s.at[dst_v[0]], ssem[b]).wait()

    issue_idx(0, 0)

    @pl.when(1 < cnt)
    def _():
        issue_idx(1, 1)

    wait_idx(0)
    issue_data(0, 0)

    def outer(g, carry):
        for b in range(NBUF):
            i = g * NBUF + b
            bn = (b + 1) % NBUF

            @pl.when(i < cnt)
            def _():
                @pl.when(i + 1 < cnt)
                def _():
                    @pl.when(i >= 1)
                    def _():
                        wait_scatter(bn)
                    wait_idx(bn)
                    issue_data(i + 1, bn)

                wait_data(b)

                @plsc.parallel_loop(0, CH, step=1, unroll=4)
                def _row(r):
                    for cc in range(h // LANES):
                        sl = pl.ds(cc * LANES, LANES)
                        p_v[b][r, sl] = jnp.maximum(
                            p_v[b][r, sl] + q_v[b][r, sl], 0.0
                        )

                issue_scatter(i, b)

                @pl.when(i + NBUF < cnt)
                def _():
                    issue_idx(i + NBUF, b)
        return carry

    lax.fori_loop(0, (cnt + NBUF - 1) // NBUF, outer, 0)
    wait_scatter(0)

    @pl.when(1 < cnt)
    def _():
        wait_scatter(1)

    plsc.subcore_barrier()

    pltpu.sync_copy(
        agg_s.at[pl.ds(s * rows_per_tile, rows_per_tile)],
        out_hbm.at[c, pl.ds(s * rows_per_tile, rows_per_tile)],
    )


def kernel(x, edge_index, edge_attr, W_msg, b_msg, W_upd, b_upd, W_mu, b_mu,
           sigma_param):
    n, d = x.shape
    e = edge_index.shape[1]
    de = edge_attr.shape[1]
    hdim = W_msg.shape[1]
    a = W_mu.shape[1]

    CH = 64
    for cand in (112, 96, 80, 64):
        if e % cand == 0:
            CH = cand
            break
    epad = ((e + CH - 1) // CH) * CH
    nchunks_total = epad // CH
    aggrows = ((n + NS * 8 - 1) // (NS * 8)) * (NS * 8)
    if aggrows <= n:
        aggrows += NS * 8

    src_p = edge_index[0]
    dst_p = edge_index[1]
    ea_p = edge_attr
    if epad != e:
        pad = epad - e
        src_p = jnp.concatenate([src_p, jnp.zeros((pad,), jnp.int32)])
        dst_p = jnp.concatenate([dst_p, jnp.full((pad,), n, jnp.int32)])
        ea_p = jnp.concatenate([ea_p, jnp.zeros((pad, de), jnp.float32)])

    w1 = W_msg[:d]
    w2 = W_msg[d:]
    wu_x = W_upd[:d]
    wu_a = W_upd[d:]

    p_arr = pl.pallas_call(
        _matmul_bias_kernel,
        out_shape=jax.ShapeDtypeStruct((n, hdim), jnp.float32),
    )(x, w1, b_msg.reshape(1, hdim))

    zeros_init = jnp.zeros((aggrows, hdim), jnp.float32)
    mesh = plsc.VectorSubcoreMesh(core_axis_name="c", subcore_axis_name="s")

    bounds = [0]
    for k in range(NSPLIT - 1):
        nxt = bounds[-1] + max(1, int(round(PHASE_FRAC[k] * nchunks_total)))
        bounds.append(min(nxt, nchunks_total - (NSPLIT - 1 - k)))
    bounds.append(nchunks_total)

    aggs = []
    for k in range(NSPLIT):
        c0, c1 = bounds[k], bounds[k + 1]
        rows = (c1 - c0) * CH
        ea_k = lax.slice_in_dim(ea_p, c0 * CH, c1 * CH, axis=0)
        be = CH
        for cand in range(8192, CH - 1, -8):
            if rows % cand == 0:
                be = cand
                break
        q_k = pl.pallas_call(
            _matmul_kernel,
            grid=(rows // be,),
            in_specs=[
                pl.BlockSpec((be, de), lambda i: (i, 0)),
                pl.BlockSpec((de, hdim), lambda i: (0, 0)),
            ],
            out_specs=pl.BlockSpec((be, hdim), lambda i: (i, 0)),
            out_shape=jax.ShapeDtypeStruct((rows, hdim), jnp.float32),
        )(ea_k, w2)

        agg_k = pl.kernel(
            functools.partial(_sc_edge_kernel, CH, c0, c1 - c0, aggrows, hdim),
            out_type=jax.ShapeDtypeStruct((NC, aggrows, hdim), jnp.float32),
            mesh=mesh,
            scratch_types=[
                pltpu.VMEM_SHARED((aggrows, hdim), jnp.float32),
                [pltpu.VMEM((CH,), jnp.int32) for _ in range(NBUF)],
                [pltpu.VMEM((CH,), jnp.int32) for _ in range(DRING)],
                [pltpu.VMEM((CH, hdim), jnp.float32) for _ in range(NBUF)],
                [pltpu.VMEM((CH, hdim), jnp.float32) for _ in range(NBUF)],
                [pltpu.SemaphoreType.DMA for _ in range(NBUF)],
                [pltpu.SemaphoreType.DMA for _ in range(NBUF)],
                [pltpu.SemaphoreType.DMA for _ in range(NBUF)],
            ],
        )(src_p, dst_p, p_arr, q_k, zeros_init)
        aggs.append(agg_k)

    mu, sigma = pl.pallas_call(
        functools.partial(_head_kernel, n, a, NSPLIT),
        out_shape=(
            jax.ShapeDtypeStruct((n, a), jnp.float32),
            jax.ShapeDtypeStruct((n, a), jnp.float32),
        ),
    )(x, *aggs, wu_x, wu_a, b_upd.reshape(1, hdim), W_mu, b_mu.reshape(1, a),
      sigma_param.reshape(1, a))

    return (mu, sigma)

# --- scband reference (transcript-rebuilt; emitter-appended) ---
"""Pipeline reference for scband-gnnactor-76381698392750 (READ-ONLY COPY).

The authoritative reference and input builder live on the scoring server;
editing this copy changes nothing except your own understanding.
"""

import jax, jax.numpy as jnp
import numpy as np

N = 10000
E = 320000
D = 128      # d_feat (node features)
DE = 16      # d_edge (edge attributes)
H = 128      # hidden_dim
A = 8        # output_dim = action_shape.shape[0]


def setup_inputs(seed: int = 0) -> dict:
    key = jax.random.key(seed)
    ks = jax.random.split(key, 10)
    x = jax.random.normal(ks[0], (N, D), dtype=jnp.float32)
    edge_index = jax.random.randint(ks[1], (2, E), 0, N, dtype=jnp.int32)
    edge_attr = jax.random.normal(ks[2], (E, DE), dtype=jnp.float32)
    # graph_encoder params (edge-conditioned message passing layer)
    W_msg = jax.random.normal(ks[3], (D + DE, H), dtype=jnp.float32) * (1.0 / np.sqrt(D + DE))
    b_msg = jnp.zeros((H,), dtype=jnp.float32)
    W_upd = jax.random.normal(ks[4], (D + H, H), dtype=jnp.float32) * (1.0 / np.sqrt(D + H))
    b_upd = jnp.zeros((H,), dtype=jnp.float32)
    # actor head: fc_mu and sigma_param
    W_mu = jax.random.normal(ks[5], (H, A), dtype=jnp.float32) * (1.0 / np.sqrt(H))
    b_mu = jnp.zeros((A,), dtype=jnp.float32)
    sigma_param = jnp.zeros((A, 1), dtype=jnp.float32)
    return {
        'x': x, 'edge_index': edge_index, 'edge_attr': edge_attr,
        'W_msg': W_msg, 'b_msg': b_msg, 'W_upd': W_upd, 'b_upd': b_upd,
        'W_mu': W_mu, 'b_mu': b_mu, 'sigma_param': sigma_param,
    }


def reference(x, edge_index, edge_attr, W_msg, b_msg, W_upd, b_upd, W_mu, b_mu, sigma_param):
    # graph_encoder: edge-conditioned message passing (gather -> MLP -> scatter-add -> update)
    src = edge_index[0]
    dst = edge_index[1]
    x_src = jnp.take(x, src, axis=0)                      # gather  [E, D]
    m_in = jnp.concatenate([x_src, edge_attr], axis=-1)   # [E, D+DE]
    msg = jax.nn.relu(m_in @ W_msg + b_msg)               # [E, H]
    agg = jax.ops.segment_sum(msg, dst, num_segments=N)   # scatter-add [N, H]
    h = jax.nn.relu(jnp.concatenate([x, agg], axis=-1) @ W_upd + b_upd)  # [N, H]
    # actor head: mu = fc_mu(x); sigma = exp(sigma_param broadcast)
    mu = h @ W_mu + b_mu                                   # [N, A]
    sigma = jnp.exp(sigma_param.reshape(1, -1) + jnp.zeros_like(mu))     # [N, A]
    return (mu, sigma)

if __name__ == "__main__":
    import jax
    _d = setup_inputs()
    print(jax.jit(kernel)(*tuple(_d.values())))

</pallas_src>

<mosaic_0001>
#map = affine_map<(d0, d1) -> (0)>
#map1 = affine_map<(d0, d1) -> (0, 0)>
#map2 = affine_map<(d0, d1) -> (0, 0, 0)>
module attributes {stable_mosaic.version = 14 : i64} {
  func.func @_sc_edge_kernel(%arg0: i32, %arg1: i32, %arg2: memref<320000xi32, #tpu.memory_space<hbm>>, %arg3: memref<320000xi32, #tpu.memory_space<hbm>>, %arg4: memref<10000x128xf32, #tpu.memory_space<hbm>>, %arg5: memref<160000x128xf32, #tpu.memory_space<hbm>>, %arg6: memref<10112x128xf32, #tpu.memory_space<hbm>>, %arg7: memref<2x10112x128xf32, #tpu.memory_space<hbm>>, %arg8: memref<10112x128xf32, #tpu.memory_space<vmem_shared>>, %arg9: memref<80xi32, #tpu.memory_space<vmem>>, %arg10: memref<80xi32, #tpu.memory_space<vmem>>, %arg11: memref<80xi32, #tpu.memory_space<vmem>>, %arg12: memref<80xi32, #tpu.memory_space<vmem>>, %arg13: memref<80xi32, #tpu.memory_space<vmem>>, %arg14: memref<80xi32, #tpu.memory_space<vmem>>, %arg15: memref<80x128xf32, #tpu.memory_space<vmem>>, %arg16: memref<80x128xf32, #tpu.memory_space<vmem>>, %arg17: memref<80x128xf32, #tpu.memory_space<vmem>>, %arg18: memref<80x128xf32, #tpu.memory_space<vmem>>, %arg19: memref<!tpu.dma_semaphore, #tpu.memory_space<semaphore_mem>>, %arg20: memref<!tpu.dma_semaphore, #tpu.memory_space<semaphore_mem>>, %arg21: memref<!tpu.dma_semaphore, #tpu.memory_space<semaphore_mem>>, %arg22: memref<!tpu.dma_semaphore, #tpu.memory_space<semaphore_mem>>, %arg23: memref<!tpu.dma_semaphore, #tpu.memory_space<semaphore_mem>>, %arg24: memref<!tpu.dma_semaphore, #tpu.memory_space<semaphore_mem>>) attributes {dimension_semantics = [#tpu.dimension_semantics<core_parallel>, #tpu.dimension_semantics<subcore_parallel>], iteration_bounds = array<i64: 2, 16>, scalar_prefetch = 0 : i64, scratch_operands = 17 : i64, tpu.core_type = #tpu.core_type<sc_vector_subcore>, window_params = [{transform_indices = #map}, {transform_indices = #map}, {transform_indices = #map1}, {transform_indices = #map1}, {transform_indices = #map1}, {transform_indices = #map2}]} {
    %mul3A = arith.constant 16 : i32
    %mul3A_0 = arith.muli %arg0, %mul3A : i32
    %add3A = arith.addi %mul3A_0, %arg1 : i32
    %mul3A_1 = arith.constant 62 : i32
    %mul3A_2 = arith.muli %add3A, %mul3A_1 : i32
    %min3A = arith.constant 16 : i32
    %min3A_3 = arith.minsi %add3A, %min3A : i32
    %add3A_4 = arith.addi %mul3A_2, %min3A_3 : i32
    %lt3A = arith.constant 16 : i32
    %lt3A_5 = arith.cmpi slt, %add3A, %lt3A : i32
    %jit3A = arith.constant 1 : i32
    %jit3A_6 = arith.constant 0 : i32
    %select_n3A = arith.select %lt3A_5, %jit3A, %jit3A_6 : i32
    %add3A_7 = arith.constant 62 : i32
    %add3A_8 = arith.addi %add3A_7, %select_n3A : i32
    %mul3A_9 = arith.constant 632 : i32
    %mul3A_10 = arith.muli %arg1, %mul3A_9 : i32
    %mul3A_11 = arith.constant 632 : i32
    %mul3A_12 = arith.muli %arg1, %mul3A_11 : i32
    "tpu.region"() ({
      %run_scoped3A = tpu.sem_alloc : memref<!tpu.dma_semaphore, #tpu.memory_space<semaphore_mem>>
      %dma_start3A_86 = arith.constant 0 : i32
      %dma_start3A_87 = tpu.memref_slice %arg8[%mul3A_12, %dma_start3A_86] : memref<10112x128xf32, #tpu.memory_space<vmem_shared>> -> memref<632x128xf32, #tpu.memory_space<vmem_shared>>
      %dma_start3A_88 = arith.constant 0 : i32
      %dma_start3A_89 = tpu.memref_slice %arg6[%mul3A_10, %dma_start3A_88] : memref<10112x128xf32, #tpu.memory_space<hbm>> -> memref<632x128xf32, #tpu.memory_space<hbm>>
      tpu.enqueue_dma source(%dma_start3A_89 : memref<632x128xf32, #tpu.memory_space<hbm>>) target(%dma_start3A_87 : memref<632x128xf32, #tpu.memory_space<vmem_shared>>) target_semaphore(%run_scoped3A : memref<!tpu.dma_semaphore, #tpu.memory_space<semaphore_mem>>)
      %dma_wait3A_90 = arith.constant 0 : i32
      %dma_wait3A_91 = tpu.memref_slice %arg8[%mul3A_12, %dma_wait3A_90] : memref<10112x128xf32, #tpu.memory_space<vmem_shared>> -> memref<632x128xf32, #tpu.memory_space<vmem_shared>>
      %dma_wait3A_92 = arith.constant 0 : i32
      %dma_wait3A_93 = tpu.memref_slice %arg6[%mul3A_10, %dma_wait3A_92] : memref<10112x128xf32, #tpu.memory_space<hbm>> -> memref<632x128xf32, #tpu.memory_space<hbm>>
      tpu.wait_dma2 semaphore(%run_scoped3A : memref<!tpu.dma_semaphore, #tpu.memory_space<semaphore_mem>>) src(%dma_wait3A_93 : memref<632x128xf32, #tpu.memory_space<hbm>>) dst(%dma_wait3A_91 : memref<632x128xf32, #tpu.memory_space<vmem_shared>>)
      tpu.yield
    }) : () -> ()
    %barrier3A = arith.constant 0 : index
    tpu.barrier barrier_id(%barrier3A)
    %add3A_13 = arith.constant 0 : i32
    %add3A_14 = arith.addi %add3A_13, %add3A_4 : i32
    %add3A_15 = arith.constant 0 : i32
    %add3A_16 = arith.addi %add3A_14, %add3A_15 : i32
    %mul3A_17 = arith.constant 80 : i32
    %mul3A_18 = arith.muli %add3A_16, %mul3A_17 : i32
    %dma_start3A = tpu.memref_slice %arg2[%mul3A_18] : memref<320000xi32, #tpu.memory_space<hbm>> -> memref<80xi32, #tpu.memory_space<hbm>>
    %dma_start3A_19 = tpu.memref_slice %arg2[%mul3A_18] : memref<320000xi32, #tpu.memory_space<hbm>> -> memref<80xi32, #tpu.memory_space<hbm>>
    tpu.enqueue_dma source(%dma_start3A_19 : memref<80xi32, #tpu.memory_space<hbm>>) target(%arg9 : memref<80xi32, #tpu.memory_space<vmem>>) target_semaphore(%arg19 : memref<!tpu.dma_semaphore, #tpu.memory_space<semaphore_mem>>)
    %dma_start3A_20 = tpu.memref_slice %arg3[%mul3A_18] : memref<320000xi32, #tpu.memory_space<hbm>> -> memref<80xi32, #tpu.memory_space<hbm>>
    %dma_start3A_21 = tpu.memref_slice %arg3[%mul3A_18] : memref<320000xi32, #tpu.memory_space<hbm>> -> memref<80xi32, #tpu.memory_space<hbm>>
    tpu.enqueue_dma source(%dma_start3A_21 : memref<80xi32, #tpu.memory_space<hbm>>) target(%arg11 : memref<80xi32, #tpu.memory_space<vmem>>) target_semaphore(%arg19 : memref<!tpu.dma_semaphore, #tpu.memory_space<semaphore_mem>>)
    %gt3A = arith.constant 1 : i32
    %gt3A_22 = arith.cmpi sgt, %add3A_8, %gt3A : i32
    %convert_element_type3A = arith.extui %gt3A_22 : i1 to i32
    %cond3A = arith.constant 0 : i32
    %cond3A_23 = arith.cmpi ne, %convert_element_type3A, %cond3A : i32
    scf.if %cond3A_23 {
      %add3A_86 = arith.constant 0 : i32
      %add3A_87 = arith.addi %add3A_86, %add3A_4 : i32
      %add3A_88 = arith.constant 1 : i32
      %add3A_89 = arith.addi %add3A_87, %add3A_88 : i32
      %mul3A_90 = arith.constant 80 : i32
      %mul3A_91 = arith.muli %add3A_89, %mul3A_90 : i32
      %dma_start3A_92 = tpu.memref_slice %arg2[%mul3A_91] : memref<320000xi32, #tpu.memory_space<hbm>> -> memref<80xi32, #tpu.memory_space<hbm>>
      %dma_start3A_93 = tpu.memref_slice %arg2[%mul3A_91] : memref<320000xi32, #tpu.memory_space<hbm>> -> memref<80xi32, #tpu.memory_space<hbm>>
      tpu.enqueue_dma source(%dma_start3A_93 : memref<80xi32, #tpu.memory_space<hbm>>) target(%arg10 : memref<80xi32, #tpu.memory_space<vmem>>) target_semaphore(%arg20 : memref<!tpu.dma_semaphore, #tpu.memory_space<semaphore_mem>>)
      %dma_start3A_94 = tpu.memref_slice %arg3[%mul3A_91] : memref<320000xi32, #tpu.memory_space<hbm>> -> memref<80xi32, #tpu.memory_space<hbm>>
      %dma_start3A_95 = tpu.memref_slice %arg3[%mul3A_91] : memref<320000xi32, #tpu.memory_space<hbm>> -> memref<80xi32, #tpu.memory_space<hbm>>
      tpu.enqueue_dma source(%dma_start3A_95 : memref<80xi32, #tpu.memory_space<hbm>>) target(%arg12 : memref<80xi32, #tpu.memory_space<vmem>>) target_semaphore(%arg20 : memref<!tpu.dma_semaphore, #tpu.memory_space<semaphore_mem>>)
    } else {
    }
    %dma_wait3A = arith.constant 0 : i32
    %dma_wait3A_24 = tpu.memref_slice %arg2[%dma_wait3A] : memref<320000xi32, #tpu.memory_space<hbm>> -> memref<80xi32, #tpu.memory_space<hbm>>
    %dma_wait3A_25 = arith.constant 0 : i32
    %dma_wait3A_26 = tpu.memref_slice %arg2[%dma_wait3A_25] : memref<320000xi32, #tpu.memory_space<hbm>> -> memref<80xi32, #tpu.memory_space<hbm>>
    tpu.wait_dma2 semaphore(%arg19 : memref<!tpu.dma_semaphore, #tpu.memory_space<semaphore_mem>>) src(%dma_wait3A_26 : memref<80xi32, #tpu.memory_space<hbm>>) dst(%arg9 : memref<80xi32, #tpu.memory_space<vmem>>)
    %dma_wait3A_27 = arith.constant 0 : i32
    %dma_wait3A_28 = tpu.memref_slice %arg3[%dma_wait3A_27] : memref<320000xi32, #tpu.memory_space<hbm>> -> memref<80xi32, #tpu.memory_space<hbm>>
    %dma_wait3A_29 = arith.constant 0 : i32
    %dma_wait3A_30 = tpu.memref_slice %arg3[%dma_wait3A_29] : memref<320000xi32, #tpu.memory_space<hbm>> -> memref<80xi32, #tpu.memory_space<hbm>>
    tpu.wait_dma2 semaphore(%arg19 : memref<!tpu.dma_semaphore, #tpu.memory_space<semaphore_mem>>) src(%dma_wait3A_30 : memref<80xi32, #tpu.memory_space<hbm>>) dst(%arg11 : memref<80xi32, #tpu.memory_space<vmem>>)
    %add3A_31 = arith.constant 0 : i32
    %add3A_32 = arith.addi %add3A_4, %add3A_31 : i32
    %mul3A_33 = arith.constant 80 : i32
    %mul3A_34 = arith.muli %add3A_32, %mul3A_33 : i32
    %dma_start3A_35 = arith.constant 0 : i32
    %dma_start3A_36 = arith.constant 0 : i32
    %dma_start3A_37 = tpu.memref_slice %arg4[%dma_start3A_35, %dma_start3A_36] : memref<10000x128xf32, #tpu.memory_space<hbm>> -> memref<10000x128xf32, #tpu.memory_space<hbm>>
    tpu.enqueue_indirect_dma source(%dma_start3A_37 : memref<10000x128xf32, #tpu.memory_space<hbm>>) target(%arg15 : memref<80x128xf32, #tpu.memory_space<vmem>>) offsets(%arg9 : memref<80xi32, #tpu.memory_space<vmem>>) semaphore(%arg21 : memref<!tpu.dma_semaphore, #tpu.memory_space<semaphore_mem>>)
    %dma_start3A_38 = arith.constant 0 : i32
    %dma_start3A_39 = tpu.memref_slice %arg5[%mul3A_34, %dma_start3A_38] : memref<160000x128xf32, #tpu.memory_space<hbm>> -> memref<80x128xf32, #tpu.memory_space<hbm>>
    %dma_start3A_40 = arith.constant 0 : i32
    %dma_start3A_41 = tpu.memref_slice %arg5[%mul3A_34, %dma_start3A_40] : memref<160000x128xf32, #tpu.memory_space<hbm>> -> memref<80x128xf32, #tpu.memory_space<hbm>>
    tpu.enqueue_dma source(%dma_start3A_41 : memref<80x128xf32, #tpu.memory_space<hbm>>) target(%arg17 : memref<80x128xf32, #tpu.memory_space<vmem>>) target_semaphore(%arg21 : memref<!tpu.dma_semaphore, #tpu.memory_space<semaphore_mem>>)
    %add3A_42 = arith.constant 2 : i32
    %add3A_43 = arith.addi %add3A_8, %add3A_42 : i32
    %sub3A = arith.constant 1 : i32
    %sub3A_44 = arith.subi %add3A_43, %sub3A : i32
    %jit3A_45 = arith.constant 2 : i32
    %div3A = arith.divsi %sub3A_44, %jit3A_45 : i32
    %sign3A = arith.constant 0 : i32
    %sign3A_46 = arith.cmpi sgt, %sub3A_44, %sign3A : i32
    %sign3A_47 = arith.extui %sign3A_46 : i1 to i32
    %sign3A_48 = arith.constant 0 : i32
    %sign3A_49 = arith.cmpi slt, %sub3A_44, %sign3A_48 : i32
    %sign3A_50 = arith.extui %sign3A_49 : i1 to i32
    %sign3A_51 = arith.subi %sign3A_47, %sign3A_50 : i32
    %sign3A_52 = arith.constant 0 : i32
    %sign3A_53 = arith.cmpi sgt, %jit3A_45, %sign3A_52 : i32
    %sign3A_54 = arith.extui %sign3A_53 : i1 to i32
    %sign3A_55 = arith.constant 0 : i32
    %sign3A_56 = arith.cmpi slt, %jit3A_45, %sign3A_55 : i32
    %sign3A_57 = arith.extui %sign3A_56 : i1 to i32
    %sign3A_58 = arith.subi %sign3A_54, %sign3A_57 : i32
    %ne3A = arith.cmpi ne, %sign3A_51, %sign3A_58 : i32
    %rem3A = arith.remsi %sub3A_44, %jit3A_45 : i32
    %ne3A_59 = arith.constant 0 : i32
    %ne3A_60 = arith.cmpi ne, %rem3A, %ne3A_59 : i32
    %and3A = arith.andi %ne3A, %ne3A_60 : i1
    %sub3A_61 = arith.constant 1 : i32
    %sub3A_62 = arith.subi %div3A, %sub3A_61 : i32
    %select_n3A_63 = arith.select %and3A, %sub3A_62, %div3A : i32
    %while3A = arith.constant 0 : i32
    %while3A_64 = arith.constant 0 : i32
    %while3A_65 = arith.subi %select_n3A_63, %while3A_64 : i32
    %while3A_66 = arith.addi %while3A_64, %while3A_65 : i32
    %while3A_67 = arith.constant 1 : i32
    %while3A_68 = arith.divsi %while3A_65, %while3A_67 : i32
    %while3A_69 = arith.muli %while3A_68, %while3A_67 : i32
    %while3A_70 = arith.addi %while3A_64, %while3A_69 : i32
    %while3A_71 = arith.constant 1 : i32
    scf.for %while3A_86 = %while3A_64 to %while3A_70 step %while3A_71  : i32 {
      %mul3A_87 = arith.constant 2 : i32
      %mul3A_88 = arith.muli %while3A_86, %mul3A_87 : i32
      %add3A_89 = arith.constant 0 : i32
      %add3A_90 = arith.addi %mul3A_88, %add3A_89 : i32
      %lt3A_91 = arith.cmpi slt, %add3A_90, %add3A_8 : i32
      %convert_element_type3A_92 = arith.extui %lt3A_91 : i1 to i32
      %cond3A_93 = arith.constant 0 : i32
      %cond3A_94 = arith.cmpi ne, %convert_element_type3A_92, %cond3A_93 : i32
      scf.if %cond3A_94 {
        %add3A_103 = arith.constant 1 : i32
        %add3A_104 = arith.addi %add3A_90, %add3A_103 : i32
        %lt3A_105 = arith.cmpi slt, %add3A_104, %add3A_8 : i32
        %convert_element_type3A_106 = arith.extui %lt3A_105 : i1 to i32
        %cond3A_107 = arith.constant 0 : i32
        %cond3A_108 = arith.cmpi ne, %convert_element_type3A_106, %cond3A_107 : i32
        scf.if %cond3A_108 {
          %ge3A = arith.constant 1 : i32
          %ge3A_209 = arith.cmpi sge, %add3A_90, %ge3A : i32
          %convert_element_type3A_210 = arith.extui %ge3A_209 : i1 to i32
          %cond3A_211 = arith.constant 0 : i32
          %cond3A_212 = arith.cmpi ne, %convert_element_type3A_210, %cond3A_211 : i32
          scf.if %cond3A_212 {
            %dma_wait3A_233 = arith.constant 0 : i32
            %dma_wait3A_234 = arith.constant 0 : i32
            %dma_wait3A_235 = tpu.memref_slice %arg8[%dma_wait3A_233, %dma_wait3A_234] : memref<10112x128xf32, #tpu.memory_space<vmem_shared>> -> memref<10112x128xf32, #tpu.memory_space<vmem_shared>>
            tpu.wait_indirect_dma semaphore(%arg24 : memref<!tpu.dma_semaphore, #tpu.memory_space<semaphore_mem>>) src(%arg16 : memref<80x128xf32, #tpu.memory_space<vmem>>) dst(%dma_wait3A_235 : memref<10112x128xf32, #tpu.memory_space<vmem_shared>>)
          } else {
          }
          %dma_wait3A_213 = arith.constant 0 : i32
          %dma_wait3A_214 = tpu.memref_slice %arg2[%dma_wait3A_213] : memref<320000xi32, #tpu.memory_space<hbm>> -> memref<80xi32, #tpu.memory_space<hbm>>
          %dma_wait3A_215 = arith.constant 0 : i32
          %dma_wait3A_216 = tpu.memref_slice %arg2[%dma_wait3A_215] : memref<320000xi32, #tpu.memory_space<hbm>> -> memref<80xi32, #tpu.memory_space<hbm>>
          tpu.wait_dma2 semaphore(%arg20 : memref<!tpu.dma_semaphore, #tpu.memory_space<semaphore_mem>>) src(%dma_wait3A_216 : memref<80xi32, #tpu.memory_space<hbm>>) dst(%arg10 : memref<80xi32, #tpu.memory_space<vmem>>)
          %dma_wait3A_217 = arith.constant 0 : i32
          %dma_wait3A_218 = tpu.memref_slice %arg3[%dma_wait3A_217] : memref<320000xi32, #tpu.memory_space<hbm>> -> memref<80xi32, #tpu.memory_space<hbm>>
          %dma_wait3A_219 = arith.constant 0 : i32
          %dma_wait3A_220 = tpu.memref_slice %arg3[%dma_wait3A_219] : memref<320000xi32, #tpu.memory_space<hbm>> -> memref<80xi32, #tpu.memory_space<hbm>>
          tpu.wait_dma2 semaphore(%arg20 : memref<!tpu.dma_semaphore, #tpu.memory_space<semaphore_mem>>) src(%dma_wait3A_220 : memref<80xi32, #tpu.memory_space<hbm>>) dst(%arg11 : memref<80xi32, #tpu.memory_space<vmem>>)
          %add3A_221 = arith.constant 1 : i32
          %add3A_222 = arith.addi %add3A_90, %add3A_221 : i32
          %add3A_223 = arith.addi %add3A_4, %add3A_222 : i32
          %mul3A_224 = arith.constant 80 : i32
          %mul3A_225 = arith.muli %add3A_223, %mul3A_224 : i32
          %dma_start3A_226 = arith.constant 0 : i32
          %dma_start3A_227 = arith.constant 0 : i32
          %dma_start3A_228 = tpu.memref_slice %arg4[%dma_start3A_226, %dma_start3A_227] : memref<10000x128xf32, #tpu.memory_space<hbm>> -> memref<10000x128xf32, #tpu.memory_space<hbm>>
          tpu.enqueue_indirect_dma source(%dma_start3A_228 : memref<10000x128xf32, #tpu.memory_space<hbm>>) target(%arg16 : memref<80x128xf32, #tpu.memory_space<vmem>>) offsets(%arg10 : memref<80xi32, #tpu.memory_space<vmem>>) semaphore(%arg22 : memref<!tpu.dma_semaphore, #tpu.memory_space<semaphore_mem>>)
          %dma_start3A_229 = arith.constant 0 : i32
          %dma_start3A_230 = tpu.memref_slice %arg5[%mul3A_225, %dma_start3A_229] : memref<160000x128xf32, #tpu.memory_space<hbm>> -> memref<80x128xf32, #tpu.memory_space<hbm>>
          %dma_start3A_231 = arith.constant 0 : i32
          %dma_start3A_232 = tpu.memref_slice %arg5[%mul3A_225, %dma_start3A_231] : memref<160000x128xf32, #tpu.memory_space<hbm>> -> memref<80x128xf32, #tpu.memory_space<hbm>>
          tpu.enqueue_dma source(%dma_start3A_232 : memref<80x128xf32, #tpu.memory_space<hbm>>) target(%arg18 : memref<80x128xf32, #tpu.memory_space<vmem>>) target_semaphore(%arg22 : memref<!tpu.dma_semaphore, #tpu.memory_space<semaphore_mem>>)
        } else {
        }
        %dma_wait3A_109 = arith.constant 0 : i32
        %dma_wait3A_110 = arith.constant 0 : i32
        %dma_wait3A_111 = tpu.memref_slice %arg4[%dma_wait3A_109, %dma_wait3A_110] : memref<10000x128xf32, #tpu.memory_space<hbm>> -> memref<10000x128xf32, #tpu.memory_space<hbm>>
        tpu.wait_indirect_dma semaphore(%arg21 : memref<!tpu.dma_semaphore, #tpu.memory_space<semaphore_mem>>) src(%dma_wait3A_111 : memref<10000x128xf32, #tpu.memory_space<hbm>>) dst(%arg15 : memref<80x128xf32, #tpu.memory_space<vmem>>)
        %dma_wait3A_112 = arith.constant 0 : i32
        %dma_wait3A_113 = arith.constant 0 : i32
        %dma_wait3A_114 = tpu.memref_slice %arg5[%dma_wait3A_112, %dma_wait3A_113] : memref<160000x128xf32, #tpu.memory_space<hbm>> -> memref<80x128xf32, #tpu.memory_space<hbm>>
        %dma_wait3A_115 = arith.constant 0 : i32
        %dma_wait3A_116 = arith.constant 0 : i32
        %dma_wait3A_117 = tpu.memref_slice %arg5[%dma_wait3A_115, %dma_wait3A_116] : memref<160000x128xf32, #tpu.memory_space<hbm>> -> memref<80x128xf32, #tpu.memory_space<hbm>>
        tpu.wait_dma2 semaphore(%arg21 : memref<!tpu.dma_semaphore, #tpu.memory_space<semaphore_mem>>) src(%dma_wait3A_117 : memref<80x128xf32, #tpu.memory_space<hbm>>) dst(%arg17 : memref<80x128xf32, #tpu.memory_space<vmem>>)
        %parallel_loop3A = arith.constant 0 : i32
        %parallel_loop3A_118 = arith.constant 80 : i32
        %parallel_loop3A_119 = arith.constant 1 : i32
        scf.for %parallel_loop3A_209 = %parallel_loop3A to %parallel_loop3A_118 step %parallel_loop3A_119  : i32 {
          %parallel_loop3A_210 = arith.index_cast %parallel_loop3A_209 : i32 to index
          %parallel_loop3A_211 = arith.constant 0 : index
          %parallel_loop3A_212 = tpu.vector_load %arg15[%parallel_loop3A_210, %parallel_loop3A_211] {strides = array<i32>} : memref<80x128xf32, #tpu.memory_space<vmem>>, vector<1x16xf32>,
          %parallel_loop3A_213 = vector.shape_cast %parallel_loop3A_212 : vector<1x16xf32> to vector<16xf32>
          %parallel_loop3A_214 = arith.index_cast %parallel_loop3A_209 : i32 to index
          %parallel_loop3A_215 = arith.constant 0 : index
          %parallel_loop3A_216 = tpu.vector_load %arg17[%parallel_loop3A_214, %parallel_loop3A_215] {strides = array<i32>} : memref<80x128xf32, #tpu.memory_space<vmem>>, vector<1x16xf32>,
          %parallel_loop3A_217 = vector.shape_cast %parallel_loop3A_216 : vector<1x16xf32> to vector<16xf32>
          %parallel_loop3A_218 = arith.addf %parallel_loop3A_213, %parallel_loop3A_217 : vector<16xf32>
          %parallel_loop3A_219 = arith.constant 0.000000e+00 : f32
          %parallel_loop3A_220 = vector.broadcast %parallel_loop3A_219 : f32 to vector<16xf32>
          %parallel_loop3A_221 = arith.maximumf %parallel_loop3A_218, %parallel_loop3A_220 : vector<16xf32>
          %parallel_loop3A_222 = arith.index_cast %parallel_loop3A_209 : i32 to index
          %parallel_loop3A_223 = arith.constant 0 : index
          %parallel_loop3A_224 = tpu.vector_load %arg15[%parallel_loop3A_222, %parallel_loop3A_223] {strides = array<i32>} : memref<80x128xf32, #tpu.memory_space<vmem>>, vector<1x16xf32>,
          %parallel_loop3A_225 = vector.shape_cast %parallel_loop3A_224 : vector<1x16xf32> to vector<16xf32>
          %parallel_loop3A_226 = vector.shape_cast %parallel_loop3A_221 : vector<16xf32> to vector<1x16xf32>
          tpu.vector_store %arg15[%parallel_loop3A_222, %parallel_loop3A_223], %parallel_loop3A_226 {strides = array<i32>} : memref<80x128xf32, #tpu.memory_space<vmem>>, vector<1x16xf32>,
          %parallel_loop3A_227 = arith.index_cast %parallel_loop3A_209 : i32 to index
          %parallel_loop3A_228 = arith.constant 16 : index
          %parallel_loop3A_229 = tpu.vector_load %arg15[%parallel_loop3A_227, %parallel_loop3A_228] {strides = array<i32>} : memref<80x128xf32, #tpu.memory_space<vmem>>, vector<1x16xf32>,
          %parallel_loop3A_230 = vector.shape_cast %parallel_loop3A_229 : vector<1x16xf32> to vector<16xf32>
          %parallel_loop3A_231 = arith.index_cast %parallel_loop3A_209 : i32 to index
          %parallel_loop3A_232 = arith.constant 16 : index
          %parallel_loop3A_233 = tpu.vector_load %arg17[%parallel_loop3A_231, %parallel_loop3A_232] {strides = array<i32>} : memref<80x128xf32, #tpu.memory_space<vmem>>, vector<1x16xf32>,
          %parallel_loop3A_234 = vector.shape_cast %parallel_loop3A_233 : vector<1x16xf32> to vector<16xf32>
          %parallel_loop3A_235 = arith.addf %parallel_loop3A_230, %parallel_loop3A_234 : vector<16xf32>
          %parallel_loop3A_236 = arith.constant 0.000000e+00 : f32
          %parallel_loop3A_237 = vector.broadcast %parallel_loop3A_236 : f32 to vector<16xf32>
          %parallel_loop3A_238 = arith.maximumf %parallel_loop3A_235, %parallel_loop3A_237 : vector<16xf32>
          %parallel_loop3A_239 = arith.index_cast %parallel_loop3A_209 : i32 to index
          %parallel_loop3A_240 = arith.constant 16 : index
          %parallel_loop3A_241 = tpu.vector_load %arg15[%parallel_loop3A_239, %parallel_loop3A_240] {strides = array<i32>} : memref<80x128xf32, #tpu.memory_space<vmem>>, vector<1x16xf32>,
          %parallel_loop3A_242 = vector.shape_cast %parallel_loop3A_241 : vector<1x16xf32> to vector<16xf32>
          %parallel_loop3A_243 = vector.shape_cast %parallel_loop3A_238 : vector<16xf32> to vector<1x16xf32>
          tpu.vector_store %arg15[%parallel_loop3A_239, %parallel_loop3A_240], %parallel_loop3A_243 {strides = array<i32>} : memref<80x128xf32, #tpu.memory_space<vmem>>, vector<1x16xf32>,
          %parallel_loop3A_244 = arith.index_cast %parallel_loop3A_209 : i32 to index
          %parallel_loop3A_245 = arith.constant 32 : index
          %parallel_loop3A_246 = tpu.vector_load %arg15[%parallel_loop3A_244, %parallel_loop3A_245] {strides = array<i32>} : memref<80x128xf32, #tpu.memory_space<vmem>>, vector<1x16xf32>,
          %parallel_loop3A_247 = vector.shape_cast %parallel_loop3A_246 : vector<1x16xf32> to vector<16xf32>
          %parallel_loop3A_248 = arith.index_cast %parallel_loop3A_209 : i32 to index
          %parallel_loop3A_249 = arith.constant 32 : index
          %parallel_loop3A_250 = tpu.vector_load %arg17[%parallel_loop3A_248, %parallel_loop3A_249] {strides = array<i32>} : memref<80x128xf32, #tpu.memory_space<vmem>>, vector<1x16xf32>,
          %parallel_loop3A_251 = vector.shape_cast %parallel_loop3A_250 : vector<1x16xf32> to vector<16xf32>
          %parallel_loop3A_252 = arith.addf %parallel_loop3A_247, %parallel_loop3A_251 : vector<16xf32>
          %parallel_loop3A_253 = arith.constant 0.000000e+00 : f32
          %parallel_loop3A_254 = vector.broadcast %parallel_loop3A_253 : f32 to vector<16xf32>
          %parallel_loop3A_255 = arith.maximumf %parallel_loop3A_252, %parallel_loop3A_254 : vector<16xf32>
          %parallel_loop3A_256 = arith.index_cast %parallel_loop3A_209 : i32 to index
          %parallel_loop3A_257 = arith.constant 32 : index
          %parallel_loop3A_258 = tpu.vector_load %arg15[%parallel_loop3A_256, %parallel_loop3A_257] {strides = array<i32>} : memref<80x128xf32, #tpu.memory_space<vmem>>, vector<1x16xf32>,
          %parallel_loop3A_259 = vector.shape_cast %parallel_loop3A_258 : vector<1x16xf32> to vector<16xf32>
          %parallel_loop3A_260 = vector.shape_cast %parallel_loop3A_255 : vector<16xf32> to vector<1x16xf32>
          tpu.vector_store %arg15[%parallel_loop3A_256, %parallel_loop3A_257], %parallel_loop3A_260 {strides = array<i32>} : memref<80x128xf32, #tpu.memory_space<vmem>>, vector<1x16xf32>,
          %parallel_loop3A_261 = arith.index_cast %parallel_loop3A_209 : i32 to index
          %parallel_loop3A_262 = arith.constant 48 : index
          %parallel_loop3A_263 = tpu.vector_load %arg15[%parallel_loop3A_261, %parallel_loop3A_262] {strides = array<i32>} : memref<80x128xf32, #tpu.memory_space<vmem>>, vector<1x16xf32>,
          %parallel_loop3A_264 = vector.shape_cast %parallel_loop3A_263 : vector<1x16xf32> to vector<16xf32>
          %parallel_loop3A_265 = arith.index_cast %parallel_loop3A_209 : i32 to index
          %parallel_loop3A_266 = arith.constant 48 : index
          %parallel_loop3A_267 = tpu.vector_load %arg17[%parallel_loop3A_265, %parallel_loop3A_266] {strides = array<i32>} : memref<80x128xf32, #tpu.memory_space<vmem>>, vector<1x16xf32>,
          %parallel_loop3A_268 = vector.shape_cast %parallel_loop3A_267 : vector<1x16xf32> to vector<16xf32>
          %parallel_loop3A_269 = arith.addf %parallel_loop3A_264, %parallel_loop3A_268 : vector<16xf32>
          %parallel_loop3A_270 = arith.constant 0.000000e+00 : f32
          %parallel_loop3A_271 = vector.broadcast %parallel_loop3A_270 : f32 to vector<16xf32>
          %parallel_loop3A_272 = arith.maximumf %parallel_loop3A_269, %parallel_loop3A_271 : vector<16xf32>
          %parallel_loop3A_273 = arith.index_cast %parallel_loop3A_209 : i32 to index
          %parallel_loop3A_274 = arith.constant 48 : index
          %parallel_loop3A_275 = tpu.vector_load %arg15[%parallel_loop3A_273, %parallel_loop3A_274] {strides = array<i32>} : memref<80x128xf32, #tpu.memory_space<vmem>>, vector<1x16xf32>,
          %parallel_loop3A_276 = vector.shape_cast %parallel_loop3A_275 : vector<1x16xf32> to vector<16xf32>
          %parallel_loop3A_277 = vector.shape_cast %parallel_loop3A_272 : vector<16xf32> to vector<1x16xf32>
          tpu.vector_store %arg15[%parallel_loop3A_273, %parallel_loop3A_274], %parallel_loop3A_277 {strides = array<i32>} : memref<80x128xf32, #tpu.memory_space<vmem>>, vector<1x16xf32>,
          %parallel_loop3A_278 = arith.index_cast %parallel_loop3A_209 : i32 to index
          %parallel_loop3A_279 = arith.constant 64 : index
          %parallel_loop3A_280 = tpu.vector_load %arg15[%parallel_loop3A_278, %parallel_loop3A_279] {strides = array<i32>} : memref<80x128xf32, #tpu.memory_space<vmem>>, vector<1x16xf32>,
          %parallel_loop3A_281 = vector.shape_cast %parallel_loop3A_280 : vector<1x16xf32> to vector<16xf32>
          %parallel_loop3A_282 = arith.index_cast %parallel_loop3A_209 : i32 to index
          %parallel_loop3A_283 = arith.constant 64 : index
          %parallel_loop3A_284 = tpu.vector_load %arg17[%parallel_loop3A_282, %parallel_loop3A_283] {strides = array<i32>} : memref<80x128xf32, #tpu.memory_space<vmem>>, vector<1x16xf32>,
          %parallel_loop3A_285 = vector.shape_cast %parallel_loop3A_284 : vector<1x16xf32> to vector<16xf32>
          %parallel_loop3A_286 = arith.addf %parallel_loop3A_281, %parallel_loop3A_285 : vector<16xf32>
          %parallel_loop3A_287 = arith.constant 0.000000e+00 : f32
          %parallel_loop3A_288 = vector.broadcast %parallel_loop3A_287 : f32 to vector<16xf32>
          %parallel_loop3A_289 = arith.maximumf %parallel_loop3A_286, %parallel_loop3A_288 : vector<16xf32>
          %parallel_loop3A_290 = arith.index_cast %parallel_loop3A_209 : i32 to index
          %parallel_loop3A_291 = arith.constant 64 : index
          %parallel_loop3A_292 = tpu.vector_load %arg15[%parallel_loop3A_290, %parallel_loop3A_291] {strides = array<i32>} : memref<80x128xf32, #tpu.memory_space<vmem>>, vector<1x16xf32>,
          %parallel_loop3A_293 = vector.shape_cast %parallel_loop3A_292 : vector<1x16xf32> to vector<16xf32>
          %parallel_loop3A_294 = vector.shape_cast %parallel_loop3A_289 : vector<16xf32> to vector<1x16xf32>
          tpu.vector_store %arg15[%parallel_loop3A_290, %parallel_loop3A_291], %parallel_loop3A_294 {strides = array<i32>} : memref<80x128xf32, #tpu.memory_space<vmem>>, vector<1x16xf32>,
          %parallel_loop3A_295 = arith.index_cast %parallel_loop3A_209 : i32 to index
          %parallel_loop3A_296 = arith.constant 80 : index
          %parallel_loop3A_297 = tpu.vector_load %arg15[%parallel_loop3A_295, %parallel_loop3A_296] {strides = array<i32>} : memref<80x128xf32, #tpu.memory_space<vmem>>, vector<1x16xf32>,
          %parallel_loop3A_298 = vector.shape_cast %parallel_loop3A_297 : vector<1x16xf32> to vector<16xf32>
          %parallel_loop3A_299 = arith.index_cast %parallel_loop3A_209 : i32 to index
          %parallel_loop3A_300 = arith.constant 80 : index
          %parallel_loop3A_301 = tpu.vector_load %arg17[%parallel_loop3A_299, %parallel_loop3A_300] {strides = array<i32>} : memref<80x128xf32, #tpu.memory_space<vmem>>, vector<1x16xf32>,
          %parallel_loop3A_302 = vector.shape_cast %parallel_loop3A_301 : vector<1x16xf32> to vector<16xf32>
          %parallel_loop3A_303 = arith.addf %parallel_loop3A_298, %parallel_loop3A_302 : vector<16xf32>
          %parallel_loop3A_304 = arith.constant 0.000000e+00 : f32
          %parallel_loop3A_305 = vector.broadcast %parallel_loop3A_304 : f32 to vector<16xf32>
          %parallel_loop3A_306 = arith.maximumf %parallel_loop3A_303, %parallel_loop3A_305 : vector<16xf32>
          %parallel_loop3A_307 = arith.index_cast %parallel_loop3A_209 : i32 to index
          %parallel_loop3A_308 = arith.constant 80 : index
          %parallel_loop3A_309 = tpu.vector_load %arg15[%parallel_loop3A_307, %parallel_loop3A_308] {strides = array<i32>} : memref<80x128xf32, #tpu.memory_space<vmem>>, vector<1x16xf32>,
          %parallel_loop3A_310 = vector.shape_cast %parallel_loop3A_309 : vector<1x16xf32> to vector<16xf32>
          %parallel_loop3A_311 = vector.shape_cast %parallel_loop3A_306 : vector<16xf32> to vector<1x16xf32>
          tpu.vector_store %arg15[%parallel_loop3A_307, %parallel_loop3A_308], %parallel_loop3A_311 {strides = array<i32>} : memref<80x128xf32, #tpu.memory_space<vmem>>, vector<1x16xf32>,
          %parallel_loop3A_312 = arith.index_cast %parallel_loop3A_209 : i32 to index
          %parallel_loop3A_313 = arith.constant 96 : index
          %parallel_loop3A_314 = tpu.vector_load %arg15[%parallel_loop3A_312, %parallel_loop3A_313] {strides = array<i32>} : memref<80x128xf32, #tpu.memory_space<vmem>>, vector<1x16xf32>,
          %parallel_loop3A_315 = vector.shape_cast %parallel_loop3A_314 : vector<1x16xf32> to vector<16xf32>
          %parallel_loop3A_316 = arith.index_cast %parallel_loop3A_209 : i32 to index
          %parallel_loop3A_317 = arith.constant 96 : index
          %parallel_loop3A_318 = tpu.vector_load %arg17[%parallel_loop3A_316, %parallel_loop3A_317] {strides = array<i32>} : memref<80x128xf32, #tpu.memory_space<vmem>>, vector<1x16xf32>,
          %parallel_loop3A_319 = vector.shape_cast %parallel_loop3A_318 : vector<1x16xf32> to vector<16xf32>
          %parallel_loop3A_320 = arith.addf %parallel_loop3A_315, %parallel_loop3A_319 : vector<16xf32>
          %parallel_loop3A_321 = arith.constant 0.000000e+00 : f32
          %parallel_loop3A_322 = vector.broadcast %parallel_loop3A_321 : f32 to vector<16xf32>
          %parallel_loop3A_323 = arith.maximumf %parallel_loop3A_320, %parallel_loop3A_322 : vector<16xf32>
          %parallel_loop3A_324 = arith.index_cast %parallel_loop3A_209 : i32 to index
          %parallel_loop3A_325 = arith.constant 96 : index
          %parallel_loop3A_326 = tpu.vector_load %arg15[%parallel_loop3A_324, %parallel_loop3A_325] {strides = array<i32>} : memref<80x128xf32, #tpu.memory_space<vmem>>, vector<1x16xf32>,
          %parallel_loop3A_327 = vector.shape_cast %parallel_loop3A_326 : vector<1x16xf32> to vector<16xf32>
          %parallel_loop3A_328 = vector.shape_cast %parallel_loop3A_323 : vector<16xf32> to vector<1x16xf32>
          tpu.vector_store %arg15[%parallel_loop3A_324, %parallel_loop3A_325], %parallel_loop3A_328 {strides = array<i32>} : memref<80x128xf32, #tpu.memory_space<vmem>>, vector<1x16xf32>,
          %parallel_loop3A_329 = arith.index_cast %parallel_loop3A_209 : i32 to index
          %parallel_loop3A_330 = arith.constant 112 : index
          %parallel_loop3A_331 = tpu.vector_load %arg15[%parallel_loop3A_329, %parallel_loop3A_330] {strides = array<i32>} : memref<80x128xf32, #tpu.memory_space<vmem>>, vector<1x16xf32>,
          %parallel_loop3A_332 = vector.shape_cast %parallel_loop3A_331 : vector<1x16xf32> to vector<16xf32>
          %parallel_loop3A_333 = arith.index_cast %parallel_loop3A_209 : i32 to index
          %parallel_loop3A_334 = arith.constant 112 : index
          %parallel_loop3A_335 = tpu.vector_load %arg17[%parallel_loop3A_333, %parallel_loop3A_334] {strides = array<i32>} : memref<80x128xf32, #tpu.memory_space<vmem>>, vector<1x16xf32>,
          %parallel_loop3A_336 = vector.shape_cast %parallel_loop3A_335 : vector<1x16xf32> to vector<16xf32>
          %parallel_loop3A_337 = arith.addf %parallel_loop3A_332, %parallel_loop3A_336 : vector<16xf32>
          %parallel_loop3A_338 = arith.constant 0.000000e+00 : f32
          %parallel_loop3A_339 = vector.broadcast %parallel_loop3A_338 : f32 to vector<16xf32>
          %parallel_loop3A_340 = arith.maximumf %parallel_loop3A_337, %parallel_loop3A_339 : vector<16xf32>
          %parallel_loop3A_341 = arith.index_cast %parallel_loop3A_209 : i32 to index
          %parallel_loop3A_342 = arith.constant 112 : index
          %parallel_loop3A_343 = tpu.vector_load %arg15[%parallel_loop3A_341, %parallel_loop3A_342] {strides = array<i32>} : memref<80x128xf32, #tpu.memory_space<vmem>>, vector<1x16xf32>,
          %parallel_loop3A_344 = vector.shape_cast %parallel_loop3A_343 : vector<1x16xf32> to vector<16xf32>
          %parallel_loop3A_345 = vector.shape_cast %parallel_loop3A_340 : vector<16xf32> to vector<1x16xf32>
          tpu.vector_store %arg15[%parallel_loop3A_341, %parallel_loop3A_342], %parallel_loop3A_345 {strides = array<i32>} : memref<80x128xf32, #tpu.memory_space<vmem>>, vector<1x16xf32>,
        } {sc.loop_unroll_factor = 4 : i64, sc.parallel_access}
        %jit3A_120 = arith.constant 4 : i32
        %eq3A = arith.constant 0 : i32
        %eq3A_121 = arith.cmpi eq, %jit3A_120, %eq3A : i32
        %jit3A_122 = arith.constant 1 : i32
        %select_n3A_123 = arith.select %eq3A_121, %jit3A_122, %jit3A_120 : i32
        %rem3A_124 = arith.remsi %add3A_90, %select_n3A_123 : i32
        %ne3A_125 = arith.constant 0 : i32
        %ne3A_126 = arith.cmpi ne, %rem3A_124, %ne3A_125 : i32
        %lt3A_127 = arith.constant 0 : i32
        %lt3A_128 = arith.cmpi slt, %rem3A_124, %lt3A_127 : i32
        %lt3A_129 = arith.constant 0 : i32
        %lt3A_130 = arith.cmpi slt, %select_n3A_123, %lt3A_129 : i32
        %ne3A_131 = arith.xori %lt3A_128, %lt3A_130 : i1
        %and3A_132 = arith.andi %ne3A_131, %ne3A_126 : i1
        %add3A_133 = arith.addi %rem3A_124, %select_n3A_123 : i32
        %select_n3A_134 = arith.select %and3A_132, %add3A_133, %rem3A_124 : i32
        %eq3A_135 = arith.constant 0 : i32
        %eq3A_136 = arith.cmpi eq, %select_n3A_134, %eq3A_135 : i32
        %convert_element_type3A_137 = arith.extui %eq3A_136 : i1 to i32
        %cond3A_138 = arith.constant 0 : i32
        %cond3A_139 = arith.cmpi ne, %convert_element_type3A_137, %cond3A_138 : i32
        scf.if %cond3A_139 {
          %dma_start3A_209 = arith.constant 0 : i32
          %dma_start3A_210 = arith.constant 0 : i32
          %dma_start3A_211 = tpu.memref_slice %arg8[%dma_start3A_209, %dma_start3A_210] : memref<10112x128xf32, #tpu.memory_space<vmem_shared>> -> memref<10112x128xf32, #tpu.memory_space<vmem_shared>>
          tpu.enqueue_indirect_dma source(%arg15 : memref<80x128xf32, #tpu.memory_space<vmem>>) target(%dma_start3A_211 : memref<10112x128xf32, #tpu.memory_space<vmem_shared>>) offsets(%arg11 : memref<80xi32, #tpu.memory_space<vmem>>) semaphore(%arg23 : memref<!tpu.dma_semaphore, #tpu.memory_space<semaphore_mem>>) {add = true}
        } else {
        }
        %jit3A_140 = arith.constant 4 : i32
        %eq3A_141 = arith.constant 0 : i32
        %eq3A_142 = arith.cmpi eq, %jit3A_140, %eq3A_141 : i32
        %jit3A_143 = arith.constant 1 : i32
        %select_n3A_144 = arith.select %eq3A_142, %jit3A_143, %jit3A_140 : i32
        %rem3A_145 = arith.remsi %add3A_90, %select_n3A_144 : i32
        %ne3A_146 = arith.constant 0 : i32
        %ne3A_147 = arith.cmpi ne, %rem3A_145, %ne3A_146 : i32
        %lt3A_148 = arith.constant 0 : i32
        %lt3A_149 = arith.cmpi slt, %rem3A_145, %lt3A_148 : i32
        %lt3A_150 = arith.constant 0 : i32
        %lt3A_151 = arith.cmpi slt, %select_n3A_144, %lt3A_150 : i32
        %ne3A_152 = arith.xori %lt3A_149, %lt3A_151 : i1
        %and3A_153 = arith.andi %ne3A_152, %ne3A_147 : i1
        %add3A_154 = arith.addi %rem3A_145, %select_n3A_144 : i32
        %select_n3A_155 = arith.select %and3A_153, %add3A_154, %rem3A_145 : i32
        %eq3A_156 = arith.constant 1 : i32
        %eq3A_157 = arith.cmpi eq, %select_n3A_155, %eq3A_156 : i32
        %convert_element_type3A_158 = arith.extui %eq3A_157 : i1 to i32
        %cond3A_159 = arith.constant 0 : i32
        %cond3A_160 = arith.cmpi ne, %convert_element_type3A_158, %cond3A_159 : i32
        scf.if %cond3A_160 {
          %dma_start3A_209 = arith.constant 0 : i32
          %dma_start3A_210 = arith.constant 0 : i32
          %dma_start3A_211 = tpu.memref_slice %arg8[%dma_start3A_209, %dma_start3A_210] : memref<10112x128xf32, #tpu.memory_space<vmem_shared>> -> memref<10112x128xf32, #tpu.memory_space<vmem_shared>>
          tpu.enqueue_indirect_dma source(%arg15 : memref<80x128xf32, #tpu.memory_space<vmem>>) target(%dma_start3A_211 : memref<10112x128xf32, #tpu.memory_space<vmem_shared>>) offsets(%arg12 : memref<80xi32, #tpu.memory_space<vmem>>) semaphore(%arg23 : memref<!tpu.dma_semaphore, #tpu.memory_space<semaphore_mem>>) {add = true}
        } else {
        }
        %jit3A_161 = arith.constant 4 : i32
        %eq3A_162 = arith.constant 0 : i32
        %eq3A_163 = arith.cmpi eq, %jit3A_161, %eq3A_162 : i32
        %jit3A_164 = arith.constant 1 : i32
        %select_n3A_165 = arith.select %eq3A_163, %jit3A_164, %jit3A_161 : i32
        %rem3A_166 = arith.remsi %add3A_90, %select_n3A_165 : i32
        %ne3A_167 = arith.constant 0 : i32
        %ne3A_168 = arith.cmpi ne, %rem3A_166, %ne3A_167 : i32
        %lt3A_169 = arith.constant 0 : i32
        %lt3A_170 = arith.cmpi slt, %rem3A_166, %lt3A_169 : i32
        %lt3A_171 = arith.constant 0 : i32
        %lt3A_172 = arith.cmpi slt, %select_n3A_165, %lt3A_171 : i32
        %ne3A_173 = arith.xori %lt3A_170, %lt3A_172 : i1
        %and3A_174 = arith.andi %ne3A_173, %ne3A_168 : i1
        %add3A_175 = arith.addi %rem3A_166, %select_n3A_165 : i32
        %select_n3A_176 = arith.select %and3A_174, %add3A_175, %rem3A_166 : i32
        %eq3A_177 = arith.constant 2 : i32
        %eq3A_178 = arith.cmpi eq, %select_n3A_176, %eq3A_177 : i32
        %convert_element_type3A_179 = arith.extui %eq3A_178 : i1 to i32
        %cond3A_180 = arith.constant 0 : i32
        %cond3A_181 = arith.cmpi ne, %convert_element_type3A_179, %cond3A_180 : i32
        scf.if %cond3A_181 {
          %dma_start3A_209 = arith.constant 0 : i32
          %dma_start3A_210 = arith.constant 0 : i32
          %dma_start3A_211 = tpu.memref_slice %arg8[%dma_start3A_209, %dma_start3A_210] : memref<10112x128xf32, #tpu.memory_space<vmem_shared>> -> memref<10112x128xf32, #tpu.memory_space<vmem_shared>>
          tpu.enqueue_indirect_dma source(%arg15 : memref<80x128xf32, #tpu.memory_space<vmem>>) target(%dma_start3A_211 : memref<10112x128xf32, #tpu.memory_space<vmem_shared>>) offsets(%arg13 : memref<80xi32, #tpu.memory_space<vmem>>) semaphore(%arg23 : memref<!tpu.dma_semaphore, #tpu.memory_space<semaphore_mem>>) {add = true}
        } else {
        }
        %jit3A_182 = arith.constant 4 : i32
        %eq3A_183 = arith.constant 0 : i32
        %eq3A_184 = arith.cmpi eq, %jit3A_182, %eq3A_183 : i32
        %jit3A_185 = arith.constant 1 : i32
        %select_n3A_186 = arith.select %eq3A_184, %jit3A_185, %jit3A_182 : i32
        %rem3A_187 = arith.remsi %add3A_90, %select_n3A_186 : i32
        %ne3A_188 = arith.constant 0 : i32
        %ne3A_189 = arith.cmpi ne, %rem3A_187, %ne3A_188 : i32
        %lt3A_190 = arith.constant 0 : i32
        %lt3A_191 = arith.cmpi slt, %rem3A_187, %lt3A_190 : i32
        %lt3A_192 = arith.constant 0 : i32
        %lt3A_193 = arith.cmpi slt, %select_n3A_186, %lt3A_192 : i32
        %ne3A_194 = arith.xori %lt3A_191, %lt3A_193 : i1
        %and3A_195 = arith.andi %ne3A_194, %ne3A_189 : i1
        %add3A_196 = arith.addi %rem3A_187, %select_n3A_186 : i32
        %select_n3A_197 = arith.select %and3A_195, %add3A_196, %rem3A_187 : i32
        %eq3A_198 = arith.constant 3 : i32
        %eq3A_199 = arith.cmpi eq, %select_n3A_197, %eq3A_198 : i32
        %convert_element_type3A_200 = arith.extui %eq3A_199 : i1 to i32
        %cond3A_201 = arith.constant 0 : i32
        %cond3A_202 = arith.cmpi ne, %convert_element_type3A_200, %cond3A_201 : i32
        scf.if %cond3A_202 {
          %dma_start3A_209 = arith.constant 0 : i32
          %dma_start3A_210 = arith.constant 0 : i32
          %dma_start3A_211 = tpu.memref_slice %arg8[%dma_start3A_209, %dma_start3A_210] : memref<10112x128xf32, #tpu.memory_space<vmem_shared>> -> memref<10112x128xf32, #tpu.memory_space<vmem_shared>>
          tpu.enqueue_indirect_dma source(%arg15 : memref<80x128xf32, #tpu.memory_space<vmem>>) target(%dma_start3A_211 : memref<10112x128xf32, #tpu.memory_space<vmem_shared>>) offsets(%arg14 : memref<80xi32, #tpu.memory_space<vmem>>) semaphore(%arg23 : memref<!tpu.dma_semaphore, #tpu.memory_space<semaphore_mem>>) {add = true}
        } else {
        }
        %add3A_203 = arith.constant 2 : i32
        %add3A_204 = arith.addi %add3A_90, %add3A_203 : i32
        %lt3A_205 = arith.cmpi slt, %add3A_204, %add3A_8 : i32
        %convert_element_type3A_206 = arith.extui %lt3A_205 : i1 to i32
        %cond3A_207 = arith.constant 0 : i32
        %cond3A_208 = arith.cmpi ne, %convert_element_type3A_206, %cond3A_207 : i32
        scf.if %cond3A_208 {
          %add3A_209 = arith.constant 2 : i32
          %add3A_210 = arith.addi %add3A_90, %add3A_209 : i32
          %add3A_211 = arith.constant 0 : i32
          %add3A_212 = arith.addi %add3A_211, %add3A_4 : i32
          %add3A_213 = arith.addi %add3A_212, %add3A_210 : i32
          %mul3A_214 = arith.constant 80 : i32
          %mul3A_215 = arith.muli %add3A_213, %mul3A_214 : i32
          %dma_start3A_216 = tpu.memref_slice %arg2[%mul3A_215] : memref<320000xi32, #tpu.memory_space<hbm>> -> memref<80xi32, #tpu.memory_space<hbm>>
          %dma_start3A_217 = tpu.memref_slice %arg2[%mul3A_215] : memref<320000xi32, #tpu.memory_space<hbm>> -> memref<80xi32, #tpu.memory_space<hbm>>
          tpu.enqueue_dma source(%dma_start3A_217 : memref<80xi32, #tpu.memory_space<hbm>>) target(%arg9 : memref<80xi32, #tpu.memory_space<vmem>>) target_semaphore(%arg19 : memref<!tpu.dma_semaphore, #tpu.memory_space<semaphore_mem>>)
          %jit3A_218 = arith.constant 4 : i32
          %eq3A_219 = arith.constant 0 : i32
          %eq3A_220 = arith.cmpi eq, %jit3A_218, %eq3A_219 : i32
          %jit3A_221 = arith.constant 1 : i32
          %select_n3A_222 = arith.select %eq3A_220, %jit3A_221, %jit3A_218 : i32
          %rem3A_223 = arith.remsi %add3A_210, %select_n3A_222 : i32
          %ne3A_224 = arith.constant 0 : i32
          %ne3A_225 = arith.cmpi ne, %rem3A_223, %ne3A_224 : i32
          %lt3A_226 = arith.constant 0 : i32
          %lt3A_227 = arith.cmpi slt, %rem3A_223, %lt3A_226 : i32
          %lt3A_228 = arith.constant 0 : i32
          %lt3A_229 = arith.cmpi slt, %select_n3A_222, %lt3A_228 : i32
          %ne3A_230 = arith.xori %lt3A_227, %lt3A_229 : i1
          %and3A_231 = arith.andi %ne3A_230, %ne3A_225 : i1
          %add3A_232 = arith.addi %rem3A_223, %select_n3A_222 : i32
          %select_n3A_233 = arith.select %and3A_231, %add3A_232, %rem3A_223 : i32
          %eq3A_234 = arith.constant 0 : i32
          %eq3A_235 = arith.cmpi eq, %select_n3A_233, %eq3A_234 : i32
          %convert_element_type3A_236 = arith.extui %eq3A_235 : i1 to i32
          %cond3A_237 = arith.constant 0 : i32
          %cond3A_238 = arith.cmpi ne, %convert_element_type3A_236, %cond3A_237 : i32
          scf.if %cond3A_238 {
            %dma_start3A_302 = tpu.memref_slice %arg3[%mul3A_215] : memref<320000xi32, #tpu.memory_space<hbm>> -> memref<80xi32, #tpu.memory_space<hbm>>
            %dma_start3A_303 = tpu.memref_slice %arg3[%mul3A_215] : memref<320000xi32, #tpu.memory_space<hbm>> -> memref<80xi32, #tpu.memory_space<hbm>>
            tpu.enqueue_dma source(%dma_start3A_303 : memref<80xi32, #tpu.memory_space<hbm>>) target(%arg11 : memref<80xi32, #tpu.memory_space<vmem>>) target_semaphore(%arg19 : memref<!tpu.dma_semaphore, #tpu.memory_space<semaphore_mem>>)
          } else {
          }
          %jit3A_239 = arith.constant 4 : i32
          %eq3A_240 = arith.constant 0 : i32
          %eq3A_241 = arith.cmpi eq, %jit3A_239, %eq3A_240 : i32
          %jit3A_242 = arith.constant 1 : i32
          %select_n3A_243 = arith.select %eq3A_241, %jit3A_242, %jit3A_239 : i32
          %rem3A_244 = arith.remsi %add3A_210, %select_n3A_243 : i32
          %ne3A_245 = arith.constant 0 : i32
          %ne3A_246 = arith.cmpi ne, %rem3A_244, %ne3A_245 : i32
          %lt3A_247 = arith.constant 0 : i32
          %lt3A_248 = arith.cmpi slt, %rem3A_244, %lt3A_247 : i32
          %lt3A_249 = arith.constant 0 : i32
          %lt3A_250 = arith.cmpi slt, %select_n3A_243, %lt3A_249 : i32
          %ne3A_251 = arith.xori %lt3A_248, %lt3A_250 : i1
          %and3A_252 = arith.andi %ne3A_251, %ne3A_246 : i1
          %add3A_253 = arith.addi %rem3A_244, %select_n3A_243 : i32
          %select_n3A_254 = arith.select %and3A_252, %add3A_253, %rem3A_244 : i32
          %eq3A_255 = arith.constant 1 : i32
          %eq3A_256 = arith.cmpi eq, %select_n3A_254, %eq3A_255 : i32
          %convert_element_type3A_257 = arith.extui %eq3A_256 : i1 to i32
          %cond3A_258 = arith.constant 0 : i32
          %cond3A_259 = arith.cmpi ne, %convert_element_type3A_257, %cond3A_258 : i32
          scf.if %cond3A_259 {
            %dma_start3A_302 = tpu.memref_slice %arg3[%mul3A_215] : memref<320000xi32, #tpu.memory_space<hbm>> -> memref<80xi32, #tpu.memory_space<hbm>>
            %dma_start3A_303 = tpu.memref_slice %arg3[%mul3A_215] : memref<320000xi32, #tpu.memory_space<hbm>> -> memref<80xi32, #tpu.memory_space<hbm>>
            tpu.enqueue_dma source(%dma_start3A_303 : memref<80xi32, #tpu.memory_space<hbm>>) target(%arg12 : memref<80xi32, #tpu.memory_space<vmem>>) target_semaphore(%arg19 : memref<!tpu.dma_semaphore, #tpu.memory_space<semaphore_mem>>)
          } else {
          }
          %jit3A_260 = arith.constant 4 : i32
          %eq3A_261 = arith.constant 0 : i32
          %eq3A_262 = arith.cmpi eq, %jit3A_260, %eq3A_261 : i32
          %jit3A_263 = arith.constant 1 : i32
          %select_n3A_264 = arith.select %eq3A_262, %jit3A_263, %jit3A_260 : i32
          %rem3A_265 = arith.remsi %add3A_210, %select_n3A_264 : i32
          %ne3A_266 = arith.constant 0 : i32
          %ne3A_267 = arith.cmpi ne, %rem3A_265, %ne3A_266 : i32
          %lt3A_268 = arith.constant 0 : i32
          %lt3A_269 = arith.cmpi slt, %rem3A_265, %lt3A_268 : i32
          %lt3A_270 = arith.constant 0 : i32
          %lt3A_271 = arith.cmpi slt, %select_n3A_264, %lt3A_270 : i32
          %ne3A_272 = arith.xori %lt3A_269, %lt3A_271 : i1
          %and3A_273 = arith.andi %ne3A_272, %ne3A_267 : i1
          %add3A_274 = arith.addi %rem3A_265, %select_n3A_264 : i32
          %select_n3A_275 = arith.select %and3A_273, %add3A_274, %rem3A_265 : i32
          %eq3A_276 = arith.constant 2 : i32
          %eq3A_277 = arith.cmpi eq, %select_n3A_275, %eq3A_276 : i32
          %convert_element_type3A_278 = arith.extui %eq3A_277 : i1 to i32
          %cond3A_279 = arith.constant 0 : i32
          %cond3A_280 = arith.cmpi ne, %convert_element_type3A_278, %cond3A_279 : i32
          scf.if %cond3A_280 {
            %dma_start3A_302 = tpu.memref_slice %arg3[%mul3A_215] : memref<320000xi32, #tpu.memory_space<hbm>> -> memref<80xi32, #tpu.memory_space<hbm>>
            %dma_start3A_303 = tpu.memref_slice %arg3[%mul3A_215] : memref<320000xi32, #tpu.memory_space<hbm>> -> memref<80xi32, #tpu.memory_space<hbm>>
            tpu.enqueue_dma source(%dma_start3A_303 : memref<80xi32, #tpu.memory_space<hbm>>) target(%arg13 : memref<80xi32, #tpu.memory_space<vmem>>) target_semaphore(%arg19 : memref<!tpu.dma_semaphore, #tpu.memory_space<semaphore_mem>>)
          } else {
          }
          %jit3A_281 = arith.constant 4 : i32
          %eq3A_282 = arith.constant 0 : i32
          %eq3A_283 = arith.cmpi eq, %jit3A_281, %eq3A_282 : i32
          %jit3A_284 = arith.constant 1 : i32
          %select_n3A_285 = arith.select %eq3A_283, %jit3A_284, %jit3A_281 : i32
          %rem3A_286 = arith.remsi %add3A_210, %select_n3A_285 : i32
          %ne3A_287 = arith.constant 0 : i32
          %ne3A_288 = arith.cmpi ne, %rem3A_286, %ne3A_287 : i32
          %lt3A_289 = arith.constant 0 : i32
          %lt3A_290 = arith.cmpi slt, %rem3A_286, %lt3A_289 : i32
          %lt3A_291 = arith.constant 0 : i32
          %lt3A_292 = arith.cmpi slt, %select_n3A_285, %lt3A_291 : i32
          %ne3A_293 = arith.xori %lt3A_290, %lt3A_292 : i1
          %and3A_294 = arith.andi %ne3A_293, %ne3A_288 : i1
          %add3A_295 = arith.addi %rem3A_286, %select_n3A_285 : i32
          %select_n3A_296 = arith.select %and3A_294, %add3A_295, %rem3A_286 : i32
          %eq3A_297 = arith.constant 3 : i32
          %eq3A_298 = arith.cmpi eq, %select_n3A_296, %eq3A_297 : i32
          %convert_element_type3A_299 = arith.extui %eq3A_298 : i1 to i32
          %cond3A_300 = arith.constant 0 : i32
          %cond3A_301 = arith.cmpi ne, %convert_element_type3A_299, %cond3A_300 : i32
          scf.if %cond3A_301 {
            %dma_start3A_302 = tpu.memref_slice %arg3[%mul3A_215] : memref<320000xi32, #tpu.memory_space<hbm>> -> memref<80xi32, #tpu.memory_space<hbm>>
            %dma_start3A_303 = tpu.memref_slice %arg3[%mul3A_215] : memref<320000xi32, #tpu.memory_space<hbm>> -> memref<80xi32, #tpu.memory_space<hbm>>
            tpu.enqueue_dma source(%dma_start3A_303 : memref<80xi32, #tpu.memory_space<hbm>>) target(%arg14 : memref<80xi32, #tpu.memory_space<vmem>>) target_semaphore(%arg19 : memref<!tpu.dma_semaphore, #tpu.memory_space<semaphore_mem>>)
          } else {
          }
        } else {
        }
      } else {
      }
      %mul3A_95 = arith.constant 2 : i32
      %mul3A_96 = arith.muli %while3A_86, %mul3A_95 : i32
      %add3A_97 = arith.constant 1 : i32
      %add3A_98 = arith.addi %mul3A_96, %add3A_97 : i32
      %lt3A_99 = arith.cmpi slt, %add3A_98, %add3A_8 : i32
      %convert_element_type3A_100 = arith.extui %lt3A_99 : i1 to i32
      %cond3A_101 = arith.constant 0 : i32
      %cond3A_102 = arith.cmpi ne, %convert_element_type3A_100, %cond3A_101 : i32
      scf.if %cond3A_102 {
        %add3A_103 = arith.constant 1 : i32
        %add3A_104 = arith.addi %add3A_98, %add3A_103 : i32
        %lt3A_105 = arith.cmpi slt, %add3A_104, %add3A_8 : i32
        %convert_element_type3A_106 = arith.extui %lt3A_105 : i1 to i32
        %cond3A_107 = arith.constant 0 : i32
        %cond3A_108 = arith.cmpi ne, %convert_element_type3A_106, %cond3A_107 : i32
        scf.if %cond3A_108 {
          %ge3A = arith.constant 1 : i32
          %ge3A_209 = arith.cmpi sge, %add3A_98, %ge3A : i32
          %convert_element_type3A_210 = arith.extui %ge3A_209 : i1 to i32
          %cond3A_211 = arith.constant 0 : i32
          %cond3A_212 = arith.cmpi ne, %convert_element_type3A_210, %cond3A_211 : i32
          scf.if %cond3A_212 {
            %dma_wait3A_233 = arith.constant 0 : i32
            %dma_wait3A_234 = arith.constant 0 : i32
            %dma_wait3A_235 = tpu.memref_slice %arg8[%dma_wait3A_233, %dma_wait3A_234] : memref<10112x128xf32, #tpu.memory_space<vmem_shared>> -> memref<10112x128xf32, #tpu.memory_space<vmem_shared>>
            tpu.wait_indirect_dma semaphore(%arg23 : memref<!tpu.dma_semaphore, #tpu.memory_space<semaphore_mem>>) src(%arg15 : memref<80x128xf32, #tpu.memory_space<vmem>>) dst(%dma_wait3A_235 : memref<10112x128xf32, #tpu.memory_space<vmem_shared>>)
          } else {
          }
          %dma_wait3A_213 = arith.constant 0 : i32
          %dma_wait3A_214 = tpu.memref_slice %arg2[%dma_wait3A_213] : memref<320000xi32, #tpu.memory_space<hbm>> -> memref<80xi32, #tpu.memory_space<hbm>>
          %dma_wait3A_215 = arith.constant 0 : i32
          %dma_wait3A_216 = tpu.memref_slice %arg2[%dma_wait3A_215] : memref<320000xi32, #tpu.memory_space<hbm>> -> memref<80xi32, #tpu.memory_space<hbm>>
          tpu.wait_dma2 semaphore(%arg19 : memref<!tpu.dma_semaphore, #tpu.memory_space<semaphore_mem>>) src(%dma_wait3A_216 : memref<80xi32, #tpu.memory_space<hbm>>) dst(%arg9 : memref<80xi32, #tpu.memory_space<vmem>>)
          %dma_wait3A_217 = arith.constant 0 : i32
          %dma_wait3A_218 = tpu.memref_slice %arg3[%dma_wait3A_217] : memref<320000xi32, #tpu.memory_space<hbm>> -> memref<80xi32, #tpu.memory_space<hbm>>
          %dma_wait3A_219 = arith.constant 0 : i32
          %dma_wait3A_220 = tpu.memref_slice %arg3[%dma_wait3A_219] : memref<320000xi32, #tpu.memory_space<hbm>> -> memref<80xi32, #tpu.memory_space<hbm>>
          tpu.wait_dma2 semaphore(%arg19 : memref<!tpu.dma_semaphore, #tpu.memory_space<semaphore_mem>>) src(%dma_wait3A_220 : memref<80xi32, #tpu.memory_space<hbm>>) dst(%arg11 : memref<80xi32, #tpu.memory_space<vmem>>)
          %add3A_221 = arith.constant 1 : i32
          %add3A_222 = arith.addi %add3A_98, %add3A_221 : i32
          %add3A_223 = arith.addi %add3A_4, %add3A_222 : i32
          %mul3A_224 = arith.constant 80 : i32
          %mul3A_225 = arith.muli %add3A_223, %mul3A_224 : i32
          %dma_start3A_226 = arith.constant 0 : i32
          %dma_start3A_227 = arith.constant 0 : i32
          %dma_start3A_228 = tpu.memref_slice %arg4[%dma_start3A_226, %dma_start3A_227] : memref<10000x128xf32, #tpu.memory_space<hbm>> -> memref<10000x128xf32, #tpu.memory_space<hbm>>
          tpu.enqueue_indirect_dma source(%dma_start3A_228 : memref<10000x128xf32, #tpu.memory_space<hbm>>) target(%arg15 : memref<80x128xf32, #tpu.memory_space<vmem>>) offsets(%arg9 : memref<80xi32, #tpu.memory_space<vmem>>) semaphore(%arg21 : memref<!tpu.dma_semaphore, #tpu.memory_space<semaphore_mem>>)
          %dma_start3A_229 = arith.constant 0 : i32
          %dma_start3A_230 = tpu.memref_slice %arg5[%mul3A_225, %dma_start3A_229] : memref<160000x128xf32, #tpu.memory_space<hbm>> -> memref<80x128xf32, #tpu.memory_space<hbm>>
          %dma_start3A_231 = arith.constant 0 : i32
          %dma_start3A_232 = tpu.memref_slice %arg5[%mul3A_225, %dma_start3A_231] : memref<160000x128xf32, #tpu.memory_space<hbm>> -> memref<80x128xf32, #tpu.memory_space<hbm>>
          tpu.enqueue_dma source(%dma_start3A_232 : memref<80x128xf32, #tpu.memory_space<hbm>>) target(%arg17 : memref<80x128xf32, #tpu.memory_space<vmem>>) target_semaphore(%arg21 : memref<!tpu.dma_semaphore, #tpu.memory_space<semaphore_mem>>)
        } else {
        }
        %dma_wait3A_109 = arith.constant 0 : i32
        %dma_wait3A_110 = arith.constant 0 : i32
        %dma_wait3A_111 = tpu.memref_slice %arg4[%dma_wait3A_109, %dma_wait3A_110] : memref<10000x128xf32, #tpu.memory_space<hbm>> -> memref<10000x128xf32, #tpu.memory_space<hbm>>
        tpu.wait_indirect_dma semaphore(%arg22 : memref<!tpu.dma_semaphore, #tpu.memory_space<semaphore_mem>>) src(%dma_wait3A_111 : memref<10000x128xf32, #tpu.memory_space<hbm>>) dst(%arg16 : memref<80x128xf32, #tpu.memory_space<vmem>>)
        %dma_wait3A_112 = arith.constant 0 : i32
        %dma_wait3A_113 = arith.constant 0 : i32
        %dma_wait3A_114 = tpu.memref_slice %arg5[%dma_wait3A_112, %dma_wait3A_113] : memref<160000x128xf32, #tpu.memory_space<hbm>> -> memref<80x128xf32, #tpu.memory_space<hbm>>
        %dma_wait3A_115 = arith.constant 0 : i32
        %dma_wait3A_116 = arith.constant 0 : i32
        %dma_wait3A_117 = tpu.memref_slice %arg5[%dma_wait3A_115, %dma_wait3A_116] : memref<160000x128xf32, #tpu.memory_space<hbm>> -> memref<80x128xf32, #tpu.memory_space<hbm>>
        tpu.wait_dma2 semaphore(%arg22 : memref<!tpu.dma_semaphore, #tpu.memory_space<semaphore_mem>>) src(%dma_wait3A_117 : memref<80x128xf32, #tpu.memory_space<hbm>>) dst(%arg18 : memref<80x128xf32, #tpu.memory_space<vmem>>)
        %parallel_loop3A = arith.constant 0 : i32
        %parallel_loop3A_118 = arith.constant 80 : i32
        %parallel_loop3A_119 = arith.constant 1 : i32
        scf.for %parallel_loop3A_209 = %parallel_loop3A to %parallel_loop3A_118 step %parallel_loop3A_119  : i32 {
          %parallel_loop3A_210 = arith.index_cast %parallel_loop3A_209 : i32 to index
          %parallel_loop3A_211 = arith.constant 0 : index
          %parallel_loop3A_212 = tpu.vector_load %arg16[%parallel_loop3A_210, %parallel_loop3A_211] {strides = array<i32>} : memref<80x128xf32, #tpu.memory_space<vmem>>, vector<1x16xf32>,
          %parallel_loop3A_213 = vector.shape_cast %parallel_loop3A_212 : vector<1x16xf32> to vector<16xf32>
          %parallel_loop3A_214 = arith.index_cast %parallel_loop3A_209 : i32 to index
          %parallel_loop3A_215 = arith.constant 0 : index
          %parallel_loop3A_216 = tpu.vector_load %arg18[%parallel_loop3A_214, %parallel_loop3A_215] {strides = array<i32>} : memref<80x128xf32, #tpu.memory_space<vmem>>, vector<1x16xf32>,
          %parallel_loop3A_217 = vector.shape_cast %parallel_loop3A_216 : vector<1x16xf32> to vector<16xf32>
          %parallel_loop3A_218 = arith.addf %parallel_loop3A_213, %parallel_loop3A_217 : vector<16xf32>
          %parallel_loop3A_219 = arith.constant 0.000000e+00 : f32
          %parallel_loop3A_220 = vector.broadcast %parallel_loop3A_219 : f32 to vector<16xf32>
          %parallel_loop3A_221 = arith.maximumf %parallel_loop3A_218, %parallel_loop3A_220 : vector<16xf32>
          %parallel_loop3A_222 = arith.index_cast %parallel_loop3A_209 : i32 to index
          %parallel_loop3A_223 = arith.constant 0 : index
          %parallel_loop3A_224 = tpu.vector_load %arg16[%parallel_loop3A_222, %parallel_loop3A_223] {strides = array<i32>} : memref<80x128xf32, #tpu.memory_space<vmem>>, vector<1x16xf32>,
          %parallel_loop3A_225 = vector.shape_cast %parallel_loop3A_224 : vector<1x16xf32> to vector<16xf32>
          %parallel_loop3A_226 = vector.shape_cast %parallel_loop3A_221 : vector<16xf32> to vector<1x16xf32>
          tpu.vector_store %arg16[%parallel_loop3A_222, %parallel_loop3A_223], %parallel_loop3A_226 {strides = array<i32>} : memref<80x128xf32, #tpu.memory_space<vmem>>, vector<1x16xf32>,
          %parallel_loop3A_227 = arith.index_cast %parallel_loop3A_209 : i32 to index
          %parallel_loop3A_228 = arith.constant 16 : index
          %parallel_loop3A_229 = tpu.vector_load %arg16[%parallel_loop3A_227, %parallel_loop3A_228] {strides = array<i32>} : memref<80x128xf32, #tpu.memory_space<vmem>>, vector<1x16xf32>,
          %parallel_loop3A_230 = vector.shape_cast %parallel_loop3A_229 : vector<1x16xf32> to vector<16xf32>
          %parallel_loop3A_231 = arith.index_cast %parallel_loop3A_209 : i32 to index
          %parallel_loop3A_232 = arith.constant 16 : index
          %parallel_loop3A_233 = tpu.vector_load %arg18[%parallel_loop3A_231, %parallel_loop3A_232] {strides = array<i32>} : memref<80x128xf32, #tpu.memory_space<vmem>>, vector<1x16xf32>,
          %parallel_loop3A_234 = vector.shape_cast %parallel_loop3A_233 : vector<1x16xf32> to vector<16xf32>
          %parallel_loop3A_235 = arith.addf %parallel_loop3A_230, %parallel_loop3A_234 : vector<16xf32>
          %parallel_loop3A_236 = arith.constant 0.000000e+00 : f32
          %parallel_loop3A_237 = vector.broadcast %parallel_loop3A_236 : f32 to vector<16xf32>
          %parallel_loop3A_238 = arith.maximumf %parallel_loop3A_235, %parallel_loop3A_237 : vector<16xf32>
          %parallel_loop3A_239 = arith.index_cast %parallel_loop3A_209 : i32 to index
          %parallel_loop3A_240 = arith.constant 16 : index
          %parallel_loop3A_241 = tpu.vector_load %arg16[%parallel_loop3A_239, %parallel_loop3A_240] {strides = array<i32>} : memref<80x128xf32, #tpu.memory_space<vmem>>, vector<1x16xf32>,
          %parallel_loop3A_242 = vector.shape_cast %parallel_loop3A_241 : vector<1x16xf32> to vector<16xf32>
          %parallel_loop3A_243 = vector.shape_cast %parallel_loop3A_238 : vector<16xf32> to vector<1x16xf32>
          tpu.vector_store %arg16[%parallel_loop3A_239, %parallel_loop3A_240], %parallel_loop3A_243 {strides = array<i32>} : memref<80x128xf32, #tpu.memory_space<vmem>>, vector<1x16xf32>,
          %parallel_loop3A_244 = arith.index_cast %parallel_loop3A_209 : i32 to index
          %parallel_loop3A_245 = arith.constant 32 : index
          %parallel_loop3A_246 = tpu.vector_load %arg16[%parallel_loop3A_244, %parallel_loop3A_245] {strides = array<i32>} : memref<80x128xf32, #tpu.memory_space<vmem>>, vector<1x16xf32>,
          %parallel_loop3A_247 = vector.shape_cast %parallel_loop3A_246 : vector<1x16xf32> to vector<16xf32>
          %parallel_loop3A_248 = arith.index_cast %parallel_loop3A_209 : i32 to index
          %parallel_loop3A_249 = arith.constant 32 : index
          %parallel_loop3A_250 = tpu.vector_load %arg18[%parallel_loop3A_248, %parallel_loop3A_249] {strides = array<i32>} : memref<80x128xf32, #tpu.memory_space<vmem>>, vector<1x16xf32>,
          %parallel_loop3A_251 = vector.shape_cast %parallel_loop3A_250 : vector<1x16xf32> to vector<16xf32>
          %parallel_loop3A_252 = arith.addf %parallel_loop3A_247, %parallel_loop3A_251 : vector<16xf32>
          %parallel_loop3A_253 = arith.constant 0.000000e+00 : f32
          %parallel_loop3A_254 = vector.broadcast %parallel_loop3A_253 : f32 to vector<16xf32>
          %parallel_loop3A_255 = arith.maximumf %parallel_loop3A_252, %parallel_loop3A_254 : vector<16xf32>
          %parallel_loop3A_256 = arith.index_cast %parallel_loop3A_209 : i32 to index
          %parallel_loop3A_257 = arith.constant 32 : index
          %parallel_loop3A_258 = tpu.vector_load %arg16[%parallel_loop3A_256, %parallel_loop3A_257] {strides = array<i32>} : memref<80x128xf32, #tpu.memory_space<vmem>>, vector<1x16xf32>,
          %parallel_loop3A_259 = vector.shape_cast %parallel_loop3A_258 : vector<1x16xf32> to vector<16xf32>
          %parallel_loop3A_260 = vector.shape_cast %parallel_loop3A_255 : vector<16xf32> to vector<1x16xf32>
          tpu.vector_store %arg16[%parallel_loop3A_256, %parallel_loop3A_257], %parallel_loop3A_260 {strides = array<i32>} : memref<80x128xf32, #tpu.memory_space<vmem>>, vector<1x16xf32>,
          %parallel_loop3A_261 = arith.index_cast %parallel_loop3A_209 : i32 to index
          %parallel_loop3A_262 = arith.constant 48 : index
          %parallel_loop3A_263 = tpu.vector_load %arg16[%parallel_loop3A_261, %parallel_loop3A_262] {strides = array<i32>} : memref<80x128xf32, #tpu.memory_space<vmem>>, vector<1x16xf32>,
          %parallel_loop3A_264 = vector.shape_cast %parallel_loop3A_263 : vector<1x16xf32> to vector<16xf32>
          %parallel_loop3A_265 = arith.index_cast %parallel_loop3A_209 : i32 to index
          %parallel_loop3A_266 = arith.constant 48 : index
          %parallel_loop3A_267 = tpu.vector_load %arg18[%parallel_loop3A_265, %parallel_loop3A_266] {strides = array<i32>} : memref<80x128xf32, #tpu.memory_space<vmem>>, vector<1x16xf32>,
          %parallel_loop3A_268 = vector.shape_cast %parallel_loop3A_267 : vector<1x16xf32> to vector<16xf32>
          %parallel_loop3A_269 = arith.addf %parallel_loop3A_264, %parallel_loop3A_268 : vector<16xf32>
          %parallel_loop3A_270 = arith.constant 0.000000e+00 : f32
          %parallel_loop3A_271 = vector.broadcast %parallel_loop3A_270 : f32 to vector<16xf32>
          %parallel_loop3A_272 = arith.maximumf %parallel_loop3A_269, %parallel_loop3A_271 : vector<16xf32>
          %parallel_loop3A_273 = arith.index_cast %parallel_loop3A_209 : i32 to index
          %parallel_loop3A_274 = arith.constant 48 : index
          %parallel_loop3A_275 = tpu.vector_load %arg16[%parallel_loop3A_273, %parallel_loop3A_274] {strides = array<i32>} : memref<80x128xf32, #tpu.memory_space<vmem>>, vector<1x16xf32>,
          %parallel_loop3A_276 = vector.shape_cast %parallel_loop3A_275 : vector<1x16xf32> to vector<16xf32>
          %parallel_loop3A_277 = vector.shape_cast %parallel_loop3A_272 : vector<16xf32> to vector<1x16xf32>
          tpu.vector_store %arg16[%parallel_loop3A_273, %parallel_loop3A_274], %parallel_loop3A_277 {strides = array<i32>} : memref<80x128xf32, #tpu.memory_space<vmem>>, vector<1x16xf32>,
          %parallel_loop3A_278 = arith.index_cast %parallel_loop3A_209 : i32 to index
          %parallel_loop3A_279 = arith.constant 64 : index
          %parallel_loop3A_280 = tpu.vector_load %arg16[%parallel_loop3A_278, %parallel_loop3A_279] {strides = array<i32>} : memref<80x128xf32, #tpu.memory_space<vmem>>, vector<1x16xf32>,
          %parallel_loop3A_281 = vector.shape_cast %parallel_loop3A_280 : vector<1x16xf32> to vector<16xf32>
          %parallel_loop3A_282 = arith.index_cast %parallel_loop3A_209 : i32 to index
          %parallel_loop3A_283 = arith.constant 64 : index
          %parallel_loop3A_284 = tpu.vector_load %arg18[%parallel_loop3A_282, %parallel_loop3A_283] {strides = array<i32>} : memref<80x128xf32, #tpu.memory_space<vmem>>, vector<1x16xf32>,
          %parallel_loop3A_285 = vector.shape_cast %parallel_loop3A_284 : vector<1x16xf32> to vector<16xf32>
          %parallel_loop3A_286 = arith.addf %parallel_loop3A_281, %parallel_loop3A_285 : vector<16xf32>
          %parallel_loop3A_287 = arith.constant 0.000000e+00 : f32
          %parallel_loop3A_288 = vector.broadcast %parallel_loop3A_287 : f32 to vector<16xf32>
          %parallel_loop3A_289 = arith.maximumf %parallel_loop3A_286, %parallel_loop3A_288 : vector<16xf32>
          %parallel_loop3A_290 = arith.index_cast %parallel_loop3A_209 : i32 to index
          %parallel_loop3A_291 = arith.constant 64 : index
          %parallel_loop3A_292 = tpu.vector_load %arg16[%parallel_loop3A_290, %parallel_loop3A_291] {strides = array<i32>} : memref<80x128xf32, #tpu.memory_space<vmem>>, vector<1x16xf32>,
          %parallel_loop3A_293 = vector.shape_cast %parallel_loop3A_292 : vector<1x16xf32> to vector<16xf32>
          %parallel_loop3A_294 = vector.shape_cast %parallel_loop3A_289 : vector<16xf32> to vector<1x16xf32>
          tpu.vector_store %arg16[%parallel_loop3A_290, %parallel_loop3A_291], %parallel_loop3A_294 {strides = array<i32>} : memref<80x128xf32, #tpu.memory_space<vmem>>, vector<1x16xf32>,
          %parallel_loop3A_295 = arith.index_cast %parallel_loop3A_209 : i32 to index
          %parallel_loop3A_296 = arith.constant 80 : index
          %parallel_loop3A_297 = tpu.vector_load %arg16[%parallel_loop3A_295, %parallel_loop3A_296] {strides = array<i32>} : memref<80x128xf32, #tpu.memory_space<vmem>>, vector<1x16xf32>,
          %parallel_loop3A_298 = vector.shape_cast %parallel_loop3A_297 : vector<1x16xf32> to vector<16xf32>
          %parallel_loop3A_299 = arith.index_cast %parallel_loop3A_209 : i32 to index
          %parallel_loop3A_300 = arith.constant 80 : index
          %parallel_loop3A_301 = tpu.vector_load %arg18[%parallel_loop3A_299, %parallel_loop3A_300] {strides = array<i32>} : memref<80x128xf32, #tpu.memory_space<vmem>>, vector<1x16xf32>,
          %parallel_loop3A_302 = vector.shape_cast %parallel_loop3A_301 : vector<1x16xf32> to vector<16xf32>
          %parallel_loop3A_303 = arith.addf %parallel_loop3A_298, %parallel_loop3A_302 : vector<16xf32>
          %parallel_loop3A_304 = arith.constant 0.000000e+00 : f32
          %parallel_loop3A_305 = vector.broadcast %parallel_loop3A_304 : f32 to vector<16xf32>
          %parallel_loop3A_306 = arith.maximumf %parallel_loop3A_303, %parallel_loop3A_305 : vector<16xf32>
          %parallel_loop3A_307 = arith.index_cast %parallel_loop3A_209 : i32 to index
          %parallel_loop3A_308 = arith.constant 80 : index
          %parallel_loop3A_309 = tpu.vector_load %arg16[%parallel_loop3A_307, %parallel_loop3A_308] {strides = array<i32>} : memref<80x128xf32, #tpu.memory_space<vmem>>, vector<1x16xf32>,
          %parallel_loop3A_310 = vector.shape_cast %parallel_loop3A_309 : vector<1x16xf32> to vector<16xf32>
          %parallel_loop3A_311 = vector.shape_cast %parallel_loop3A_306 : vector<16xf32> to vector<1x16xf32>
          tpu.vector_store %arg16[%parallel_loop3A_307, %parallel_loop3A_308], %parallel_loop3A_311 {strides = array<i32>} : memref<80x128xf32, #tpu.memory_space<vmem>>, vector<1x16xf32>,
          %parallel_loop3A_312 = arith.index_cast %parallel_loop3A_209 : i32 to index
          %parallel_loop3A_313 = arith.constant 96 : index
          %parallel_loop3A_314 = tpu.vector_load %arg16[%parallel_loop3A_312, %parallel_loop3A_313] {strides = array<i32>} : memref<80x128xf32, #tpu.memory_space<vmem>>, vector<1x16xf32>,
          %parallel_loop3A_315 = vector.shape_cast %parallel_loop3A_314 : vector<1x16xf32> to vector<16xf32>
          %parallel_loop3A_316 = arith.index_cast %parallel_loop3A_209 : i32 to index
          %parallel_loop3A_317 = arith.constant 96 : index
          %parallel_loop3A_318 = tpu.vector_load %arg18[%parallel_loop3A_316, %parallel_loop3A_317] {strides = array<i32>} : memref<80x128xf32, #tpu.memory_space<vmem>>, vector<1x16xf32>,
          %parallel_loop3A_319 = vector.shape_cast %parallel_loop3A_318 : vector<1x16xf32> to vector<16xf32>
          %parallel_loop3A_320 = arith.addf %parallel_loop3A_315, %parallel_loop3A_319 : vector<16xf32>
          %parallel_loop3A_321 = arith.constant 0.000000e+00 : f32
          %parallel_loop3A_322 = vector.broadcast %parallel_loop3A_321 : f32 to vector<16xf32>
          %parallel_loop3A_323 = arith.maximumf %parallel_loop3A_320, %parallel_loop3A_322 : vector<16xf32>
          %parallel_loop3A_324 = arith.index_cast %parallel_loop3A_209 : i32 to index
          %parallel_loop3A_325 = arith.constant 96 : index
          %parallel_loop3A_326 = tpu.vector_load %arg16[%parallel_loop3A_324, %parallel_loop3A_325] {strides = array<i32>} : memref<80x128xf32, #tpu.memory_space<vmem>>, vector<1x16xf32>,
          %parallel_loop3A_327 = vector.shape_cast %parallel_loop3A_326 : vector<1x16xf32> to vector<16xf32>
          %parallel_loop3A_328 = vector.shape_cast %parallel_loop3A_323 : vector<16xf32> to vector<1x16xf32>
          tpu.vector_store %arg16[%parallel_loop3A_324, %parallel_loop3A_325], %parallel_loop3A_328 {strides = array<i32>} : memref<80x128xf32, #tpu.memory_space<vmem>>, vector<1x16xf32>,
          %parallel_loop3A_329 = arith.index_cast %parallel_loop3A_209 : i32 to index
          %parallel_loop3A_330 = arith.constant 112 : index
          %parallel_loop3A_331 = tpu.vector_load %arg16[%parallel_loop3A_329, %parallel_loop3A_330] {strides = array<i32>} : memref<80x128xf32, #tpu.memory_space<vmem>>, vector<1x16xf32>,
          %parallel_loop3A_332 = vector.shape_cast %parallel_loop3A_331 : vector<1x16xf32> to vector<16xf32>
          %parallel_loop3A_333 = arith.index_cast %parallel_loop3A_209 : i32 to index
          %parallel_loop3A_334 = arith.constant 112 : index
          %parallel_loop3A_335 = tpu.vector_load %arg18[%parallel_loop3A_333, %parallel_loop3A_334] {strides = array<i32>} : memref<80x128xf32, #tpu.memory_space<vmem>>, vector<1x16xf32>,
          %parallel_loop3A_336 = vector.shape_cast %parallel_loop3A_335 : vector<1x16xf32> to vector<16xf32>
          %parallel_loop3A_337 = arith.addf %parallel_loop3A_332, %parallel_loop3A_336 : vector<16xf32>
          %parallel_loop3A_338 = arith.constant 0.000000e+00 : f32
          %parallel_loop3A_339 = vector.broadcast %parallel_loop3A_338 : f32 to vector<16xf32>
          %parallel_loop3A_340 = arith.maximumf %parallel_loop3A_337, %parallel_loop3A_339 : vector<16xf32>
          %parallel_loop3A_341 = arith.index_cast %parallel_loop3A_209 : i32 to index
          %parallel_loop3A_342 = arith.constant 112 : index
          %parallel_loop3A_343 = tpu.vector_load %arg16[%parallel_loop3A_341, %parallel_loop3A_342] {strides = array<i32>} : memref<80x128xf32, #tpu.memory_space<vmem>>, vector<1x16xf32>,
          %parallel_loop3A_344 = vector.shape_cast %parallel_loop3A_343 : vector<1x16xf32> to vector<16xf32>
          %parallel_loop3A_345 = vector.shape_cast %parallel_loop3A_340 : vector<16xf32> to vector<1x16xf32>
          tpu.vector_store %arg16[%parallel_loop3A_341, %parallel_loop3A_342], %parallel_loop3A_345 {strides = array<i32>} : memref<80x128xf32, #tpu.memory_space<vmem>>, vector<1x16xf32>,
        } {sc.loop_unroll_factor = 4 : i64, sc.parallel_access}
        %jit3A_120 = arith.constant 4 : i32
        %eq3A = arith.constant 0 : i32
        %eq3A_121 = arith.cmpi eq, %jit3A_120, %eq3A : i32
        %jit3A_122 = arith.constant 1 : i32
        %select_n3A_123 = arith.select %eq3A_121, %jit3A_122, %jit3A_120 : i32
        %rem3A_124 = arith.remsi %add3A_98, %select_n3A_123 : i32
        %ne3A_125 = arith.constant 0 : i32
        %ne3A_126 = arith.cmpi ne, %rem3A_124, %ne3A_125 : i32
        %lt3A_127 = arith.constant 0 : i32
        %lt3A_128 = arith.cmpi slt, %rem3A_124, %lt3A_127 : i32
        %lt3A_129 = arith.constant 0 : i32
        %lt3A_130 = arith.cmpi slt, %select_n3A_123, %lt3A_129 : i32
        %ne3A_131 = arith.xori %lt3A_128, %lt3A_130 : i1
        %and3A_132 = arith.andi %ne3A_131, %ne3A_126 : i1
        %add3A_133 = arith.addi %rem3A_124, %select_n3A_123 : i32
        %select_n3A_134 = arith.select %and3A_132, %add3A_133, %rem3A_124 : i32
        %eq3A_135 = arith.constant 0 : i32
        %eq3A_136 = arith.cmpi eq, %select_n3A_134, %eq3A_135 : i32
        %convert_element_type3A_137 = arith.extui %eq3A_136 : i1 to i32
        %cond3A_138 = arith.constant 0 : i32
        %cond3A_139 = arith.cmpi ne, %convert_element_type3A_137, %cond3A_138 : i32
        scf.if %cond3A_139 {
          %dma_start3A_209 = arith.constant 0 : i32
          %dma_start3A_210 = arith.constant 0 : i32
          %dma_start3A_211 = tpu.memref_slice %arg8[%dma_start3A_209, %dma_start3A_210] : memref<10112x128xf32, #tpu.memory_space<vmem_shared>> -> memref<10112x128xf32, #tpu.memory_space<vmem_shared>>
          tpu.enqueue_indirect_dma source(%arg16 : memref<80x128xf32, #tpu.memory_space<vmem>>) target(%dma_start3A_211 : memref<10112x128xf32, #tpu.memory_space<vmem_shared>>) offsets(%arg11 : memref<80xi32, #tpu.memory_space<vmem>>) semaphore(%arg24 : memref<!tpu.dma_semaphore, #tpu.memory_space<semaphore_mem>>) {add = true}
        } else {
        }
        %jit3A_140 = arith.constant 4 : i32
        %eq3A_141 = arith.constant 0 : i32
        %eq3A_142 = arith.cmpi eq, %jit3A_140, %eq3A_141 : i32
        %jit3A_143 = arith.constant 1 : i32
        %select_n3A_144 = arith.select %eq3A_142, %jit3A_143, %jit3A_140 : i32
        %rem3A_145 = arith.remsi %add3A_98, %select_n3A_144 : i32
        %ne3A_146 = arith.constant 0 : i32
        %ne3A_147 = arith.cmpi ne, %rem3A_145, %ne3A_146 : i32
        %lt3A_148 = arith.constant 0 : i32
        %lt3A_149 = arith.cmpi slt, %rem3A_145, %lt3A_148 : i32
        %lt3A_150 = arith.constant 0 : i32
        %lt3A_151 = arith.cmpi slt, %select_n3A_144, %lt3A_150 : i32
        %ne3A_152 = arith.xori %lt3A_149, %lt3A_151 : i1
        %and3A_153 = arith.andi %ne3A_152, %ne3A_147 : i1
        %add3A_154 = arith.addi %rem3A_145, %select_n3A_144 : i32
        %select_n3A_155 = arith.select %and3A_153, %add3A_154, %rem3A_145 : i32
        %eq3A_156 = arith.constant 1 : i32
        %eq3A_157 = arith.cmpi eq, %select_n3A_155, %eq3A_156 : i32
        %convert_element_type3A_158 = arith.extui %eq3A_157 : i1 to i32
        %cond3A_159 = arith.constant 0 : i32
        %cond3A_160 = arith.cmpi ne, %convert_element_type3A_158, %cond3A_159 : i32
        scf.if %cond3A_160 {
          %dma_start3A_209 = arith.constant 0 : i32
          %dma_start3A_210 = arith.constant 0 : i32
          %dma_start3A_211 = tpu.memref_slice %arg8[%dma_start3A_209, %dma_start3A_210] : memref<10112x128xf32, #tpu.memory_space<vmem_shared>> -> memref<10112x128xf32, #tpu.memory_space<vmem_shared>>
          tpu.enqueue_indirect_dma source(%arg16 : memref<80x128xf32, #tpu.memory_space<vmem>>) target(%dma_start3A_211 : memref<10112x128xf32, #tpu.memory_space<vmem_shared>>) offsets(%arg12 : memref<80xi32, #tpu.memory_space<vmem>>) semaphore(%arg24 : memref<!tpu.dma_semaphore, #tpu.memory_space<semaphore_mem>>) {add = true}
        } else {
        }
        %jit3A_161 = arith.constant 4 : i32
        %eq3A_162 = arith.constant 0 : i32
        %eq3A_163 = arith.cmpi eq, %jit3A_161, %eq3A_162 : i32
        %jit3A_164 = arith.constant 1 : i32
        %select_n3A_165 = arith.select %eq3A_163, %jit3A_164, %jit3A_161 : i32
        %rem3A_166 = arith.remsi %add3A_98, %select_n3A_165 : i32
        %ne3A_167 = arith.constant 0 : i32
        %ne3A_168 = arith.cmpi ne, %rem3A_166, %ne3A_167 : i32
        %lt3A_169 = arith.constant 0 : i32
        %lt3A_170 = arith.cmpi slt, %rem3A_166, %lt3A_169 : i32
        %lt3A_171 = arith.constant 0 : i32
        %lt3A_172 = arith.cmpi slt, %select_n3A_165, %lt3A_171 : i32
        %ne3A_173 = arith.xori %lt3A_170, %lt3A_172 : i1
        %and3A_174 = arith.andi %ne3A_173, %ne3A_168 : i1
        %add3A_175 = arith.addi %rem3A_166, %select_n3A_165 : i32
        %select_n3A_176 = arith.select %and3A_174, %add3A_175, %rem3A_166 : i32
        %eq3A_177 = arith.constant 2 : i32
        %eq3A_178 = arith.cmpi eq, %select_n3A_176, %eq3A_177 : i32
        %convert_element_type3A_179 = arith.extui %eq3A_178 : i1 to i32
        %cond3A_180 = arith.constant 0 : i32
        %cond3A_181 = arith.cmpi ne, %convert_element_type3A_179, %cond3A_180 : i32
        scf.if %cond3A_181 {
          %dma_start3A_209 = arith.constant 0 : i32
          %dma_start3A_210 = arith.constant 0 : i32
          %dma_start3A_211 = tpu.memref_slice %arg8[%dma_start3A_209, %dma_start3A_210] : memref<10112x128xf32, #tpu.memory_space<vmem_shared>> -> memref<10112x128xf32, #tpu.memory_space<vmem_shared>>
          tpu.enqueue_indirect_dma source(%arg16 : memref<80x128xf32, #tpu.memory_space<vmem>>) target(%dma_start3A_211 : memref<10112x128xf32, #tpu.memory_space<vmem_shared>>) offsets(%arg13 : memref<80xi32, #tpu.memory_space<vmem>>) semaphore(%arg24 : memref<!tpu.dma_semaphore, #tpu.memory_space<semaphore_mem>>) {add = true}
        } else {
        }
        %jit3A_182 = arith.constant 4 : i32
        %eq3A_183 = arith.constant 0 : i32
        %eq3A_184 = arith.cmpi eq, %jit3A_182, %eq3A_183 : i32
        %jit3A_185 = arith.constant 1 : i32
        %select_n3A_186 = arith.select %eq3A_184, %jit3A_185, %jit3A_182 : i32
        %rem3A_187 = arith.remsi %add3A_98, %select_n3A_186 : i32
        %ne3A_188 = arith.constant 0 : i32
        %ne3A_189 = arith.cmpi ne, %rem3A_187, %ne3A_188 : i32
        %lt3A_190 = arith.constant 0 : i32
        %lt3A_191 = arith.cmpi slt, %rem3A_187, %lt3A_190 : i32
        %lt3A_192 = arith.constant 0 : i32
        %lt3A_193 = arith.cmpi slt, %select_n3A_186, %lt3A_192 : i32
        %ne3A_194 = arith.xori %lt3A_191, %lt3A_193 : i1
        %and3A_195 = arith.andi %ne3A_194, %ne3A_189 : i1
        %add3A_196 = arith.addi %rem3A_187, %select_n3A_186 : i32
        %select_n3A_197 = arith.select %and3A_195, %add3A_196, %rem3A_187 : i32
        %eq3A_198 = arith.constant 3 : i32
        %eq3A_199 = arith.cmpi eq, %select_n3A_197, %eq3A_198 : i32
        %convert_element_type3A_200 = arith.extui %eq3A_199 : i1 to i32
        %cond3A_201 = arith.constant 0 : i32
        %cond3A_202 = arith.cmpi ne, %convert_element_type3A_200, %cond3A_201 : i32
        scf.if %cond3A_202 {
          %dma_start3A_209 = arith.constant 0 : i32
          %dma_start3A_210 = arith.constant 0 : i32
          %dma_start3A_211 = tpu.memref_slice %arg8[%dma_start3A_209, %dma_start3A_210] : memref<10112x128xf32, #tpu.memory_space<vmem_shared>> -> memref<10112x128xf32, #tpu.memory_space<vmem_shared>>
          tpu.enqueue_indirect_dma source(%arg16 : memref<80x128xf32, #tpu.memory_space<vmem>>) target(%dma_start3A_211 : memref<10112x128xf32, #tpu.memory_space<vmem_shared>>) offsets(%arg14 : memref<80xi32, #tpu.memory_space<vmem>>) semaphore(%arg24 : memref<!tpu.dma_semaphore, #tpu.memory_space<semaphore_mem>>) {add = true}
        } else {
        }
        %add3A_203 = arith.constant 2 : i32
        %add3A_204 = arith.addi %add3A_98, %add3A_203 : i32
        %lt3A_205 = arith.cmpi slt, %add3A_204, %add3A_8 : i32
        %convert_element_type3A_206 = arith.extui %lt3A_205 : i1 to i32
        %cond3A_207 = arith.constant 0 : i32
        %cond3A_208 = arith.cmpi ne, %convert_element_type3A_206, %cond3A_207 : i32
        scf.if %cond3A_208 {
          %add3A_209 = arith.constant 2 : i32
          %add3A_210 = arith.addi %add3A_98, %add3A_209 : i32
          %add3A_211 = arith.constant 0 : i32
          %add3A_212 = arith.addi %add3A_211, %add3A_4 : i32
          %add3A_213 = arith.addi %add3A_212, %add3A_210 : i32
          %mul3A_214 = arith.constant 80 : i32
          %mul3A_215 = arith.muli %add3A_213, %mul3A_214 : i32
          %dma_start3A_216 = tpu.memref_slice %arg2[%mul3A_215] : memref<320000xi32, #tpu.memory_space<hbm>> -> memref<80xi32, #tpu.memory_space<hbm>>
          %dma_start3A_217 = tpu.memref_slice %arg2[%mul3A_215] : memref<320000xi32, #tpu.memory_space<hbm>> -> memref<80xi32, #tpu.memory_space<hbm>>
          tpu.enqueue_dma source(%dma_start3A_217 : memref<80xi32, #tpu.memory_space<hbm>>) target(%arg10 : memref<80xi32, #tpu.memory_space<vmem>>) target_semaphore(%arg20 : memref<!tpu.dma_semaphore, #tpu.memory_space<semaphore_mem>>)
          %jit3A_218 = arith.constant 4 : i32
          %eq3A_219 = arith.constant 0 : i32
          %eq3A_220 = arith.cmpi eq, %jit3A_218, %eq3A_219 : i32
          %jit3A_221 = arith.constant 1 : i32
          %select_n3A_222 = arith.select %eq3A_220, %jit3A_221, %jit3A_218 : i32
          %rem3A_223 = arith.remsi %add3A_210, %select_n3A_222 : i32
          %ne3A_224 = arith.constant 0 : i32
          %ne3A_225 = arith.cmpi ne, %rem3A_223, %ne3A_224 : i32
          %lt3A_226 = arith.constant 0 : i32
          %lt3A_227 = arith.cmpi slt, %rem3A_223, %lt3A_226 : i32
          %lt3A_228 = arith.constant 0 : i32
          %lt3A_229 = arith.cmpi slt, %select_n3A_222, %lt3A_228 : i32
          %ne3A_230 = arith.xori %lt3A_227, %lt3A_229 : i1
          %and3A_231 = arith.andi %ne3A_230, %ne3A_225 : i1
          %add3A_232 = arith.addi %rem3A_223, %select_n3A_222 : i32
          %select_n3A_233 = arith.select %and3A_231, %add3A_232, %rem3A_223 : i32
          %eq3A_234 = arith.constant 0 : i32
          %eq3A_235 = arith.cmpi eq, %select_n3A_233, %eq3A_234 : i32
          %convert_element_type3A_236 = arith.extui %eq3A_235 : i1 to i32
          %cond3A_237 = arith.constant 0 : i32
          %cond3A_238 = arith.cmpi ne, %convert_element_type3A_236, %cond3A_237 : i32
          scf.if %cond3A_238 {
            %dma_start3A_302 = tpu.memref_slice %arg3[%mul3A_215] : memref<320000xi32, #tpu.memory_space<hbm>> -> memref<80xi32, #tpu.memory_space<hbm>>
            %dma_start3A_303 = tpu.memref_slice %arg3[%mul3A_215] : memref<320000xi32, #tpu.memory_space<hbm>> -> memref<80xi32, #tpu.memory_space<hbm>>
            tpu.enqueue_dma source(%dma_start3A_303 : memref<80xi32, #tpu.memory_space<hbm>>) target(%arg11 : memref<80xi32, #tpu.memory_space<vmem>>) target_semaphore(%arg20 : memref<!tpu.dma_semaphore, #tpu.memory_space<semaphore_mem>>)
          } else {
          }
          %jit3A_239 = arith.constant 4 : i32
          %eq3A_240 = arith.constant 0 : i32
          %eq3A_241 = arith.cmpi eq, %jit3A_239, %eq3A_240 : i32
          %jit3A_242 = arith.constant 1 : i32
          %select_n3A_243 = arith.select %eq3A_241, %jit3A_242, %jit3A_239 : i32
          %rem3A_244 = arith.remsi %add3A_210, %select_n3A_243 : i32
          %ne3A_245 = arith.constant 0 : i32
          %ne3A_246 = arith.cmpi ne, %rem3A_244, %ne3A_245 : i32
          %lt3A_247 = arith.constant 0 : i32
          %lt3A_248 = arith.cmpi slt, %rem3A_244, %lt3A_247 : i32
          %lt3A_249 = arith.constant 0 : i32
          %lt3A_250 = arith.cmpi slt, %select_n3A_243, %lt3A_249 : i32
          %ne3A_251 = arith.xori %lt3A_248, %lt3A_250 : i1
          %and3A_252 = arith.andi %ne3A_251, %ne3A_246 : i1
          %add3A_253 = arith.addi %rem3A_244, %select_n3A_243 : i32
          %select_n3A_254 = arith.select %and3A_252, %add3A_253, %rem3A_244 : i32
          %eq3A_255 = arith.constant 1 : i32
          %eq3A_256 = arith.cmpi eq, %select_n3A_254, %eq3A_255 : i32
          %convert_element_type3A_257 = arith.extui %eq3A_256 : i1 to i32
          %cond3A_258 = arith.constant 0 : i32
          %cond3A_259 = arith.cmpi ne, %convert_element_type3A_257, %cond3A_258 : i32
          scf.if %cond3A_259 {
            %dma_start3A_302 = tpu.memref_slice %arg3[%mul3A_215] : memref<320000xi32, #tpu.memory_space<hbm>> -> memref<80xi32, #tpu.memory_space<hbm>>
            %dma_start3A_303 = tpu.memref_slice %arg3[%mul3A_215] : memref<320000xi32, #tpu.memory_space<hbm>> -> memref<80xi32, #tpu.memory_space<hbm>>
            tpu.enqueue_dma source(%dma_start3A_303 : memref<80xi32, #tpu.memory_space<hbm>>) target(%arg12 : memref<80xi32, #tpu.memory_space<vmem>>) target_semaphore(%arg20 : memref<!tpu.dma_semaphore, #tpu.memory_space<semaphore_mem>>)
          } else {
          }
          %jit3A_260 = arith.constant 4 : i32
          %eq3A_261 = arith.constant 0 : i32
          %eq3A_262 = arith.cmpi eq, %jit3A_260, %eq3A_261 : i32
          %jit3A_263 = arith.constant 1 : i32
          %select_n3A_264 = arith.select %eq3A_262, %jit3A_263, %jit3A_260 : i32
          %rem3A_265 = arith.remsi %add3A_210, %select_n3A_264 : i32
          %ne3A_266 = arith.constant 0 : i32
          %ne3A_267 = arith.cmpi ne, %rem3A_265, %ne3A_266 : i32
          %lt3A_268 = arith.constant 0 : i32
          %lt3A_269 = arith.cmpi slt, %rem3A_265, %lt3A_268 : i32
          %lt3A_270 = arith.constant 0 : i32
          %lt3A_271 = arith.cmpi slt, %select_n3A_264, %lt3A_270 : i32
          %ne3A_272 = arith.xori %lt3A_269, %lt3A_271 : i1
          %and3A_273 = arith.andi %ne3A_272, %ne3A_267 : i1
          %add3A_274 = arith.addi %rem3A_265, %select_n3A_264 : i32
          %select_n3A_275 = arith.select %and3A_273, %add3A_274, %rem3A_265 : i32
          %eq3A_276 = arith.constant 2 : i32
          %eq3A_277 = arith.cmpi eq, %select_n3A_275, %eq3A_276 : i32
          %convert_element_type3A_278 = arith.extui %eq3A_277 : i1 to i32
          %cond3A_279 = arith.constant 0 : i32
          %cond3A_280 = arith.cmpi ne, %convert_element_type3A_278, %cond3A_279 : i32
          scf.if %cond3A_280 {
            %dma_start3A_302 = tpu.memref_slice %arg3[%mul3A_215] : memref<320000xi32, #tpu.memory_space<hbm>> -> memref<80xi32, #tpu.memory_space<hbm>>
            %dma_start3A_303 = tpu.memref_slice %arg3[%mul3A_215] : memref<320000xi32, #tpu.memory_space<hbm>> -> memref<80xi32, #tpu.memory_space<hbm>>
            tpu.enqueue_dma source(%dma_start3A_303 : memref<80xi32, #tpu.memory_space<hbm>>) target(%arg13 : memref<80xi32, #tpu.memory_space<vmem>>) target_semaphore(%arg20 : memref<!tpu.dma_semaphore, #tpu.memory_space<semaphore_mem>>)
          } else {
          }
          %jit3A_281 = arith.constant 4 : i32
          %eq3A_282 = arith.constant 0 : i32
          %eq3A_283 = arith.cmpi eq, %jit3A_281, %eq3A_282 : i32
          %jit3A_284 = arith.constant 1 : i32
          %select_n3A_285 = arith.select %eq3A_283, %jit3A_284, %jit3A_281 : i32
          %rem3A_286 = arith.remsi %add3A_210, %select_n3A_285 : i32
          %ne3A_287 = arith.constant 0 : i32
          %ne3A_288 = arith.cmpi ne, %rem3A_286, %ne3A_287 : i32
          %lt3A_289 = arith.constant 0 : i32
          %lt3A_290 = arith.cmpi slt, %rem3A_286, %lt3A_289 : i32
          %lt3A_291 = arith.constant 0 : i32
          %lt3A_292 = arith.cmpi slt, %select_n3A_285, %lt3A_291 : i32
          %ne3A_293 = arith.xori %lt3A_290, %lt3A_292 : i1
          %and3A_294 = arith.andi %ne3A_293, %ne3A_288 : i1
          %add3A_295 = arith.addi %rem3A_286, %select_n3A_285 : i32
          %select_n3A_296 = arith.select %and3A_294, %add3A_295, %rem3A_286 : i32
          %eq3A_297 = arith.constant 3 : i32
          %eq3A_298 = arith.cmpi eq, %select_n3A_296, %eq3A_297 : i32
          %convert_element_type3A_299 = arith.extui %eq3A_298 : i1 to i32
          %cond3A_300 = arith.constant 0 : i32
          %cond3A_301 = arith.cmpi ne, %convert_element_type3A_299, %cond3A_300 : i32
          scf.if %cond3A_301 {
            %dma_start3A_302 = tpu.memref_slice %arg3[%mul3A_215] : memref<320000xi32, #tpu.memory_space<hbm>> -> memref<80xi32, #tpu.memory_space<hbm>>
            %dma_start3A_303 = tpu.memref_slice %arg3[%mul3A_215] : memref<320000xi32, #tpu.memory_space<hbm>> -> memref<80xi32, #tpu.memory_space<hbm>>
            tpu.enqueue_dma source(%dma_start3A_303 : memref<80xi32, #tpu.memory_space<hbm>>) target(%arg14 : memref<80xi32, #tpu.memory_space<vmem>>) target_semaphore(%arg20 : memref<!tpu.dma_semaphore, #tpu.memory_space<semaphore_mem>>)
          } else {
          }
        } else {
        }
      } else {
      }
    }
    %while3A_72 = arith.constant 1 : i32
    scf.for %while3A_86 = %while3A_70 to %while3A_66 step %while3A_72  : i32 {
      %mul3A_87 = arith.constant 2 : i32
      %mul3A_88 = arith.muli %while3A_86, %mul3A_87 : i32
      %add3A_89 = arith.constant 0 : i32
      %add3A_90 = arith.addi %mul3A_88, %add3A_89 : i32
      %lt3A_91 = arith.cmpi slt, %add3A_90, %add3A_8 : i32
      %convert_element_type3A_92 = arith.extui %lt3A_91 : i1 to i32
      %cond3A_93 = arith.constant 0 : i32
      %cond3A_94 = arith.cmpi ne, %convert_element_type3A_92, %cond3A_93 : i32
      scf.if %cond3A_94 {
        %add3A_103 = arith.constant 1 : i32
        %add3A_104 = arith.addi %add3A_90, %add3A_103 : i32
        %lt3A_105 = arith.cmpi slt, %add3A_104, %add3A_8 : i32
        %convert_element_type3A_106 = arith.extui %lt3A_105 : i1 to i32
        %cond3A_107 = arith.constant 0 : i32
        %cond3A_108 = arith.cmpi ne, %convert_element_type3A_106, %cond3A_107 : i32
        scf.if %cond3A_108 {
          %ge3A = arith.constant 1 : i32
          %ge3A_209 = arith.cmpi sge, %add3A_90, %ge3A : i32
          %convert_element_type3A_210 = arith.extui %ge3A_209 : i1 to i32
          %cond3A_211 = arith.constant 0 : i32
          %cond3A_212 = arith.cmpi ne, %convert_element_type3A_210, %cond3A_211 : i32
          scf.if %cond3A_212 {
            %dma_wait3A_233 = arith.constant 0 : i32
            %dma_wait3A_234 = arith.constant 0 : i32
            %dma_wait3A_235 = tpu.memref_slice %arg8[%dma_wait3A_233, %dma_wait3A_234] : memref<10112x128xf32, #tpu.memory_space<vmem_shared>> -> memref<10112x128xf32, #tpu.memory_space<vmem_shared>>
            tpu.wait_indirect_dma semaphore(%arg24 : memref<!tpu.dma_semaphore, #tpu.memory_space<semaphore_mem>>) src(%arg16 : memref<80x128xf32, #tpu.memory_space<vmem>>) dst(%dma_wait3A_235 : memref<10112x128xf32, #tpu.memory_space<vmem_shared>>)
          } else {
          }
          %dma_wait3A_213 = arith.constant 0 : i32
          %dma_wait3A_214 = tpu.memref_slice %arg2[%dma_wait3A_213] : memref<320000xi32, #tpu.memory_space<hbm>> -> memref<80xi32, #tpu.memory_space<hbm>>
          %dma_wait3A_215 = arith.constant 0 : i32
          %dma_wait3A_216 = tpu.memref_slice %arg2[%dma_wait3A_215] : memref<320000xi32, #tpu.memory_space<hbm>> -> memref<80xi32, #tpu.memory_space<hbm>>
          tpu.wait_dma2 semaphore(%arg20 : memref<!tpu.dma_semaphore, #tpu.memory_space<semaphore_mem>>) src(%dma_wait3A_216 : memref<80xi32, #tpu.memory_space<hbm>>) dst(%arg10 : memref<80xi32, #tpu.memory_space<vmem>>)
          %dma_wait3A_217 = arith.constant 0 : i32
          %dma_wait3A_218 = tpu.memref_slice %arg3[%dma_wait3A_217] : memref<320000xi32, #tpu.memory_space<hbm>> -> memref<80xi32, #tpu.memory_space<hbm>>
          %dma_wait3A_219 = arith.constant 0 : i32
          %dma_wait3A_220 = tpu.memref_slice %arg3[%dma_wait3A_219] : memref<320000xi32, #tpu.memory_space<hbm>> -> memref<80xi32, #tpu.memory_space<hbm>>
          tpu.wait_dma2 semaphore(%arg20 : memref<!tpu.dma_semaphore, #tpu.memory_space<semaphore_mem>>) src(%dma_wait3A_220 : memref<80xi32, #tpu.memory_space<hbm>>) dst(%arg11 : memref<80xi32, #tpu.memory_space<vmem>>)
          %add3A_221 = arith.constant 1 : i32
          %add3A_222 = arith.addi %add3A_90, %add3A_221 : i32
          %add3A_223 = arith.addi %add3A_4, %add3A_222 : i32
          %mul3A_224 = arith.constant 80 : i32
          %mul3A_225 = arith.muli %add3A_223, %mul3A_224 : i32
          %dma_start3A_226 = arith.constant 0 : i32
          %dma_start3A_227 = arith.constant 0 : i32
          %dma_start3A_228 = tpu.memref_slice %arg4[%dma_start3A_226, %dma_start3A_227] : memref<10000x128xf32, #tpu.memory_space<hbm>> -> memref<10000x128xf32, #tpu.memory_space<hbm>>
          tpu.enqueue_indirect_dma source(%dma_start3A_228 : memref<10000x128xf32, #tpu.memory_space<hbm>>) target(%arg16 : memref<80x128xf32, #tpu.memory_space<vmem>>) offsets(%arg10 : memref<80xi32, #tpu.memory_space<vmem>>) semaphore(%arg22 : memref<!tpu.dma_semaphore, #tpu.memory_space<semaphore_mem>>)
          %dma_start3A_229 = arith.constant 0 : i32
          %dma_start3A_230 = tpu.memref_slice %arg5[%mul3A_225, %dma_start3A_229] : memref<160000x128xf32, #tpu.memory_space<hbm>> -> memref<80x128xf32, #tpu.memory_space<hbm>>
          %dma_start3A_231 = arith.constant 0 : i32
          %dma_start3A_232 = tpu.memref_slice %arg5[%mul3A_225, %dma_start3A_231] : memref<160000x128xf32, #tpu.memory_space<hbm>> -> memref<80x128xf32, #tpu.memory_space<hbm>>
          tpu.enqueue_dma source(%dma_start3A_232 : memref<80x128xf32, #tpu.memory_space<hbm>>) target(%arg18 : memref<80x128xf32, #tpu.memory_space<vmem>>) target_semaphore(%arg22 : memref<!tpu.dma_semaphore, #tpu.memory_space<semaphore_mem>>)
        } else {
        }
        %dma_wait3A_109 = arith.constant 0 : i32
        %dma_wait3A_110 = arith.constant 0 : i32
        %dma_wait3A_111 = tpu.memref_slice %arg4[%dma_wait3A_109, %dma_wait3A_110] : memref<10000x128xf32, #tpu.memory_space<hbm>> -> memref<10000x128xf32, #tpu.memory_space<hbm>>
        tpu.wait_indirect_dma semaphore(%arg21 : memref<!tpu.dma_semaphore, #tpu.memory_space<semaphore_mem>>) src(%dma_wait3A_111 : memref<10000x128xf32, #tpu.memory_space<hbm>>) dst(%arg15 : memref<80x128xf32, #tpu.memory_space<vmem>>)
        %dma_wait3A_112 = arith.constant 0 : i32
        %dma_wait3A_113 = arith.constant 0 : i32
        %dma_wait3A_114 = tpu.memref_slice %arg5[%dma_wait3A_112, %dma_wait3A_113] : memref<160000x128xf32, #tpu.memory_space<hbm>> -> memref<80x128xf32, #tpu.memory_space<hbm>>
        %dma_wait3A_115 = arith.constant 0 : i32
        %dma_wait3A_116 = arith.constant 0 : i32
        %dma_wait3A_117 = tpu.memref_slice %arg5[%dma_wait3A_115, %dma_wait3A_116] : memref<160000x128xf32, #tpu.memory_space<hbm>> -> memref<80x128xf32, #tpu.memory_space<hbm>>
        tpu.wait_dma2 semaphore(%arg21 : memref<!tpu.dma_semaphore, #tpu.memory_space<semaphore_mem>>) src(%dma_wait3A_117 : memref<80x128xf32, #tpu.memory_space<hbm>>) dst(%arg17 : memref<80x128xf32, #tpu.memory_space<vmem>>)
        %parallel_loop3A = arith.constant 0 : i32
        %parallel_loop3A_118 = arith.constant 80 : i32
        %parallel_loop3A_119 = arith.constant 1 : i32
        scf.for %parallel_loop3A_209 = %parallel_loop3A to %parallel_loop3A_118 step %parallel_loop3A_119  : i32 {
          %parallel_loop3A_210 = arith.index_cast %parallel_loop3A_209 : i32 to index
          %parallel_loop3A_211 = arith.constant 0 : index
          %parallel_loop3A_212 = tpu.vector_load %arg15[%parallel_loop3A_210, %parallel_loop3A_211] {strides = array<i32>} : memref<80x128xf32, #tpu.memory_space<vmem>>, vector<1x16xf32>,
          %parallel_loop3A_213 = vector.shape_cast %parallel_loop3A_212 : vector<1x16xf32> to vector<16xf32>
          %parallel_loop3A_214 = arith.index_cast %parallel_loop3A_209 : i32 to index
          %parallel_loop3A_215 = arith.constant 0 : index
          %parallel_loop3A_216 = tpu.vector_load %arg17[%parallel_loop3A_214, %parallel_loop3A_215] {strides = array<i32>} : memref<80x128xf32, #tpu.memory_space<vmem>>, vector<1x16xf32>,
          %parallel_loop3A_217 = vector.shape_cast %parallel_loop3A_216 : vector<1x16xf32> to vector<16xf32>
          %parallel_loop3A_218 = arith.addf %parallel_loop3A_213, %parallel_loop3A_217 : vector<16xf32>
          %parallel_loop3A_219 = arith.constant 0.000000e+00 : f32
          %parallel_loop3A_220 = vector.broadcast %parallel_loop3A_219 : f32 to vector<16xf32>
          %parallel_loop3A_221 = arith.maximumf %parallel_loop3A_218, %parallel_loop3A_220 : vector<16xf32>
          %parallel_loop3A_222 = arith.index_cast %parallel_loop3A_209 : i32 to index
          %parallel_loop3A_223 = arith.constant 0 : index
          %parallel_loop3A_224 = tpu.vector_load %arg15[%parallel_loop3A_222, %parallel_loop3A_223] {strides = array<i32>} : memref<80x128xf32, #tpu.memory_space<vmem>>, vector<1x16xf32>,
          %parallel_loop3A_225 = vector.shape_cast %parallel_loop3A_224 : vector<1x16xf32> to vector<16xf32>
          %parallel_loop3A_226 = vector.shape_cast %parallel_loop3A_221 : vector<16xf32> to vector<1x16xf32>
          tpu.vector_store %arg15[%parallel_loop3A_222, %parallel_loop3A_223], %parallel_loop3A_226 {strides = array<i32>} : memref<80x128xf32, #tpu.memory_space<vmem>>, vector<1x16xf32>,
          %parallel_loop3A_227 = arith.index_cast %parallel_loop3A_209 : i32 to index
          %parallel_loop3A_228 = arith.constant 16 : index
          %parallel_loop3A_229 = tpu.vector_load %arg15[%parallel_loop3A_227, %parallel_loop3A_228] {strides = array<i32>} : memref<80x128xf32, #tpu.memory_space<vmem>>, vector<1x16xf32>,
          %parallel_loop3A_230 = vector.shape_cast %parallel_loop3A_229 : vector<1x16xf32> to vector<16xf32>
          %parallel_loop3A_231 = arith.index_cast %parallel_loop3A_209 : i32 to index
          %parallel_loop3A_232 = arith.constant 16 : index
          %parallel_loop3A_233 = tpu.vector_load %arg17[%parallel_loop3A_231, %parallel_loop3A_232] {strides = array<i32>} : memref<80x128xf32, #tpu.memory_space<vmem>>, vector<1x16xf32>,
          %parallel_loop3A_234 = vector.shape_cast %parallel_loop3A_233 : vector<1x16xf32> to vector<16xf32>
          %parallel_loop3A_235 = arith.addf %parallel_loop3A_230, %parallel_loop3A_234 : vector<16xf32>
          %parallel_loop3A_236 = arith.constant 0.000000e+00 : f32
          %parallel_loop3A_237 = vector.broadcast %parallel_loop3A_236 : f32 to vector<16xf32>
          %parallel_loop3A_238 = arith.maximumf %parallel_loop3A_235, %parallel_loop3A_237 : vector<16xf32>
          %parallel_loop3A_239 = arith.index_cast %parallel_loop3A_209 : i32 to index
          %parallel_loop3A_240 = arith.constant 16 : index
          %parallel_loop3A_241 = tpu.vector_load %arg15[%parallel_loop3A_239, %parallel_loop3A_240] {strides = array<i32>} : memref<80x128xf32, #tpu.memory_space<vmem>>, vector<1x16xf32>,
          %parallel_loop3A_242 = vector.shape_cast %parallel_loop3A_241 : vector<1x16xf32> to vector<16xf32>
          %parallel_loop3A_243 = vector.shape_cast %parallel_loop3A_238 : vector<16xf32> to vector<1x16xf32>
          tpu.vector_store %arg15[%parallel_loop3A_239, %parallel_loop3A_240], %parallel_loop3A_243 {strides = array<i32>} : memref<80x128xf32, #tpu.memory_space<vmem>>, vector<1x16xf32>,
          %parallel_loop3A_244 = arith.index_cast %parallel_loop3A_209 : i32 to index
          %parallel_loop3A_245 = arith.constant 32 : index
          %parallel_loop3A_246 = tpu.vector_load %arg15[%parallel_loop3A_244, %parallel_loop3A_245] {strides = array<i32>} : memref<80x128xf32, #tpu.memory_space<vmem>>, vector<1x16xf32>,
          %parallel_loop3A_247 = vector.shape_cast %parallel_loop3A_246 : vector<1x16xf32> to vector<16xf32>
          %parallel_loop3A_248 = arith.index_cast %parallel_loop3A_209 : i32 to index
          %parallel_loop3A_249 = arith.constant 32 : index
          %parallel_loop3A_250 = tpu.vector_load %arg17[%parallel_loop3A_248, %parallel_loop3A_249] {strides = array<i32>} : memref<80x128xf32, #tpu.memory_space<vmem>>, vector<1x16xf32>,
          %parallel_loop3A_251 = vector.shape_cast %parallel_loop3A_250 : vector<1x16xf32> to vector<16xf32>
          %parallel_loop3A_252 = arith.addf %parallel_loop3A_247, %parallel_loop3A_251 : vector<16xf32>
          %parallel_loop3A_253 = arith.constant 0.000000e+00 : f32
          %parallel_loop3A_254 = vector.broadcast %parallel_loop3A_253 : f32 to vector<16xf32>
          %parallel_loop3A_255 = arith.maximumf %parallel_loop3A_252, %parallel_loop3A_254 : vector<16xf32>
          %parallel_loop3A_256 = arith.index_cast %parallel_loop3A_209 : i32 to index
          %parallel_loop3A_257 = arith.constant 32 : index
          %parallel_loop3A_258 = tpu.vector_load %arg15[%parallel_loop3A_256, %parallel_loop3A_257] {strides = array<i32>} : memref<80x128xf32, #tpu.memory_space<vmem>>, vector<1x16xf32>,
          %parallel_loop3A_259 = vector.shape_cast %parallel_loop3A_258 : vector<1x16xf32> to vector<16xf32>
          %parallel_loop3A_260 = vector.shape_cast %parallel_loop3A_255 : vector<16xf32> to vector<1x16xf32>
          tpu.vector_store %arg15[%parallel_loop3A_256, %parallel_loop3A_257], %parallel_loop3A_260 {strides = array<i32>} : memref<80x128xf32, #tpu.memory_space<vmem>>, vector<1x16xf32>,
          %parallel_loop3A_261 = arith.index_cast %parallel_loop3A_209 : i32 to index
          %parallel_loop3A_262 = arith.constant 48 : index
          %parallel_loop3A_263 = tpu.vector_load %arg15[%parallel_loop3A_261, %parallel_loop3A_262] {strides = array<i32>} : memref<80x128xf32, #tpu.memory_space<vmem>>, vector<1x16xf32>,
          %parallel_loop3A_264 = vector.shape_cast %parallel_loop3A_263 : vector<1x16xf32> to vector<16xf32>
          %parallel_loop3A_265 = arith.index_cast %parallel_loop3A_209 : i32 to index
          %parallel_loop3A_266 = arith.constant 48 : index
          %parallel_loop3A_267 = tpu.vector_load %arg17[%parallel_loop3A_265, %parallel_loop3A_266] {strides = array<i32>} : memref<80x128xf32, #tpu.memory_space<vmem>>, vector<1x16xf32>,
          %parallel_loop3A_268 = vector.shape_cast %parallel_loop3A_267 : vector<1x16xf32> to vector<16xf32>
          %parallel_loop3A_269 = arith.addf %parallel_loop3A_264, %parallel_loop3A_268 : vector<16xf32>
          %parallel_loop3A_270 = arith.constant 0.000000e+00 : f32
          %parallel_loop3A_271 = vector.broadcast %parallel_loop3A_270 : f32 to vector<16xf32>
          %parallel_loop3A_272 = arith.maximumf %parallel_loop3A_269, %parallel_loop3A_271 : vector<16xf32>
          %parallel_loop3A_273 = arith.index_cast %parallel_loop3A_209 : i32 to index
          %parallel_loop3A_274 = arith.constant 48 : index
          %parallel_loop3A_275 = tpu.vector_load %arg15[%parallel_loop3A_273, %parallel_loop3A_274] {strides = array<i32>} : memref<80x128xf32, #tpu.memory_space<vmem>>, vector<1x16xf32>,
          %parallel_loop3A_276 = vector.shape_cast %parallel_loop3A_275 : vector<1x16xf32> to vector<16xf32>
          %parallel_loop3A_277 = vector.shape_cast %parallel_loop3A_272 : vector<16xf32> to vector<1x16xf32>
          tpu.vector_store %arg15[%parallel_loop3A_273, %parallel_loop3A_274], %parallel_loop3A_277 {strides = array<i32>} : memref<80x128xf32, #tpu.memory_space<vmem>>, vector<1x16xf32>,
          %parallel_loop3A_278 = arith.index_cast %parallel_loop3A_209 : i32 to index
          %parallel_loop3A_279 = arith.constant 64 : index
          %parallel_loop3A_280 = tpu.vector_load %arg15[%parallel_loop3A_278, %parallel_loop3A_279] {strides = array<i32>} : memref<80x128xf32, #tpu.memory_space<vmem>>, vector<1x16xf32>,
          %parallel_loop3A_281 = vector.shape_cast %parallel_loop3A_280 : vector<1x16xf32> to vector<16xf32>
          %parallel_loop3A_282 = arith.index_cast %parallel_loop3A_209 : i32 to index
          %parallel_loop3A_283 = arith.constant 64 : index
          %parallel_loop3A_284 = tpu.vector_load %arg17[%parallel_loop3A_282, %parallel_loop3A_283] {strides = array<i32>} : memref<80x128xf32, #tpu.memory_space<vmem>>, vector<1x16xf32>,
          %parallel_loop3A_285 = vector.shape_cast %parallel_loop3A_284 : vector<1x16xf32> to vector<16xf32>
          %parallel_loop3A_286 = arith.addf %parallel_loop3A_281, %parallel_loop3A_285 : vector<16xf32>
          %parallel_loop3A_287 = arith.constant 0.000000e+00 : f32
          %parallel_loop3A_288 = vector.broadcast %parallel_loop3A_287 : f32 to vector<16xf32>
          %parallel_loop3A_289 = arith.maximumf %parallel_loop3A_286, %parallel_loop3A_288 : vector<16xf32>
          %parallel_loop3A_290 = arith.index_cast %parallel_loop3A_209 : i32 to index
          %parallel_loop3A_291 = arith.constant 64 : index
          %parallel_loop3A_292 = tpu.vector_load %arg15[%parallel_loop3A_290, %parallel_loop3A_291] {strides = array<i32>} : memref<80x128xf32, #tpu.memory_space<vmem>>, vector<1x16xf32>,
          %parallel_loop3A_293 = vector.shape_cast %parallel_loop3A_292 : vector<1x16xf32> to vector<16xf32>
          %parallel_loop3A_294 = vector.shape_cast %parallel_loop3A_289 : vector<16xf32> to vector<1x16xf32>
          tpu.vector_store %arg15[%parallel_loop3A_290, %parallel_loop3A_291], %parallel_loop3A_294 {strides = array<i32>} : memref<80x128xf32, #tpu.memory_space<vmem>>, vector<1x16xf32>,
          %parallel_loop3A_295 = arith.index_cast %parallel_loop3A_209 : i32 to index
          %parallel_loop3A_296 = arith.constant 80 : index
          %parallel_loop3A_297 = tpu.vector_load %arg15[%parallel_loop3A_295, %parallel_loop3A_296] {strides = array<i32>} : memref<80x128xf32, #tpu.memory_space<vmem>>, vector<1x16xf32>,
          %parallel_loop3A_298 = vector.shape_cast %parallel_loop3A_297 : vector<1x16xf32> to vector<16xf32>
          %parallel_loop3A_299 = arith.index_cast %parallel_loop3A_209 : i32 to index
          %parallel_loop3A_300 = arith.constant 80 : index
          %parallel_loop3A_301 = tpu.vector_load %arg17[%parallel_loop3A_299, %parallel_loop3A_300] {strides = array<i32>} : memref<80x128xf32, #tpu.memory_space<vmem>>, vector<1x16xf32>,
          %parallel_loop3A_302 = vector.shape_cast %parallel_loop3A_301 : vector<1x16xf32> to vector<16xf32>
          %parallel_loop3A_303 = arith.addf %parallel_loop3A_298, %parallel_loop3A_302 : vector<16xf32>
          %parallel_loop3A_304 = arith.constant 0.000000e+00 : f32
          %parallel_loop3A_305 = vector.broadcast %parallel_loop3A_304 : f32 to vector<16xf32>
          %parallel_loop3A_306 = arith.maximumf %parallel_loop3A_303, %parallel_loop3A_305 : vector<16xf32>
          %parallel_loop3A_307 = arith.index_cast %parallel_loop3A_209 : i32 to index
          %parallel_loop3A_308 = arith.constant 80 : index
          %parallel_loop3A_309 = tpu.vector_load %arg15[%parallel_loop3A_307, %parallel_loop3A_308] {strides = array<i32>} : memref<80x128xf32, #tpu.memory_space<vmem>>, vector<1x16xf32>,
          %parallel_loop3A_310 = vector.shape_cast %parallel_loop3A_309 : vector<1x16xf32> to vector<16xf32>
          %parallel_loop3A_311 = vector.shape_cast %parallel_loop3A_306 : vector<16xf32> to vector<1x16xf32>
          tpu.vector_store %arg15[%parallel_loop3A_307, %parallel_loop3A_308], %parallel_loop3A_311 {strides = array<i32>} : memref<80x128xf32, #tpu.memory_space<vmem>>, vector<1x16xf32>,
          %parallel_loop3A_312 = arith.index_cast %parallel_loop3A_209 : i32 to index
          %parallel_loop3A_313 = arith.constant 96 : index
          %parallel_loop3A_314 = tpu.vector_load %arg15[%parallel_loop3A_312, %parallel_loop3A_313] {strides = array<i32>} : memref<80x128xf32, #tpu.memory_space<vmem>>, vector<1x16xf32>,
          %parallel_loop3A_315 = vector.shape_cast %parallel_loop3A_314 : vector<1x16xf32> to vector<16xf32>
          %parallel_loop3A_316 = arith.index_cast %parallel_loop3A_209 : i32 to index
          %parallel_loop3A_317 = arith.constant 96 : index
          %parallel_loop3A_318 = tpu.vector_load %arg17[%parallel_loop3A_316, %parallel_loop3A_317] {strides = array<i32>} : memref<80x128xf32, #tpu.memory_space<vmem>>, vector<1x16xf32>,
          %parallel_loop3A_319 = vector.shape_cast %parallel_loop3A_318 : vector<1x16xf32> to vector<16xf32>
          %parallel_loop3A_320 = arith.addf %parallel_loop3A_315, %parallel_loop3A_319 : vector<16xf32>
          %parallel_loop3A_321 = arith.constant 0.000000e+00 : f32
          %parallel_loop3A_322 = vector.broadcast %parallel_loop3A_321 : f32 to vector<16xf32>
          %parallel_loop3A_323 = arith.maximumf %parallel_loop3A_320, %parallel_loop3A_322 : vector<16xf32>
          %parallel_loop3A_324 = arith.index_cast %parallel_loop3A_209 : i32 to index
          %parallel_loop3A_325 = arith.constant 96 : index
          %parallel_loop3A_326 = tpu.vector_load %arg15[%parallel_loop3A_324, %parallel_loop3A_325] {strides = array<i32>} : memref<80x128xf32, #tpu.memory_space<vmem>>, vector<1x16xf32>,
          %parallel_loop3A_327 = vector.shape_cast %parallel_loop3A_326 : vector<1x16xf32> to vector<16xf32>
          %parallel_loop3A_328 = vector.shape_cast %parallel_loop3A_323 : vector<16xf32> to vector<1x16xf32>
          tpu.vector_store %arg15[%parallel_loop3A_324, %parallel_loop3A_325], %parallel_loop3A_328 {strides = array<i32>} : memref<80x128xf32, #tpu.memory_space<vmem>>, vector<1x16xf32>,
          %parallel_loop3A_329 = arith.index_cast %parallel_loop3A_209 : i32 to index
          %parallel_loop3A_330 = arith.constant 112 : index
          %parallel_loop3A_331 = tpu.vector_load %arg15[%parallel_loop3A_329, %parallel_loop3A_330] {strides = array<i32>} : memref<80x128xf32, #tpu.memory_space<vmem>>, vector<1x16xf32>,
          %parallel_loop3A_332 = vector.shape_cast %parallel_loop3A_331 : vector<1x16xf32> to vector<16xf32>
          %parallel_loop3A_333 = arith.index_cast %parallel_loop3A_209 : i32 to index
          %parallel_loop3A_334 = arith.constant 112 : index
          %parallel_loop3A_335 = tpu.vector_load %arg17[%parallel_loop3A_333, %parallel_loop3A_334] {strides = array<i32>} : memref<80x128xf32, #tpu.memory_space<vmem>>, vector<1x16xf32>,
          %parallel_loop3A_336 = vector.shape_cast %parallel_loop3A_335 : vector<1x16xf32> to vector<16xf32>
          %parallel_loop3A_337 = arith.addf %parallel_loop3A_332, %parallel_loop3A_336 : vector<16xf32>
          %parallel_loop3A_338 = arith.constant 0.000000e+00 : f32
          %parallel_loop3A_339 = vector.broadcast %parallel_loop3A_338 : f32 to vector<16xf32>
          %parallel_loop3A_340 = arith.maximumf %parallel_loop3A_337, %parallel_loop3A_339 : vector<16xf32>
          %parallel_loop3A_341 = arith.index_cast %parallel_loop3A_209 : i32 to index
          %parallel_loop3A_342 = arith.constant 112 : index
          %parallel_loop3A_343 = tpu.vector_load %arg15[%parallel_loop3A_341, %parallel_loop3A_342] {strides = array<i32>} : memref<80x128xf32, #tpu.memory_space<vmem>>, vector<1x16xf32>,
          %parallel_loop3A_344 = vector.shape_cast %parallel_loop3A_343 : vector<1x16xf32> to vector<16xf32>
          %parallel_loop3A_345 = vector.shape_cast %parallel_loop3A_340 : vector<16xf32> to vector<1x16xf32>
          tpu.vector_store %arg15[%parallel_loop3A_341, %parallel_loop3A_342], %parallel_loop3A_345 {strides = array<i32>} : memref<80x128xf32, #tpu.memory_space<vmem>>, vector<1x16xf32>,
        } {sc.loop_unroll_factor = 4 : i64, sc.parallel_access}
        %jit3A_120 = arith.constant 4 : i32
        %eq3A = arith.constant 0 : i32
        %eq3A_121 = arith.cmpi eq, %jit3A_120, %eq3A : i32
        %jit3A_122 = arith.constant 1 : i32
        %select_n3A_123 = arith.select %eq3A_121, %jit3A_122, %jit3A_120 : i32
        %rem3A_124 = arith.remsi %add3A_90, %select_n3A_123 : i32
        %ne3A_125 = arith.constant 0 : i32
        %ne3A_126 = arith.cmpi ne, %rem3A_124, %ne3A_125 : i32
        %lt3A_127 = arith.constant 0 : i32
        %lt3A_128 = arith.cmpi slt, %rem3A_124, %lt3A_127 : i32
        %lt3A_129 = arith.constant 0 : i32
        %lt3A_130 = arith.cmpi slt, %select_n3A_123, %lt3A_129 : i32
        %ne3A_131 = arith.xori %lt3A_128, %lt3A_130 : i1
        %and3A_132 = arith.andi %ne3A_131, %ne3A_126 : i1
        %add3A_133 = arith.addi %rem3A_124, %select_n3A_123 : i32
        %select_n3A_134 = arith.select %and3A_132, %add3A_133, %rem3A_124 : i32
        %eq3A_135 = arith.constant 0 : i32
        %eq3A_136 = arith.cmpi eq, %select_n3A_134, %eq3A_135 : i32
        %convert_element_type3A_137 = arith.extui %eq3A_136 : i1 to i32
        %cond3A_138 = arith.constant 0 : i32
        %cond3A_139 = arith.cmpi ne, %convert_element_type3A_137, %cond3A_138 : i32
        scf.if %cond3A_139 {
          %dma_start3A_209 = arith.constant 0 : i32
          %dma_start3A_210 = arith.constant 0 : i32
          %dma_start3A_211 = tpu.memref_slice %arg8[%dma_start3A_209, %dma_start3A_210] : memref<10112x128xf32, #tpu.memory_space<vmem_shared>> -> memref<10112x128xf32, #tpu.memory_space<vmem_shared>>
          tpu.enqueue_indirect_dma source(%arg15 : memref<80x128xf32, #tpu.memory_space<vmem>>) target(%dma_start3A_211 : memref<10112x128xf32, #tpu.memory_space<vmem_shared>>) offsets(%arg11 : memref<80xi32, #tpu.memory_space<vmem>>) semaphore(%arg23 : memref<!tpu.dma_semaphore, #tpu.memory_space<semaphore_mem>>) {add = true}
        } else {
        }
        %jit3A_140 = arith.constant 4 : i32
        %eq3A_141 = arith.constant 0 : i32
        %eq3A_142 = arith.cmpi eq, %jit3A_140, %eq3A_141 : i32
        %jit3A_143 = arith.constant 1 : i32
        %select_n3A_144 = arith.select %eq3A_142, %jit3A_143, %jit3A_140 : i32
        %rem3A_145 = arith.remsi %add3A_90, %select_n3A_144 : i32
        %ne3A_146 = arith.constant 0 : i32
        %ne3A_147 = arith.cmpi ne, %rem3A_145, %ne3A_146 : i32
        %lt3A_148 = arith.constant 0 : i32
        %lt3A_149 = arith.cmpi slt, %rem3A_145, %lt3A_148 : i32
        %lt3A_150 = arith.constant 0 : i32
        %lt3A_151 = arith.cmpi slt, %select_n3A_144, %lt3A_150 : i32
        %ne3A_152 = arith.xori %lt3A_149, %lt3A_151 : i1
        %and3A_153 = arith.andi %ne3A_152, %ne3A_147 : i1
        %add3A_154 = arith.addi %rem3A_145, %select_n3A_144 : i32
        %select_n3A_155 = arith.select %and3A_153, %add3A_154, %rem3A_145 : i32
        %eq3A_156 = arith.constant 1 : i32
        %eq3A_157 = arith.cmpi eq, %select_n3A_155, %eq3A_156 : i32
        %convert_element_type3A_158 = arith.extui %eq3A_157 : i1 to i32
        %cond3A_159 = arith.constant 0 : i32
        %cond3A_160 = arith.cmpi ne, %convert_element_type3A_158, %cond3A_159 : i32
        scf.if %cond3A_160 {
          %dma_start3A_209 = arith.constant 0 : i32
          %dma_start3A_210 = arith.constant 0 : i32
          %dma_start3A_211 = tpu.memref_slice %arg8[%dma_start3A_209, %dma_start3A_210] : memref<10112x128xf32, #tpu.memory_space<vmem_shared>> -> memref<10112x128xf32, #tpu.memory_space<vmem_shared>>
          tpu.enqueue_indirect_dma source(%arg15 : memref<80x128xf32, #tpu.memory_space<vmem>>) target(%dma_start3A_211 : memref<10112x128xf32, #tpu.memory_space<vmem_shared>>) offsets(%arg12 : memref<80xi32, #tpu.memory_space<vmem>>) semaphore(%arg23 : memref<!tpu.dma_semaphore, #tpu.memory_space<semaphore_mem>>) {add = true}
        } else {
        }
        %jit3A_161 = arith.constant 4 : i32
        %eq3A_162 = arith.constant 0 : i32
        %eq3A_163 = arith.cmpi eq, %jit3A_161, %eq3A_162 : i32
        %jit3A_164 = arith.constant 1 : i32
        %select_n3A_165 = arith.select %eq3A_163, %jit3A_164, %jit3A_161 : i32
        %rem3A_166 = arith.remsi %add3A_90, %select_n3A_165 : i32
        %ne3A_167 = arith.constant 0 : i32
        %ne3A_168 = arith.cmpi ne, %rem3A_166, %ne3A_167 : i32
        %lt3A_169 = arith.constant 0 : i32
        %lt3A_170 = arith.cmpi slt, %rem3A_166, %lt3A_169 : i32
        %lt3A_171 = arith.constant 0 : i32
        %lt3A_172 = arith.cmpi slt, %select_n3A_165, %lt3A_171 : i32
        %ne3A_173 = arith.xori %lt3A_170, %lt3A_172 : i1
        %and3A_174 = arith.andi %ne3A_173, %ne3A_168 : i1
        %add3A_175 = arith.addi %rem3A_166, %select_n3A_165 : i32
        %select_n3A_176 = arith.select %and3A_174, %add3A_175, %rem3A_166 : i32
        %eq3A_177 = arith.constant 2 : i32
        %eq3A_178 = arith.cmpi eq, %select_n3A_176, %eq3A_177 : i32
        %convert_element_type3A_179 = arith.extui %eq3A_178 : i1 to i32
        %cond3A_180 = arith.constant 0 : i32
        %cond3A_181 = arith.cmpi ne, %convert_element_type3A_179, %cond3A_180 : i32
        scf.if %cond3A_181 {
          %dma_start3A_209 = arith.constant 0 : i32
          %dma_start3A_210 = arith.constant 0 : i32
          %dma_start3A_211 = tpu.memref_slice %arg8[%dma_start3A_209, %dma_start3A_210] : memref<10112x128xf32, #tpu.memory_space<vmem_shared>> -> memref<10112x128xf32, #tpu.memory_space<vmem_shared>>
          tpu.enqueue_indirect_dma source(%arg15 : memref<80x128xf32, #tpu.memory_space<vmem>>) target(%dma_start3A_211 : memref<10112x128xf32, #tpu.memory_space<vmem_shared>>) offsets(%arg13 : memref<80xi32, #tpu.memory_space<vmem>>) semaphore(%arg23 : memref<!tpu.dma_semaphore, #tpu.memory_space<semaphore_mem>>) {add = true}
        } else {
        }
        %jit3A_182 = arith.constant 4 : i32
        %eq3A_183 = arith.constant 0 : i32
        %eq3A_184 = arith.cmpi eq, %jit3A_182, %eq3A_183 : i32
        %jit3A_185 = arith.constant 1 : i32
        %select_n3A_186 = arith.select %eq3A_184, %jit3A_185, %jit3A_182 : i32
        %rem3A_187 = arith.remsi %add3A_90, %select_n3A_186 : i32
        %ne3A_188 = arith.constant 0 : i32
        %ne3A_189 = arith.cmpi ne, %rem3A_187, %ne3A_188 : i32
        %lt3A_190 = arith.constant 0 : i32
        %lt3A_191 = arith.cmpi slt, %rem3A_187, %lt3A_190 : i32
        %lt3A_192 = arith.constant 0 : i32
        %lt3A_193 = arith.cmpi slt, %select_n3A_186, %lt3A_192 : i32
        %ne3A_194 = arith.xori %lt3A_191, %lt3A_193 : i1
        %and3A_195 = arith.andi %ne3A_194, %ne3A_189 : i1
        %add3A_196 = arith.addi %rem3A_187, %select_n3A_186 : i32
        %select_n3A_197 = arith.select %and3A_195, %add3A_196, %rem3A_187 : i32
        %eq3A_198 = arith.constant 3 : i32
        %eq3A_199 = arith.cmpi eq, %select_n3A_197, %eq3A_198 : i32
        %convert_element_type3A_200 = arith.extui %eq3A_199 : i1 to i32
        %cond3A_201 = arith.constant 0 : i32
        %cond3A_202 = arith.cmpi ne, %convert_element_type3A_200, %cond3A_201 : i32
        scf.if %cond3A_202 {
          %dma_start3A_209 = arith.constant 0 : i32
          %dma_start3A_210 = arith.constant 0 : i32
          %dma_start3A_211 = tpu.memref_slice %arg8[%dma_start3A_209, %dma_start3A_210] : memref<10112x128xf32, #tpu.memory_space<vmem_shared>> -> memref<10112x128xf32, #tpu.memory_space<vmem_shared>>
          tpu.enqueue_indirect_dma source(%arg15 : memref<80x128xf32, #tpu.memory_space<vmem>>) target(%dma_start3A_211 : memref<10112x128xf32, #tpu.memory_space<vmem_shared>>) offsets(%arg14 : memref<80xi32, #tpu.memory_space<vmem>>) semaphore(%arg23 : memref<!tpu.dma_semaphore, #tpu.memory_space<semaphore_mem>>) {add = true}
        } else {
        }
        %add3A_203 = arith.constant 2 : i32
        %add3A_204 = arith.addi %add3A_90, %add3A_203 : i32
        %lt3A_205 = arith.cmpi slt, %add3A_204, %add3A_8 : i32
        %convert_element_type3A_206 = arith.extui %lt3A_205 : i1 to i32
        %cond3A_207 = arith.constant 0 : i32
        %cond3A_208 = arith.cmpi ne, %convert_element_type3A_206, %cond3A_207 : i32
        scf.if %cond3A_208 {
          %add3A_209 = arith.constant 2 : i32
          %add3A_210 = arith.addi %add3A_90, %add3A_209 : i32
          %add3A_211 = arith.constant 0 : i32
          %add3A_212 = arith.addi %add3A_211, %add3A_4 : i32
          %add3A_213 = arith.addi %add3A_212, %add3A_210 : i32
          %mul3A_214 = arith.constant 80 : i32
          %mul3A_215 = arith.muli %add3A_213, %mul3A_214 : i32
          %dma_start3A_216 = tpu.memref_slice %arg2[%mul3A_215] : memref<320000xi32, #tpu.memory_space<hbm>> -> memref<80xi32, #tpu.memory_space<hbm>>
          %dma_start3A_217 = tpu.memref_slice %arg2[%mul3A_215] : memref<320000xi32, #tpu.memory_space<hbm>> -> memref<80xi32, #tpu.memory_space<hbm>>
          tpu.enqueue_dma source(%dma_start3A_217 : memref<80xi32, #tpu.memory_space<hbm>>) target(%arg9 : memref<80xi32, #tpu.memory_space<vmem>>) target_semaphore(%arg19 : memref<!tpu.dma_semaphore, #tpu.memory_space<semaphore_mem>>)
          %jit3A_218 = arith.constant 4 : i32
          %eq3A_219 = arith.constant 0 : i32
          %eq3A_220 = arith.cmpi eq, %jit3A_218, %eq3A_219 : i32
          %jit3A_221 = arith.constant 1 : i32
          %select_n3A_222 = arith.select %eq3A_220, %jit3A_221, %jit3A_218 : i32
          %rem3A_223 = arith.remsi %add3A_210, %select_n3A_222 : i32
          %ne3A_224 = arith.constant 0 : i32
          %ne3A_225 = arith.cmpi ne, %rem3A_223, %ne3A_224 : i32
          %lt3A_226 = arith.constant 0 : i32
          %lt3A_227 = arith.cmpi slt, %rem3A_223, %lt3A_226 : i32
          %lt3A_228 = arith.constant 0 : i32
          %lt3A_229 = arith.cmpi slt, %select_n3A_222, %lt3A_228 : i32
          %ne3A_230 = arith.xori %lt3A_227, %lt3A_229 : i1
          %and3A_231 = arith.andi %ne3A_230, %ne3A_225 : i1
          %add3A_232 = arith.addi %rem3A_223, %select_n3A_222 : i32
          %select_n3A_233 = arith.select %and3A_231, %add3A_232, %rem3A_223 : i32
          %eq3A_234 = arith.constant 0 : i32
          %eq3A_235 = arith.cmpi eq, %select_n3A_233, %eq3A_234 : i32
          %convert_element_type3A_236 = arith.extui %eq3A_235 : i1 to i32
          %cond3A_237 = arith.constant 0 : i32
          %cond3A_238 = arith.cmpi ne, %convert_element_type3A_236, %cond3A_237 : i32
          scf.if %cond3A_238 {
            %dma_start3A_302 = tpu.memref_slice %arg3[%mul3A_215] : memref<320000xi32, #tpu.memory_space<hbm>> -> memref<80xi32, #tpu.memory_space<hbm>>
            %dma_start3A_303 = tpu.memref_slice %arg3[%mul3A_215] : memref<320000xi32, #tpu.memory_space<hbm>> -> memref<80xi32, #tpu.memory_space<hbm>>
            tpu.enqueue_dma source(%dma_start3A_303 : memref<80xi32, #tpu.memory_space<hbm>>) target(%arg11 : memref<80xi32, #tpu.memory_space<vmem>>) target_semaphore(%arg19 : memref<!tpu.dma_semaphore, #tpu.memory_space<semaphore_mem>>)
          } else {
          }
          %jit3A_239 = arith.constant 4 : i32
          %eq3A_240 = arith.constant 0 : i32
          %eq3A_241 = arith.cmpi eq, %jit3A_239, %eq3A_240 : i32
          %jit3A_242 = arith.constant 1 : i32
          %select_n3A_243 = arith.select %eq3A_241, %jit3A_242, %jit3A_239 : i32
          %rem3A_244 = arith.remsi %add3A_210, %select_n3A_243 : i32
          %ne3A_245 = arith.constant 0 : i32
          %ne3A_246 = arith.cmpi ne, %rem3A_244, %ne3A_245 : i32
          %lt3A_247 = arith.constant 0 : i32
          %lt3A_248 = arith.cmpi slt, %rem3A_244, %lt3A_247 : i32
          %lt3A_249 = arith.constant 0 : i32
          %lt3A_250 = arith.cmpi slt, %select_n3A_243, %lt3A_249 : i32
          %ne3A_251 = arith.xori %lt3A_248, %lt3A_250 : i1
          %and3A_252 = arith.andi %ne3A_251, %ne3A_246 : i1
          %add3A_253 = arith.addi %rem3A_244, %select_n3A_243 : i32
          %select_n3A_254 = arith.select %and3A_252, %add3A_253, %rem3A_244 : i32
          %eq3A_255 = arith.constant 1 : i32
          %eq3A_256 = arith.cmpi eq, %select_n3A_254, %eq3A_255 : i32
          %convert_element_type3A_257 = arith.extui %eq3A_256 : i1 to i32
          %cond3A_258 = arith.constant 0 : i32
          %cond3A_259 = arith.cmpi ne, %convert_element_type3A_257, %cond3A_258 : i32
          scf.if %cond3A_259 {
            %dma_start3A_302 = tpu.memref_slice %arg3[%mul3A_215] : memref<320000xi32, #tpu.memory_space<hbm>> -> memref<80xi32, #tpu.memory_space<hbm>>
            %dma_start3A_303 = tpu.memref_slice %arg3[%mul3A_215] : memref<320000xi32, #tpu.memory_space<hbm>> -> memref<80xi32, #tpu.memory_space<hbm>>
            tpu.enqueue_dma source(%dma_start3A_303 : memref<80xi32, #tpu.memory_space<hbm>>) target(%arg12 : memref<80xi32, #tpu.memory_space<vmem>>) target_semaphore(%arg19 : memref<!tpu.dma_semaphore, #tpu.memory_space<semaphore_mem>>)
          } else {
          }
          %jit3A_260 = arith.constant 4 : i32
          %eq3A_261 = arith.constant 0 : i32
          %eq3A_262 = arith.cmpi eq, %jit3A_260, %eq3A_261 : i32
          %jit3A_263 = arith.constant 1 : i32
          %select_n3A_264 = arith.select %eq3A_262, %jit3A_263, %jit3A_260 : i32
          %rem3A_265 = arith.remsi %add3A_210, %select_n3A_264 : i32
          %ne3A_266 = arith.constant 0 : i32
          %ne3A_267 = arith.cmpi ne, %rem3A_265, %ne3A_266 : i32
          %lt3A_268 = arith.constant 0 : i32
          %lt3A_269 = arith.cmpi slt, %rem3A_265, %lt3A_268 : i32
          %lt3A_270 = arith.constant 0 : i32
          %lt3A_271 = arith.cmpi slt, %select_n3A_264, %lt3A_270 : i32
          %ne3A_272 = arith.xori %lt3A_269, %lt3A_271 : i1
          %and3A_273 = arith.andi %ne3A_272, %ne3A_267 : i1
          %add3A_274 = arith.addi %rem3A_265, %select_n3A_264 : i32
          %select_n3A_275 = arith.select %and3A_273, %add3A_274, %rem3A_265 : i32
          %eq3A_276 = arith.constant 2 : i32
          %eq3A_277 = arith.cmpi eq, %select_n3A_275, %eq3A_276 : i32
          %convert_element_type3A_278 = arith.extui %eq3A_277 : i1 to i32
          %cond3A_279 = arith.constant 0 : i32
          %cond3A_280 = arith.cmpi ne, %convert_element_type3A_278, %cond3A_279 : i32
          scf.if %cond3A_280 {
            %dma_start3A_302 = tpu.memref_slice %arg3[%mul3A_215] : memref<320000xi32, #tpu.memory_space<hbm>> -> memref<80xi32, #tpu.memory_space<hbm>>
            %dma_start3A_303 = tpu.memref_slice %arg3[%mul3A_215] : memref<320000xi32, #tpu.memory_space<hbm>> -> memref<80xi32, #tpu.memory_space<hbm>>
            tpu.enqueue_dma source(%dma_start3A_303 : memref<80xi32, #tpu.memory_space<hbm>>) target(%arg13 : memref<80xi32, #tpu.memory_space<vmem>>) target_semaphore(%arg19 : memref<!tpu.dma_semaphore, #tpu.memory_space<semaphore_mem>>)
          } else {
          }
          %jit3A_281 = arith.constant 4 : i32
          %eq3A_282 = arith.constant 0 : i32
          %eq3A_283 = arith.cmpi eq, %jit3A_281, %eq3A_282 : i32
          %jit3A_284 = arith.constant 1 : i32
          %select_n3A_285 = arith.select %eq3A_283, %jit3A_284, %jit3A_281 : i32
          %rem3A_286 = arith.remsi %add3A_210, %select_n3A_285 : i32
          %ne3A_287 = arith.constant 0 : i32
          %ne3A_288 = arith.cmpi ne, %rem3A_286, %ne3A_287 : i32
          %lt3A_289 = arith.constant 0 : i32
          %lt3A_290 = arith.cmpi slt, %rem3A_286, %lt3A_289 : i32
          %lt3A_291 = arith.constant 0 : i32
          %lt3A_292 = arith.cmpi slt, %select_n3A_285, %lt3A_291 : i32
          %ne3A_293 = arith.xori %lt3A_290, %lt3A_292 : i1
          %and3A_294 = arith.andi %ne3A_293, %ne3A_288 : i1
          %add3A_295 = arith.addi %rem3A_286, %select_n3A_285 : i32
          %select_n3A_296 = arith.select %and3A_294, %add3A_295, %rem3A_286 : i32
          %eq3A_297 = arith.constant 3 : i32
          %eq3A_298 = arith.cmpi eq, %select_n3A_296, %eq3A_297 : i32
          %convert_element_type3A_299 = arith.extui %eq3A_298 : i1 to i32
          %cond3A_300 = arith.constant 0 : i32
          %cond3A_301 = arith.cmpi ne, %convert_element_type3A_299, %cond3A_300 : i32
          scf.if %cond3A_301 {
            %dma_start3A_302 = tpu.memref_slice %arg3[%mul3A_215] : memref<320000xi32, #tpu.memory_space<hbm>> -> memref<80xi32, #tpu.memory_space<hbm>>
            %dma_start3A_303 = tpu.memref_slice %arg3[%mul3A_215] : memref<320000xi32, #tpu.memory_space<hbm>> -> memref<80xi32, #tpu.memory_space<hbm>>
            tpu.enqueue_dma source(%dma_start3A_303 : memref<80xi32, #tpu.memory_space<hbm>>) target(%arg14 : memref<80xi32, #tpu.memory_space<vmem>>) target_semaphore(%arg19 : memref<!tpu.dma_semaphore, #tpu.memory_space<semaphore_mem>>)
          } else {
          }
        } else {
        }
      } else {
      }
      %mul3A_95 = arith.constant 2 : i32
      %mul3A_96 = arith.muli %while3A_86, %mul3A_95 : i32
      %add3A_97 = arith.constant 1 : i32
      %add3A_98 = arith.addi %mul3A_96, %add3A_97 : i32
      %lt3A_99 = arith.cmpi slt, %add3A_98, %add3A_8 : i32
      %convert_element_type3A_100 = arith.extui %lt3A_99 : i1 to i32
      %cond3A_101 = arith.constant 0 : i32
      %cond3A_102 = arith.cmpi ne, %convert_element_type3A_100, %cond3A_101 : i32
      scf.if %cond3A_102 {
        %add3A_103 = arith.constant 1 : i32
        %add3A_104 = arith.addi %add3A_98, %add3A_103 : i32
        %lt3A_105 = arith.cmpi slt, %add3A_104, %add3A_8 : i32
        %convert_element_type3A_106 = arith.extui %lt3A_105 : i1 to i32
        %cond3A_107 = arith.constant 0 : i32
        %cond3A_108 = arith.cmpi ne, %convert_element_type3A_106, %cond3A_107 : i32
        scf.if %cond3A_108 {
          %ge3A = arith.constant 1 : i32
          %ge3A_209 = arith.cmpi sge, %add3A_98, %ge3A : i32
          %convert_element_type3A_210 = arith.extui %ge3A_209 : i1 to i32
          %cond3A_211 = arith.constant 0 : i32
          %cond3A_212 = arith.cmpi ne, %convert_element_type3A_210, %cond3A_211 : i32
          scf.if %cond3A_212 {
            %dma_wait3A_233 = arith.constant 0 : i32
            %dma_wait3A_234 = arith.constant 0 : i32
            %dma_wait3A_235 = tpu.memref_slice %arg8[%dma_wait3A_233, %dma_wait3A_234] : memref<10112x128xf32, #tpu.memory_space<vmem_shared>> -> memref<10112x128xf32, #tpu.memory_space<vmem_shared>>
            tpu.wait_indirect_dma semaphore(%arg23 : memref<!tpu.dma_semaphore, #tpu.memory_space<semaphore_mem>>) src(%arg15 : memref<80x128xf32, #tpu.memory_space<vmem>>) dst(%dma_wait3A_235 : memref<10112x128xf32, #tpu.memory_space<vmem_shared>>)
          } else {
          }
          %dma_wait3A_213 = arith.constant 0 : i32
          %dma_wait3A_214 = tpu.memref_slice %arg2[%dma_wait3A_213] : memref<320000xi32, #tpu.memory_space<hbm>> -> memref<80xi32, #tpu.memory_space<hbm>>
          %dma_wait3A_215 = arith.constant 0 : i32
          %dma_wait3A_216 = tpu.memref_slice %arg2[%dma_wait3A_215] : memref<320000xi32, #tpu.memory_space<hbm>> -> memref<80xi32, #tpu.memory_space<hbm>>
          tpu.wait_dma2 semaphore(%arg19 : memref<!tpu.dma_semaphore, #tpu.memory_space<semaphore_mem>>) src(%dma_wait3A_216 : memref<80xi32, #tpu.memory_space<hbm>>) dst(%arg9 : memref<80xi32, #tpu.memory_space<vmem>>)
          %dma_wait3A_217 = arith.constant 0 : i32
          %dma_wait3A_218 = tpu.memref_slice %arg3[%dma_wait3A_217] : memref<320000xi32, #tpu.memory_space<hbm>> -> memref<80xi32, #tpu.memory_space<hbm>>
          %dma_wait3A_219 = arith.constant 0 : i32
          %dma_wait3A_220 = tpu.memref_slice %arg3[%dma_wait3A_219] : memref<320000xi32, #tpu.memory_space<hbm>> -> memref<80xi32, #tpu.memory_space<hbm>>
          tpu.wait_dma2 semaphore(%arg19 : memref<!tpu.dma_semaphore, #tpu.memory_space<semaphore_mem>>) src(%dma_wait3A_220 : memref<80xi32, #tpu.memory_space<hbm>>) dst(%arg11 : memref<80xi32, #tpu.memory_space<vmem>>)
          %add3A_221 = arith.constant 1 : i32
          %add3A_222 = arith.addi %add3A_98, %add3A_221 : i32
          %add3A_223 = arith.addi %add3A_4, %add3A_222 : i32
          %mul3A_224 = arith.constant 80 : i32
          %mul3A_225 = arith.muli %add3A_223, %mul3A_224 : i32
          %dma_start3A_226 = arith.constant 0 : i32
          %dma_start3A_227 = arith.constant 0 : i32
          %dma_start3A_228 = tpu.memref_slice %arg4[%dma_start3A_226, %dma_start3A_227] : memref<10000x128xf32, #tpu.memory_space<hbm>> -> memref<10000x128xf32, #tpu.memory_space<hbm>>
          tpu.enqueue_indirect_dma source(%dma_start3A_228 : memref<10000x128xf32, #tpu.memory_space<hbm>>) target(%arg15 : memref<80x128xf32, #tpu.memory_space<vmem>>) offsets(%arg9 : memref<80xi32, #tpu.memory_space<vmem>>) semaphore(%arg21 : memref<!tpu.dma_semaphore, #tpu.memory_space<semaphore_mem>>)
          %dma_start3A_229 = arith.constant 0 : i32
          %dma_start3A_230 = tpu.memref_slice %arg5[%mul3A_225, %dma_start3A_229] : memref<160000x128xf32, #tpu.memory_space<hbm>> -> memref<80x128xf32, #tpu.memory_space<hbm>>
          %dma_start3A_231 = arith.constant 0 : i32
          %dma_start3A_232 = tpu.memref_slice %arg5[%mul3A_225, %dma_start3A_231] : memref<160000x128xf32, #tpu.memory_space<hbm>> -> memref<80x128xf32, #tpu.memory_space<hbm>>
          tpu.enqueue_dma source(%dma_start3A_232 : memref<80x128xf32, #tpu.memory_space<hbm>>) target(%arg17 : memref<80x128xf32, #tpu.memory_space<vmem>>) target_semaphore(%arg21 : memref<!tpu.dma_semaphore, #tpu.memory_space<semaphore_mem>>)
        } else {
        }
        %dma_wait3A_109 = arith.constant 0 : i32
        %dma_wait3A_110 = arith.constant 0 : i32
        %dma_wait3A_111 = tpu.memref_slice %arg4[%dma_wait3A_109, %dma_wait3A_110] : memref<10000x128xf32, #tpu.memory_space<hbm>> -> memref<10000x128xf32, #tpu.memory_space<hbm>>
        tpu.wait_indirect_dma semaphore(%arg22 : memref<!tpu.dma_semaphore, #tpu.memory_space<semaphore_mem>>) src(%dma_wait3A_111 : memref<10000x128xf32, #tpu.memory_space<hbm>>) dst(%arg16 : memref<80x128xf32, #tpu.memory_space<vmem>>)
        %dma_wait3A_112 = arith.constant 0 : i32
        %dma_wait3A_113 = arith.constant 0 : i32
        %dma_wait3A_114 = tpu.memref_slice %arg5[%dma_wait3A_112, %dma_wait3A_113] : memref<160000x128xf32, #tpu.memory_space<hbm>> -> memref<80x128xf32, #tpu.memory_space<hbm>>
        %dma_wait3A_115 = arith.constant 0 : i32
        %dma_wait3A_116 = arith.constant 0 : i32
        %dma_wait3A_117 = tpu.memref_slice %arg5[%dma_wait3A_115, %dma_wait3A_116] : memref<160000x128xf32, #tpu.memory_space<hbm>> -> memref<80x128xf32, #tpu.memory_space<hbm>>
        tpu.wait_dma2 semaphore(%arg22 : memref<!tpu.dma_semaphore, #tpu.memory_space<semaphore_mem>>) src(%dma_wait3A_117 : memref<80x128xf32, #tpu.memory_space<hbm>>) dst(%arg18 : memref<80x128xf32, #tpu.memory_space<vmem>>)
        %parallel_loop3A = arith.constant 0 : i32
        %parallel_loop3A_118 = arith.constant 80 : i32
        %parallel_loop3A_119 = arith.constant 1 : i32
        scf.for %parallel_loop3A_209 = %parallel_loop3A to %parallel_loop3A_118 step %parallel_loop3A_119  : i32 {
          %parallel_loop3A_210 = arith.index_cast %parallel_loop3A_209 : i32 to index
          %parallel_loop3A_211 = arith.constant 0 : index
          %parallel_loop3A_212 = tpu.vector_load %arg16[%parallel_loop3A_210, %parallel_loop3A_211] {strides = array<i32>} : memref<80x128xf32, #tpu.memory_space<vmem>>, vector<1x16xf32>,
          %parallel_loop3A_213 = vector.shape_cast %parallel_loop3A_212 : vector<1x16xf32> to vector<16xf32>
          %parallel_loop3A_214 = arith.index_cast %parallel_loop3A_209 : i32 to index
          %parallel_loop3A_215 = arith.constant 0 : index
          %parallel_loop3A_216 = tpu.vector_load %arg18[%parallel_loop3A_214, %parallel_loop3A_215] {strides = array<i32>} : memref<80x128xf32, #tpu.memory_space<vmem>>, vector<1x16xf32>,
          %parallel_loop3A_217 = vector.shape_cast %parallel_loop3A_216 : vector<1x16xf32> to vector<16xf32>
          %parallel_loop3A_218 = arith.addf %parallel_loop3A_213, %parallel_loop3A_217 : vector<16xf32>
          %parallel_loop3A_219 = arith.constant 0.000000e+00 : f32
          %parallel_loop3A_220 = vector.broadcast %parallel_loop3A_219 : f32 to vector<16xf32>
          %parallel_loop3A_221 = arith.maximumf %parallel_loop3A_218, %parallel_loop3A_220 : vector<16xf32>
          %parallel_loop3A_222 = arith.index_cast %parallel_loop3A_209 : i32 to index
          %parallel_loop3A_223 = arith.constant 0 : index
          %parallel_loop3A_224 = tpu.vector_load %arg16[%parallel_loop3A_222, %parallel_loop3A_223] {strides = array<i32>} : memref<80x128xf32, #tpu.memory_space<vmem>>, vector<1x16xf32>,
          %parallel_loop3A_225 = vector.shape_cast %parallel_loop3A_224 : vector<1x16xf32> to vector<16xf32>
          %parallel_loop3A_226 = vector.shape_cast %parallel_loop3A_221 : vector<16xf32> to vector<1x16xf32>
          tpu.vector_store %arg16[%parallel_loop3A_222, %parallel_loop3A_223], %parallel_loop3A_226 {strides = array<i32>} : memref<80x128xf32, #tpu.memory_space<vmem>>, vector<1x16xf32>,
          %parallel_loop3A_227 = arith.index_cast %parallel_loop3A_209 : i32 to index
          %parallel_loop3A_228 = arith.constant 16 : index
          %parallel_loop3A_229 = tpu.vector_load %arg16[%parallel_loop3A_227, %parallel_loop3A_228] {strides = array<i32>} : memref<80x128xf32, #tpu.memory_space<vmem>>, vector<1x16xf32>,
          %parallel_loop3A_230 = vector.shape_cast %parallel_loop3A_229 : vector<1x16xf32> to vector<16xf32>
          %parallel_loop3A_231 = arith.index_cast %parallel_loop3A_209 : i32 to index
          %parallel_loop3A_232 = arith.constant 16 : index
          %parallel_loop3A_233 = tpu.vector_load %arg18[%parallel_loop3A_231, %parallel_loop3A_232] {strides = array<i32>} : memref<80x128xf32, #tpu.memory_space<vmem>>, vector<1x16xf32>,
          %parallel_loop3A_234 = vector.shape_cast %parallel_loop3A_233 : vector<1x16xf32> to vector<16xf32>
          %parallel_loop3A_235 = arith.addf %parallel_loop3A_230, %parallel_loop3A_234 : vector<16xf32>
          %parallel_loop3A_236 = arith.constant 0.000000e+00 : f32
          %parallel_loop3A_237 = vector.broadcast %parallel_loop3A_236 : f32 to vector<16xf32>
          %parallel_loop3A_238 = arith.maximumf %parallel_loop3A_235, %parallel_loop3A_237 : vector<16xf32>
          %parallel_loop3A_239 = arith.index_cast %parallel_loop3A_209 : i32 to index
          %parallel_loop3A_240 = arith.constant 16 : index
          %parallel_loop3A_241 = tpu.vector_load %arg16[%parallel_loop3A_239, %parallel_loop3A_240] {strides = array<i32>} : memref<80x128xf32, #tpu.memory_space<vmem>>, vector<1x16xf32>,
          %parallel_loop3A_242 = vector.shape_cast %parallel_loop3A_241 : vector<1x16xf32> to vector<16xf32>
          %parallel_loop3A_243 = vector.shape_cast %parallel_loop3A_238 : vector<16xf32> to vector<1x16xf32>
          tpu.vector_store %arg16[%parallel_loop3A_239, %parallel_loop3A_240], %parallel_loop3A_243 {strides = array<i32>} : memref<80x128xf32, #tpu.memory_space<vmem>>, vector<1x16xf32>,
          %parallel_loop3A_244 = arith.index_cast %parallel_loop3A_209 : i32 to index
          %parallel_loop3A_245 = arith.constant 32 : index
          %parallel_loop3A_246 = tpu.vector_load %arg16[%parallel_loop3A_244, %parallel_loop3A_245] {strides = array<i32>} : memref<80x128xf32, #tpu.memory_space<vmem>>, vector<1x16xf32>,
          %parallel_loop3A_247 = vector.shape_cast %parallel_loop3A_246 : vector<1x16xf32> to vector<16xf32>
          %parallel_loop3A_248 = arith.index_cast %parallel_loop3A_209 : i32 to index
          %parallel_loop3A_249 = arith.constant 32 : index
          %parallel_loop3A_250 = tpu.vector_load %arg18[%parallel_loop3A_248, %parallel_loop3A_249] {strides = array<i32>} : memref<80x128xf32, #tpu.memory_space<vmem>>, vector<1x16xf32>,
          %parallel_loop3A_251 = vector.shape_cast %parallel_loop3A_250 : vector<1x16xf32> to vector<16xf32>
          %parallel_loop3A_252 = arith.addf %parallel_loop3A_247, %parallel_loop3A_251 : vector<16xf32>
          %parallel_loop3A_253 = arith.constant 0.000000e+00 : f32
          %parallel_loop3A_254 = vector.broadcast %parallel_loop3A_253 : f32 to vector<16xf32>
          %parallel_loop3A_255 = arith.maximumf %parallel_loop3A_252, %parallel_loop3A_254 : vector<16xf32>
          %parallel_loop3A_256 = arith.index_cast %parallel_loop3A_209 : i32 to index
          %parallel_loop3A_257 = arith.constant 32 : index
          %parallel_loop3A_258 = tpu.vector_load %arg16[%parallel_loop3A_256, %parallel_loop3A_257] {strides = array<i32>} : memref<80x128xf32, #tpu.memory_space<vmem>>, vector<1x16xf32>,
          %parallel_loop3A_259 = vector.shape_cast %parallel_loop3A_258 : vector<1x16xf32> to vector<16xf32>
          %parallel_loop3A_260 = vector.shape_cast %parallel_loop3A_255 : vector<16xf32> to vector<1x16xf32>
          tpu.vector_store %arg16[%parallel_loop3A_256, %parallel_loop3A_257], %parallel_loop3A_260 {strides = array<i32>} : memref<80x128xf32, #tpu.memory_space<vmem>>, vector<1x16xf32>,
          %parallel_loop3A_261 = arith.index_cast %parallel_loop3A_209 : i32 to index
          %parallel_loop3A_262 = arith.constant 48 : index
          %parallel_loop3A_263 = tpu.vector_load %arg16[%parallel_loop3A_261, %parallel_loop3A_262] {strides = array<i32>} : memref<80x128xf32, #tpu.memory_space<vmem>>, vector<1x16xf32>,
          %parallel_loop3A_264 = vector.shape_cast %parallel_loop3A_263 : vector<1x16xf32> to vector<16xf32>
          %parallel_loop3A_265 = arith.index_cast %parallel_loop3A_209 : i32 to index
          %parallel_loop3A_266 = arith.constant 48 : index
          %parallel_loop3A_267 = tpu.vector_load %arg18[%parallel_loop3A_265, %parallel_loop3A_266] {strides = array<i32>} : memref<80x128xf32, #tpu.memory_space<vmem>>, vector<1x16xf32>,
          %parallel_loop3A_268 = vector.shape_cast %parallel_loop3A_267 : vector<1x16xf32> to vector<16xf32>
          %parallel_loop3A_269 = arith.addf %parallel_loop3A_264, %parallel_loop3A_268 : vector<16xf32>
          %parallel_loop3A_270 = arith.constant 0.000000e+00 : f32
          %parallel_loop3A_271 = vector.broadcast %parallel_loop3A_270 : f32 to vector<16xf32>
          %parallel_loop3A_272 = arith.maximumf %parallel_loop3A_269, %parallel_loop3A_271 : vector<16xf32>
          %parallel_loop3A_273 = arith.index_cast %parallel_loop3A_209 : i32 to index
          %parallel_loop3A_274 = arith.constant 48 : index
          %parallel_loop3A_275 = tpu.vector_load %arg16[%parallel_loop3A_273, %parallel_loop3A_274] {strides = array<i32>} : memref<80x128xf32, #tpu.memory_space<vmem>>, vector<1x16xf32>,
          %parallel_loop3A_276 = vector.shape_cast %parallel_loop3A_275 : vector<1x16xf32> to vector<16xf32>
          %parallel_loop3A_277 = vector.shape_cast %parallel_loop3A_272 : vector<16xf32> to vector<1x16xf32>
          tpu.vector_store %arg16[%parallel_loop3A_273, %parallel_loop3A_274], %parallel_loop3A_277 {strides = array<i32>} : memref<80x128xf32, #tpu.memory_space<vmem>>, vector<1x16xf32>,
          %parallel_loop3A_278 = arith.index_cast %parallel_loop3A_209 : i32 to index
          %parallel_loop3A_279 = arith.constant 64 : index
          %parallel_loop3A_280 = tpu.vector_load %arg16[%parallel_loop3A_278, %parallel_loop3A_279] {strides = array<i32>} : memref<80x128xf32, #tpu.memory_space<vmem>>, vector<1x16xf32>,
          %parallel_loop3A_281 = vector.shape_cast %parallel_loop3A_280 : vector<1x16xf32> to vector<16xf32>
          %parallel_loop3A_282 = arith.index_cast %parallel_loop3A_209 : i32 to index
          %parallel_loop3A_283 = arith.constant 64 : index
          %parallel_loop3A_284 = tpu.vector_load %arg18[%parallel_loop3A_282, %parallel_loop3A_283] {strides = array<i32>} : memref<80x128xf32, #tpu.memory_space<vmem>>, vector<1x16xf32>,
          %parallel_loop3A_285 = vector.shape_cast %parallel_loop3A_284 : vector<1x16xf32> to vector<16xf32>
          %parallel_loop3A_286 = arith.addf %parallel_loop3A_281, %parallel_loop3A_285 : vector<16xf32>
          %parallel_loop3A_287 = arith.constant 0.000000e+00 : f32
          %parallel_loop3A_288 = vector.broadcast %parallel_loop3A_287 : f32 to vector<16xf32>
          %parallel_loop3A_289 = arith.maximumf %parallel_loop3A_286, %parallel_loop3A_288 : vector<16xf32>
          %parallel_loop3A_290 = arith.index_cast %parallel_loop3A_209 : i32 to index
          %parallel_loop3A_291 = arith.constant 64 : index
          %parallel_loop3A_292 = tpu.vector_load %arg16[%parallel_loop3A_290, %parallel_loop3A_291] {strides = array<i32>} : memref<80x128xf32, #tpu.memory_space<vmem>>, vector<1x16xf32>,
          %parallel_loop3A_293 = vector.shape_cast %parallel_loop3A_292 : vector<1x16xf32> to vector<16xf32>
          %parallel_loop3A_294 = vector.shape_cast %parallel_loop3A_289 : vector<16xf32> to vector<1x16xf32>
          tpu.vector_store %arg16[%parallel_loop3A_290, %parallel_loop3A_291], %parallel_loop3A_294 {strides = array<i32>} : memref<80x128xf32, #tpu.memory_space<vmem>>, vector<1x16xf32>,
          %parallel_loop3A_295 = arith.index_cast %parallel_loop3A_209 : i32 to index
          %parallel_loop3A_296 = arith.constant 80 : index
          %parallel_loop3A_297 = tpu.vector_load %arg16[%parallel_loop3A_295, %parallel_loop3A_296] {strides = array<i32>} : memref<80x128xf32, #tpu.memory_space<vmem>>, vector<1x16xf32>,
          %parallel_loop3A_298 = vector.shape_cast %parallel_loop3A_297 : vector<1x16xf32> to vector<16xf32>
          %parallel_loop3A_299 = arith.index_cast %parallel_loop3A_209 : i32 to index
          %parallel_loop3A_300 = arith.constant 80 : index
          %parallel_loop3A_301 = tpu.vector_load %arg18[%parallel_loop3A_299, %parallel_loop3A_300] {strides = array<i32>} : memref<80x128xf32, #tpu.memory_space<vmem>>, vector<1x16xf32>,
          %parallel_loop3A_302 = vector.shape_cast %parallel_loop3A_301 : vector<1x16xf32> to vector<16xf32>
          %parallel_loop3A_303 = arith.addf %parallel_loop3A_298, %parallel_loop3A_302 : vector<16xf32>
          %parallel_loop3A_304 = arith.constant 0.000000e+00 : f32
          %parallel_loop3A_305 = vector.broadcast %parallel_loop3A_304 : f32 to vector<16xf32>
          %parallel_loop3A_306 = arith.maximumf %parallel_loop3A_303, %parallel_loop3A_305 : vector<16xf32>
          %parallel_loop3A_307 = arith.index_cast %parallel_loop3A_209 : i32 to index
          %parallel_loop3A_308 = arith.constant 80 : index
          %parallel_loop3A_309 = tpu.vector_load %arg16[%parallel_loop3A_307, %parallel_loop3A_308] {strides = array<i32>} : memref<80x128xf32, #tpu.memory_space<vmem>>, vector<1x16xf32>,
          %parallel_loop3A_310 = vector.shape_cast %parallel_loop3A_309 : vector<1x16xf32> to vector<16xf32>
          %parallel_loop3A_311 = vector.shape_cast %parallel_loop3A_306 : vector<16xf32> to vector<1x16xf32>
          tpu.vector_store %arg16[%parallel_loop3A_307, %parallel_loop3A_308], %parallel_loop3A_311 {strides = array<i32>} : memref<80x128xf32, #tpu.memory_space<vmem>>, vector<1x16xf32>,
          %parallel_loop3A_312 = arith.index_cast %parallel_loop3A_209 : i32 to index
          %parallel_loop3A_313 = arith.constant 96 : index
          %parallel_loop3A_314 = tpu.vector_load %arg16[%parallel_loop3A_312, %parallel_loop3A_313] {strides = array<i32>} : memref<80x128xf32, #tpu.memory_space<vmem>>, vector<1x16xf32>,
          %parallel_loop3A_315 = vector.shape_cast %parallel_loop3A_314 : vector<1x16xf32> to vector<16xf32>
          %parallel_loop3A_316 = arith.index_cast %parallel_loop3A_209 : i32 to index
          %parallel_loop3A_317 = arith.constant 96 : index
          %parallel_loop3A_318 = tpu.vector_load %arg18[%parallel_loop3A_316, %parallel_loop3A_317] {strides = array<i32>} : memref<80x128xf32, #tpu.memory_space<vmem>>, vector<1x16xf32>,
          %parallel_loop3A_319 = vector.shape_cast %parallel_loop3A_318 : vector<1x16xf32> to vector<16xf32>
          %parallel_loop3A_320 = arith.addf %parallel_loop3A_315, %parallel_loop3A_319 : vector<16xf32>
          %parallel_loop3A_321 = arith.constant 0.000000e+00 : f32
          %parallel_loop3A_322 = vector.broadcast %parallel_loop3A_321 : f32 to vector<16xf32>
          %parallel_loop3A_323 = arith.maximumf %parallel_loop3A_320, %parallel_loop3A_322 : vector<16xf32>
          %parallel_loop3A_324 = arith.index_cast %parallel_loop3A_209 : i32 to index
          %parallel_loop3A_325 = arith.constant 96 : index
          %parallel_loop3A_326 = tpu.vector_load %arg16[%parallel_loop3A_324, %parallel_loop3A_325] {strides = array<i32>} : memref<80x128xf32, #tpu.memory_space<vmem>>, vector<1x16xf32>,
          %parallel_loop3A_327 = vector.shape_cast %parallel_loop3A_326 : vector<1x16xf32> to vector<16xf32>
          %parallel_loop3A_328 = vector.shape_cast %parallel_loop3A_323 : vector<16xf32> to vector<1x16xf32>
          tpu.vector_store %arg16[%parallel_loop3A_324, %parallel_loop3A_325], %parallel_loop3A_328 {strides = array<i32>} : memref<80x128xf32, #tpu.memory_space<vmem>>, vector<1x16xf32>,
          %parallel_loop3A_329 = arith.index_cast %parallel_loop3A_209 : i32 to index
          %parallel_loop3A_330 = arith.constant 112 : index
          %parallel_loop3A_331 = tpu.vector_load %arg16[%parallel_loop3A_329, %parallel_loop3A_330] {strides = array<i32>} : memref<80x128xf32, #tpu.memory_space<vmem>>, vector<1x16xf32>,
          %parallel_loop3A_332 = vector.shape_cast %parallel_loop3A_331 : vector<1x16xf32> to vector<16xf32>
          %parallel_loop3A_333 = arith.index_cast %parallel_loop3A_209 : i32 to index
          %parallel_loop3A_334 = arith.constant 112 : index
          %parallel_loop3A_335 = tpu.vector_load %arg18[%parallel_loop3A_333, %parallel_loop3A_334] {strides = array<i32>} : memref<80x128xf32, #tpu.memory_space<vmem>>, vector<1x16xf32>,
          %parallel_loop3A_336 = vector.shape_cast %parallel_loop3A_335 : vector<1x16xf32> to vector<16xf32>
          %parallel_loop3A_337 = arith.addf %parallel_loop3A_332, %parallel_loop3A_336 : vector<16xf32>
          %parallel_loop3A_338 = arith.constant 0.000000e+00 : f32
          %parallel_loop3A_339 = vector.broadcast %parallel_loop3A_338 : f32 to vector<16xf32>
          %parallel_loop3A_340 = arith.maximumf %parallel_loop3A_337, %parallel_loop3A_339 : vector<16xf32>
          %parallel_loop3A_341 = arith.index_cast %parallel_loop3A_209 : i32 to index
          %parallel_loop3A_342 = arith.constant 112 : index
          %parallel_loop3A_343 = tpu.vector_load %arg16[%parallel_loop3A_341, %parallel_loop3A_342] {strides = array<i32>} : memref<80x128xf32, #tpu.memory_space<vmem>>, vector<1x16xf32>,
          %parallel_loop3A_344 = vector.shape_cast %parallel_loop3A_343 : vector<1x16xf32> to vector<16xf32>
          %parallel_loop3A_345 = vector.shape_cast %parallel_loop3A_340 : vector<16xf32> to vector<1x16xf32>
          tpu.vector_store %arg16[%parallel_loop3A_341, %parallel_loop3A_342], %parallel_loop3A_345 {strides = array<i32>} : memref<80x128xf32, #tpu.memory_space<vmem>>, vector<1x16xf32>,
        } {sc.loop_unroll_factor = 4 : i64, sc.parallel_access}
        %jit3A_120 = arith.constant 4 : i32
        %eq3A = arith.constant 0 : i32
        %eq3A_121 = arith.cmpi eq, %jit3A_120, %eq3A : i32
        %jit3A_122 = arith.constant 1 : i32
        %select_n3A_123 = arith.select %eq3A_121, %jit3A_122, %jit3A_120 : i32
        %rem3A_124 = arith.remsi %add3A_98, %select_n3A_123 : i32
        %ne3A_125 = arith.constant 0 : i32
        %ne3A_126 = arith.cmpi ne, %rem3A_124, %ne3A_125 : i32
        %lt3A_127 = arith.constant 0 : i32
        %lt3A_128 = arith.cmpi slt, %rem3A_124, %lt3A_127 : i32
        %lt3A_129 = arith.constant 0 : i32
        %lt3A_130 = arith.cmpi slt, %select_n3A_123, %lt3A_129 : i32
        %ne3A_131 = arith.xori %lt3A_128, %lt3A_130 : i1
        %and3A_132 = arith.andi %ne3A_131, %ne3A_126 : i1
        %add3A_133 = arith.addi %rem3A_124, %select_n3A_123 : i32
        %select_n3A_134 = arith.select %and3A_132, %add3A_133, %rem3A_124 : i32
        %eq3A_135 = arith.constant 0 : i32
        %eq3A_136 = arith.cmpi eq, %select_n3A_134, %eq3A_135 : i32
        %convert_element_type3A_137 = arith.extui %eq3A_136 : i1 to i32
        %cond3A_138 = arith.constant 0 : i32
        %cond3A_139 = arith.cmpi ne, %convert_element_type3A_137, %cond3A_138 : i32
        scf.if %cond3A_139 {
          %dma_start3A_209 = arith.constant 0 : i32
          %dma_start3A_210 = arith.constant 0 : i32
          %dma_start3A_211 = tpu.memref_slice %arg8[%dma_start3A_209, %dma_start3A_210] : memref<10112x128xf32, #tpu.memory_space<vmem_shared>> -> memref<10112x128xf32, #tpu.memory_space<vmem_shared>>
          tpu.enqueue_indirect_dma source(%arg16 : memref<80x128xf32, #tpu.memory_space<vmem>>) target(%dma_start3A_211 : memref<10112x128xf32, #tpu.memory_space<vmem_shared>>) offsets(%arg11 : memref<80xi32, #tpu.memory_space<vmem>>) semaphore(%arg24 : memref<!tpu.dma_semaphore, #tpu.memory_space<semaphore_mem>>) {add = true}
        } else {
        }
        %jit3A_140 = arith.constant 4 : i32
        %eq3A_141 = arith.constant 0 : i32
        %eq3A_142 = arith.cmpi eq, %jit3A_140, %eq3A_141 : i32
        %jit3A_143 = arith.constant 1 : i32
        %select_n3A_144 = arith.select %eq3A_142, %jit3A_143, %jit3A_140 : i32
        %rem3A_145 = arith.remsi %add3A_98, %select_n3A_144 : i32
        %ne3A_146 = arith.constant 0 : i32
        %ne3A_147 = arith.cmpi ne, %rem3A_145, %ne3A_146 : i32
        %lt3A_148 = arith.constant 0 : i32
        %lt3A_149 = arith.cmpi slt, %rem3A_145, %lt3A_148 : i32
        %lt3A_150 = arith.constant 0 : i32
        %lt3A_151 = arith.cmpi slt, %select_n3A_144, %lt3A_150 : i32
        %ne3A_152 = arith.xori %lt3A_149, %lt3A_151 : i1
        %and3A_153 = arith.andi %ne3A_152, %ne3A_147 : i1
        %add3A_154 = arith.addi %rem3A_145, %select_n3A_144 : i32
        %select_n3A_155 = arith.select %and3A_153, %add3A_154, %rem3A_145 : i32
        %eq3A_156 = arith.constant 1 : i32
        %eq3A_157 = arith.cmpi eq, %select_n3A_155, %eq3A_156 : i32
        %convert_element_type3A_158 = arith.extui %eq3A_157 : i1 to i32
        %cond3A_159 = arith.constant 0 : i32
        %cond3A_160 = arith.cmpi ne, %convert_element_type3A_158, %cond3A_159 : i32
        scf.if %cond3A_160 {
          %dma_start3A_209 = arith.constant 0 : i32
          %dma_start3A_210 = arith.constant 0 : i32
          %dma_start3A_211 = tpu.memref_slice %arg8[%dma_start3A_209, %dma_start3A_210] : memref<10112x128xf32, #tpu.memory_space<vmem_shared>> -> memref<10112x128xf32, #tpu.memory_space<vmem_shared>>
          tpu.enqueue_indirect_dma source(%arg16 : memref<80x128xf32, #tpu.memory_space<vmem>>) target(%dma_start3A_211 : memref<10112x128xf32, #tpu.memory_space<vmem_shared>>) offsets(%arg12 : memref<80xi32, #tpu.memory_space<vmem>>) semaphore(%arg24 : memref<!tpu.dma_semaphore, #tpu.memory_space<semaphore_mem>>) {add = true}
        } else {
        }
        %jit3A_161 = arith.constant 4 : i32
        %eq3A_162 = arith.constant 0 : i32
        %eq3A_163 = arith.cmpi eq, %jit3A_161, %eq3A_162 : i32
        %jit3A_164 = arith.constant 1 : i32
        %select_n3A_165 = arith.select %eq3A_163, %jit3A_164, %jit3A_161 : i32
        %rem3A_166 = arith.remsi %add3A_98, %select_n3A_165 : i32
        %ne3A_167 = arith.constant 0 : i32
        %ne3A_168 = arith.cmpi ne, %rem3A_166, %ne3A_167 : i32
        %lt3A_169 = arith.constant 0 : i32
        %lt3A_170 = arith.cmpi slt, %rem3A_166, %lt3A_169 : i32
        %lt3A_171 = arith.constant 0 : i32
        %lt3A_172 = arith.cmpi slt, %select_n3A_165, %lt3A_171 : i32
        %ne3A_173 = arith.xori %lt3A_170, %lt3A_172 : i1
        %and3A_174 = arith.andi %ne3A_173, %ne3A_168 : i1
        %add3A_175 = arith.addi %rem3A_166, %select_n3A_165 : i32
        %select_n3A_176 = arith.select %and3A_174, %add3A_175, %rem3A_166 : i32
        %eq3A_177 = arith.constant 2 : i32
        %eq3A_178 = arith.cmpi eq, %select_n3A_176, %eq3A_177 : i32
        %convert_element_type3A_179 = arith.extui %eq3A_178 : i1 to i32
        %cond3A_180 = arith.constant 0 : i32
        %cond3A_181 = arith.cmpi ne, %convert_element_type3A_179, %cond3A_180 : i32
        scf.if %cond3A_181 {
          %dma_start3A_209 = arith.constant 0 : i32
          %dma_start3A_210 = arith.constant 0 : i32
          %dma_start3A_211 = tpu.memref_slice %arg8[%dma_start3A_209, %dma_start3A_210] : memref<10112x128xf32, #tpu.memory_space<vmem_shared>> -> memref<10112x128xf32, #tpu.memory_space<vmem_shared>>
          tpu.enqueue_indirect_dma source(%arg16 : memref<80x128xf32, #tpu.memory_space<vmem>>) target(%dma_start3A_211 : memref<10112x128xf32, #tpu.memory_space<vmem_shared>>) offsets(%arg13 : memref<80xi32, #tpu.memory_space<vmem>>) semaphore(%arg24 : memref<!tpu.dma_semaphore, #tpu.memory_space<semaphore_mem>>) {add = true}
        } else {
        }
        %jit3A_182 = arith.constant 4 : i32
        %eq3A_183 = arith.constant 0 : i32
        %eq3A_184 = arith.cmpi eq, %jit3A_182, %eq3A_183 : i32
        %jit3A_185 = arith.constant 1 : i32
        %select_n3A_186 = arith.select %eq3A_184, %jit3A_185, %jit3A_182 : i32
        %rem3A_187 = arith.remsi %add3A_98, %select_n3A_186 : i32
        %ne3A_188 = arith.constant 0 : i32
        %ne3A_189 = arith.cmpi ne, %rem3A_187, %ne3A_188 : i32
        %lt3A_190 = arith.constant 0 : i32
        %lt3A_191 = arith.cmpi slt, %rem3A_187, %lt3A_190 : i32
        %lt3A_192 = arith.constant 0 : i32
        %lt3A_193 = arith.cmpi slt, %select_n3A_186, %lt3A_192 : i32
        %ne3A_194 = arith.xori %lt3A_191, %lt3A_193 : i1
        %and3A_195 = arith.andi %ne3A_194, %ne3A_189 : i1
        %add3A_196 = arith.addi %rem3A_187, %select_n3A_186 : i32
        %select_n3A_197 = arith.select %and3A_195, %add3A_196, %rem3A_187 : i32
        %eq3A_198 = arith.constant 3 : i32
        %eq3A_199 = arith.cmpi eq, %select_n3A_197, %eq3A_198 : i32
        %convert_element_type3A_200 = arith.extui %eq3A_199 : i1 to i32
        %cond3A_201 = arith.constant 0 : i32
        %cond3A_202 = arith.cmpi ne, %convert_element_type3A_200, %cond3A_201 : i32
        scf.if %cond3A_202 {
          %dma_start3A_209 = arith.constant 0 : i32
          %dma_start3A_210 = arith.constant 0 : i32
          %dma_start3A_211 = tpu.memref_slice %arg8[%dma_start3A_209, %dma_start3A_210] : memref<10112x128xf32, #tpu.memory_space<vmem_shared>> -> memref<10112x128xf32, #tpu.memory_space<vmem_shared>>
          tpu.enqueue_indirect_dma source(%arg16 : memref<80x128xf32, #tpu.memory_space<vmem>>) target(%dma_start3A_211 : memref<10112x128xf32, #tpu.memory_space<vmem_shared>>) offsets(%arg14 : memref<80xi32, #tpu.memory_space<vmem>>) semaphore(%arg24 : memref<!tpu.dma_semaphore, #tpu.memory_space<semaphore_mem>>) {add = true}
        } else {
        }
        %add3A_203 = arith.constant 2 : i32
        %add3A_204 = arith.addi %add3A_98, %add3A_203 : i32
        %lt3A_205 = arith.cmpi slt, %add3A_204, %add3A_8 : i32
        %convert_element_type3A_206 = arith.extui %lt3A_205 : i1 to i32
        %cond3A_207 = arith.constant 0 : i32
        %cond3A_208 = arith.cmpi ne, %convert_element_type3A_206, %cond3A_207 : i32
        scf.if %cond3A_208 {
          %add3A_209 = arith.constant 2 : i32
          %add3A_210 = arith.addi %add3A_98, %add3A_209 : i32
          %add3A_211 = arith.constant 0 : i32
          %add3A_212 = arith.addi %add3A_211, %add3A_4 : i32
          %add3A_213 = arith.addi %add3A_212, %add3A_210 : i32
          %mul3A_214 = arith.constant 80 : i32
          %mul3A_215 = arith.muli %add3A_213, %mul3A_214 : i32
          %dma_start3A_216 = tpu.memref_slice %arg2[%mul3A_215] : memref<320000xi32, #tpu.memory_space<hbm>> -> memref<80xi32, #tpu.memory_space<hbm>>
          %dma_start3A_217 = tpu.memref_slice %arg2[%mul3A_215] : memref<320000xi32, #tpu.memory_space<hbm>> -> memref<80xi32, #tpu.memory_space<hbm>>
          tpu.enqueue_dma source(%dma_start3A_217 : memref<80xi32, #tpu.memory_space<hbm>>) target(%arg10 : memref<80xi32, #tpu.memory_space<vmem>>) target_semaphore(%arg20 : memref<!tpu.dma_semaphore, #tpu.memory_space<semaphore_mem>>)
          %jit3A_218 = arith.constant 4 : i32
          %eq3A_219 = arith.constant 0 : i32
          %eq3A_220 = arith.cmpi eq, %jit3A_218, %eq3A_219 : i32
          %jit3A_221 = arith.constant 1 : i32
          %select_n3A_222 = arith.select %eq3A_220, %jit3A_221, %jit3A_218 : i32
          %rem3A_223 = arith.remsi %add3A_210, %select_n3A_222 : i32
          %ne3A_224 = arith.constant 0 : i32
          %ne3A_225 = arith.cmpi ne, %rem3A_223, %ne3A_224 : i32
          %lt3A_226 = arith.constant 0 : i32
          %lt3A_227 = arith.cmpi slt, %rem3A_223, %lt3A_226 : i32
          %lt3A_228 = arith.constant 0 : i32
          %lt3A_229 = arith.cmpi slt, %select_n3A_222, %lt3A_228 : i32
          %ne3A_230 = arith.xori %lt3A_227, %lt3A_229 : i1
          %and3A_231 = arith.andi %ne3A_230, %ne3A_225 : i1
          %add3A_232 = arith.addi %rem3A_223, %select_n3A_222 : i32
          %select_n3A_233 = arith.select %and3A_231, %add3A_232, %rem3A_223 : i32
          %eq3A_234 = arith.constant 0 : i32
          %eq3A_235 = arith.cmpi eq, %select_n3A_233, %eq3A_234 : i32
          %convert_element_type3A_236 = arith.extui %eq3A_235 : i1 to i32
          %cond3A_237 = arith.constant 0 : i32
          %cond3A_238 = arith.cmpi ne, %convert_element_type3A_236, %cond3A_237 : i32
          scf.if %cond3A_238 {
            %dma_start3A_302 = tpu.memref_slice %arg3[%mul3A_215] : memref<320000xi32, #tpu.memory_space<hbm>> -> memref<80xi32, #tpu.memory_space<hbm>>
            %dma_start3A_303 = tpu.memref_slice %arg3[%mul3A_215] : memref<320000xi32, #tpu.memory_space<hbm>> -> memref<80xi32, #tpu.memory_space<hbm>>
            tpu.enqueue_dma source(%dma_start3A_303 : memref<80xi32, #tpu.memory_space<hbm>>) target(%arg11 : memref<80xi32, #tpu.memory_space<vmem>>) target_semaphore(%arg20 : memref<!tpu.dma_semaphore, #tpu.memory_space<semaphore_mem>>)
          } else {
          }
          %jit3A_239 = arith.constant 4 : i32
          %eq3A_240 = arith.constant 0 : i32
          %eq3A_241 = arith.cmpi eq, %jit3A_239, %eq3A_240 : i32
          %jit3A_242 = arith.constant 1 : i32
          %select_n3A_243 = arith.select %eq3A_241, %jit3A_242, %jit3A_239 : i32
          %rem3A_244 = arith.remsi %add3A_210, %select_n3A_243 : i32
          %ne3A_245 = arith.constant 0 : i32
          %ne3A_246 = arith.cmpi ne, %rem3A_244, %ne3A_245 : i32
          %lt3A_247 = arith.constant 0 : i32
          %lt3A_248 = arith.cmpi slt, %rem3A_244, %lt3A_247 : i32
          %lt3A_249 = arith.constant 0 : i32
          %lt3A_250 = arith.cmpi slt, %select_n3A_243, %lt3A_249 : i32
          %ne3A_251 = arith.xori %lt3A_248, %lt3A_250 : i1
          %and3A_252 = arith.andi %ne3A_251, %ne3A_246 : i1
          %add3A_253 = arith.addi %rem3A_244, %select_n3A_243 : i32
          %select_n3A_254 = arith.select %and3A_252, %add3A_253, %rem3A_244 : i32
          %eq3A_255 = arith.constant 1 : i32
          %eq3A_256 = arith.cmpi eq, %select_n3A_254, %eq3A_255 : i32
          %convert_element_type3A_257 = arith.extui %eq3A_256 : i1 to i32
          %cond3A_258 = arith.constant 0 : i32
          %cond3A_259 = arith.cmpi ne, %convert_element_type3A_257, %cond3A_258 : i32
          scf.if %cond3A_259 {
            %dma_start3A_302 = tpu.memref_slice %arg3[%mul3A_215] : memref<320000xi32, #tpu.memory_space<hbm>> -> memref<80xi32, #tpu.memory_space<hbm>>
            %dma_start3A_303 = tpu.memref_slice %arg3[%mul3A_215] : memref<320000xi32, #tpu.memory_space<hbm>> -> memref<80xi32, #tpu.memory_space<hbm>>
            tpu.enqueue_dma source(%dma_start3A_303 : memref<80xi32, #tpu.memory_space<hbm>>) target(%arg12 : memref<80xi32, #tpu.memory_space<vmem>>) target_semaphore(%arg20 : memref<!tpu.dma_semaphore, #tpu.memory_space<semaphore_mem>>)
          } else {
          }
          %jit3A_260 = arith.constant 4 : i32
          %eq3A_261 = arith.constant 0 : i32
          %eq3A_262 = arith.cmpi eq, %jit3A_260, %eq3A_261 : i32
          %jit3A_263 = arith.constant 1 : i32
          %select_n3A_264 = arith.select %eq3A_262, %jit3A_263, %jit3A_260 : i32
          %rem3A_265 = arith.remsi %add3A_210, %select_n3A_264 : i32
          %ne3A_266 = arith.constant 0 : i32
          %ne3A_267 = arith.cmpi ne, %rem3A_265, %ne3A_266 : i32
          %lt3A_268 = arith.constant 0 : i32
          %lt3A_269 = arith.cmpi slt, %rem3A_265, %lt3A_268 : i32
          %lt3A_270 = arith.constant 0 : i32
          %lt3A_271 = arith.cmpi slt, %select_n3A_264, %lt3A_270 : i32
          %ne3A_272 = arith.xori %lt3A_269, %lt3A_271 : i1
          %and3A_273 = arith.andi %ne3A_272, %ne3A_267 : i1
          %add3A_274 = arith.addi %rem3A_265, %select_n3A_264 : i32
          %select_n3A_275 = arith.select %and3A_273, %add3A_274, %rem3A_265 : i32
          %eq3A_276 = arith.constant 2 : i32
          %eq3A_277 = arith.cmpi eq, %select_n3A_275, %eq3A_276 : i32
          %convert_element_type3A_278 = arith.extui %eq3A_277 : i1 to i32
          %cond3A_279 = arith.constant 0 : i32
          %cond3A_280 = arith.cmpi ne, %convert_element_type3A_278, %cond3A_279 : i32
          scf.if %cond3A_280 {
            %dma_start3A_302 = tpu.memref_slice %arg3[%mul3A_215] : memref<320000xi32, #tpu.memory_space<hbm>> -> memref<80xi32, #tpu.memory_space<hbm>>
            %dma_start3A_303 = tpu.memref_slice %arg3[%mul3A_215] : memref<320000xi32, #tpu.memory_space<hbm>> -> memref<80xi32, #tpu.memory_space<hbm>>
            tpu.enqueue_dma source(%dma_start3A_303 : memref<80xi32, #tpu.memory_space<hbm>>) target(%arg13 : memref<80xi32, #tpu.memory_space<vmem>>) target_semaphore(%arg20 : memref<!tpu.dma_semaphore, #tpu.memory_space<semaphore_mem>>)
          } else {
          }
          %jit3A_281 = arith.constant 4 : i32
          %eq3A_282 = arith.constant 0 : i32
          %eq3A_283 = arith.cmpi eq, %jit3A_281, %eq3A_282 : i32
          %jit3A_284 = arith.constant 1 : i32
          %select_n3A_285 = arith.select %eq3A_283, %jit3A_284, %jit3A_281 : i32
          %rem3A_286 = arith.remsi %add3A_210, %select_n3A_285 : i32
          %ne3A_287 = arith.constant 0 : i32
          %ne3A_288 = arith.cmpi ne, %rem3A_286, %ne3A_287 : i32
          %lt3A_289 = arith.constant 0 : i32
          %lt3A_290 = arith.cmpi slt, %rem3A_286, %lt3A_289 : i32
          %lt3A_291 = arith.constant 0 : i32
          %lt3A_292 = arith.cmpi slt, %select_n3A_285, %lt3A_291 : i32
          %ne3A_293 = arith.xori %lt3A_290, %lt3A_292 : i1
          %and3A_294 = arith.andi %ne3A_293, %ne3A_288 : i1
          %add3A_295 = arith.addi %rem3A_286, %select_n3A_285 : i32
          %select_n3A_296 = arith.select %and3A_294, %add3A_295, %rem3A_286 : i32
          %eq3A_297 = arith.constant 3 : i32
          %eq3A_298 = arith.cmpi eq, %select_n3A_296, %eq3A_297 : i32
          %convert_element_type3A_299 = arith.extui %eq3A_298 : i1 to i32
          %cond3A_300 = arith.constant 0 : i32
          %cond3A_301 = arith.cmpi ne, %convert_element_type3A_299, %cond3A_300 : i32
          scf.if %cond3A_301 {
            %dma_start3A_302 = tpu.memref_slice %arg3[%mul3A_215] : memref<320000xi32, #tpu.memory_space<hbm>> -> memref<80xi32, #tpu.memory_space<hbm>>
            %dma_start3A_303 = tpu.memref_slice %arg3[%mul3A_215] : memref<320000xi32, #tpu.memory_space<hbm>> -> memref<80xi32, #tpu.memory_space<hbm>>
            tpu.enqueue_dma source(%dma_start3A_303 : memref<80xi32, #tpu.memory_space<hbm>>) target(%arg14 : memref<80xi32, #tpu.memory_space<vmem>>) target_semaphore(%arg20 : memref<!tpu.dma_semaphore, #tpu.memory_space<semaphore_mem>>)
          } else {
          }
        } else {
        }
      } else {
      }
    }
    %dma_wait3A_73 = arith.constant 0 : i32
    %dma_wait3A_74 = arith.constant 0 : i32
    %dma_wait3A_75 = tpu.memref_slice %arg8[%dma_wait3A_73, %dma_wait3A_74] : memref<10112x128xf32, #tpu.memory_space<vmem_shared>> -> memref<10112x128xf32, #tpu.memory_space<vmem_shared>>
    tpu.wait_indirect_dma semaphore(%arg23 : memref<!tpu.dma_semaphore, #tpu.memory_space<semaphore_mem>>) src(%arg15 : memref<80x128xf32, #tpu.memory_space<vmem>>) dst(%dma_wait3A_75 : memref<10112x128xf32, #tpu.memory_space<vmem_shared>>)
    %gt3A_76 = arith.constant 1 : i32
    %gt3A_77 = arith.cmpi sgt, %add3A_8, %gt3A_76 : i32
    %convert_element_type3A_78 = arith.extui %gt3A_77 : i1 to i32
    %cond3A_79 = arith.constant 0 : i32
    %cond3A_80 = arith.cmpi ne, %convert_element_type3A_78, %cond3A_79 : i32
    scf.if %cond3A_80 {
      %dma_wait3A_86 = arith.constant 0 : i32
      %dma_wait3A_87 = arith.constant 0 : i32
      %dma_wait3A_88 = tpu.memref_slice %arg8[%dma_wait3A_86, %dma_wait3A_87] : memref<10112x128xf32, #tpu.memory_space<vmem_shared>> -> memref<10112x128xf32, #tpu.memory_space<vmem_shared>>
      tpu.wait_indirect_dma semaphore(%arg24 : memref<!tpu.dma_semaphore, #tpu.memory_space<semaphore_mem>>) src(%arg16 : memref<80x128xf32, #tpu.memory_space<vmem>>) dst(%dma_wait3A_88 : memref<10112x128xf32, #tpu.memory_space<vmem_shared>>)
    } else {
    }
    %barrier3A_81 = arith.constant 0 : index
    tpu.barrier barrier_id(%barrier3A_81)
    %mul3A_82 = arith.constant 632 : i32
    %mul3A_83 = arith.muli %arg1, %mul3A_82 : i32
    %mul3A_84 = arith.constant 632 : i32
    %mul3A_85 = arith.muli %arg1, %mul3A_84 : i32
    "tpu.region"() ({
      %run_scoped3A = tpu.sem_alloc : memref<!tpu.dma_semaphore, #tpu.memory_space<semaphore_mem>>
      %dma_start3A_86 = arith.constant 0 : i32
      %dma_start3A_87 = tpu.memref_slice %arg7[%arg0, %mul3A_85, %dma_start3A_86] : memref<2x10112x128xf32, #tpu.memory_space<hbm>> -> memref<1x632x128xf32, #tpu.memory_space<hbm>>
      %dma_start3A_88 = tpu.memref_squeeze %dma_start3A_87 : memref<1x632x128xf32, #tpu.memory_space<hbm>> -> memref<632x128xf32, #tpu.memory_space<hbm>>
      %dma_start3A_89 = arith.constant 0 : i32
      %dma_start3A_90 = tpu.memref_slice %arg8[%mul3A_83, %dma_start3A_89] : memref<10112x128xf32, #tpu.memory_space<vmem_shared>> -> memref<632x128xf32, #tpu.memory_space<vmem_shared>>
      tpu.enqueue_dma source(%dma_start3A_90 : memref<632x128xf32, #tpu.memory_space<vmem_shared>>) target(%dma_start3A_88 : memref<632x128xf32, #tpu.memory_space<hbm>>) target_semaphore(%run_scoped3A : memref<!tpu.dma_semaphore, #tpu.memory_space<semaphore_mem>>)
      %dma_wait3A_91 = arith.constant 0 : i32
      %dma_wait3A_92 = tpu.memref_slice %arg7[%arg0, %mul3A_85, %dma_wait3A_91] : memref<2x10112x128xf32, #tpu.memory_space<hbm>> -> memref<1x632x128xf32, #tpu.memory_space<hbm>>
      %dma_wait3A_93 = tpu.memref_squeeze %dma_wait3A_92 : memref<1x632x128xf32, #tpu.memory_space<hbm>> -> memref<632x128xf32, #tpu.memory_space<hbm>>
      %dma_wait3A_94 = arith.constant 0 : i32
      %dma_wait3A_95 = tpu.memref_slice %arg8[%mul3A_83, %dma_wait3A_94] : memref<10112x128xf32, #tpu.memory_space<vmem_shared>> -> memref<632x128xf32, #tpu.memory_space<vmem_shared>>
      tpu.wait_dma2 semaphore(%run_scoped3A : memref<!tpu.dma_semaphore, #tpu.memory_space<semaphore_mem>>) src(%dma_wait3A_95 : memref<632x128xf32, #tpu.memory_space<vmem_shared>>) dst(%dma_wait3A_93 : memref<632x128xf32, #tpu.memory_space<hbm>>)
      tpu.yield
    }) : () -> ()
    return
  }
}

#map = affine_map<(d0, d1) -> (0)>
#map1 = affine_map<(d0, d1) -> (0, 0)>
#map2 = affine_map<(d0, d1) -> (0, 0, 0)>
module attributes {stable_mosaic.version = 14 : i64} {
  func.func @_sc_edge_kernel(%arg0: i32, %arg1: i32, %arg2: memref<320000xi32, #tpu.memory_space<hbm>>, %arg3: memref<320000xi32, #tpu.memory_space<hbm>>, %arg4: memref<10000x128xf32, #tpu.memory_space<hbm>>, %arg5: memref<160000x128xf32, #tpu.memory_space<hbm>>, %arg6: memref<10112x128xf32, #tpu.memory_space<hbm>>, %arg7: memref<2x10112x128xf32, #tpu.memory_space<hbm>>, %arg8: memref<10112x128xf32, #tpu.memory_space<vmem_shared>>, %arg9: memref<80xi32, #tpu.memory_space<vmem>>, %arg10: memref<80xi32, #tpu.memory_space<vmem>>, %arg11: memref<80xi32, #tpu.memory_space<vmem>>, %arg12: memref<80xi32, #tpu.memory_space<vmem>>, %arg13: memref<80xi32, #tpu.memory_space<vmem>>, %arg14: memref<80xi32, #tpu.memory_space<vmem>>, %arg15: memref<80x128xf32, #tpu.memory_space<vmem>>, %arg16: memref<80x128xf32, #tpu.memory_space<vmem>>, %arg17: memref<80x128xf32, #tpu.memory_space<vmem>>, %arg18: memref<80x128xf32, #tpu.memory_space<vmem>>, %arg19: memref<!tpu.dma_semaphore, #tpu.memory_space<semaphore_mem>>, %arg20: memref<!tpu.dma_semaphore, #tpu.memory_space<semaphore_mem>>, %arg21: memref<!tpu.dma_semaphore, #tpu.memory_space<semaphore_mem>>, %arg22: memref<!tpu.dma_semaphore, #tpu.memory_space<semaphore_mem>>, %arg23: memref<!tpu.dma_semaphore, #tpu.memory_space<semaphore_mem>>, %arg24: memref<!tpu.dma_semaphore, #tpu.memory_space<semaphore_mem>>) attributes {dimension_semantics = [#tpu.dimension_semantics<core_parallel>, #tpu.dimension_semantics<subcore_parallel>], iteration_bounds = array<i64: 2, 16>, scalar_prefetch = 0 : i64, scratch_operands = 17 : i64, tpu.core_type = #tpu.core_type<sc_vector_subcore>, window_params = [{transform_indices = #map}, {transform_indices = #map}, {transform_indices = #map1}, {transform_indices = #map1}, {transform_indices = #map1}, {transform_indices = #map2}]} {
    %mul3A = arith.constant 16 : i32
    %mul3A_0 = arith.muli %arg0, %mul3A : i32
    %add3A = arith.addi %mul3A_0, %arg1 : i32
    %mul3A_1 = arith.constant 62 : i32
    %mul3A_2 = arith.muli %add3A, %mul3A_1 : i32
    %min3A = arith.constant 16 : i32
    %min3A_3 = arith.minsi %add3A, %min3A : i32
    %add3A_4 = arith.addi %mul3A_2, %min3A_3 : i32
    %lt3A = arith.constant 16 : i32
    %lt3A_5 = arith.cmpi slt, %add3A, %lt3A : i32
    %jit3A = arith.constant 1 : i32
    %jit3A_6 = arith.constant 0 : i32
    %select_n3A = arith.select %lt3A_5, %jit3A, %jit3A_6 : i32
    %add3A_7 = arith.constant 62 : i32
    %add3A_8 = arith.addi %add3A_7, %select_n3A : i32
    %mul3A_9 = arith.constant 632 : i32
    %mul3A_10 = arith.muli %arg1, %mul3A_9 : i32
    %mul3A_11 = arith.constant 632 : i32
    %mul3A_12 = arith.muli %arg1, %mul3A_11 : i32
    "tpu.region"() ({
      %run_scoped3A = tpu.sem_alloc : memref<!tpu.dma_semaphore, #tpu.memory_space<semaphore_mem>>
      %dma_start3A_86 = arith.constant 0 : i32
      %dma_start3A_87 = tpu.memref_slice %arg8[%mul3A_12, %dma_start3A_86] : memref<10112x128xf32, #tpu.memory_space<vmem_shared>> -> memref<632x128xf32, #tpu.memory_space<vmem_shared>>
      %dma_start3A_88 = arith.constant 0 : i32
      %dma_start3A_89 = tpu.memref_slice %arg6[%mul3A_10, %dma_start3A_88] : memref<10112x128xf32, #tpu.memory_space<hbm>> -> memref<632x128xf32, #tpu.memory_space<hbm>>
      tpu.enqueue_dma source(%dma_start3A_89 : memref<632x128xf32, #tpu.memory_space<hbm>>) target(%dma_start3A_87 : memref<632x128xf32, #tpu.memory_space<vmem_shared>>) target_semaphore(%run_scoped3A : memref<!tpu.dma_semaphore, #tpu.memory_space<semaphore_mem>>)
      %dma_wait3A_90 = arith.constant 0 : i32
      %dma_wait3A_91 = tpu.memref_slice %arg8[%mul3A_12, %dma_wait3A_90] : memref<10112x128xf32, #tpu.memory_space<vmem_shared>> -> memref<632x128xf32, #tpu.memory_space<vmem_shared>>
      %dma_wait3A_92 = arith.constant 0 : i32
      %dma_wait3A_93 = tpu.memref_slice %arg6[%mul3A_10, %dma_wait3A_92] : memref<10112x128xf32, #tpu.memory_space<hbm>> -> memref<632x128xf32, #tpu.memory_space<hbm>>
      tpu.wait_dma2 semaphore(%run_scoped3A : memref<!tpu.dma_semaphore, #tpu.memory_space<semaphore_mem>>) src(%dma_wait3A_93 : memref<632x128xf32, #tpu.memory_space<hbm>>) dst(%dma_wait3A_91 : memref<632x128xf32, #tpu.memory_space<vmem_shared>>)
      tpu.yield
    }) : () -> ()
    %barrier3A = arith.constant 0 : index
    tpu.barrier barrier_id(%barrier3A)
    %add3A_13 = arith.constant 2000 : i32
    %add3A_14 = arith.addi %add3A_13, %add3A_4 : i32
    %add3A_15 = arith.constant 0 : i32
    %add3A_16 = arith.addi %add3A_14, %add3A_15 : i32
    %mul3A_17 = arith.constant 80 : i32
    %mul3A_18 = arith.muli %add3A_16, %mul3A_17 : i32
    %dma_start3A = tpu.memref_slice %arg2[%mul3A_18] : memref<320000xi32, #tpu.memory_space<hbm>> -> memref<80xi32, #tpu.memory_space<hbm>>
    %dma_start3A_19 = tpu.memref_slice %arg2[%mul3A_18] : memref<320000xi32, #tpu.memory_space<hbm>> -> memref<80xi32, #tpu.memory_space<hbm>>
    tpu.enqueue_dma source(%dma_start3A_19 : memref<80xi32, #tpu.memory_space<hbm>>) target(%arg9 : memref<80xi32, #tpu.memory_space<vmem>>) target_semaphore(%arg19 : memref<!tpu.dma_semaphore, #tpu.memory_space<semaphore_mem>>)
    %dma_start3A_20 = tpu.memref_slice %arg3[%mul3A_18] : memref<320000xi32, #tpu.memory_space<hbm>> -> memref<80xi32, #tpu.memory_space<hbm>>
    %dma_start3A_21 = tpu.memref_slice %arg3[%mul3A_18] : memref<320000xi32, #tpu.memory_space<hbm>> -> memref<80xi32, #tpu.memory_space<hbm>>
    tpu.enqueue_dma source(%dma_start3A_21 : memref<80xi32, #tpu.memory_space<hbm>>) target(%arg11 : memref<80xi32, #tpu.memory_space<vmem>>) target_semaphore(%arg19 : memref<!tpu.dma_semaphore, #tpu.memory_space<semaphore_mem>>)
    %gt3A = arith.constant 1 : i32
    %gt3A_22 = arith.cmpi sgt, %add3A_8, %gt3A : i32
    %convert_element_type3A = arith.extui %gt3A_22 : i1 to i32
    %cond3A = arith.constant 0 : i32
    %cond3A_23 = arith.cmpi ne, %convert_element_type3A, %cond3A : i32
    scf.if %cond3A_23 {
      %add3A_86 = arith.constant 2000 : i32
      %add3A_87 = arith.addi %add3A_86, %add3A_4 : i32
      %add3A_88 = arith.constant 1 : i32
      %add3A_89 = arith.addi %add3A_87, %add3A_88 : i32
      %mul3A_90 = arith.constant 80 : i32
      %mul3A_91 = arith.muli %add3A_89, %mul3A_90 : i32
      %dma_start3A_92 = tpu.memref_slice %arg2[%mul3A_91] : memref<320000xi32, #tpu.memory_space<hbm>> -> memref<80xi32, #tpu.memory_space<hbm>>
      %dma_start3A_93 = tpu.memref_slice %arg2[%mul3A_91] : memref<320000xi32, #tpu.memory_space<hbm>> -> memref<80xi32, #tpu.memory_space<hbm>>
      tpu.enqueue_dma source(%dma_start3A_93 : memref<80xi32, #tpu.memory_space<hbm>>) target(%arg10 : memref<80xi32, #tpu.memory_space<vmem>>) target_semaphore(%arg20 : memref<!tpu.dma_semaphore, #tpu.memory_space<semaphore_mem>>)
      %dma_start3A_94 = tpu.memref_slice %arg3[%mul3A_91] : memref<320000xi32, #tpu.memory_space<hbm>> -> memref<80xi32, #tpu.memory_space<hbm>>
      %dma_start3A_95 = tpu.memref_slice %arg3[%mul3A_91] : memref<320000xi32, #tpu.memory_space<hbm>> -> memref<80xi32, #tpu.memory_space<hbm>>
      tpu.enqueue_dma source(%dma_start3A_95 : memref<80xi32, #tpu.memory_space<hbm>>) target(%arg12 : memref<80xi32, #tpu.memory_space<vmem>>) target_semaphore(%arg20 : memref<!tpu.dma_semaphore, #tpu.memory_space<semaphore_mem>>)
    } else {
    }
    %dma_wait3A = arith.constant 0 : i32
    %dma_wait3A_24 = tpu.memref_slice %arg2[%dma_wait3A] : memref<320000xi32, #tpu.memory_space<hbm>> -> memref<80xi32, #tpu.memory_space<hbm>>
    %dma_wait3A_25 = arith.constant 0 : i32
    %dma_wait3A_26 = tpu.memref_slice %arg2[%dma_wait3A_25] : memref<320000xi32, #tpu.memory_space<hbm>> -> memref<80xi32, #tpu.memory_space<hbm>>
    tpu.wait_dma2 semaphore(%arg19 : memref<!tpu.dma_semaphore, #tpu.memory_space<semaphore_mem>>) src(%dma_wait3A_26 : memref<80xi32, #tpu.memory_space<hbm>>) dst(%arg9 : memref<80xi32, #tpu.memory_space<vmem>>)
    %dma_wait3A_27 = arith.constant 0 : i32
    %dma_wait3A_28 = tpu.memref_slice %arg3[%dma_wait3A_27] : memref<320000xi32, #tpu.memory_space<hbm>> -> memref<80xi32, #tpu.memory_space<hbm>>
    %dma_wait3A_29 = arith.constant 0 : i32
    %dma_wait3A_30 = tpu.memref_slice %arg3[%dma_wait3A_29] : memref<320000xi32, #tpu.memory_space<hbm>> -> memref<80xi32, #tpu.memory_space<hbm>>
    tpu.wait_dma2 semaphore(%arg19 : memref<!tpu.dma_semaphore, #tpu.memory_space<semaphore_mem>>) src(%dma_wait3A_30 : memref<80xi32, #tpu.memory_space<hbm>>) dst(%arg11 : memref<80xi32, #tpu.memory_space<vmem>>)
    %add3A_31 = arith.constant 0 : i32
    %add3A_32 = arith.addi %add3A_4, %add3A_31 : i32
    %mul3A_33 = arith.constant 80 : i32
    %mul3A_34 = arith.muli %add3A_32, %mul3A_33 : i32
    %dma_start3A_35 = arith.constant 0 : i32
    %dma_start3A_36 = arith.constant 0 : i32
    %dma_start3A_37 = tpu.memref_slice %arg4[%dma_start3A_35, %dma_start3A_36] : memref<10000x128xf32, #tpu.memory_space<hbm>> -> memref<10000x128xf32, #tpu.memory_space<hbm>>
    tpu.enqueue_indirect_dma source(%dma_start3A_37 : memref<10000x128xf32, #tpu.memory_space<hbm>>) target(%arg15 : memref<80x128xf32, #tpu.memory_space<vmem>>) offsets(%arg9 : memref<80xi32, #tpu.memory_space<vmem>>) semaphore(%arg21 : memref<!tpu.dma_semaphore, #tpu.memory_space<semaphore_mem>>)
    %dma_start3A_38 = arith.constant 0 : i32
    %dma_start3A_39 = tpu.memref_slice %arg5[%mul3A_34, %dma_start3A_38] : memref<160000x128xf32, #tpu.memory_space<hbm>> -> memref<80x128xf32, #tpu.memory_space<hbm>>
    %dma_start3A_40 = arith.constant 0 : i32
    %dma_start3A_41 = tpu.memref_slice %arg5[%mul3A_34, %dma_start3A_40] : memref<160000x128xf32, #tpu.memory_space<hbm>> -> memref<80x128xf32, #tpu.memory_space<hbm>>
    tpu.enqueue_dma source(%dma_start3A_41 : memref<80x128xf32, #tpu.memory_space<hbm>>) target(%arg17 : memref<80x128xf32, #tpu.memory_space<vmem>>) target_semaphore(%arg21 : memref<!tpu.dma_semaphore, #tpu.memory_space<semaphore_mem>>)
    %add3A_42 = arith.constant 2 : i32
    %add3A_43 = arith.addi %add3A_8, %add3A_42 : i32
    %sub3A = arith.constant 1 : i32
    %sub3A_44 = arith.subi %add3A_43, %sub3A : i32
    %jit3A_45 = arith.constant 2 : i32
    %div3A = arith.divsi %sub3A_44, %jit3A_45 : i32
    %sign3A = arith.constant 0 : i32
    %sign3A_46 = arith.cmpi sgt, %sub3A_44, %sign3A : i32
    %sign3A_47 = arith.extui %sign3A_46 : i1 to i32
    %sign3A_48 = arith.constant 0 : i32
    %sign3A_49 = arith.cmpi slt, %sub3A_44, %sign3A_48 : i32
    %sign3A_50 = arith.extui %sign3A_49 : i1 to i32
    %sign3A_51 = arith.subi %sign3A_47, %sign3A_50 : i32
    %sign3A_52 = arith.constant 0 : i32
    %sign3A_53 = arith.cmpi sgt, %jit3A_45, %sign3A_52 : i32
    %sign3A_54 = arith.extui %sign3A_53 : i1 to i32
    %sign3A_55 = arith.constant 0 : i32
    %sign3A_56 = arith.cmpi slt, %jit3A_45, %sign3A_55 : i32
    %sign3A_57 = arith.extui %sign3A_56 : i1 to i32
    %sign3A_58 = arith.subi %sign3A_54, %sign3A_57 : i32
    %ne3A = arith.cmpi ne, %sign3A_51, %sign3A_58 : i32
    %rem3A = arith.remsi %sub3A_44, %jit3A_45 : i32
    %ne3A_59 = arith.constant 0 : i32
    %ne3A_60 = arith.cmpi ne, %rem3A, %ne3A_59 : i32
    %and3A = arith.andi %ne3A, %ne3A_60 : i1
    %sub3A_61 = arith.constant 1 : i32
    %sub3A_62 = arith.subi %div3A, %sub3A_61 : i32
    %select_n3A_63 = arith.select %and3A, %sub3A_62, %div3A : i32
    %while3A = arith.constant 0 : i32
    %while3A_64 = arith.constant 0 : i32
    %while3A_65 = arith.subi %select_n3A_63, %while3A_64 : i32
    %while3A_66 = arith.addi %while3A_64, %while3A_65 : i32
    %while3A_67 = arith.constant 1 : i32
    %while3A_68 = arith.divsi %while3A_65, %while3A_67 : i32
    %while3A_69 = arith.muli %while3A_68, %while3A_67 : i32
    %while3A_70 = arith.addi %while3A_64, %while3A_69 : i32
    %while3A_71 = arith.constant 1 : i32
    scf.for %while3A_86 = %while3A_64 to %while3A_70 step %while3A_71  : i32 {
      %mul3A_87 = arith.constant 2 : i32
      %mul3A_88 = arith.muli %while3A_86, %mul3A_87 : i32
      %add3A_89 = arith.constant 0 : i32
      %add3A_90 = arith.addi %mul3A_88, %add3A_89 : i32
      %lt3A_91 = arith.cmpi slt, %add3A_90, %add3A_8 : i32
      %convert_element_type3A_92 = arith.extui %lt3A_91 : i1 to i32
      %cond3A_93 = arith.constant 0 : i32
      %cond3A_94 = arith.cmpi ne, %convert_element_type3A_92, %cond3A_93 : i32
      scf.if %cond3A_94 {
        %add3A_103 = arith.constant 1 : i32
        %add3A_104 = arith.addi %add3A_90, %add3A_103 : i32
        %lt3A_105 = arith.cmpi slt, %add3A_104, %add3A_8 : i32
        %convert_element_type3A_106 = arith.extui %lt3A_105 : i1 to i32
        %cond3A_107 = arith.constant 0 : i32
        %cond3A_108 = arith.cmpi ne, %convert_element_type3A_106, %cond3A_107 : i32
        scf.if %cond3A_108 {
          %ge3A = arith.constant 1 : i32
          %ge3A_209 = arith.cmpi sge, %add3A_90, %ge3A : i32
          %convert_element_type3A_210 = arith.extui %ge3A_209 : i1 to i32
          %cond3A_211 = arith.constant 0 : i32
          %cond3A_212 = arith.cmpi ne, %convert_element_type3A_210, %cond3A_211 : i32
          scf.if %cond3A_212 {
            %dma_wait3A_233 = arith.constant 0 : i32
            %dma_wait3A_234 = arith.constant 0 : i32
            %dma_wait3A_235 = tpu.memref_slice %arg8[%dma_wait3A_233, %dma_wait3A_234] : memref<10112x128xf32, #tpu.memory_space<vmem_shared>> -> memref<10112x128xf32, #tpu.memory_space<vmem_shared>>
            tpu.wait_indirect_dma semaphore(%arg24 : memref<!tpu.dma_semaphore, #tpu.memory_space<semaphore_mem>>) src(%arg16 : memref<80x128xf32, #tpu.memory_space<vmem>>) dst(%dma_wait3A_235 : memref<10112x128xf32, #tpu.memory_space<vmem_shared>>)
          } else {
          }
          %dma_wait3A_213 = arith.constant 0 : i32
          %dma_wait3A_214 = tpu.memref_slice %arg2[%dma_wait3A_213] : memref<320000xi32, #tpu.memory_space<hbm>> -> memref<80xi32, #tpu.memory_space<hbm>>
          %dma_wait3A_215 = arith.constant 0 : i32
          %dma_wait3A_216 = tpu.memref_slice %arg2[%dma_wait3A_215] : memref<320000xi32, #tpu.memory_space<hbm>> -> memref<80xi32, #tpu.memory_space<hbm>>
          tpu.wait_dma2 semaphore(%arg20 : memref<!tpu.dma_semaphore, #tpu.memory_space<semaphore_mem>>) src(%dma_wait3A_216 : memref<80xi32, #tpu.memory_space<hbm>>) dst(%arg10 : memref<80xi32, #tpu.memory_space<vmem>>)
          %dma_wait3A_217 = arith.constant 0 : i32
          %dma_wait3A_218 = tpu.memref_slice %arg3[%dma_wait3A_217] : memref<320000xi32, #tpu.memory_space<hbm>> -> memref<80xi32, #tpu.memory_space<hbm>>
          %dma_wait3A_219 = arith.constant 0 : i32
          %dma_wait3A_220 = tpu.memref_slice %arg3[%dma_wait3A_219] : memref<320000xi32, #tpu.memory_space<hbm>> -> memref<80xi32, #tpu.memory_space<hbm>>
          tpu.wait_dma2 semaphore(%arg20 : memref<!tpu.dma_semaphore, #tpu.memory_space<semaphore_mem>>) src(%dma_wait3A_220 : memref<80xi32, #tpu.memory_space<hbm>>) dst(%arg11 : memref<80xi32, #tpu.memory_space<vmem>>)
          %add3A_221 = arith.constant 1 : i32
          %add3A_222 = arith.addi %add3A_90, %add3A_221 : i32
          %add3A_223 = arith.addi %add3A_4, %add3A_222 : i32
          %mul3A_224 = arith.constant 80 : i32
          %mul3A_225 = arith.muli %add3A_223, %mul3A_224 : i32
          %dma_start3A_226 = arith.constant 0 : i32
          %dma_start3A_227 = arith.constant 0 : i32
          %dma_start3A_228 = tpu.memref_slice %arg4[%dma_start3A_226, %dma_start3A_227] : memref<10000x128xf32, #tpu.memory_space<hbm>> -> memref<10000x128xf32, #tpu.memory_space<hbm>>
          tpu.enqueue_indirect_dma source(%dma_start3A_228 : memref<10000x128xf32, #tpu.memory_space<hbm>>) target(%arg16 : memref<80x128xf32, #tpu.memory_space<vmem>>) offsets(%arg10 : memref<80xi32, #tpu.memory_space<vmem>>) semaphore(%arg22 : memref<!tpu.dma_semaphore, #tpu.memory_space<semaphore_mem>>)
          %dma_start3A_229 = arith.constant 0 : i32
          %dma_start3A_230 = tpu.memref_slice %arg5[%mul3A_225, %dma_start3A_229] : memref<160000x128xf32, #tpu.memory_space<hbm>> -> memref<80x128xf32, #tpu.memory_space<hbm>>
          %dma_start3A_231 = arith.constant 0 : i32
          %dma_start3A_232 = tpu.memref_slice %arg5[%mul3A_225, %dma_start3A_231] : memref<160000x128xf32, #tpu.memory_space<hbm>> -> memref<80x128xf32, #tpu.memory_space<hbm>>
          tpu.enqueue_dma source(%dma_start3A_232 : memref<80x128xf32, #tpu.memory_space<hbm>>) target(%arg18 : memref<80x128xf32, #tpu.memory_space<vmem>>) target_semaphore(%arg22 : memref<!tpu.dma_semaphore, #tpu.memory_space<semaphore_mem>>)
        } else {
        }
        %dma_wait3A_109 = arith.constant 0 : i32
        %dma_wait3A_110 = arith.constant 0 : i32
        %dma_wait3A_111 = tpu.memref_slice %arg4[%dma_wait3A_109, %dma_wait3A_110] : memref<10000x128xf32, #tpu.memory_space<hbm>> -> memref<10000x128xf32, #tpu.memory_space<hbm>>
        tpu.wait_indirect_dma semaphore(%arg21 : memref<!tpu.dma_semaphore, #tpu.memory_space<semaphore_mem>>) src(%dma_wait3A_111 : memref<10000x128xf32, #tpu.memory_space<hbm>>) dst(%arg15 : memref<80x128xf32, #tpu.memory_space<vmem>>)
        %dma_wait3A_112 = arith.constant 0 : i32
        %dma_wait3A_113 = arith.constant 0 : i32
        %dma_wait3A_114 = tpu.memref_slice %arg5[%dma_wait3A_112, %dma_wait3A_113] : memref<160000x128xf32, #tpu.memory_space<hbm>> -> memref<80x128xf32, #tpu.memory_space<hbm>>
        %dma_wait3A_115 = arith.constant 0 : i32
        %dma_wait3A_116 = arith.constant 0 : i32
        %dma_wait3A_117 = tpu.memref_slice %arg5[%dma_wait3A_115, %dma_wait3A_116] : memref<160000x128xf32, #tpu.memory_space<hbm>> -> memref<80x128xf32, #tpu.memory_space<hbm>>
        tpu.wait_dma2 semaphore(%arg21 : memref<!tpu.dma_semaphore, #tpu.memory_space<semaphore_mem>>) src(%dma_wait3A_117 : memref<80x128xf32, #tpu.memory_space<hbm>>) dst(%arg17 : memref<80x128xf32, #tpu.memory_space<vmem>>)
        %parallel_loop3A = arith.constant 0 : i32
        %parallel_loop3A_118 = arith.constant 80 : i32
        %parallel_loop3A_119 = arith.constant 1 : i32
        scf.for %parallel_loop3A_209 = %parallel_loop3A to %parallel_loop3A_118 step %parallel_loop3A_119  : i32 {
          %parallel_loop3A_210 = arith.index_cast %parallel_loop3A_209 : i32 to index
          %parallel_loop3A_211 = arith.constant 0 : index
          %parallel_loop3A_212 = tpu.vector_load %arg15[%parallel_loop3A_210, %parallel_loop3A_211] {strides = array<i32>} : memref<80x128xf32, #tpu.memory_space<vmem>>, vector<1x16xf32>,
          %parallel_loop3A_213 = vector.shape_cast %parallel_loop3A_212 : vector<1x16xf32> to vector<16xf32>
          %parallel_loop3A_214 = arith.index_cast %parallel_loop3A_209 : i32 to index
          %parallel_loop3A_215 = arith.constant 0 : index
          %parallel_loop3A_216 = tpu.vector_load %arg17[%parallel_loop3A_214, %parallel_loop3A_215] {strides = array<i32>} : memref<80x128xf32, #tpu.memory_space<vmem>>, vector<1x16xf32>,
          %parallel_loop3A_217 = vector.shape_cast %parallel_loop3A_216 : vector<1x16xf32> to vector<16xf32>
          %parallel_loop3A_218 = arith.addf %parallel_loop3A_213, %parallel_loop3A_217 : vector<16xf32>
          %parallel_loop3A_219 = arith.constant 0.000000e+00 : f32
          %parallel_loop3A_220 = vector.broadcast %parallel_loop3A_219 : f32 to vector<16xf32>
          %parallel_loop3A_221 = arith.maximumf %parallel_loop3A_218, %parallel_loop3A_220 : vector<16xf32>
          %parallel_loop3A_222 = arith.index_cast %parallel_loop3A_209 : i32 to index
          %parallel_loop3A_223 = arith.constant 0 : index
          %parallel_loop3A_224 = tpu.vector_load %arg15[%parallel_loop3A_222, %parallel_loop3A_223] {strides = array<i32>} : memref<80x128xf32, #tpu.memory_space<vmem>>, vector<1x16xf32>,
          %parallel_loop3A_225 = vector.shape_cast %parallel_loop3A_224 : vector<1x16xf32> to vector<16xf32>
          %parallel_loop3A_226 = vector.shape_cast %parallel_loop3A_221 : vector<16xf32> to vector<1x16xf32>
          tpu.vector_store %arg15[%parallel_loop3A_222, %parallel_loop3A_223], %parallel_loop3A_226 {strides = array<i32>} : memref<80x128xf32, #tpu.memory_space<vmem>>, vector<1x16xf32>,
          %parallel_loop3A_227 = arith.index_cast %parallel_loop3A_209 : i32 to index
          %parallel_loop3A_228 = arith.constant 16 : index
          %parallel_loop3A_229 = tpu.vector_load %arg15[%parallel_loop3A_227, %parallel_loop3A_228] {strides = array<i32>} : memref<80x128xf32, #tpu.memory_space<vmem>>, vector<1x16xf32>,
          %parallel_loop3A_230 = vector.shape_cast %parallel_loop3A_229 : vector<1x16xf32> to vector<16xf32>
          %parallel_loop3A_231 = arith.index_cast %parallel_loop3A_209 : i32 to index
          %parallel_loop3A_232 = arith.constant 16 : index
          %parallel_loop3A_233 = tpu.vector_load %arg17[%parallel_loop3A_231, %parallel_loop3A_232] {strides = array<i32>} : memref<80x128xf32, #tpu.memory_space<vmem>>, vector<1x16xf32>,
          %parallel_loop3A_234 = vector.shape_cast %parallel_loop3A_233 : vector<1x16xf32> to vector<16xf32>
          %parallel_loop3A_235 = arith.addf %parallel_loop3A_230, %parallel_loop3A_234 : vector<16xf32>
          %parallel_loop3A_236 = arith.constant 0.000000e+00 : f32
          %parallel_loop3A_237 = vector.broadcast %parallel_loop3A_236 : f32 to vector<16xf32>
          %parallel_loop3A_238 = arith.maximumf %parallel_loop3A_235, %parallel_loop3A_237 : vector<16xf32>
          %parallel_loop3A_239 = arith.index_cast %parallel_loop3A_209 : i32 to index
          %parallel_loop3A_240 = arith.constant 16 : index
          %parallel_loop3A_241 = tpu.vector_load %arg15[%parallel_loop3A_239, %parallel_loop3A_240] {strides = array<i32>} : memref<80x128xf32, #tpu.memory_space<vmem>>, vector<1x16xf32>,
          %parallel_loop3A_242 = vector.shape_cast %parallel_loop3A_241 : vector<1x16xf32> to vector<16xf32>
          %parallel_loop3A_243 = vector.shape_cast %parallel_loop3A_238 : vector<16xf32> to vector<1x16xf32>
          tpu.vector_store %arg15[%parallel_loop3A_239, %parallel_loop3A_240], %parallel_loop3A_243 {strides = array<i32>} : memref<80x128xf32, #tpu.memory_space<vmem>>, vector<1x16xf32>,
          %parallel_loop3A_244 = arith.index_cast %parallel_loop3A_209 : i32 to index
          %parallel_loop3A_245 = arith.constant 32 : index
          %parallel_loop3A_246 = tpu.vector_load %arg15[%parallel_loop3A_244, %parallel_loop3A_245] {strides = array<i32>} : memref<80x128xf32, #tpu.memory_space<vmem>>, vector<1x16xf32>,
          %parallel_loop3A_247 = vector.shape_cast %parallel_loop3A_246 : vector<1x16xf32> to vector<16xf32>
          %parallel_loop3A_248 = arith.index_cast %parallel_loop3A_209 : i32 to index
          %parallel_loop3A_249 = arith.constant 32 : index
          %parallel_loop3A_250 = tpu.vector_load %arg17[%parallel_loop3A_248, %parallel_loop3A_249] {strides = array<i32>} : memref<80x128xf32, #tpu.memory_space<vmem>>, vector<1x16xf32>,
          %parallel_loop3A_251 = vector.shape_cast %parallel_loop3A_250 : vector<1x16xf32> to vector<16xf32>
          %parallel_loop3A_252 = arith.addf %parallel_loop3A_247, %parallel_loop3A_251 : vector<16xf32>
          %parallel_loop3A_253 = arith.constant 0.000000e+00 : f32
          %parallel_loop3A_254 = vector.broadcast %parallel_loop3A_253 : f32 to vector<16xf32>
          %parallel_loop3A_255 = arith.maximumf %parallel_loop3A_252, %parallel_loop3A_254 : vector<16xf32>
          %parallel_loop3A_256 = arith.index_cast %parallel_loop3A_209 : i32 to index
          %parallel_loop3A_257 = arith.constant 32 : index
          %parallel_loop3A_258 = tpu.vector_load %arg15[%parallel_loop3A_256, %parallel_loop3A_257] {strides = array<i32>} : memref<80x128xf32, #tpu.memory_space<vmem>>, vector<1x16xf32>,
          %parallel_loop3A_259 = vector.shape_cast %parallel_loop3A_258 : vector<1x16xf32> to vector<16xf32>
          %parallel_loop3A_260 = vector.shape_cast %parallel_loop3A_255 : vector<16xf32> to vector<1x16xf32>
          tpu.vector_store %arg15[%parallel_loop3A_256, %parallel_loop3A_257], %parallel_loop3A_260 {strides = array<i32>} : memref<80x128xf32, #tpu.memory_space<vmem>>, vector<1x16xf32>,
          %parallel_loop3A_261 = arith.index_cast %parallel_loop3A_209 : i32 to index
          %parallel_loop3A_262 = arith.constant 48 : index
          %parallel_loop3A_263 = tpu.vector_load %arg15[%parallel_loop3A_261, %parallel_loop3A_262] {strides = array<i32>} : memref<80x128xf32, #tpu.memory_space<vmem>>, vector<1x16xf32>,
          %parallel_loop3A_264 = vector.shape_cast %parallel_loop3A_263 : vector<1x16xf32> to vector<16xf32>
          %parallel_loop3A_265 = arith.index_cast %parallel_loop3A_209 : i32 to index
          %parallel_loop3A_266 = arith.constant 48 : index
          %parallel_loop3A_267 = tpu.vector_load %arg17[%parallel_loop3A_265, %parallel_loop3A_266] {strides = array<i32>} : memref<80x128xf32, #tpu.memory_space<vmem>>, vector<1x16xf32>,
          %parallel_loop3A_268 = vector.shape_cast %parallel_loop3A_267 : vector<1x16xf32> to vector<16xf32>
          %parallel_loop3A_269 = arith.addf %parallel_loop3A_264, %parallel_loop3A_268 : vector<16xf32>
          %parallel_loop3A_270 = arith.constant 0.000000e+00 : f32
          %parallel_loop3A_271 = vector.broadcast %parallel_loop3A_270 : f32 to vector<16xf32>
          %parallel_loop3A_272 = arith.maximumf %parallel_loop3A_269, %parallel_loop3A_271 : vector<16xf32>
          %parallel_loop3A_273 = arith.index_cast %parallel_loop3A_209 : i32 to index
          %parallel_loop3A_274 = arith.constant 48 : index
          %parallel_loop3A_275 = tpu.vector_load %arg15[%parallel_loop3A_273, %parallel_loop3A_274] {strides = array<i32>} : memref<80x128xf32, #tpu.memory_space<vmem>>, vector<1x16xf32>,
          %parallel_loop3A_276 = vector.shape_cast %parallel_loop3A_275 : vector<1x16xf32> to vector<16xf32>
          %parallel_loop3A_277 = vector.shape_cast %parallel_loop3A_272 : vector<16xf32> to vector<1x16xf32>
          tpu.vector_store %arg15[%parallel_loop3A_273, %parallel_loop3A_274], %parallel_loop3A_277 {strides = array<i32>} : memref<80x128xf32, #tpu.memory_space<vmem>>, vector<1x16xf32>,
          %parallel_loop3A_278 = arith.index_cast %parallel_loop3A_209 : i32 to index
          %parallel_loop3A_279 = arith.constant 64 : index
          %parallel_loop3A_280 = tpu.vector_load %arg15[%parallel_loop3A_278, %parallel_loop3A_279] {strides = array<i32>} : memref<80x128xf32, #tpu.memory_space<vmem>>, vector<1x16xf32>,
          %parallel_loop3A_281 = vector.shape_cast %parallel_loop3A_280 : vector<1x16xf32> to vector<16xf32>
          %parallel_loop3A_282 = arith.index_cast %parallel_loop3A_209 : i32 to index
          %parallel_loop3A_283 = arith.constant 64 : index
          %parallel_loop3A_284 = tpu.vector_load %arg17[%parallel_loop3A_282, %parallel_loop3A_283] {strides = array<i32>} : memref<80x128xf32, #tpu.memory_space<vmem>>, vector<1x16xf32>,
          %parallel_loop3A_285 = vector.shape_cast %parallel_loop3A_284 : vector<1x16xf32> to vector<16xf32>
          %parallel_loop3A_286 = arith.addf %parallel_loop3A_281, %parallel_loop3A_285 : vector<16xf32>
          %parallel_loop3A_287 = arith.constant 0.000000e+00 : f32
          %parallel_loop3A_288 = vector.broadcast %parallel_loop3A_287 : f32 to vector<16xf32>
          %parallel_loop3A_289 = arith.maximumf %parallel_loop3A_286, %parallel_loop3A_288 : vector<16xf32>
          %parallel_loop3A_290 = arith.index_cast %parallel_loop3A_209 : i32 to index
          %parallel_loop3A_291 = arith.constant 64 : index
          %parallel_loop3A_292 = tpu.vector_load %arg15[%parallel_loop3A_290, %parallel_loop3A_291] {strides = array<i32>} : memref<80x128xf32, #tpu.memory_space<vmem>>, vector<1x16xf32>,
          %parallel_loop3A_293 = vector.shape_cast %parallel_loop3A_292 : vector<1x16xf32> to vector<16xf32>
          %parallel_loop3A_294 = vector.shape_cast %parallel_loop3A_289 : vector<16xf32> to vector<1x16xf32>
          tpu.vector_store %arg15[%parallel_loop3A_290, %parallel_loop3A_291], %parallel_loop3A_294 {strides = array<i32>} : memref<80x128xf32, #tpu.memory_space<vmem>>, vector<1x16xf32>,
          %parallel_loop3A_295 = arith.index_cast %parallel_loop3A_209 : i32 to index
          %parallel_loop3A_296 = arith.constant 80 : index
          %parallel_loop3A_297 = tpu.vector_load %arg15[%parallel_loop3A_295, %parallel_loop3A_296] {strides = array<i32>} : memref<80x128xf32, #tpu.memory_space<vmem>>, vector<1x16xf32>,
          %parallel_loop3A_298 = vector.shape_cast %parallel_loop3A_297 : vector<1x16xf32> to vector<16xf32>
          %parallel_loop3A_299 = arith.index_cast %parallel_loop3A_209 : i32 to index
          %parallel_loop3A_300 = arith.constant 80 : index
          %parallel_loop3A_301 = tpu.vector_load %arg17[%parallel_loop3A_299, %parallel_loop3A_300] {strides = array<i32>} : memref<80x128xf32, #tpu.memory_space<vmem>>, vector<1x16xf32>,
          %parallel_loop3A_302 = vector.shape_cast %parallel_loop3A_301 : vector<1x16xf32> to vector<16xf32>
          %parallel_loop3A_303 = arith.addf %parallel_loop3A_298, %parallel_loop3A_302 : vector<16xf32>
          %parallel_loop3A_304 = arith.constant 0.000000e+00 : f32
          %parallel_loop3A_305 = vector.broadcast %parallel_loop3A_304 : f32 to vector<16xf32>
          %parallel_loop3A_306 = arith.maximumf %parallel_loop3A_303, %parallel_loop3A_305 : vector<16xf32>
          %parallel_loop3A_307 = arith.index_cast %parallel_loop3A_209 : i32 to index
          %parallel_loop3A_308 = arith.constant 80 : index
          %parallel_loop3A_309 = tpu.vector_load %arg15[%parallel_loop3A_307, %parallel_loop3A_308] {strides = array<i32>} : memref<80x128xf32, #tpu.memory_space<vmem>>, vector<1x16xf32>,
          %parallel_loop3A_310 = vector.shape_cast %parallel_loop3A_309 : vector<1x16xf32> to vector<16xf32>
          %parallel_loop3A_311 = vector.shape_cast %parallel_loop3A_306 : vector<16xf32> to vector<1x16xf32>
          tpu.vector_store %arg15[%parallel_loop3A_307, %parallel_loop3A_308], %parallel_loop3A_311 {strides = array<i32>} : memref<80x128xf32, #tpu.memory_space<vmem>>, vector<1x16xf32>,
          %parallel_loop3A_312 = arith.index_cast %parallel_loop3A_209 : i32 to index
          %parallel_loop3A_313 = arith.constant 96 : index
          %parallel_loop3A_314 = tpu.vector_load %arg15[%parallel_loop3A_312, %parallel_loop3A_313] {strides = array<i32>} : memref<80x128xf32, #tpu.memory_space<vmem>>, vector<1x16xf32>,
          %parallel_loop3A_315 = vector.shape_cast %parallel_loop3A_314 : vector<1x16xf32> to vector<16xf32>
          %parallel_loop3A_316 = arith.index_cast %parallel_loop3A_209 : i32 to index
          %parallel_loop3A_317 = arith.constant 96 : index
          %parallel_loop3A_318 = tpu.vector_load %arg17[%parallel_loop3A_316, %parallel_loop3A_317] {strides = array<i32>} : memref<80x128xf32, #tpu.memory_space<vmem>>, vector<1x16xf32>,
          %parallel_loop3A_319 = vector.shape_cast %parallel_loop3A_318 : vector<1x16xf32> to vector<16xf32>
          %parallel_loop3A_320 = arith.addf %parallel_loop3A_315, %parallel_loop3A_319 : vector<16xf32>
          %parallel_loop3A_321 = arith.constant 0.000000e+00 : f32
          %parallel_loop3A_322 = vector.broadcast %parallel_loop3A_321 : f32 to vector<16xf32>
          %parallel_loop3A_323 = arith.maximumf %parallel_loop3A_320, %parallel_loop3A_322 : vector<16xf32>
          %parallel_loop3A_324 = arith.index_cast %parallel_loop3A_209 : i32 to index
          %parallel_loop3A_325 = arith.constant 96 : index
          %parallel_loop3A_326 = tpu.vector_load %arg15[%parallel_loop3A_324, %parallel_loop3A_325] {strides = array<i32>} : memref<80x128xf32, #tpu.memory_space<vmem>>, vector<1x16xf32>,
          %parallel_loop3A_327 = vector.shape_cast %parallel_loop3A_326 : vector<1x16xf32> to vector<16xf32>
          %parallel_loop3A_328 = vector.shape_cast %parallel_loop3A_323 : vector<16xf32> to vector<1x16xf32>
          tpu.vector_store %arg15[%parallel_loop3A_324, %parallel_loop3A_325], %parallel_loop3A_328 {strides = array<i32>} : memref<80x128xf32, #tpu.memory_space<vmem>>, vector<1x16xf32>,
          %parallel_loop3A_329 = arith.index_cast %parallel_loop3A_209 : i32 to index
          %parallel_loop3A_330 = arith.constant 112 : index
          %parallel_loop3A_331 = tpu.vector_load %arg15[%parallel_loop3A_329, %parallel_loop3A_330] {strides = array<i32>} : memref<80x128xf32, #tpu.memory_space<vmem>>, vector<1x16xf32>,
          %parallel_loop3A_332 = vector.shape_cast %parallel_loop3A_331 : vector<1x16xf32> to vector<16xf32>
          %parallel_loop3A_333 = arith.index_cast %parallel_loop3A_209 : i32 to index
          %parallel_loop3A_334 = arith.constant 112 : index
          %parallel_loop3A_335 = tpu.vector_load %arg17[%parallel_loop3A_333, %parallel_loop3A_334] {strides = array<i32>} : memref<80x128xf32, #tpu.memory_space<vmem>>, vector<1x16xf32>,
          %parallel_loop3A_336 = vector.shape_cast %parallel_loop3A_335 : vector<1x16xf32> to vector<16xf32>
          %parallel_loop3A_337 = arith.addf %parallel_loop3A_332, %parallel_loop3A_336 : vector<16xf32>
          %parallel_loop3A_338 = arith.constant 0.000000e+00 : f32
          %parallel_loop3A_339 = vector.broadcast %parallel_loop3A_338 : f32 to vector<16xf32>
          %parallel_loop3A_340 = arith.maximumf %parallel_loop3A_337, %parallel_loop3A_339 : vector<16xf32>
          %parallel_loop3A_341 = arith.index_cast %parallel_loop3A_209 : i32 to index
          %parallel_loop3A_342 = arith.constant 112 : index
          %parallel_loop3A_343 = tpu.vector_load %arg15[%parallel_loop3A_341, %parallel_loop3A_342] {strides = array<i32>} : memref<80x128xf32, #tpu.memory_space<vmem>>, vector<1x16xf32>,
          %parallel_loop3A_344 = vector.shape_cast %parallel_loop3A_343 : vector<1x16xf32> to vector<16xf32>
          %parallel_loop3A_345 = vector.shape_cast %parallel_loop3A_340 : vector<16xf32> to vector<1x16xf32>
          tpu.vector_store %arg15[%parallel_loop3A_341, %parallel_loop3A_342], %parallel_loop3A_345 {strides = array<i32>} : memref<80x128xf32, #tpu.memory_space<vmem>>, vector<1x16xf32>,
        } {sc.loop_unroll_factor = 4 : i64, sc.parallel_access}
        %jit3A_120 = arith.constant 4 : i32
        %eq3A = arith.constant 0 : i32
        %eq3A_121 = arith.cmpi eq, %jit3A_120, %eq3A : i32
        %jit3A_122 = arith.constant 1 : i32
        %select_n3A_123 = arith.select %eq3A_121, %jit3A_122, %jit3A_120 : i32
        %rem3A_124 = arith.remsi %add3A_90, %select_n3A_123 : i32
        %ne3A_125 = arith.constant 0 : i32
        %ne3A_126 = arith.cmpi ne, %rem3A_124, %ne3A_125 : i32
        %lt3A_127 = arith.constant 0 : i32
        %lt3A_128 = arith.cmpi slt, %rem3A_124, %lt3A_127 : i32
        %lt3A_129 = arith.constant 0 : i32
        %lt3A_130 = arith.cmpi slt, %select_n3A_123, %lt3A_129 : i32
        %ne3A_131 = arith.xori %lt3A_128, %lt3A_130 : i1
        %and3A_132 = arith.andi %ne3A_131, %ne3A_126 : i1
        %add3A_133 = arith.addi %rem3A_124, %select_n3A_123 : i32
        %select_n3A_134 = arith.select %and3A_132, %add3A_133, %rem3A_124 : i32
        %eq3A_135 = arith.constant 0 : i32
        %eq3A_136 = arith.cmpi eq, %select_n3A_134, %eq3A_135 : i32
        %convert_element_type3A_137 = arith.extui %eq3A_136 : i1 to i32
        %cond3A_138 = arith.constant 0 : i32
        %cond3A_139 = arith.cmpi ne, %convert_element_type3A_137, %cond3A_138 : i32
        scf.if %cond3A_139 {
          %dma_start3A_209 = arith.constant 0 : i32
          %dma_start3A_210 = arith.constant 0 : i32
          %dma_start3A_211 = tpu.memref_slice %arg8[%dma_start3A_209, %dma_start3A_210] : memref<10112x128xf32, #tpu.memory_space<vmem_shared>> -> memref<10112x128xf32, #tpu.memory_space<vmem_shared>>
          tpu.enqueue_indirect_dma source(%arg15 : memref<80x128xf32, #tpu.memory_space<vmem>>) target(%dma_start3A_211 : memref<10112x128xf32, #tpu.memory_space<vmem_shared>>) offsets(%arg11 : memref<80xi32, #tpu.memory_space<vmem>>) semaphore(%arg23 : memref<!tpu.dma_semaphore, #tpu.memory_space<semaphore_mem>>) {add = true}
        } else {
        }
        %jit3A_140 = arith.constant 4 : i32
        %eq3A_141 = arith.constant 0 : i32
        %eq3A_142 = arith.cmpi eq, %jit3A_140, %eq3A_141 : i32
        %jit3A_143 = arith.constant 1 : i32
        %select_n3A_144 = arith.select %eq3A_142, %jit3A_143, %jit3A_140 : i32
        %rem3A_145 = arith.remsi %add3A_90, %select_n3A_144 : i32
        %ne3A_146 = arith.constant 0 : i32
        %ne3A_147 = arith.cmpi ne, %rem3A_145, %ne3A_146 : i32
        %lt3A_148 = arith.constant 0 : i32
        %lt3A_149 = arith.cmpi slt, %rem3A_145, %lt3A_148 : i32
        %lt3A_150 = arith.constant 0 : i32
        %lt3A_151 = arith.cmpi slt, %select_n3A_144, %lt3A_150 : i32
        %ne3A_152 = arith.xori %lt3A_149, %lt3A_151 : i1
        %and3A_153 = arith.andi %ne3A_152, %ne3A_147 : i1
        %add3A_154 = arith.addi %rem3A_145, %select_n3A_144 : i32
        %select_n3A_155 = arith.select %and3A_153, %add3A_154, %rem3A_145 : i32
        %eq3A_156 = arith.constant 1 : i32
        %eq3A_157 = arith.cmpi eq, %select_n3A_155, %eq3A_156 : i32
        %convert_element_type3A_158 = arith.extui %eq3A_157 : i1 to i32
        %cond3A_159 = arith.constant 0 : i32
        %cond3A_160 = arith.cmpi ne, %convert_element_type3A_158, %cond3A_159 : i32
        scf.if %cond3A_160 {
          %dma_start3A_209 = arith.constant 0 : i32
          %dma_start3A_210 = arith.constant 0 : i32
          %dma_start3A_211 = tpu.memref_slice %arg8[%dma_start3A_209, %dma_start3A_210] : memref<10112x128xf32, #tpu.memory_space<vmem_shared>> -> memref<10112x128xf32, #tpu.memory_space<vmem_shared>>
          tpu.enqueue_indirect_dma source(%arg15 : memref<80x128xf32, #tpu.memory_space<vmem>>) target(%dma_start3A_211 : memref<10112x128xf32, #tpu.memory_space<vmem_shared>>) offsets(%arg12 : memref<80xi32, #tpu.memory_space<vmem>>) semaphore(%arg23 : memref<!tpu.dma_semaphore, #tpu.memory_space<semaphore_mem>>) {add = true}
        } else {
        }
        %jit3A_161 = arith.constant 4 : i32
        %eq3A_162 = arith.constant 0 : i32
        %eq3A_163 = arith.cmpi eq, %jit3A_161, %eq3A_162 : i32
        %jit3A_164 = arith.constant 1 : i32
        %select_n3A_165 = arith.select %eq3A_163, %jit3A_164, %jit3A_161 : i32
        %rem3A_166 = arith.remsi %add3A_90, %select_n3A_165 : i32
        %ne3A_167 = arith.constant 0 : i32
        %ne3A_168 = arith.cmpi ne, %rem3A_166, %ne3A_167 : i32
        %lt3A_169 = arith.constant 0 : i32
        %lt3A_170 = arith.cmpi slt, %rem3A_166, %lt3A_169 : i32
        %lt3A_171 = arith.constant 0 : i32
        %lt3A_172 = arith.cmpi slt, %select_n3A_165, %lt3A_171 : i32
        %ne3A_173 = arith.xori %lt3A_170, %lt3A_172 : i1
        %and3A_174 = arith.andi %ne3A_173, %ne3A_168 : i1
        %add3A_175 = arith.addi %rem3A_166, %select_n3A_165 : i32
        %select_n3A_176 = arith.select %and3A_174, %add3A_175, %rem3A_166 : i32
        %eq3A_177 = arith.constant 2 : i32
        %eq3A_178 = arith.cmpi eq, %select_n3A_176, %eq3A_177 : i32
        %convert_element_type3A_179 = arith.extui %eq3A_178 : i1 to i32
        %cond3A_180 = arith.constant 0 : i32
        %cond3A_181 = arith.cmpi ne, %convert_element_type3A_179, %cond3A_180 : i32
        scf.if %cond3A_181 {
          %dma_start3A_209 = arith.constant 0 : i32
          %dma_start3A_210 = arith.constant 0 : i32
          %dma_start3A_211 = tpu.memref_slice %arg8[%dma_start3A_209, %dma_start3A_210] : memref<10112x128xf32, #tpu.memory_space<vmem_shared>> -> memref<10112x128xf32, #tpu.memory_space<vmem_shared>>
          tpu.enqueue_indirect_dma source(%arg15 : memref<80x128xf32, #tpu.memory_space<vmem>>) target(%dma_start3A_211 : memref<10112x128xf32, #tpu.memory_space<vmem_shared>>) offsets(%arg13 : memref<80xi32, #tpu.memory_space<vmem>>) semaphore(%arg23 : memref<!tpu.dma_semaphore, #tpu.memory_space<semaphore_mem>>) {add = true}
        } else {
        }
        %jit3A_182 = arith.constant 4 : i32
        %eq3A_183 = arith.constant 0 : i32
        %eq3A_184 = arith.cmpi eq, %jit3A_182, %eq3A_183 : i32
        %jit3A_185 = arith.constant 1 : i32
        %select_n3A_186 = arith.select %eq3A_184, %jit3A_185, %jit3A_182 : i32
        %rem3A_187 = arith.remsi %add3A_90, %select_n3A_186 : i32
        %ne3A_188 = arith.constant 0 : i32
        %ne3A_189 = arith.cmpi ne, %rem3A_187, %ne3A_188 : i32
        %lt3A_190 = arith.constant 0 : i32
        %lt3A_191 = arith.cmpi slt, %rem3A_187, %lt3A_190 : i32
        %lt3A_192 = arith.constant 0 : i32
        %lt3A_193 = arith.cmpi slt, %select_n3A_186, %lt3A_192 : i32
        %ne3A_194 = arith.xori %lt3A_191, %lt3A_193 : i1
        %and3A_195 = arith.andi %ne3A_194, %ne3A_189 : i1
        %add3A_196 = arith.addi %rem3A_187, %select_n3A_186 : i32
        %select_n3A_197 = arith.select %and3A_195, %add3A_196, %rem3A_187 : i32
        %eq3A_198 = arith.constant 3 : i32
        %eq3A_199 = arith.cmpi eq, %select_n3A_197, %eq3A_198 : i32
        %convert_element_type3A_200 = arith.extui %eq3A_199 : i1 to i32
        %cond3A_201 = arith.constant 0 : i32
        %cond3A_202 = arith.cmpi ne, %convert_element_type3A_200, %cond3A_201 : i32
        scf.if %cond3A_202 {
          %dma_start3A_209 = arith.constant 0 : i32
          %dma_start3A_210 = arith.constant 0 : i32
          %dma_start3A_211 = tpu.memref_slice %arg8[%dma_start3A_209, %dma_start3A_210] : memref<10112x128xf32, #tpu.memory_space<vmem_shared>> -> memref<10112x128xf32, #tpu.memory_space<vmem_shared>>
          tpu.enqueue_indirect_dma source(%arg15 : memref<80x128xf32, #tpu.memory_space<vmem>>) target(%dma_start3A_211 : memref<10112x128xf32, #tpu.memory_space<vmem_shared>>) offsets(%arg14 : memref<80xi32, #tpu.memory_space<vmem>>) semaphore(%arg23 : memref<!tpu.dma_semaphore, #tpu.memory_space<semaphore_mem>>) {add = true}
        } else {
        }
        %add3A_203 = arith.constant 2 : i32
        %add3A_204 = arith.addi %add3A_90, %add3A_203 : i32
        %lt3A_205 = arith.cmpi slt, %add3A_204, %add3A_8 : i32
        %convert_element_type3A_206 = arith.extui %lt3A_205 : i1 to i32
        %cond3A_207 = arith.constant 0 : i32
        %cond3A_208 = arith.cmpi ne, %convert_element_type3A_206, %cond3A_207 : i32
        scf.if %cond3A_208 {
          %add3A_209 = arith.constant 2 : i32
          %add3A_210 = arith.addi %add3A_90, %add3A_209 : i32
          %add3A_211 = arith.constant 2000 : i32
          %add3A_212 = arith.addi %add3A_211, %add3A_4 : i32
          %add3A_213 = arith.addi %add3A_212, %add3A_210 : i32
          %mul3A_214 = arith.constant 80 : i32
          %mul3A_215 = arith.muli %add3A_213, %mul3A_214 : i32
          %dma_start3A_216 = tpu.memref_slice %arg2[%mul3A_215] : memref<320000xi32, #tpu.memory_space<hbm>> -> memref<80xi32, #tpu.memory_space<hbm>>
          %dma_start3A_217 = tpu.memref_slice %arg2[%mul3A_215] : memref<320000xi32, #tpu.memory_space<hbm>> -> memref<80xi32, #tpu.memory_space<hbm>>
          tpu.enqueue_dma source(%dma_start3A_217 : memref<80xi32, #tpu.memory_space<hbm>>) target(%arg9 : memref<80xi32, #tpu.memory_space<vmem>>) target_semaphore(%arg19 : memref<!tpu.dma_semaphore, #tpu.memory_space<semaphore_mem>>)
          %jit3A_218 = arith.constant 4 : i32
          %eq3A_219 = arith.constant 0 : i32
          %eq3A_220 = arith.cmpi eq, %jit3A_218, %eq3A_219 : i32
          %jit3A_221 = arith.constant 1 : i32
          %select_n3A_222 = arith.select %eq3A_220, %jit3A_221, %jit3A_218 : i32
          %rem3A_223 = arith.remsi %add3A_210, %select_n3A_222 : i32
          %ne3A_224 = arith.constant 0 : i32
          %ne3A_225 = arith.cmpi ne, %rem3A_223, %ne3A_224 : i32
          %lt3A_226 = arith.constant 0 : i32
          %lt3A_227 = arith.cmpi slt, %rem3A_223, %lt3A_226 : i32
          %lt3A_228 = arith.constant 0 : i32
          %lt3A_229 = arith.cmpi slt, %select_n3A_222, %lt3A_228 : i32
          %ne3A_230 = arith.xori %lt3A_227, %lt3A_229 : i1
          %and3A_231 = arith.andi %ne3A_230, %ne3A_225 : i1
          %add3A_232 = arith.addi %rem3A_223, %select_n3A_222 : i32
          %select_n3A_233 = arith.select %and3A_231, %add3A_232, %rem3A_223 : i32
          %eq3A_234 = arith.constant 0 : i32
          %eq3A_235 = arith.cmpi eq, %select_n3A_233, %eq3A_234 : i32
          %convert_element_type3A_236 = arith.extui %eq3A_235 : i1 to i32
          %cond3A_237 = arith.constant 0 : i32
          %cond3A_238 = arith.cmpi ne, %convert_element_type3A_236, %cond3A_237 : i32
          scf.if %cond3A_238 {
            %dma_start3A_302 = tpu.memref_slice %arg3[%mul3A_215] : memref<320000xi32, #tpu.memory_space<hbm>> -> memref<80xi32, #tpu.memory_space<hbm>>
            %dma_start3A_303 = tpu.memref_slice %arg3[%mul3A_215] : memref<320000xi32, #tpu.memory_space<hbm>> -> memref<80xi32, #tpu.memory_space<hbm>>
            tpu.enqueue_dma source(%dma_start3A_303 : memref<80xi32, #tpu.memory_space<hbm>>) target(%arg11 : memref<80xi32, #tpu.memory_space<vmem>>) target_semaphore(%arg19 : memref<!tpu.dma_semaphore, #tpu.memory_space<semaphore_mem>>)
          } else {
          }
          %jit3A_239 = arith.constant 4 : i32
          %eq3A_240 = arith.constant 0 : i32
          %eq3A_241 = arith.cmpi eq, %jit3A_239, %eq3A_240 : i32
          %jit3A_242 = arith.constant 1 : i32
          %select_n3A_243 = arith.select %eq3A_241, %jit3A_242, %jit3A_239 : i32
          %rem3A_244 = arith.remsi %add3A_210, %select_n3A_243 : i32
          %ne3A_245 = arith.constant 0 : i32
          %ne3A_246 = arith.cmpi ne, %rem3A_244, %ne3A_245 : i32
          %lt3A_247 = arith.constant 0 : i32
          %lt3A_248 = arith.cmpi slt, %rem3A_244, %lt3A_247 : i32
          %lt3A_249 = arith.constant 0 : i32
          %lt3A_250 = arith.cmpi slt, %select_n3A_243, %lt3A_249 : i32
          %ne3A_251 = arith.xori %lt3A_248, %lt3A_250 : i1
          %and3A_252 = arith.andi %ne3A_251, %ne3A_246 : i1
          %add3A_253 = arith.addi %rem3A_244, %select_n3A_243 : i32
          %select_n3A_254 = arith.select %and3A_252, %add3A_253, %rem3A_244 : i32
          %eq3A_255 = arith.constant 1 : i32
          %eq3A_256 = arith.cmpi eq, %select_n3A_254, %eq3A_255 : i32
          %convert_element_type3A_257 = arith.extui %eq3A_256 : i1 to i32
          %cond3A_258 = arith.constant 0 : i32
          %cond3A_259 = arith.cmpi ne, %convert_element_type3A_257, %cond3A_258 : i32
          scf.if %cond3A_259 {
            %dma_start3A_302 = tpu.memref_slice %arg3[%mul3A_215] : memref<320000xi32, #tpu.memory_space<hbm>> -> memref<80xi32, #tpu.memory_space<hbm>>
            %dma_start3A_303 = tpu.memref_slice %arg3[%mul3A_215] : memref<320000xi32, #tpu.memory_space<hbm>> -> memref<80xi32, #tpu.memory_space<hbm>>
            tpu.enqueue_dma source(%dma_start3A_303 : memref<80xi32, #tpu.memory_space<hbm>>) target(%arg12 : memref<80xi32, #tpu.memory_space<vmem>>) target_semaphore(%arg19 : memref<!tpu.dma_semaphore, #tpu.memory_space<semaphore_mem>>)
          } else {
          }
          %jit3A_260 = arith.constant 4 : i32
          %eq3A_261 = arith.constant 0 : i32
          %eq3A_262 = arith.cmpi eq, %jit3A_260, %eq3A_261 : i32
          %jit3A_263 = arith.constant 1 : i32
          %select_n3A_264 = arith.select %eq3A_262, %jit3A_263, %jit3A_260 : i32
          %rem3A_265 = arith.remsi %add3A_210, %select_n3A_264 : i32
          %ne3A_266 = arith.constant 0 : i32
          %ne3A_267 = arith.cmpi ne, %rem3A_265, %ne3A_266 : i32
          %lt3A_268 = arith.constant 0 : i32
          %lt3A_269 = arith.cmpi slt, %rem3A_265, %lt3A_268 : i32
          %lt3A_270 = arith.constant 0 : i32
          %lt3A_271 = arith.cmpi slt, %select_n3A_264, %lt3A_270 : i32
          %ne3A_272 = arith.xori %lt3A_269, %lt3A_271 : i1
          %and3A_273 = arith.andi %ne3A_272, %ne3A_267 : i1
          %add3A_274 = arith.addi %rem3A_265, %select_n3A_264 : i32
          %select_n3A_275 = arith.select %and3A_273, %add3A_274, %rem3A_265 : i32
          %eq3A_276 = arith.constant 2 : i32
          %eq3A_277 = arith.cmpi eq, %select_n3A_275, %eq3A_276 : i32
          %convert_element_type3A_278 = arith.extui %eq3A_277 : i1 to i32
          %cond3A_279 = arith.constant 0 : i32
          %cond3A_280 = arith.cmpi ne, %convert_element_type3A_278, %cond3A_279 : i32
          scf.if %cond3A_280 {
            %dma_start3A_302 = tpu.memref_slice %arg3[%mul3A_215] : memref<320000xi32, #tpu.memory_space<hbm>> -> memref<80xi32, #tpu.memory_space<hbm>>
            %dma_start3A_303 = tpu.memref_slice %arg3[%mul3A_215] : memref<320000xi32, #tpu.memory_space<hbm>> -> memref<80xi32, #tpu.memory_space<hbm>>
            tpu.enqueue_dma source(%dma_start3A_303 : memref<80xi32, #tpu.memory_space<hbm>>) target(%arg13 : memref<80xi32, #tpu.memory_space<vmem>>) target_semaphore(%arg19 : memref<!tpu.dma_semaphore, #tpu.memory_space<semaphore_mem>>)
          } else {
          }
          %jit3A_281 = arith.constant 4 : i32
          %eq3A_282 = arith.constant 0 : i32
          %eq3A_283 = arith.cmpi eq, %jit3A_281, %eq3A_282 : i32
          %jit3A_284 = arith.constant 1 : i32
          %select_n3A_285 = arith.select %eq3A_283, %jit3A_284, %jit3A_281 : i32
          %rem3A_286 = arith.remsi %add3A_210, %select_n3A_285 : i32
          %ne3A_287 = arith.constant 0 : i32
          %ne3A_288 = arith.cmpi ne, %rem3A_286, %ne3A_287 : i32
          %lt3A_289 = arith.constant 0 : i32
          %lt3A_290 = arith.cmpi slt, %rem3A_286, %lt3A_289 : i32
          %lt3A_291 = arith.constant 0 : i32
          %lt3A_292 = arith.cmpi slt, %select_n3A_285, %lt3A_291 : i32
          %ne3A_293 = arith.xori %lt3A_290, %lt3A_292 : i1
          %and3A_294 = arith.andi %ne3A_293, %ne3A_288 : i1
          %add3A_295 = arith.addi %rem3A_286, %select_n3A_285 : i32
          %select_n3A_296 = arith.select %and3A_294, %add3A_295, %rem3A_286 : i32
          %eq3A_297 = arith.constant 3 : i32
          %eq3A_298 = arith.cmpi eq, %select_n3A_296, %eq3A_297 : i32
          %convert_element_type3A_299 = arith.extui %eq3A_298 : i1 to i32
          %cond3A_300 = arith.constant 0 : i32
          %cond3A_301 = arith.cmpi ne, %convert_element_type3A_299, %cond3A_300 : i32
          scf.if %cond3A_301 {
            %dma_start3A_302 = tpu.memref_slice %arg3[%mul3A_215] : memref<320000xi32, #tpu.memory_space<hbm>> -> memref<80xi32, #tpu.memory_space<hbm>>
            %dma_start3A_303 = tpu.memref_slice %arg3[%mul3A_215] : memref<320000xi32, #tpu.memory_space<hbm>> -> memref<80xi32, #tpu.memory_space<hbm>>
            tpu.enqueue_dma source(%dma_start3A_303 : memref<80xi32, #tpu.memory_space<hbm>>) target(%arg14 : memref<80xi32, #tpu.memory_space<vmem>>) target_semaphore(%arg19 : memref<!tpu.dma_semaphore, #tpu.memory_space<semaphore_mem>>)
          } else {
          }
        } else {
        }
      } else {
      }
      %mul3A_95 = arith.constant 2 : i32
      %mul3A_96 = arith.muli %while3A_86, %mul3A_95 : i32
      %add3A_97 = arith.constant 1 : i32
      %add3A_98 = arith.addi %mul3A_96, %add3A_97 : i32
      %lt3A_99 = arith.cmpi slt, %add3A_98, %add3A_8 : i32
      %convert_element_type3A_100 = arith.extui %lt3A_99 : i1 to i32
      %cond3A_101 = arith.constant 0 : i32
      %cond3A_102 = arith.cmpi ne, %convert_element_type3A_100, %cond3A_101 : i32
      scf.if %cond3A_102 {
        %add3A_103 = arith.constant 1 : i32
        %add3A_104 = arith.addi %add3A_98, %add3A_103 : i32
        %lt3A_105 = arith.cmpi slt, %add3A_104, %add3A_8 : i32
        %convert_element_type3A_106 = arith.extui %lt3A_105 : i1 to i32
        %cond3A_107 = arith.constant 0 : i32
        %cond3A_108 = arith.cmpi ne, %convert_element_type3A_106, %cond3A_107 : i32
        scf.if %cond3A_108 {
          %ge3A = arith.constant 1 : i32
          %ge3A_209 = arith.cmpi sge, %add3A_98, %ge3A : i32
          %convert_element_type3A_210 = arith.extui %ge3A_209 : i1 to i32
          %cond3A_211 = arith.constant 0 : i32
          %cond3A_212 = arith.cmpi ne, %convert_element_type3A_210, %cond3A_211 : i32
          scf.if %cond3A_212 {
            %dma_wait3A_233 = arith.constant 0 : i32
            %dma_wait3A_234 = arith.constant 0 : i32
            %dma_wait3A_235 = tpu.memref_slice %arg8[%dma_wait3A_233, %dma_wait3A_234] : memref<10112x128xf32, #tpu.memory_space<vmem_shared>> -> memref<10112x128xf32, #tpu.memory_space<vmem_shared>>
            tpu.wait_indirect_dma semaphore(%arg23 : memref<!tpu.dma_semaphore, #tpu.memory_space<semaphore_mem>>) src(%arg15 : memref<80x128xf32, #tpu.memory_space<vmem>>) dst(%dma_wait3A_235 : memref<10112x128xf32, #tpu.memory_space<vmem_shared>>)
          } else {
          }
          %dma_wait3A_213 = arith.constant 0 : i32
          %dma_wait3A_214 = tpu.memref_slice %arg2[%dma_wait3A_213] : memref<320000xi32, #tpu.memory_space<hbm>> -> memref<80xi32, #tpu.memory_space<hbm>>
          %dma_wait3A_215 = arith.constant 0 : i32
          %dma_wait3A_216 = tpu.memref_slice %arg2[%dma_wait3A_215] : memref<320000xi32, #tpu.memory_space<hbm>> -> memref<80xi32, #tpu.memory_space<hbm>>
          tpu.wait_dma2 semaphore(%arg19 : memref<!tpu.dma_semaphore, #tpu.memory_space<semaphore_mem>>) src(%dma_wait3A_216 : memref<80xi32, #tpu.memory_space<hbm>>) dst(%arg9 : memref<80xi32, #tpu.memory_space<vmem>>)
          %dma_wait3A_217 = arith.constant 0 : i32
          %dma_wait3A_218 = tpu.memref_slice %arg3[%dma_wait3A_217] : memref<320000xi32, #tpu.memory_space<hbm>> -> memref<80xi32, #tpu.memory_space<hbm>>
          %dma_wait3A_219 = arith.constant 0 : i32
          %dma_wait3A_220 = tpu.memref_slice %arg3[%dma_wait3A_219] : memref<320000xi32, #tpu.memory_space<hbm>> -> memref<80xi32, #tpu.memory_space<hbm>>
          tpu.wait_dma2 semaphore(%arg19 : memref<!tpu.dma_semaphore, #tpu.memory_space<semaphore_mem>>) src(%dma_wait3A_220 : memref<80xi32, #tpu.memory_space<hbm>>) dst(%arg11 : memref<80xi32, #tpu.memory_space<vmem>>)
          %add3A_221 = arith.constant 1 : i32
          %add3A_222 = arith.addi %add3A_98, %add3A_221 : i32
          %add3A_223 = arith.addi %add3A_4, %add3A_222 : i32
          %mul3A_224 = arith.constant 80 : i32
          %mul3A_225 = arith.muli %add3A_223, %mul3A_224 : i32
          %dma_start3A_226 = arith.constant 0 : i32
          %dma_start3A_227 = arith.constant 0 : i32
          %dma_start3A_228 = tpu.memref_slice %arg4[%dma_start3A_226, %dma_start3A_227] : memref<10000x128xf32, #tpu.memory_space<hbm>> -> memref<10000x128xf32, #tpu.memory_space<hbm>>
          tpu.enqueue_indirect_dma source(%dma_start3A_228 : memref<10000x128xf32, #tpu.memory_space<hbm>>) target(%arg15 : memref<80x128xf32, #tpu.memory_space<vmem>>) offsets(%arg9 : memref<80xi32, #tpu.memory_space<vmem>>) semaphore(%arg21 : memref<!tpu.dma_semaphore, #tpu.memory_space<semaphore_mem>>)
          %dma_start3A_229 = arith.constant 0 : i32
          %dma_start3A_230 = tpu.memref_slice %arg5[%mul3A_225, %dma_start3A_229] : memref<160000x128xf32, #tpu.memory_space<hbm>> -> memref<80x128xf32, #tpu.memory_space<hbm>>
          %dma_start3A_231 = arith.constant 0 : i32
          %dma_start3A_232 = tpu.memref_slice %arg5[%mul3A_225, %dma_start3A_231] : memref<160000x128xf32, #tpu.memory_space<hbm>> -> memref<80x128xf32, #tpu.memory_space<hbm>>
          tpu.enqueue_dma source(%dma_start3A_232 : memref<80x128xf32, #tpu.memory_space<hbm>>) target(%arg17 : memref<80x128xf32, #tpu.memory_space<vmem>>) target_semaphore(%arg21 : memref<!tpu.dma_semaphore, #tpu.memory_space<semaphore_mem>>)
        } else {
        }
        %dma_wait3A_109 = arith.constant 0 : i32
        %dma_wait3A_110 = arith.constant 0 : i32
        %dma_wait3A_111 = tpu.memref_slice %arg4[%dma_wait3A_109, %dma_wait3A_110] : memref<10000x128xf32, #tpu.memory_space<hbm>> -> memref<10000x128xf32, #tpu.memory_space<hbm>>
        tpu.wait_indirect_dma semaphore(%arg22 : memref<!tpu.dma_semaphore, #tpu.memory_space<semaphore_mem>>) src(%dma_wait3A_111 : memref<10000x128xf32, #tpu.memory_space<hbm>>) dst(%arg16 : memref<80x128xf32, #tpu.memory_space<vmem>>)
        %dma_wait3A_112 = arith.constant 0 : i32
        %dma_wait3A_113 = arith.constant 0 : i32
        %dma_wait3A_114 = tpu.memref_slice %arg5[%dma_wait3A_112, %dma_wait3A_113] : memref<160000x128xf32, #tpu.memory_space<hbm>> -> memref<80x128xf32, #tpu.memory_space<hbm>>
        %dma_wait3A_115 = arith.constant 0 : i32
        %dma_wait3A_116 = arith.constant 0 : i32
        %dma_wait3A_117 = tpu.memref_slice %arg5[%dma_wait3A_115, %dma_wait3A_116] : memref<160000x128xf32, #tpu.memory_space<hbm>> -> memref<80x128xf32, #tpu.memory_space<hbm>>
        tpu.wait_dma2 semaphore(%arg22 : memref<!tpu.dma_semaphore, #tpu.memory_space<semaphore_mem>>) src(%dma_wait3A_117 : memref<80x128xf32, #tpu.memory_space<hbm>>) dst(%arg18 : memref<80x128xf32, #tpu.memory_space<vmem>>)
        %parallel_loop3A = arith.constant 0 : i32
        %parallel_loop3A_118 = arith.constant 80 : i32
        %parallel_loop3A_119 = arith.constant 1 : i32
        scf.for %parallel_loop3A_209 = %parallel_loop3A to %parallel_loop3A_118 step %parallel_loop3A_119  : i32 {
          %parallel_loop3A_210 = arith.index_cast %parallel_loop3A_209 : i32 to index
          %parallel_loop3A_211 = arith.constant 0 : index
          %parallel_loop3A_212 = tpu.vector_load %arg16[%parallel_loop3A_210, %parallel_loop3A_211] {strides = array<i32>} : memref<80x128xf32, #tpu.memory_space<vmem>>, vector<1x16xf32>,
          %parallel_loop3A_213 = vector.shape_cast %parallel_loop3A_212 : vector<1x16xf32> to vector<16xf32>
          %parallel_loop3A_214 = arith.index_cast %parallel_loop3A_209 : i32 to index
          %parallel_loop3A_215 = arith.constant 0 : index
          %parallel_loop3A_216 = tpu.vector_load %arg18[%parallel_loop3A_214, %parallel_loop3A_215] {strides = array<i32>} : memref<80x128xf32, #tpu.memory_space<vmem>>, vector<1x16xf32>,
          %parallel_loop3A_217 = vector.shape_cast %parallel_loop3A_216 : vector<1x16xf32> to vector<16xf32>
          %parallel_loop3A_218 = arith.addf %parallel_loop3A_213, %parallel_loop3A_217 : vector<16xf32>
          %parallel_loop3A_219 = arith.constant 0.000000e+00 : f32
          %parallel_loop3A_220 = vector.broadcast %parallel_loop3A_219 : f32 to vector<16xf32>
          %parallel_loop3A_221 = arith.maximumf %parallel_loop3A_218, %parallel_loop3A_220 : vector<16xf32>
          %parallel_loop3A_222 = arith.index_cast %parallel_loop3A_209 : i32 to index
          %parallel_loop3A_223 = arith.constant 0 : index
          %parallel_loop3A_224 = tpu.vector_load %arg16[%parallel_loop3A_222, %parallel_loop3A_223] {strides = array<i32>} : memref<80x128xf32, #tpu.memory_space<vmem>>, vector<1x16xf32>,
          %parallel_loop3A_225 = vector.shape_cast %parallel_loop3A_224 : vector<1x16xf32> to vector<16xf32>
          %parallel_loop3A_226 = vector.shape_cast %parallel_loop3A_221 : vector<16xf32> to vector<1x16xf32>
          tpu.vector_store %arg16[%parallel_loop3A_222, %parallel_loop3A_223], %parallel_loop3A_226 {strides = array<i32>} : memref<80x128xf32, #tpu.memory_space<vmem>>, vector<1x16xf32>,
          %parallel_loop3A_227 = arith.index_cast %parallel_loop3A_209 : i32 to index
          %parallel_loop3A_228 = arith.constant 16 : index
          %parallel_loop3A_229 = tpu.vector_load %arg16[%parallel_loop3A_227, %parallel_loop3A_228] {strides = array<i32>} : memref<80x128xf32, #tpu.memory_space<vmem>>, vector<1x16xf32>,
          %parallel_loop3A_230 = vector.shape_cast %parallel_loop3A_229 : vector<1x16xf32> to vector<16xf32>
          %parallel_loop3A_231 = arith.index_cast %parallel_loop3A_209 : i32 to index
          %parallel_loop3A_232 = arith.constant 16 : index
          %parallel_loop3A_233 = tpu.vector_load %arg18[%parallel_loop3A_231, %parallel_loop3A_232] {strides = array<i32>} : memref<80x128xf32, #tpu.memory_space<vmem>>, vector<1x16xf32>,
          %parallel_loop3A_234 = vector.shape_cast %parallel_loop3A_233 : vector<1x16xf32> to vector<16xf32>
          %parallel_loop3A_235 = arith.addf %parallel_loop3A_230, %parallel_loop3A_234 : vector<16xf32>
          %parallel_loop3A_236 = arith.constant 0.000000e+00 : f32
          %parallel_loop3A_237 = vector.broadcast %parallel_loop3A_236 : f32 to vector<16xf32>
          %parallel_loop3A_238 = arith.maximumf %parallel_loop3A_235, %parallel_loop3A_237 : vector<16xf32>
          %parallel_loop3A_239 = arith.index_cast %parallel_loop3A_209 : i32 to index
          %parallel_loop3A_240 = arith.constant 16 : index
          %parallel_loop3A_241 = tpu.vector_load %arg16[%parallel_loop3A_239, %parallel_loop3A_240] {strides = array<i32>} : memref<80x128xf32, #tpu.memory_space<vmem>>, vector<1x16xf32>,
          %parallel_loop3A_242 = vector.shape_cast %parallel_loop3A_241 : vector<1x16xf32> to vector<16xf32>
          %parallel_loop3A_243 = vector.shape_cast %parallel_loop3A_238 : vector<16xf32> to vector<1x16xf32>
          tpu.vector_store %arg16[%parallel_loop3A_239, %parallel_loop3A_240], %parallel_loop3A_243 {strides = array<i32>} : memref<80x128xf32, #tpu.memory_space<vmem>>, vector<1x16xf32>,
          %parallel_loop3A_244 = arith.index_cast %parallel_loop3A_209 : i32 to index
          %parallel_loop3A_245 = arith.constant 32 : index
          %parallel_loop3A_246 = tpu.vector_load %arg16[%parallel_loop3A_244, %parallel_loop3A_245] {strides = array<i32>} : memref<80x128xf32, #tpu.memory_space<vmem>>, vector<1x16xf32>,
          %parallel_loop3A_247 = vector.shape_cast %parallel_loop3A_246 : vector<1x16xf32> to vector<16xf32>
          %parallel_loop3A_248 = arith.index_cast %parallel_loop3A_209 : i32 to index
          %parallel_loop3A_249 = arith.constant 32 : index
          %parallel_loop3A_250 = tpu.vector_load %arg18[%parallel_loop3A_248, %parallel_loop3A_249] {strides = array<i32>} : memref<80x128xf32, #tpu.memory_space<vmem>>, vector<1x16xf32>,
          %parallel_loop3A_251 = vector.shape_cast %parallel_loop3A_250 : vector<1x16xf32> to vector<16xf32>
          %parallel_loop3A_252 = arith.addf %parallel_loop3A_247, %parallel_loop3A_251 : vector<16xf32>
          %parallel_loop3A_253 = arith.constant 0.000000e+00 : f32
          %parallel_loop3A_254 = vector.broadcast %parallel_loop3A_253 : f32 to vector<16xf32>
          %parallel_loop3A_255 = arith.maximumf %parallel_loop3A_252, %parallel_loop3A_254 : vector<16xf32>
          %parallel_loop3A_256 = arith.index_cast %parallel_loop3A_209 : i32 to index
          %parallel_loop3A_257 = arith.constant 32 : index
          %parallel_loop3A_258 = tpu.vector_load %arg16[%parallel_loop3A_256, %parallel_loop3A_257] {strides = array<i32>} : memref<80x128xf32, #tpu.memory_space<vmem>>, vector<1x16xf32>,
          %parallel_loop3A_259 = vector.shape_cast %parallel_loop3A_258 : vector<1x16xf32> to vector<16xf32>
          %parallel_loop3A_260 = vector.shape_cast %parallel_loop3A_255 : vector<16xf32> to vector<1x16xf32>
          tpu.vector_store %arg16[%parallel_loop3A_256, %parallel_loop3A_257], %parallel_loop3A_260 {strides = array<i32>} : memref<80x128xf32, #tpu.memory_space<vmem>>, vector<1x16xf32>,
          %parallel_loop3A_261 = arith.index_cast %parallel_loop3A_209 : i32 to index
          %parallel_loop3A_262 = arith.constant 48 : index
          %parallel_loop3A_263 = tpu.vector_load %arg16[%parallel_loop3A_261, %parallel_loop3A_262] {strides = array<i32>} : memref<80x128xf32, #tpu.memory_space<vmem>>, vector<1x16xf32>,
          %parallel_loop3A_264 = vector.shape_cast %parallel_loop3A_263 : vector<1x16xf32> to vector<16xf32>
          %parallel_loop3A_265 = arith.index_cast %parallel_loop3A_209 : i32 to index
          %parallel_loop3A_266 = arith.constant 48 : index
          %parallel_loop3A_267 = tpu.vector_load %arg18[%parallel_loop3A_265, %parallel_loop3A_266] {strides = array<i32>} : memref<80x128xf32, #tpu.memory_space<vmem>>, vector<1x16xf32>,
          %parallel_loop3A_268 = vector.shape_cast %parallel_loop3A_267 : vector<1x16xf32> to vector<16xf32>
          %parallel_loop3A_269 = arith.addf %parallel_loop3A_264, %parallel_loop3A_268 : vector<16xf32>
          %parallel_loop3A_270 = arith.constant 0.000000e+00 : f32
          %parallel_loop3A_271 = vector.broadcast %parallel_loop3A_270 : f32 to vector<16xf32>
          %parallel_loop3A_272 = arith.maximumf %parallel_loop3A_269, %parallel_loop3A_271 : vector<16xf32>
          %parallel_loop3A_273 = arith.index_cast %parallel_loop3A_209 : i32 to index
          %parallel_loop3A_274 = arith.constant 48 : index
          %parallel_loop3A_275 = tpu.vector_load %arg16[%parallel_loop3A_273, %parallel_loop3A_274] {strides = array<i32>} : memref<80x128xf32, #tpu.memory_space<vmem>>, vector<1x16xf32>,
          %parallel_loop3A_276 = vector.shape_cast %parallel_loop3A_275 : vector<1x16xf32> to vector<16xf32>
          %parallel_loop3A_277 = vector.shape_cast %parallel_loop3A_272 : vector<16xf32> to vector<1x16xf32>
          tpu.vector_store %arg16[%parallel_loop3A_273, %parallel_loop3A_274], %parallel_loop3A_277 {strides = array<i32>} : memref<80x128xf32, #tpu.memory_space<vmem>>, vector<1x16xf32>,
          %parallel_loop3A_278 = arith.index_cast %parallel_loop3A_209 : i32 to index
          %parallel_loop3A_279 = arith.constant 64 : index
          %parallel_loop3A_280 = tpu.vector_load %arg16[%parallel_loop3A_278, %parallel_loop3A_279] {strides = array<i32>} : memref<80x128xf32, #tpu.memory_space<vmem>>, vector<1x16xf32>,
          %parallel_loop3A_281 = vector.shape_cast %parallel_loop3A_280 : vector<1x16xf32> to vector<16xf32>
          %parallel_loop3A_282 = arith.index_cast %parallel_loop3A_209 : i32 to index
          %parallel_loop3A_283 = arith.constant 64 : index
          %parallel_loop3A_284 = tpu.vector_load %arg18[%parallel_loop3A_282, %parallel_loop3A_283] {strides = array<i32>} : memref<80x128xf32, #tpu.memory_space<vmem>>, vector<1x16xf32>,
          %parallel_loop3A_285 = vector.shape_cast %parallel_loop3A_284 : vector<1x16xf32> to vector<16xf32>
          %parallel_loop3A_286 = arith.addf %parallel_loop3A_281, %parallel_loop3A_285 : vector<16xf32>
          %parallel_loop3A_287 = arith.constant 0.000000e+00 : f32
          %parallel_loop3A_288 = vector.broadcast %parallel_loop3A_287 : f32 to vector<16xf32>
          %parallel_loop3A_289 = arith.maximumf %parallel_loop3A_286, %parallel_loop3A_288 : vector<16xf32>
          %parallel_loop3A_290 = arith.index_cast %parallel_loop3A_209 : i32 to index
          %parallel_loop3A_291 = arith.constant 64 : index
          %parallel_loop3A_292 = tpu.vector_load %arg16[%parallel_loop3A_290, %parallel_loop3A_291] {strides = array<i32>} : memref<80x128xf32, #tpu.memory_space<vmem>>, vector<1x16xf32>,
          %parallel_loop3A_293 = vector.shape_cast %parallel_loop3A_292 : vector<1x16xf32> to vector<16xf32>
          %parallel_loop3A_294 = vector.shape_cast %parallel_loop3A_289 : vector<16xf32> to vector<1x16xf32>
          tpu.vector_store %arg16[%parallel_loop3A_290, %parallel_loop3A_291], %parallel_loop3A_294 {strides = array<i32>} : memref<80x128xf32, #tpu.memory_space<vmem>>, vector<1x16xf32>,
          %parallel_loop3A_295 = arith.index_cast %parallel_loop3A_209 : i32 to index
          %parallel_loop3A_296 = arith.constant 80 : index
          %parallel_loop3A_297 = tpu.vector_load %arg16[%parallel_loop3A_295, %parallel_loop3A_296] {strides = array<i32>} : memref<80x128xf32, #tpu.memory_space<vmem>>, vector<1x16xf32>,
          %parallel_loop3A_298 = vector.shape_cast %parallel_loop3A_297 : vector<1x16xf32> to vector<16xf32>
          %parallel_loop3A_299 = arith.index_cast %parallel_loop3A_209 : i32 to index
          %parallel_loop3A_300 = arith.constant 80 : index
          %parallel_loop3A_301 = tpu.vector_load %arg18[%parallel_loop3A_299, %parallel_loop3A_300] {strides = array<i32>} : memref<80x128xf32, #tpu.memory_space<vmem>>, vector<1x16xf32>,
          %parallel_loop3A_302 = vector.shape_cast %parallel_loop3A_301 : vector<1x16xf32> to vector<16xf32>
          %parallel_loop3A_303 = arith.addf %parallel_loop3A_298, %parallel_loop3A_302 : vector<16xf32>
          %parallel_loop3A_304 = arith.constant 0.000000e+00 : f32
          %parallel_loop3A_305 = vector.broadcast %parallel_loop3A_304 : f32 to vector<16xf32>
          %parallel_loop3A_306 = arith.maximumf %parallel_loop3A_303, %parallel_loop3A_305 : vector<16xf32>
          %parallel_loop3A_307 = arith.index_cast %parallel_loop3A_209 : i32 to index
          %parallel_loop3A_308 = arith.constant 80 : index
          %parallel_loop3A_309 = tpu.vector_load %arg16[%parallel_loop3A_307, %parallel_loop3A_308] {strides = array<i32>} : memref<80x128xf32, #tpu.memory_space<vmem>>, vector<1x16xf32>,
          %parallel_loop3A_310 = vector.shape_cast %parallel_loop3A_309 : vector<1x16xf32> to vector<16xf32>
          %parallel_loop3A_311 = vector.shape_cast %parallel_loop3A_306 : vector<16xf32> to vector<1x16xf32>
          tpu.vector_store %arg16[%parallel_loop3A_307, %parallel_loop3A_308], %parallel_loop3A_311 {strides = array<i32>} : memref<80x128xf32, #tpu.memory_space<vmem>>, vector<1x16xf32>,
          %parallel_loop3A_312 = arith.index_cast %parallel_loop3A_209 : i32 to index
          %parallel_loop3A_313 = arith.constant 96 : index
          %parallel_loop3A_314 = tpu.vector_load %arg16[%parallel_loop3A_312, %parallel_loop3A_313] {strides = array<i32>} : memref<80x128xf32, #tpu.memory_space<vmem>>, vector<1x16xf32>,
          %parallel_loop3A_315 = vector.shape_cast %parallel_loop3A_314 : vector<1x16xf32> to vector<16xf32>
          %parallel_loop3A_316 = arith.index_cast %parallel_loop3A_209 : i32 to index
          %parallel_loop3A_317 = arith.constant 96 : index
          %parallel_loop3A_318 = tpu.vector_load %arg18[%parallel_loop3A_316, %parallel_loop3A_317] {strides = array<i32>} : memref<80x128xf32, #tpu.memory_space<vmem>>, vector<1x16xf32>,
          %parallel_loop3A_319 = vector.shape_cast %parallel_loop3A_318 : vector<1x16xf32> to vector<16xf32>
          %parallel_loop3A_320 = arith.addf %parallel_loop3A_315, %parallel_loop3A_319 : vector<16xf32>
          %parallel_loop3A_321 = arith.constant 0.000000e+00 : f32
          %parallel_loop3A_322 = vector.broadcast %parallel_loop3A_321 : f32 to vector<16xf32>
          %parallel_loop3A_323 = arith.maximumf %parallel_loop3A_320, %parallel_loop3A_322 : vector<16xf32>
          %parallel_loop3A_324 = arith.index_cast %parallel_loop3A_209 : i32 to index
          %parallel_loop3A_325 = arith.constant 96 : index
          %parallel_loop3A_326 = tpu.vector_load %arg16[%parallel_loop3A_324, %parallel_loop3A_325] {strides = array<i32>} : memref<80x128xf32, #tpu.memory_space<vmem>>, vector<1x16xf32>,
          %parallel_loop3A_327 = vector.shape_cast %parallel_loop3A_326 : vector<1x16xf32> to vector<16xf32>
          %parallel_loop3A_328 = vector.shape_cast %parallel_loop3A_323 : vector<16xf32> to vector<1x16xf32>
          tpu.vector_store %arg16[%parallel_loop3A_324, %parallel_loop3A_325], %parallel_loop3A_328 {strides = array<i32>} : memref<80x128xf32, #tpu.memory_space<vmem>>, vector<1x16xf32>,
          %parallel_loop3A_329 = arith.index_cast %parallel_loop3A_209 : i32 to index
          %parallel_loop3A_330 = arith.constant 112 : index
          %parallel_loop3A_331 = tpu.vector_load %arg16[%parallel_loop3A_329, %parallel_loop3A_330] {strides = array<i32>} : memref<80x128xf32, #tpu.memory_space<vmem>>, vector<1x16xf32>,
          %parallel_loop3A_332 = vector.shape_cast %parallel_loop3A_331 : vector<1x16xf32> to vector<16xf32>
          %parallel_loop3A_333 = arith.index_cast %parallel_loop3A_209 : i32 to index
          %parallel_loop3A_334 = arith.constant 112 : index
          %parallel_loop3A_335 = tpu.vector_load %arg18[%parallel_loop3A_333, %parallel_loop3A_334] {strides = array<i32>} : memref<80x128xf32, #tpu.memory_space<vmem>>, vector<1x16xf32>,
          %parallel_loop3A_336 = vector.shape_cast %parallel_loop3A_335 : vector<1x16xf32> to vector<16xf32>
          %parallel_loop3A_337 = arith.addf %parallel_loop3A_332, %parallel_loop3A_336 : vector<16xf32>
          %parallel_loop3A_338 = arith.constant 0.000000e+00 : f32
          %parallel_loop3A_339 = vector.broadcast %parallel_loop3A_338 : f32 to vector<16xf32>
          %parallel_loop3A_340 = arith.maximumf %parallel_loop3A_337, %parallel_loop3A_339 : vector<16xf32>
          %parallel_loop3A_341 = arith.index_cast %parallel_loop3A_209 : i32 to index
          %parallel_loop3A_342 = arith.constant 112 : index
          %parallel_loop3A_343 = tpu.vector_load %arg16[%parallel_loop3A_341, %parallel_loop3A_342] {strides = array<i32>} : memref<80x128xf32, #tpu.memory_space<vmem>>, vector<1x16xf32>,
          %parallel_loop3A_344 = vector.shape_cast %parallel_loop3A_343 : vector<1x16xf32> to vector<16xf32>
          %parallel_loop3A_345 = vector.shape_cast %parallel_loop3A_340 : vector<16xf32> to vector<1x16xf32>
          tpu.vector_store %arg16[%parallel_loop3A_341, %parallel_loop3A_342], %parallel_loop3A_345 {strides = array<i32>} : memref<80x128xf32, #tpu.memory_space<vmem>>, vector<1x16xf32>,
        } {sc.loop_unroll_factor = 4 : i64, sc.parallel_access}
        %jit3A_120 = arith.constant 4 : i32
        %eq3A = arith.constant 0 : i32
        %eq3A_121 = arith.cmpi eq, %jit3A_120, %eq3A : i32
        %jit3A_122 = arith.constant 1 : i32
        %select_n3A_123 = arith.select %eq3A_121, %jit3A_122, %jit3A_120 : i32
        %rem3A_124 = arith.remsi %add3A_98, %select_n3A_123 : i32
        %ne3A_125 = arith.constant 0 : i32
        %ne3A_126 = arith.cmpi ne, %rem3A_124, %ne3A_125 : i32
        %lt3A_127 = arith.constant 0 : i32
        %lt3A_128 = arith.cmpi slt, %rem3A_124, %lt3A_127 : i32
        %lt3A_129 = arith.constant 0 : i32
        %lt3A_130 = arith.cmpi slt, %select_n3A_123, %lt3A_129 : i32
        %ne3A_131 = arith.xori %lt3A_128, %lt3A_130 : i1
        %and3A_132 = arith.andi %ne3A_131, %ne3A_126 : i1
        %add3A_133 = arith.addi %rem3A_124, %select_n3A_123 : i32
        %select_n3A_134 = arith.select %and3A_132, %add3A_133, %rem3A_124 : i32
        %eq3A_135 = arith.constant 0 : i32
        %eq3A_136 = arith.cmpi eq, %select_n3A_134, %eq3A_135 : i32
        %convert_element_type3A_137 = arith.extui %eq3A_136 : i1 to i32
        %cond3A_138 = arith.constant 0 : i32
        %cond3A_139 = arith.cmpi ne, %convert_element_type3A_137, %cond3A_138 : i32
        scf.if %cond3A_139 {
          %dma_start3A_209 = arith.constant 0 : i32
          %dma_start3A_210 = arith.constant 0 : i32
          %dma_start3A_211 = tpu.memref_slice %arg8[%dma_start3A_209, %dma_start3A_210] : memref<10112x128xf32, #tpu.memory_space<vmem_shared>> -> memref<10112x128xf32, #tpu.memory_space<vmem_shared>>
          tpu.enqueue_indirect_dma source(%arg16 : memref<80x128xf32, #tpu.memory_space<vmem>>) target(%dma_start3A_211 : memref<10112x128xf32, #tpu.memory_space<vmem_shared>>) offsets(%arg11 : memref<80xi32, #tpu.memory_space<vmem>>) semaphore(%arg24 : memref<!tpu.dma_semaphore, #tpu.memory_space<semaphore_mem>>) {add = true}
        } else {
        }
        %jit3A_140 = arith.constant 4 : i32
        %eq3A_141 = arith.constant 0 : i32
        %eq3A_142 = arith.cmpi eq, %jit3A_140, %eq3A_141 : i32
        %jit3A_143 = arith.constant 1 : i32
        %select_n3A_144 = arith.select %eq3A_142, %jit3A_143, %jit3A_140 : i32
        %rem3A_145 = arith.remsi %add3A_98, %select_n3A_144 : i32
        %ne3A_146 = arith.constant 0 : i32
        %ne3A_147 = arith.cmpi ne, %rem3A_145, %ne3A_146 : i32
        %lt3A_148 = arith.constant 0 : i32
        %lt3A_149 = arith.cmpi slt, %rem3A_145, %lt3A_148 : i32
        %lt3A_150 = arith.constant 0 : i32
        %lt3A_151 = arith.cmpi slt, %select_n3A_144, %lt3A_150 : i32
        %ne3A_152 = arith.xori %lt3A_149, %lt3A_151 : i1
        %and3A_153 = arith.andi %ne3A_152, %ne3A_147 : i1
        %add3A_154 = arith.addi %rem3A_145, %select_n3A_144 : i32
        %select_n3A_155 = arith.select %and3A_153, %add3A_154, %rem3A_145 : i32
        %eq3A_156 = arith.constant 1 : i32
        %eq3A_157 = arith.cmpi eq, %select_n3A_155, %eq3A_156 : i32
        %convert_element_type3A_158 = arith.extui %eq3A_157 : i1 to i32
        %cond3A_159 = arith.constant 0 : i32
        %cond3A_160 = arith.cmpi ne, %convert_element_type3A_158, %cond3A_159 : i32
        scf.if %cond3A_160 {
          %dma_start3A_209 = arith.constant 0 : i32
          %dma_start3A_210 = arith.constant 0 : i32
          %dma_start3A_211 = tpu.memref_slice %arg8[%dma_start3A_209, %dma_start3A_210] : memref<10112x128xf32, #tpu.memory_space<vmem_shared>> -> memref<10112x128xf32, #tpu.memory_space<vmem_shared>>
          tpu.enqueue_indirect_dma source(%arg16 : memref<80x128xf32, #tpu.memory_space<vmem>>) target(%dma_start3A_211 : memref<10112x128xf32, #tpu.memory_space<vmem_shared>>) offsets(%arg12 : memref<80xi32, #tpu.memory_space<vmem>>) semaphore(%arg24 : memref<!tpu.dma_semaphore, #tpu.memory_space<semaphore_mem>>) {add = true}
        } else {
        }
        %jit3A_161 = arith.constant 4 : i32
        %eq3A_162 = arith.constant 0 : i32
        %eq3A_163 = arith.cmpi eq, %jit3A_161, %eq3A_162 : i32
        %jit3A_164 = arith.constant 1 : i32
        %select_n3A_165 = arith.select %eq3A_163, %jit3A_164, %jit3A_161 : i32
        %rem3A_166 = arith.remsi %add3A_98, %select_n3A_165 : i32
        %ne3A_167 = arith.constant 0 : i32
        %ne3A_168 = arith.cmpi ne, %rem3A_166, %ne3A_167 : i32
        %lt3A_169 = arith.constant 0 : i32
        %lt3A_170 = arith.cmpi slt, %rem3A_166, %lt3A_169 : i32
        %lt3A_171 = arith.constant 0 : i32
        %lt3A_172 = arith.cmpi slt, %select_n3A_165, %lt3A_171 : i32
        %ne3A_173 = arith.xori %lt3A_170, %lt3A_172 : i1
        %and3A_174 = arith.andi %ne3A_173, %ne3A_168 : i1
        %add3A_175 = arith.addi %rem3A_166, %select_n3A_165 : i32
        %select_n3A_176 = arith.select %and3A_174, %add3A_175, %rem3A_166 : i32
        %eq3A_177 = arith.constant 2 : i32
        %eq3A_178 = arith.cmpi eq, %select_n3A_176, %eq3A_177 : i32
        %convert_element_type3A_179 = arith.extui %eq3A_178 : i1 to i32
        %cond3A_180 = arith.constant 0 : i32
        %cond3A_181 = arith.cmpi ne, %convert_element_type3A_179, %cond3A_180 : i32
        scf.if %cond3A_181 {
          %dma_start3A_209 = arith.constant 0 : i32
          %dma_start3A_210 = arith.constant 0 : i32
          %dma_start3A_211 = tpu.memref_slice %arg8[%dma_start3A_209, %dma_start3A_210] : memref<10112x128xf32, #tpu.memory_space<vmem_shared>> -> memref<10112x128xf32, #tpu.memory_space<vmem_shared>>
          tpu.enqueue_indirect_dma source(%arg16 : memref<80x128xf32, #tpu.memory_space<vmem>>) target(%dma_start3A_211 : memref<10112x128xf32, #tpu.memory_space<vmem_shared>>) offsets(%arg13 : memref<80xi32, #tpu.memory_space<vmem>>) semaphore(%arg24 : memref<!tpu.dma_semaphore, #tpu.memory_space<semaphore_mem>>) {add = true}
        } else {
        }
        %jit3A_182 = arith.constant 4 : i32
        %eq3A_183 = arith.constant 0 : i32
        %eq3A_184 = arith.cmpi eq, %jit3A_182, %eq3A_183 : i32
        %jit3A_185 = arith.constant 1 : i32
        %select_n3A_186 = arith.select %eq3A_184, %jit3A_185, %jit3A_182 : i32
        %rem3A_187 = arith.remsi %add3A_98, %select_n3A_186 : i32
        %ne3A_188 = arith.constant 0 : i32
        %ne3A_189 = arith.cmpi ne, %rem3A_187, %ne3A_188 : i32
        %lt3A_190 = arith.constant 0 : i32
        %lt3A_191 = arith.cmpi slt, %rem3A_187, %lt3A_190 : i32
        %lt3A_192 = arith.constant 0 : i32
        %lt3A_193 = arith.cmpi slt, %select_n3A_186, %lt3A_192 : i32
        %ne3A_194 = arith.xori %lt3A_191, %lt3A_193 : i1
        %and3A_195 = arith.andi %ne3A_194, %ne3A_189 : i1
        %add3A_196 = arith.addi %rem3A_187, %select_n3A_186 : i32
        %select_n3A_197 = arith.select %and3A_195, %add3A_196, %rem3A_187 : i32
        %eq3A_198 = arith.constant 3 : i32
        %eq3A_199 = arith.cmpi eq, %select_n3A_197, %eq3A_198 : i32
        %convert_element_type3A_200 = arith.extui %eq3A_199 : i1 to i32
        %cond3A_201 = arith.constant 0 : i32
        %cond3A_202 = arith.cmpi ne, %convert_element_type3A_200, %cond3A_201 : i32
        scf.if %cond3A_202 {
          %dma_start3A_209 = arith.constant 0 : i32
          %dma_start3A_210 = arith.constant 0 : i32
          %dma_start3A_211 = tpu.memref_slice %arg8[%dma_start3A_209, %dma_start3A_210] : memref<10112x128xf32, #tpu.memory_space<vmem_shared>> -> memref<10112x128xf32, #tpu.memory_space<vmem_shared>>
          tpu.enqueue_indirect_dma source(%arg16 : memref<80x128xf32, #tpu.memory_space<vmem>>) target(%dma_start3A_211 : memref<10112x128xf32, #tpu.memory_space<vmem_shared>>) offsets(%arg14 : memref<80xi32, #tpu.memory_space<vmem>>) semaphore(%arg24 : memref<!tpu.dma_semaphore, #tpu.memory_space<semaphore_mem>>) {add = true}
        } else {
        }
        %add3A_203 = arith.constant 2 : i32
        %add3A_204 = arith.addi %add3A_98, %add3A_203 : i32
        %lt3A_205 = arith.cmpi slt, %add3A_204, %add3A_8 : i32
        %convert_element_type3A_206 = arith.extui %lt3A_205 : i1 to i32
        %cond3A_207 = arith.constant 0 : i32
        %cond3A_208 = arith.cmpi ne, %convert_element_type3A_206, %cond3A_207 : i32
        scf.if %cond3A_208 {
          %add3A_209 = arith.constant 2 : i32
          %add3A_210 = arith.addi %add3A_98, %add3A_209 : i32
          %add3A_211 = arith.constant 2000 : i32
          %add3A_212 = arith.addi %add3A_211, %add3A_4 : i32
          %add3A_213 = arith.addi %add3A_212, %add3A_210 : i32
          %mul3A_214 = arith.constant 80 : i32
          %mul3A_215 = arith.muli %add3A_213, %mul3A_214 : i32
          %dma_start3A_216 = tpu.memref_slice %arg2[%mul3A_215] : memref<320000xi32, #tpu.memory_space<hbm>> -> memref<80xi32, #tpu.memory_space<hbm>>
          %dma_start3A_217 = tpu.memref_slice %arg2[%mul3A_215] : memref<320000xi32, #tpu.memory_space<hbm>> -> memref<80xi32, #tpu.memory_space<hbm>>
          tpu.enqueue_dma source(%dma_start3A_217 : memref<80xi32, #tpu.memory_space<hbm>>) target(%arg10 : memref<80xi32, #tpu.memory_space<vmem>>) target_semaphore(%arg20 : memref<!tpu.dma_semaphore, #tpu.memory_space<semaphore_mem>>)
          %jit3A_218 = arith.constant 4 : i32
          %eq3A_219 = arith.constant 0 : i32
          %eq3A_220 = arith.cmpi eq, %jit3A_218, %eq3A_219 : i32
          %jit3A_221 = arith.constant 1 : i32
          %select_n3A_222 = arith.select %eq3A_220, %jit3A_221, %jit3A_218 : i32
          %rem3A_223 = arith.remsi %add3A_210, %select_n3A_222 : i32
          %ne3A_224 = arith.constant 0 : i32
          %ne3A_225 = arith.cmpi ne, %rem3A_223, %ne3A_224 : i32
          %lt3A_226 = arith.constant 0 : i32
          %lt3A_227 = arith.cmpi slt, %rem3A_223, %lt3A_226 : i32
          %lt3A_228 = arith.constant 0 : i32
          %lt3A_229 = arith.cmpi slt, %select_n3A_222, %lt3A_228 : i32
          %ne3A_230 = arith.xori %lt3A_227, %lt3A_229 : i1
          %and3A_231 = arith.andi %ne3A_230, %ne3A_225 : i1
          %add3A_232 = arith.addi %rem3A_223, %select_n3A_222 : i32
          %select_n3A_233 = arith.select %and3A_231, %add3A_232, %rem3A_223 : i32
          %eq3A_234 = arith.constant 0 : i32
          %eq3A_235 = arith.cmpi eq, %select_n3A_233, %eq3A_234 : i32
          %convert_element_type3A_236 = arith.extui %eq3A_235 : i1 to i32
          %cond3A_237 = arith.constant 0 : i32
          %cond3A_238 = arith.cmpi ne, %convert_element_type3A_236, %cond3A_237 : i32
          scf.if %cond3A_238 {
            %dma_start3A_302 = tpu.memref_slice %arg3[%mul3A_215] : memref<320000xi32, #tpu.memory_space<hbm>> -> memref<80xi32, #tpu.memory_space<hbm>>
            %dma_start3A_303 = tpu.memref_slice %arg3[%mul3A_215] : memref<320000xi32, #tpu.memory_space<hbm>> -> memref<80xi32, #tpu.memory_space<hbm>>
            tpu.enqueue_dma source(%dma_start3A_303 : memref<80xi32, #tpu.memory_space<hbm>>) target(%arg11 : memref<80xi32, #tpu.memory_space<vmem>>) target_semaphore(%arg20 : memref<!tpu.dma_semaphore, #tpu.memory_space<semaphore_mem>>)
          } else {
          }
          %jit3A_239 = arith.constant 4 : i32
          %eq3A_240 = arith.constant 0 : i32
          %eq3A_241 = arith.cmpi eq, %jit3A_239, %eq3A_240 : i32
          %jit3A_242 = arith.constant 1 : i32
          %select_n3A_243 = arith.select %eq3A_241, %jit3A_242, %jit3A_239 : i32
          %rem3A_244 = arith.remsi %add3A_210, %select_n3A_243 : i32
          %ne3A_245 = arith.constant 0 : i32
          %ne3A_246 = arith.cmpi ne, %rem3A_244, %ne3A_245 : i32
          %lt3A_247 = arith.constant 0 : i32
          %lt3A_248 = arith.cmpi slt, %rem3A_244, %lt3A_247 : i32
          %lt3A_249 = arith.constant 0 : i32
          %lt3A_250 = arith.cmpi slt, %select_n3A_243, %lt3A_249 : i32
          %ne3A_251 = arith.xori %lt3A_248, %lt3A_250 : i1
          %and3A_252 = arith.andi %ne3A_251, %ne3A_246 : i1
          %add3A_253 = arith.addi %rem3A_244, %select_n3A_243 : i32
          %select_n3A_254 = arith.select %and3A_252, %add3A_253, %rem3A_244 : i32
          %eq3A_255 = arith.constant 1 : i32
          %eq3A_256 = arith.cmpi eq, %select_n3A_254, %eq3A_255 : i32
          %convert_element_type3A_257 = arith.extui %eq3A_256 : i1 to i32
          %cond3A_258 = arith.constant 0 : i32
          %cond3A_259 = arith.cmpi ne, %convert_element_type3A_257, %cond3A_258 : i32
          scf.if %cond3A_259 {
            %dma_start3A_302 = tpu.memref_slice %arg3[%mul3A_215] : memref<320000xi32, #tpu.memory_space<hbm>> -> memref<80xi32, #tpu.memory_space<hbm>>
            %dma_start3A_303 = tpu.memref_slice %arg3[%mul3A_215] : memref<320000xi32, #tpu.memory_space<hbm>> -> memref<80xi32, #tpu.memory_space<hbm>>
            tpu.enqueue_dma source(%dma_start3A_303 : memref<80xi32, #tpu.memory_space<hbm>>) target(%arg12 : memref<80xi32, #tpu.memory_space<vmem>>) target_semaphore(%arg20 : memref<!tpu.dma_semaphore, #tpu.memory_space<semaphore_mem>>)
          } else {
          }
          %jit3A_260 = arith.constant 4 : i32
          %eq3A_261 = arith.constant 0 : i32
          %eq3A_262 = arith.cmpi eq, %jit3A_260, %eq3A_261 : i32
          %jit3A_263 = arith.constant 1 : i32
          %select_n3A_264 = arith.select %eq3A_262, %jit3A_263, %jit3A_260 : i32
          %rem3A_265 = arith.remsi %add3A_210, %select_n3A_264 : i32
          %ne3A_266 = arith.constant 0 : i32
          %ne3A_267 = arith.cmpi ne, %rem3A_265, %ne3A_266 : i32
          %lt3A_268 = arith.constant 0 : i32
          %lt3A_269 = arith.cmpi slt, %rem3A_265, %lt3A_268 : i32
          %lt3A_270 = arith.constant 0 : i32
          %lt3A_271 = arith.cmpi slt, %select_n3A_264, %lt3A_270 : i32
          %ne3A_272 = arith.xori %lt3A_269, %lt3A_271 : i1
          %and3A_273 = arith.andi %ne3A_272, %ne3A_267 : i1
          %add3A_274 = arith.addi %rem3A_265, %select_n3A_264 : i32
          %select_n3A_275 = arith.select %and3A_273, %add3A_274, %rem3A_265 : i32
          %eq3A_276 = arith.constant 2 : i32
          %eq3A_277 = arith.cmpi eq, %select_n3A_275, %eq3A_276 : i32
          %convert_element_type3A_278 = arith.extui %eq3A_277 : i1 to i32
          %cond3A_279 = arith.constant 0 : i32
          %cond3A_280 = arith.cmpi ne, %convert_element_type3A_278, %cond3A_279 : i32
          scf.if %cond3A_280 {
            %dma_start3A_302 = tpu.memref_slice %arg3[%mul3A_215] : memref<320000xi32, #tpu.memory_space<hbm>> -> memref<80xi32, #tpu.memory_space<hbm>>
            %dma_start3A_303 = tpu.memref_slice %arg3[%mul3A_215] : memref<320000xi32, #tpu.memory_space<hbm>> -> memref<80xi32, #tpu.memory_space<hbm>>
            tpu.enqueue_dma source(%dma_start3A_303 : memref<80xi32, #tpu.memory_space<hbm>>) target(%arg13 : memref<80xi32, #tpu.memory_space<vmem>>) target_semaphore(%arg20 : memref<!tpu.dma_semaphore, #tpu.memory_space<semaphore_mem>>)
          } else {
          }
          %jit3A_281 = arith.constant 4 : i32
          %eq3A_282 = arith.constant 0 : i32
          %eq3A_283 = arith.cmpi eq, %jit3A_281, %eq3A_282 : i32
          %jit3A_284 = arith.constant 1 : i32
          %select_n3A_285 = arith.select %eq3A_283, %jit3A_284, %jit3A_281 : i32
          %rem3A_286 = arith.remsi %add3A_210, %select_n3A_285 : i32
          %ne3A_287 = arith.constant 0 : i32
          %ne3A_288 = arith.cmpi ne, %rem3A_286, %ne3A_287 : i32
          %lt3A_289 = arith.constant 0 : i32
          %lt3A_290 = arith.cmpi slt, %rem3A_286, %lt3A_289 : i32
          %lt3A_291 = arith.constant 0 : i32
          %lt3A_292 = arith.cmpi slt, %select_n3A_285, %lt3A_291 : i32
          %ne3A_293 = arith.xori %lt3A_290, %lt3A_292 : i1
          %and3A_294 = arith.andi %ne3A_293, %ne3A_288 : i1
          %add3A_295 = arith.addi %rem3A_286, %select_n3A_285 : i32
          %select_n3A_296 = arith.select %and3A_294, %add3A_295, %rem3A_286 : i32
          %eq3A_297 = arith.constant 3 : i32
          %eq3A_298 = arith.cmpi eq, %select_n3A_296, %eq3A_297 : i32
          %convert_element_type3A_299 = arith.extui %eq3A_298 : i1 to i32
          %cond3A_300 = arith.constant 0 : i32
          %cond3A_301 = arith.cmpi ne, %convert_element_type3A_299, %cond3A_300 : i32
          scf.if %cond3A_301 {
            %dma_start3A_302 = tpu.memref_slice %arg3[%mul3A_215] : memref<320000xi32, #tpu.memory_space<hbm>> -> memref<80xi32, #tpu.memory_space<hbm>>
            %dma_start3A_303 = tpu.memref_slice %arg3[%mul3A_215] : memref<320000xi32, #tpu.memory_space<hbm>> -> memref<80xi32, #tpu.memory_space<hbm>>
            tpu.enqueue_dma source(%dma_start3A_303 : memref<80xi32, #tpu.memory_space<hbm>>) target(%arg14 : memref<80xi32, #tpu.memory_space<vmem>>) target_semaphore(%arg20 : memref<!tpu.dma_semaphore, #tpu.memory_space<semaphore_mem>>)
          } else {
          }
        } else {
        }
      } else {
      }
    }
    %while3A_72 = arith.constant 1 : i32
    scf.for %while3A_86 = %while3A_70 to %while3A_66 step %while3A_72  : i32 {
      %mul3A_87 = arith.constant 2 : i32
      %mul3A_88 = arith.muli %while3A_86, %mul3A_87 : i32
      %add3A_89 = arith.constant 0 : i32
      %add3A_90 = arith.addi %mul3A_88, %add3A_89 : i32
      %lt3A_91 = arith.cmpi slt, %add3A_90, %add3A_8 : i32
      %convert_element_type3A_92 = arith.extui %lt3A_91 : i1 to i32
      %cond3A_93 = arith.constant 0 : i32
      %cond3A_94 = arith.cmpi ne, %convert_element_type3A_92, %cond3A_93 : i32
      scf.if %cond3A_94 {
        %add3A_103 = arith.constant 1 : i32
        %add3A_104 = arith.addi %add3A_90, %add3A_103 : i32
        %lt3A_105 = arith.cmpi slt, %add3A_104, %add3A_8 : i32
        %convert_element_type3A_106 = arith.extui %lt3A_105 : i1 to i32
        %cond3A_107 = arith.constant 0 : i32
        %cond3A_108 = arith.cmpi ne, %convert_element_type3A_106, %cond3A_107 : i32
        scf.if %cond3A_108 {
          %ge3A = arith.constant 1 : i32
          %ge3A_209 = arith.cmpi sge, %add3A_90, %ge3A : i32
          %convert_element_type3A_210 = arith.extui %ge3A_209 : i1 to i32
          %cond3A_211 = arith.constant 0 : i32
          %cond3A_212 = arith.cmpi ne, %convert_element_type3A_210, %cond3A_211 : i32
          scf.if %cond3A_212 {
            %dma_wait3A_233 = arith.constant 0 : i32
            %dma_wait3A_234 = arith.constant 0 : i32
            %dma_wait3A_235 = tpu.memref_slice %arg8[%dma_wait3A_233, %dma_wait3A_234] : memref<10112x128xf32, #tpu.memory_space<vmem_shared>> -> memref<10112x128xf32, #tpu.memory_space<vmem_shared>>
            tpu.wait_indirect_dma semaphore(%arg24 : memref<!tpu.dma_semaphore, #tpu.memory_space<semaphore_mem>>) src(%arg16 : memref<80x128xf32, #tpu.memory_space<vmem>>) dst(%dma_wait3A_235 : memref<10112x128xf32, #tpu.memory_space<vmem_shared>>)
          } else {
          }
          %dma_wait3A_213 = arith.constant 0 : i32
          %dma_wait3A_214 = tpu.memref_slice %arg2[%dma_wait3A_213] : memref<320000xi32, #tpu.memory_space<hbm>> -> memref<80xi32, #tpu.memory_space<hbm>>
          %dma_wait3A_215 = arith.constant 0 : i32
          %dma_wait3A_216 = tpu.memref_slice %arg2[%dma_wait3A_215] : memref<320000xi32, #tpu.memory_space<hbm>> -> memref<80xi32, #tpu.memory_space<hbm>>
          tpu.wait_dma2 semaphore(%arg20 : memref<!tpu.dma_semaphore, #tpu.memory_space<semaphore_mem>>) src(%dma_wait3A_216 : memref<80xi32, #tpu.memory_space<hbm>>) dst(%arg10 : memref<80xi32, #tpu.memory_space<vmem>>)
          %dma_wait3A_217 = arith.constant 0 : i32
          %dma_wait3A_218 = tpu.memref_slice %arg3[%dma_wait3A_217] : memref<320000xi32, #tpu.memory_space<hbm>> -> memref<80xi32, #tpu.memory_space<hbm>>
          %dma_wait3A_219 = arith.constant 0 : i32
          %dma_wait3A_220 = tpu.memref_slice %arg3[%dma_wait3A_219] : memref<320000xi32, #tpu.memory_space<hbm>> -> memref<80xi32, #tpu.memory_space<hbm>>
          tpu.wait_dma2 semaphore(%arg20 : memref<!tpu.dma_semaphore, #tpu.memory_space<semaphore_mem>>) src(%dma_wait3A_220 : memref<80xi32, #tpu.memory_space<hbm>>) dst(%arg11 : memref<80xi32, #tpu.memory_space<vmem>>)
          %add3A_221 = arith.constant 1 : i32
          %add3A_222 = arith.addi %add3A_90, %add3A_221 : i32
          %add3A_223 = arith.addi %add3A_4, %add3A_222 : i32
          %mul3A_224 = arith.constant 80 : i32
          %mul3A_225 = arith.muli %add3A_223, %mul3A_224 : i32
          %dma_start3A_226 = arith.constant 0 : i32
          %dma_start3A_227 = arith.constant 0 : i32
          %dma_start3A_228 = tpu.memref_slice %arg4[%dma_start3A_226, %dma_start3A_227] : memref<10000x128xf32, #tpu.memory_space<hbm>> -> memref<10000x128xf32, #tpu.memory_space<hbm>>
          tpu.enqueue_indirect_dma source(%dma_start3A_228 : memref<10000x128xf32, #tpu.memory_space<hbm>>) target(%arg16 : memref<80x128xf32, #tpu.memory_space<vmem>>) offsets(%arg10 : memref<80xi32, #tpu.memory_space<vmem>>) semaphore(%arg22 : memref<!tpu.dma_semaphore, #tpu.memory_space<semaphore_mem>>)
          %dma_start3A_229 = arith.constant 0 : i32
          %dma_start3A_230 = tpu.memref_slice %arg5[%mul3A_225, %dma_start3A_229] : memref<160000x128xf32, #tpu.memory_space<hbm>> -> memref<80x128xf32, #tpu.memory_space<hbm>>
          %dma_start3A_231 = arith.constant 0 : i32
          %dma_start3A_232 = tpu.memref_slice %arg5[%mul3A_225, %dma_start3A_231] : memref<160000x128xf32, #tpu.memory_space<hbm>> -> memref<80x128xf32, #tpu.memory_space<hbm>>
          tpu.enqueue_dma source(%dma_start3A_232 : memref<80x128xf32, #tpu.memory_space<hbm>>) target(%arg18 : memref<80x128xf32, #tpu.memory_space<vmem>>) target_semaphore(%arg22 : memref<!tpu.dma_semaphore, #tpu.memory_space<semaphore_mem>>)
        } else {
        }
        %dma_wait3A_109 = arith.constant 0 : i32
        %dma_wait3A_110 = arith.constant 0 : i32
        %dma_wait3A_111 = tpu.memref_slice %arg4[%dma_wait3A_109, %dma_wait3A_110] : memref<10000x128xf32, #tpu.memory_space<hbm>> -> memref<10000x128xf32, #tpu.memory_space<hbm>>
        tpu.wait_indirect_dma semaphore(%arg21 : memref<!tpu.dma_semaphore, #tpu.memory_space<semaphore_mem>>) src(%dma_wait3A_111 : memref<10000x128xf32, #tpu.memory_space<hbm>>) dst(%arg15 : memref<80x128xf32, #tpu.memory_space<vmem>>)
        %dma_wait3A_112 = arith.constant 0 : i32
        %dma_wait3A_113 = arith.constant 0 : i32
        %dma_wait3A_114 = tpu.memref_slice %arg5[%dma_wait3A_112, %dma_wait3A_113] : memref<160000x128xf32, #tpu.memory_space<hbm>> -> memref<80x128xf32, #tpu.memory_space<hbm>>
        %dma_wait3A_115 = arith.constant 0 : i32
        %dma_wait3A_116 = arith.constant 0 : i32
        %dma_wait3A_117 = tpu.memref_slice %arg5[%dma_wait3A_115, %dma_wait3A_116] : memref<160000x128xf32, #tpu.memory_space<hbm>> -> memref<80x128xf32, #tpu.memory_space<hbm>>
        tpu.wait_dma2 semaphore(%arg21 : memref<!tpu.dma_semaphore, #tpu.memory_space<semaphore_mem>>) src(%dma_wait3A_117 : memref<80x128xf32, #tpu.memory_space<hbm>>) dst(%arg17 : memref<80x128xf32, #tpu.memory_space<vmem>>)
        %parallel_loop3A = arith.constant 0 : i32
        %parallel_loop3A_118 = arith.constant 80 : i32
        %parallel_loop3A_119 = arith.constant 1 : i32
        scf.for %parallel_loop3A_209 = %parallel_loop3A to %parallel_loop3A_118 step %parallel_loop3A_119  : i32 {
          %parallel_loop3A_210 = arith.index_cast %parallel_loop3A_209 : i32 to index
          %parallel_loop3A_211 = arith.constant 0 : index
          %parallel_loop3A_212 = tpu.vector_load %arg15[%parallel_loop3A_210, %parallel_loop3A_211] {strides = array<i32>} : memref<80x128xf32, #tpu.memory_space<vmem>>, vector<1x16xf32>,
          %parallel_loop3A_213 = vector.shape_cast %parallel_loop3A_212 : vector<1x16xf32> to vector<16xf32>
          %parallel_loop3A_214 = arith.index_cast %parallel_loop3A_209 : i32 to index
          %parallel_loop3A_215 = arith.constant 0 : index
          %parallel_loop3A_216 = tpu.vector_load %arg17[%parallel_loop3A_214, %parallel_loop3A_215] {strides = array<i32>} : memref<80x128xf32, #tpu.memory_space<vmem>>, vector<1x16xf32>,
          %parallel_loop3A_217 = vector.shape_cast %parallel_loop3A_216 : vector<1x16xf32> to vector<16xf32>
          %parallel_loop3A_218 = arith.addf %parallel_loop3A_213, %parallel_loop3A_217 : vector<16xf32>
          %parallel_loop3A_219 = arith.constant 0.000000e+00 : f32
          %parallel_loop3A_220 = vector.broadcast %parallel_loop3A_219 : f32 to vector<16xf32>
          %parallel_loop3A_221 = arith.maximumf %parallel_loop3A_218, %parallel_loop3A_220 : vector<16xf32>
          %parallel_loop3A_222 = arith.index_cast %parallel_loop3A_209 : i32 to index
          %parallel_loop3A_223 = arith.constant 0 : index
          %parallel_loop3A_224 = tpu.vector_load %arg15[%parallel_loop3A_222, %parallel_loop3A_223] {strides = array<i32>} : memref<80x128xf32, #tpu.memory_space<vmem>>, vector<1x16xf32>,
          %parallel_loop3A_225 = vector.shape_cast %parallel_loop3A_224 : vector<1x16xf32> to vector<16xf32>
          %parallel_loop3A_226 = vector.shape_cast %parallel_loop3A_221 : vector<16xf32> to vector<1x16xf32>
          tpu.vector_store %arg15[%parallel_loop3A_222, %parallel_loop3A_223], %parallel_loop3A_226 {strides = array<i32>} : memref<80x128xf32, #tpu.memory_space<vmem>>, vector<1x16xf32>,
          %parallel_loop3A_227 = arith.index_cast %parallel_loop3A_209 : i32 to index
          %parallel_loop3A_228 = arith.constant 16 : index
          %parallel_loop3A_229 = tpu.vector_load %arg15[%parallel_loop3A_227, %parallel_loop3A_228] {strides = array<i32>} : memref<80x128xf32, #tpu.memory_space<vmem>>, vector<1x16xf32>,
          %parallel_loop3A_230 = vector.shape_cast %parallel_loop3A_229 : vector<1x16xf32> to vector<16xf32>
          %parallel_loop3A_231 = arith.index_cast %parallel_loop3A_209 : i32 to index
          %parallel_loop3A_232 = arith.constant 16 : index
          %parallel_loop3A_233 = tpu.vector_load %arg17[%parallel_loop3A_231, %parallel_loop3A_232] {strides = array<i32>} : memref<80x128xf32, #tpu.memory_space<vmem>>, vector<1x16xf32>,
          %parallel_loop3A_234 = vector.shape_cast %parallel_loop3A_233 : vector<1x16xf32> to vector<16xf32>
          %parallel_loop3A_235 = arith.addf %parallel_loop3A_230, %parallel_loop3A_234 : vector<16xf32>
          %parallel_loop3A_236 = arith.constant 0.000000e+00 : f32
          %parallel_loop3A_237 = vector.broadcast %parallel_loop3A_236 : f32 to vector<16xf32>
          %parallel_loop3A_238 = arith.maximumf %parallel_loop3A_235, %parallel_loop3A_237 : vector<16xf32>
          %parallel_loop3A_239 = arith.index_cast %parallel_loop3A_209 : i32 to index
          %parallel_loop3A_240 = arith.constant 16 : index
          %parallel_loop3A_241 = tpu.vector_load %arg15[%parallel_loop3A_239, %parallel_loop3A_240] {strides = array<i32>} : memref<80x128xf32, #tpu.memory_space<vmem>>, vector<1x16xf32>,
          %parallel_loop3A_242 = vector.shape_cast %parallel_loop3A_241 : vector<1x16xf32> to vector<16xf32>
          %parallel_loop3A_243 = vector.shape_cast %parallel_loop3A_238 : vector<16xf32> to vector<1x16xf32>
          tpu.vector_store %arg15[%parallel_loop3A_239, %parallel_loop3A_240], %parallel_loop3A_243 {strides = array<i32>} : memref<80x128xf32, #tpu.memory_space<vmem>>, vector<1x16xf32>,
          %parallel_loop3A_244 = arith.index_cast %parallel_loop3A_209 : i32 to index
          %parallel_loop3A_245 = arith.constant 32 : index
          %parallel_loop3A_246 = tpu.vector_load %arg15[%parallel_loop3A_244, %parallel_loop3A_245] {strides = array<i32>} : memref<80x128xf32, #tpu.memory_space<vmem>>, vector<1x16xf32>,
          %parallel_loop3A_247 = vector.shape_cast %parallel_loop3A_246 : vector<1x16xf32> to vector<16xf32>
          %parallel_loop3A_248 = arith.index_cast %parallel_loop3A_209 : i32 to index
          %parallel_loop3A_249 = arith.constant 32 : index
          %parallel_loop3A_250 = tpu.vector_load %arg17[%parallel_loop3A_248, %parallel_loop3A_249] {strides = array<i32>} : memref<80x128xf32, #tpu.memory_space<vmem>>, vector<1x16xf32>,
          %parallel_loop3A_251 = vector.shape_cast %parallel_loop3A_250 : vector<1x16xf32> to vector<16xf32>
          %parallel_loop3A_252 = arith.addf %parallel_loop3A_247, %parallel_loop3A_251 : vector<16xf32>
          %parallel_loop3A_253 = arith.constant 0.000000e+00 : f32
          %parallel_loop3A_254 = vector.broadcast %parallel_loop3A_253 : f32 to vector<16xf32>
          %parallel_loop3A_255 = arith.maximumf %parallel_loop3A_252, %parallel_loop3A_254 : vector<16xf32>
          %parallel_loop3A_256 = arith.index_cast %parallel_loop3A_209 : i32 to index
          %parallel_loop3A_257 = arith.constant 32 : index
          %parallel_loop3A_258 = tpu.vector_load %arg15[%parallel_loop3A_256, %parallel_loop3A_257] {strides = array<i32>} : memref<80x128xf32, #tpu.memory_space<vmem>>, vector<1x16xf32>,
          %parallel_loop3A_259 = vector.shape_cast %parallel_loop3A_258 : vector<1x16xf32> to vector<16xf32>
          %parallel_loop3A_260 = vector.shape_cast %parallel_loop3A_255 : vector<16xf32> to vector<1x16xf32>
          tpu.vector_store %arg15[%parallel_loop3A_256, %parallel_loop3A_257], %parallel_loop3A_260 {strides = array<i32>} : memref<80x128xf32, #tpu.memory_space<vmem>>, vector<1x16xf32>,
          %parallel_loop3A_261 = arith.index_cast %parallel_loop3A_209 : i32 to index
          %parallel_loop3A_262 = arith.constant 48 : index
          %parallel_loop3A_263 = tpu.vector_load %arg15[%parallel_loop3A_261, %parallel_loop3A_262] {strides = array<i32>} : memref<80x128xf32, #tpu.memory_space<vmem>>, vector<1x16xf32>,
          %parallel_loop3A_264 = vector.shape_cast %parallel_loop3A_263 : vector<1x16xf32> to vector<16xf32>
          %parallel_loop3A_265 = arith.index_cast %parallel_loop3A_209 : i32 to index
          %parallel_loop3A_266 = arith.constant 48 : index
          %parallel_loop3A_267 = tpu.vector_load %arg17[%parallel_loop3A_265, %parallel_loop3A_266] {strides = array<i32>} : memref<80x128xf32, #tpu.memory_space<vmem>>, vector<1x16xf32>,
          %parallel_loop3A_268 = vector.shape_cast %parallel_loop3A_267 : vector<1x16xf32> to vector<16xf32>
          %parallel_loop3A_269 = arith.addf %parallel_loop3A_264, %parallel_loop3A_268 : vector<16xf32>
          %parallel_loop3A_270 = arith.constant 0.000000e+00 : f32
          %parallel_loop3A_271 = vector.broadcast %parallel_loop3A_270 : f32 to vector<16xf32>
          %parallel_loop3A_272 = arith.maximumf %parallel_loop3A_269, %parallel_loop3A_271 : vector<16xf32>
          %parallel_loop3A_273 = arith.index_cast %parallel_loop3A_209 : i32 to index
          %parallel_loop3A_274 = arith.constant 48 : index
          %parallel_loop3A_275 = tpu.vector_load %arg15[%parallel_loop3A_273, %parallel_loop3A_274] {strides = array<i32>} : memref<80x128xf32, #tpu.memory_space<vmem>>, vector<1x16xf32>,
          %parallel_loop3A_276 = vector.shape_cast %parallel_loop3A_275 : vector<1x16xf32> to vector<16xf32>
          %parallel_loop3A_277 = vector.shape_cast %parallel_loop3A_272 : vector<16xf32> to vector<1x16xf32>
          tpu.vector_store %arg15[%parallel_loop3A_273, %parallel_loop3A_274], %parallel_loop3A_277 {strides = array<i32>} : memref<80x128xf32, #tpu.memory_space<vmem>>, vector<1x16xf32>,
          %parallel_loop3A_278 = arith.index_cast %parallel_loop3A_209 : i32 to index
          %parallel_loop3A_279 = arith.constant 64 : index
          %parallel_loop3A_280 = tpu.vector_load %arg15[%parallel_loop3A_278, %parallel_loop3A_279] {strides = array<i32>} : memref<80x128xf32, #tpu.memory_space<vmem>>, vector<1x16xf32>,
          %parallel_loop3A_281 = vector.shape_cast %parallel_loop3A_280 : vector<1x16xf32> to vector<16xf32>
          %parallel_loop3A_282 = arith.index_cast %parallel_loop3A_209 : i32 to index
          %parallel_loop3A_283 = arith.constant 64 : index
          %parallel_loop3A_284 = tpu.vector_load %arg17[%parallel_loop3A_282, %parallel_loop3A_283] {strides = array<i32>} : memref<80x128xf32, #tpu.memory_space<vmem>>, vector<1x16xf32>,
          %parallel_loop3A_285 = vector.shape_cast %parallel_loop3A_284 : vector<1x16xf32> to vector<16xf32>
          %parallel_loop3A_286 = arith.addf %parallel_loop3A_281, %parallel_loop3A_285 : vector<16xf32>
          %parallel_loop3A_287 = arith.constant 0.000000e+00 : f32
          %parallel_loop3A_288 = vector.broadcast %parallel_loop3A_287 : f32 to vector<16xf32>
          %parallel_loop3A_289 = arith.maximumf %parallel_loop3A_286, %parallel_loop3A_288 : vector<16xf32>
          %parallel_loop3A_290 = arith.index_cast %parallel_loop3A_209 : i32 to index
          %parallel_loop3A_291 = arith.constant 64 : index
          %parallel_loop3A_292 = tpu.vector_load %arg15[%parallel_loop3A_290, %parallel_loop3A_291] {strides = array<i32>} : memref<80x128xf32, #tpu.memory_space<vmem>>, vector<1x16xf32>,
          %parallel_loop3A_293 = vector.shape_cast %parallel_loop3A_292 : vector<1x16xf32> to vector<16xf32>
          %parallel_loop3A_294 = vector.shape_cast %parallel_loop3A_289 : vector<16xf32> to vector<1x16xf32>
          tpu.vector_store %arg15[%parallel_loop3A_290, %parallel_loop3A_291], %parallel_loop3A_294 {strides = array<i32>} : memref<80x128xf32, #tpu.memory_space<vmem>>, vector<1x16xf32>,
          %parallel_loop3A_295 = arith.index_cast %parallel_loop3A_209 : i32 to index
          %parallel_loop3A_296 = arith.constant 80 : index
          %parallel_loop3A_297 = tpu.vector_load %arg15[%parallel_loop3A_295, %parallel_loop3A_296] {strides = array<i32>} : memref<80x128xf32, #tpu.memory_space<vmem>>, vector<1x16xf32>,
          %parallel_loop3A_298 = vector.shape_cast %parallel_loop3A_297 : vector<1x16xf32> to vector<16xf32>
          %parallel_loop3A_299 = arith.index_cast %parallel_loop3A_209 : i32 to index
          %parallel_loop3A_300 = arith.constant 80 : index
          %parallel_loop3A_301 = tpu.vector_load %arg17[%parallel_loop3A_299, %parallel_loop3A_300] {strides = array<i32>} : memref<80x128xf32, #tpu.memory_space<vmem>>, vector<1x16xf32>,
          %parallel_loop3A_302 = vector.shape_cast %parallel_loop3A_301 : vector<1x16xf32> to vector<16xf32>
          %parallel_loop3A_303 = arith.addf %parallel_loop3A_298, %parallel_loop3A_302 : vector<16xf32>
          %parallel_loop3A_304 = arith.constant 0.000000e+00 : f32
          %parallel_loop3A_305 = vector.broadcast %parallel_loop3A_304 : f32 to vector<16xf32>
          %parallel_loop3A_306 = arith.maximumf %parallel_loop3A_303, %parallel_loop3A_305 : vector<16xf32>
          %parallel_loop3A_307 = arith.index_cast %parallel_loop3A_209 : i32 to index
          %parallel_loop3A_308 = arith.constant 80 : index
          %parallel_loop3A_309 = tpu.vector_load %arg15[%parallel_loop3A_307, %parallel_loop3A_308] {strides = array<i32>} : memref<80x128xf32, #tpu.memory_space<vmem>>, vector<1x16xf32>,
          %parallel_loop3A_310 = vector.shape_cast %parallel_loop3A_309 : vector<1x16xf32> to vector<16xf32>
          %parallel_loop3A_311 = vector.shape_cast %parallel_loop3A_306 : vector<16xf32> to vector<1x16xf32>
          tpu.vector_store %arg15[%parallel_loop3A_307, %parallel_loop3A_308], %parallel_loop3A_311 {strides = array<i32>} : memref<80x128xf32, #tpu.memory_space<vmem>>, vector<1x16xf32>,
          %parallel_loop3A_312 = arith.index_cast %parallel_loop3A_209 : i32 to index
          %parallel_loop3A_313 = arith.constant 96 : index
          %parallel_loop3A_314 = tpu.vector_load %arg15[%parallel_loop3A_312, %parallel_loop3A_313] {strides = array<i32>} : memref<80x128xf32, #tpu.memory_space<vmem>>, vector<1x16xf32>,
          %parallel_loop3A_315 = vector.shape_cast %parallel_loop3A_314 : vector<1x16xf32> to vector<16xf32>
          %parallel_loop3A_316 = arith.index_cast %parallel_loop3A_209 : i32 to index
          %parallel_loop3A_317 = arith.constant 96 : index
          %parallel_loop3A_318 = tpu.vector_load %arg17[%parallel_loop3A_316, %parallel_loop3A_317] {strides = array<i32>} : memref<80x128xf32, #tpu.memory_space<vmem>>, vector<1x16xf32>,
          %parallel_loop3A_319 = vector.shape_cast %parallel_loop3A_318 : vector<1x16xf32> to vector<16xf32>
          %parallel_loop3A_320 = arith.addf %parallel_loop3A_315, %parallel_loop3A_319 : vector<16xf32>
          %parallel_loop3A_321 = arith.constant 0.000000e+00 : f32
          %parallel_loop3A_322 = vector.broadcast %parallel_loop3A_321 : f32 to vector<16xf32>
          %parallel_loop3A_323 = arith.maximumf %parallel_loop3A_320, %parallel_loop3A_322 : vector<16xf32>
          %parallel_loop3A_324 = arith.index_cast %parallel_loop3A_209 : i32 to index
          %parallel_loop3A_325 = arith.constant 96 : index
          %parallel_loop3A_326 = tpu.vector_load %arg15[%parallel_loop3A_324, %parallel_loop3A_325] {strides = array<i32>} : memref<80x128xf32, #tpu.memory_space<vmem>>, vector<1x16xf32>,
          %parallel_loop3A_327 = vector.shape_cast %parallel_loop3A_326 : vector<1x16xf32> to vector<16xf32>
          %parallel_loop3A_328 = vector.shape_cast %parallel_loop3A_323 : vector<16xf32> to vector<1x16xf32>
          tpu.vector_store %arg15[%parallel_loop3A_324, %parallel_loop3A_325], %parallel_loop3A_328 {strides = array<i32>} : memref<80x128xf32, #tpu.memory_space<vmem>>, vector<1x16xf32>,
          %parallel_loop3A_329 = arith.index_cast %parallel_loop3A_209 : i32 to index
          %parallel_loop3A_330 = arith.constant 112 : index
          %parallel_loop3A_331 = tpu.vector_load %arg15[%parallel_loop3A_329, %parallel_loop3A_330] {strides = array<i32>} : memref<80x128xf32, #tpu.memory_space<vmem>>, vector<1x16xf32>,
          %parallel_loop3A_332 = vector.shape_cast %parallel_loop3A_331 : vector<1x16xf32> to vector<16xf32>
          %parallel_loop3A_333 = arith.index_cast %parallel_loop3A_209 : i32 to index
          %parallel_loop3A_334 = arith.constant 112 : index
          %parallel_loop3A_335 = tpu.vector_load %arg17[%parallel_loop3A_333, %parallel_loop3A_334] {strides = array<i32>} : memref<80x128xf32, #tpu.memory_space<vmem>>, vector<1x16xf32>,
          %parallel_loop3A_336 = vector.shape_cast %parallel_loop3A_335 : vector<1x16xf32> to vector<16xf32>
          %parallel_loop3A_337 = arith.addf %parallel_loop3A_332, %parallel_loop3A_336 : vector<16xf32>
          %parallel_loop3A_338 = arith.constant 0.000000e+00 : f32
          %parallel_loop3A_339 = vector.broadcast %parallel_loop3A_338 : f32 to vector<16xf32>
          %parallel_loop3A_340 = arith.maximumf %parallel_loop3A_337, %parallel_loop3A_339 : vector<16xf32>
          %parallel_loop3A_341 = arith.index_cast %parallel_loop3A_209 : i32 to index
          %parallel_loop3A_342 = arith.constant 112 : index
          %parallel_loop3A_343 = tpu.vector_load %arg15[%parallel_loop3A_341, %parallel_loop3A_342] {strides = array<i32>} : memref<80x128xf32, #tpu.memory_space<vmem>>, vector<1x16xf32>,
          %parallel_loop3A_344 = vector.shape_cast %parallel_loop3A_343 : vector<1x16xf32> to vector<16xf32>
          %parallel_loop3A_345 = vector.shape_cast %parallel_loop3A_340 : vector<16xf32> to vector<1x16xf32>
          tpu.vector_store %arg15[%parallel_loop3A_341, %parallel_loop3A_342], %parallel_loop3A_345 {strides = array<i32>} : memref<80x128xf32, #tpu.memory_space<vmem>>, vector<1x16xf32>,
        } {sc.loop_unroll_factor = 4 : i64, sc.parallel_access}
        %jit3A_120 = arith.constant 4 : i32
        %eq3A = arith.constant 0 : i32
        %eq3A_121 = arith.cmpi eq, %jit3A_120, %eq3A : i32
        %jit3A_122 = arith.constant 1 : i32
        %select_n3A_123 = arith.select %eq3A_121, %jit3A_122, %jit3A_120 : i32
        %rem3A_124 = arith.remsi %add3A_90, %select_n3A_123 : i32
        %ne3A_125 = arith.constant 0 : i32
        %ne3A_126 = arith.cmpi ne, %rem3A_124, %ne3A_125 : i32
        %lt3A_127 = arith.constant 0 : i32
        %lt3A_128 = arith.cmpi slt, %rem3A_124, %lt3A_127 : i32
        %lt3A_129 = arith.constant 0 : i32
        %lt3A_130 = arith.cmpi slt, %select_n3A_123, %lt3A_129 : i32
        %ne3A_131 = arith.xori %lt3A_128, %lt3A_130 : i1
        %and3A_132 = arith.andi %ne3A_131, %ne3A_126 : i1
        %add3A_133 = arith.addi %rem3A_124, %select_n3A_123 : i32
        %select_n3A_134 = arith.select %and3A_132, %add3A_133, %rem3A_124 : i32
        %eq3A_135 = arith.constant 0 : i32
        %eq3A_136 = arith.cmpi eq, %select_n3A_134, %eq3A_135 : i32
        %convert_element_type3A_137 = arith.extui %eq3A_136 : i1 to i32
        %cond3A_138 = arith.constant 0 : i32
        %cond3A_139 = arith.cmpi ne, %convert_element_type3A_137, %cond3A_138 : i32
        scf.if %cond3A_139 {
          %dma_start3A_209 = arith.constant 0 : i32
          %dma_start3A_210 = arith.constant 0 : i32
          %dma_start3A_211 = tpu.memref_slice %arg8[%dma_start3A_209, %dma_start3A_210] : memref<10112x128xf32, #tpu.memory_space<vmem_shared>> -> memref<10112x128xf32, #tpu.memory_space<vmem_shared>>
          tpu.enqueue_indirect_dma source(%arg15 : memref<80x128xf32, #tpu.memory_space<vmem>>) target(%dma_start3A_211 : memref<10112x128xf32, #tpu.memory_space<vmem_shared>>) offsets(%arg11 : memref<80xi32, #tpu.memory_space<vmem>>) semaphore(%arg23 : memref<!tpu.dma_semaphore, #tpu.memory_space<semaphore_mem>>) {add = true}
        } else {
        }
        %jit3A_140 = arith.constant 4 : i32
        %eq3A_141 = arith.constant 0 : i32
        %eq3A_142 = arith.cmpi eq, %jit3A_140, %eq3A_141 : i32
        %jit3A_143 = arith.constant 1 : i32
        %select_n3A_144 = arith.select %eq3A_142, %jit3A_143, %jit3A_140 : i32
        %rem3A_145 = arith.remsi %add3A_90, %select_n3A_144 : i32
        %ne3A_146 = arith.constant 0 : i32
        %ne3A_147 = arith.cmpi ne, %rem3A_145, %ne3A_146 : i32
        %lt3A_148 = arith.constant 0 : i32
        %lt3A_149 = arith.cmpi slt, %rem3A_145, %lt3A_148 : i32
        %lt3A_150 = arith.constant 0 : i32
        %lt3A_151 = arith.cmpi slt, %select_n3A_144, %lt3A_150 : i32
        %ne3A_152 = arith.xori %lt3A_149, %lt3A_151 : i1
        %and3A_153 = arith.andi %ne3A_152, %ne3A_147 : i1
        %add3A_154 = arith.addi %rem3A_145, %select_n3A_144 : i32
        %select_n3A_155 = arith.select %and3A_153, %add3A_154, %rem3A_145 : i32
        %eq3A_156 = arith.constant 1 : i32
        %eq3A_157 = arith.cmpi eq, %select_n3A_155, %eq3A_156 : i32
        %convert_element_type3A_158 = arith.extui %eq3A_157 : i1 to i32
        %cond3A_159 = arith.constant 0 : i32
        %cond3A_160 = arith.cmpi ne, %convert_element_type3A_158, %cond3A_159 : i32
        scf.if %cond3A_160 {
          %dma_start3A_209 = arith.constant 0 : i32
          %dma_start3A_210 = arith.constant 0 : i32
          %dma_start3A_211 = tpu.memref_slice %arg8[%dma_start3A_209, %dma_start3A_210] : memref<10112x128xf32, #tpu.memory_space<vmem_shared>> -> memref<10112x128xf32, #tpu.memory_space<vmem_shared>>
          tpu.enqueue_indirect_dma source(%arg15 : memref<80x128xf32, #tpu.memory_space<vmem>>) target(%dma_start3A_211 : memref<10112x128xf32, #tpu.memory_space<vmem_shared>>) offsets(%arg12 : memref<80xi32, #tpu.memory_space<vmem>>) semaphore(%arg23 : memref<!tpu.dma_semaphore, #tpu.memory_space<semaphore_mem>>) {add = true}
        } else {
        }
        %jit3A_161 = arith.constant 4 : i32
        %eq3A_162 = arith.constant 0 : i32
        %eq3A_163 = arith.cmpi eq, %jit3A_161, %eq3A_162 : i32
        %jit3A_164 = arith.constant 1 : i32
        %select_n3A_165 = arith.select %eq3A_163, %jit3A_164, %jit3A_161 : i32
        %rem3A_166 = arith.remsi %add3A_90, %select_n3A_165 : i32
        %ne3A_167 = arith.constant 0 : i32
        %ne3A_168 = arith.cmpi ne, %rem3A_166, %ne3A_167 : i32
        %lt3A_169 = arith.constant 0 : i32
        %lt3A_170 = arith.cmpi slt, %rem3A_166, %lt3A_169 : i32
        %lt3A_171 = arith.constant 0 : i32
        %lt3A_172 = arith.cmpi slt, %select_n3A_165, %lt3A_171 : i32
        %ne3A_173 = arith.xori %lt3A_170, %lt3A_172 : i1
        %and3A_174 = arith.andi %ne3A_173, %ne3A_168 : i1
        %add3A_175 = arith.addi %rem3A_166, %select_n3A_165 : i32
        %select_n3A_176 = arith.select %and3A_174, %add3A_175, %rem3A_166 : i32
        %eq3A_177 = arith.constant 2 : i32
        %eq3A_178 = arith.cmpi eq, %select_n3A_176, %eq3A_177 : i32
        %convert_element_type3A_179 = arith.extui %eq3A_178 : i1 to i32
        %cond3A_180 = arith.constant 0 : i32
        %cond3A_181 = arith.cmpi ne, %convert_element_type3A_179, %cond3A_180 : i32
        scf.if %cond3A_181 {
          %dma_start3A_209 = arith.constant 0 : i32
          %dma_start3A_210 = arith.constant 0 : i32
          %dma_start3A_211 = tpu.memref_slice %arg8[%dma_start3A_209, %dma_start3A_210] : memref<10112x128xf32, #tpu.memory_space<vmem_shared>> -> memref<10112x128xf32, #tpu.memory_space<vmem_shared>>
          tpu.enqueue_indirect_dma source(%arg15 : memref<80x128xf32, #tpu.memory_space<vmem>>) target(%dma_start3A_211 : memref<10112x128xf32, #tpu.memory_space<vmem_shared>>) offsets(%arg13 : memref<80xi32, #tpu.memory_space<vmem>>) semaphore(%arg23 : memref<!tpu.dma_semaphore, #tpu.memory_space<semaphore_mem>>) {add = true}
        } else {
        }
        %jit3A_182 = arith.constant 4 : i32
        %eq3A_183 = arith.constant 0 : i32
        %eq3A_184 = arith.cmpi eq, %jit3A_182, %eq3A_183 : i32
        %jit3A_185 = arith.constant 1 : i32
        %select_n3A_186 = arith.select %eq3A_184, %jit3A_185, %jit3A_182 : i32
        %rem3A_187 = arith.remsi %add3A_90, %select_n3A_186 : i32
        %ne3A_188 = arith.constant 0 : i32
        %ne3A_189 = arith.cmpi ne, %rem3A_187, %ne3A_188 : i32
        %lt3A_190 = arith.constant 0 : i32
        %lt3A_191 = arith.cmpi slt, %rem3A_187, %lt3A_190 : i32
        %lt3A_192 = arith.constant 0 : i32
        %lt3A_193 = arith.cmpi slt, %select_n3A_186, %lt3A_192 : i32
        %ne3A_194 = arith.xori %lt3A_191, %lt3A_193 : i1
        %and3A_195 = arith.andi %ne3A_194, %ne3A_189 : i1
        %add3A_196 = arith.addi %rem3A_187, %select_n3A_186 : i32
        %select_n3A_197 = arith.select %and3A_195, %add3A_196, %rem3A_187 : i32
        %eq3A_198 = arith.constant 3 : i32
        %eq3A_199 = arith.cmpi eq, %select_n3A_197, %eq3A_198 : i32
        %convert_element_type3A_200 = arith.extui %eq3A_199 : i1 to i32
        %cond3A_201 = arith.constant 0 : i32
        %cond3A_202 = arith.cmpi ne, %convert_element_type3A_200, %cond3A_201 : i32
        scf.if %cond3A_202 {
          %dma_start3A_209 = arith.constant 0 : i32
          %dma_start3A_210 = arith.constant 0 : i32
          %dma_start3A_211 = tpu.memref_slice %arg8[%dma_start3A_209, %dma_start3A_210] : memref<10112x128xf32, #tpu.memory_space<vmem_shared>> -> memref<10112x128xf32, #tpu.memory_space<vmem_shared>>
          tpu.enqueue_indirect_dma source(%arg15 : memref<80x128xf32, #tpu.memory_space<vmem>>) target(%dma_start3A_211 : memref<10112x128xf32, #tpu.memory_space<vmem_shared>>) offsets(%arg14 : memref<80xi32, #tpu.memory_space<vmem>>) semaphore(%arg23 : memref<!tpu.dma_semaphore, #tpu.memory_space<semaphore_mem>>) {add = true}
        } else {
        }
        %add3A_203 = arith.constant 2 : i32
        %add3A_204 = arith.addi %add3A_90, %add3A_203 : i32
        %lt3A_205 = arith.cmpi slt, %add3A_204, %add3A_8 : i32
        %convert_element_type3A_206 = arith.extui %lt3A_205 : i1 to i32
        %cond3A_207 = arith.constant 0 : i32
        %cond3A_208 = arith.cmpi ne, %convert_element_type3A_206, %cond3A_207 : i32
        scf.if %cond3A_208 {
          %add3A_209 = arith.constant 2 : i32
          %add3A_210 = arith.addi %add3A_90, %add3A_209 : i32
          %add3A_211 = arith.constant 2000 : i32
          %add3A_212 = arith.addi %add3A_211, %add3A_4 : i32
          %add3A_213 = arith.addi %add3A_212, %add3A_210 : i32
          %mul3A_214 = arith.constant 80 : i32
          %mul3A_215 = arith.muli %add3A_213, %mul3A_214 : i32
          %dma_start3A_216 = tpu.memref_slice %arg2[%mul3A_215] : memref<320000xi32, #tpu.memory_space<hbm>> -> memref<80xi32, #tpu.memory_space<hbm>>
          %dma_start3A_217 = tpu.memref_slice %arg2[%mul3A_215] : memref<320000xi32, #tpu.memory_space<hbm>> -> memref<80xi32, #tpu.memory_space<hbm>>
          tpu.enqueue_dma source(%dma_start3A_217 : memref<80xi32, #tpu.memory_space<hbm>>) target(%arg9 : memref<80xi32, #tpu.memory_space<vmem>>) target_semaphore(%arg19 : memref<!tpu.dma_semaphore, #tpu.memory_space<semaphore_mem>>)
          %jit3A_218 = arith.constant 4 : i32
          %eq3A_219 = arith.constant 0 : i32
          %eq3A_220 = arith.cmpi eq, %jit3A_218, %eq3A_219 : i32
          %jit3A_221 = arith.constant 1 : i32
          %select_n3A_222 = arith.select %eq3A_220, %jit3A_221, %jit3A_218 : i32
          %rem3A_223 = arith.remsi %add3A_210, %select_n3A_222 : i32
          %ne3A_224 = arith.constant 0 : i32
          %ne3A_225 = arith.cmpi ne, %rem3A_223, %ne3A_224 : i32
          %lt3A_226 = arith.constant 0 : i32
          %lt3A_227 = arith.cmpi slt, %rem3A_223, %lt3A_226 : i32
          %lt3A_228 = arith.constant 0 : i32
          %lt3A_229 = arith.cmpi slt, %select_n3A_222, %lt3A_228 : i32
          %ne3A_230 = arith.xori %lt3A_227, %lt3A_229 : i1
          %and3A_231 = arith.andi %ne3A_230, %ne3A_225 : i1
          %add3A_232 = arith.addi %rem3A_223, %select_n3A_222 : i32
          %select_n3A_233 = arith.select %and3A_231, %add3A_232, %rem3A_223 : i32
          %eq3A_234 = arith.constant 0 : i32
          %eq3A_235 = arith.cmpi eq, %select_n3A_233, %eq3A_234 : i32
          %convert_element_type3A_236 = arith.extui %eq3A_235 : i1 to i32
          %cond3A_237 = arith.constant 0 : i32
          %cond3A_238 = arith.cmpi ne, %convert_element_type3A_236, %cond3A_237 : i32
          scf.if %cond3A_238 {
            %dma_start3A_302 = tpu.memref_slice %arg3[%mul3A_215] : memref<320000xi32, #tpu.memory_space<hbm>> -> memref<80xi32, #tpu.memory_space<hbm>>
            %dma_start3A_303 = tpu.memref_slice %arg3[%mul3A_215] : memref<320000xi32, #tpu.memory_space<hbm>> -> memref<80xi32, #tpu.memory_space<hbm>>
            tpu.enqueue_dma source(%dma_start3A_303 : memref<80xi32, #tpu.memory_space<hbm>>) target(%arg11 : memref<80xi32, #tpu.memory_space<vmem>>) target_semaphore(%arg19 : memref<!tpu.dma_semaphore, #tpu.memory_space<semaphore_mem>>)
          } else {
          }
          %jit3A_239 = arith.constant 4 : i32
          %eq3A_240 = arith.constant 0 : i32
          %eq3A_241 = arith.cmpi eq, %jit3A_239, %eq3A_240 : i32
          %jit3A_242 = arith.constant 1 : i32
          %select_n3A_243 = arith.select %eq3A_241, %jit3A_242, %jit3A_239 : i32
          %rem3A_244 = arith.remsi %add3A_210, %select_n3A_243 : i32
          %ne3A_245 = arith.constant 0 : i32
          %ne3A_246 = arith.cmpi ne, %rem3A_244, %ne3A_245 : i32
          %lt3A_247 = arith.constant 0 : i32
          %lt3A_248 = arith.cmpi slt, %rem3A_244, %lt3A_247 : i32
          %lt3A_249 = arith.constant 0 : i32
          %lt3A_250 = arith.cmpi slt, %select_n3A_243, %lt3A_249 : i32
          %ne3A_251 = arith.xori %lt3A_248, %lt3A_250 : i1
          %and3A_252 = arith.andi %ne3A_251, %ne3A_246 : i1
          %add3A_253 = arith.addi %rem3A_244, %select_n3A_243 : i32
          %select_n3A_254 = arith.select %and3A_252, %add3A_253, %rem3A_244 : i32
          %eq3A_255 = arith.constant 1 : i32
          %eq3A_256 = arith.cmpi eq, %select_n3A_254, %eq3A_255 : i32
          %convert_element_type3A_257 = arith.extui %eq3A_256 : i1 to i32
          %cond3A_258 = arith.constant 0 : i32
          %cond3A_259 = arith.cmpi ne, %convert_element_type3A_257, %cond3A_258 : i32
          scf.if %cond3A_259 {
            %dma_start3A_302 = tpu.memref_slice %arg3[%mul3A_215] : memref<320000xi32, #tpu.memory_space<hbm>> -> memref<80xi32, #tpu.memory_space<hbm>>
            %dma_start3A_303 = tpu.memref_slice %arg3[%mul3A_215] : memref<320000xi32, #tpu.memory_space<hbm>> -> memref<80xi32, #tpu.memory_space<hbm>>
            tpu.enqueue_dma source(%dma_start3A_303 : memref<80xi32, #tpu.memory_space<hbm>>) target(%arg12 : memref<80xi32, #tpu.memory_space<vmem>>) target_semaphore(%arg19 : memref<!tpu.dma_semaphore, #tpu.memory_space<semaphore_mem>>)
          } else {
          }
          %jit3A_260 = arith.constant 4 : i32
          %eq3A_261 = arith.constant 0 : i32
          %eq3A_262 = arith.cmpi eq, %jit3A_260, %eq3A_261 : i32
          %jit3A_263 = arith.constant 1 : i32
          %select_n3A_264 = arith.select %eq3A_262, %jit3A_263, %jit3A_260 : i32
          %rem3A_265 = arith.remsi %add3A_210, %select_n3A_264 : i32
          %ne3A_266 = arith.constant 0 : i32
          %ne3A_267 = arith.cmpi ne, %rem3A_265, %ne3A_266 : i32
          %lt3A_268 = arith.constant 0 : i32
          %lt3A_269 = arith.cmpi slt, %rem3A_265, %lt3A_268 : i32
          %lt3A_270 = arith.constant 0 : i32
          %lt3A_271 = arith.cmpi slt, %select_n3A_264, %lt3A_270 : i32
          %ne3A_272 = arith.xori %lt3A_269, %lt3A_271 : i1
          %and3A_273 = arith.andi %ne3A_272, %ne3A_267 : i1
          %add3A_274 = arith.addi %rem3A_265, %select_n3A_264 : i32
          %select_n3A_275 = arith.select %and3A_273, %add3A_274, %rem3A_265 : i32
          %eq3A_276 = arith.constant 2 : i32
          %eq3A_277 = arith.cmpi eq, %select_n3A_275, %eq3A_276 : i32
          %convert_element_type3A_278 = arith.extui %eq3A_277 : i1 to i32
          %cond3A_279 = arith.constant 0 : i32
          %cond3A_280 = arith.cmpi ne, %convert_element_type3A_278, %cond3A_279 : i32
          scf.if %cond3A_280 {
            %dma_start3A_302 = tpu.memref_slice %arg3[%mul3A_215] : memref<320000xi32, #tpu.memory_space<hbm>> -> memref<80xi32, #tpu.memory_space<hbm>>
            %dma_start3A_303 = tpu.memref_slice %arg3[%mul3A_215] : memref<320000xi32, #tpu.memory_space<hbm>> -> memref<80xi32, #tpu.memory_space<hbm>>
            tpu.enqueue_dma source(%dma_start3A_303 : memref<80xi32, #tpu.memory_space<hbm>>) target(%arg13 : memref<80xi32, #tpu.memory_space<vmem>>) target_semaphore(%arg19 : memref<!tpu.dma_semaphore, #tpu.memory_space<semaphore_mem>>)
          } else {
          }
          %jit3A_281 = arith.constant 4 : i32
          %eq3A_282 = arith.constant 0 : i32
          %eq3A_283 = arith.cmpi eq, %jit3A_281, %eq3A_282 : i32
          %jit3A_284 = arith.constant 1 : i32
          %select_n3A_285 = arith.select %eq3A_283, %jit3A_284, %jit3A_281 : i32
          %rem3A_286 = arith.remsi %add3A_210, %select_n3A_285 : i32
          %ne3A_287 = arith.constant 0 : i32
          %ne3A_288 = arith.cmpi ne, %rem3A_286, %ne3A_287 : i32
          %lt3A_289 = arith.constant 0 : i32
          %lt3A_290 = arith.cmpi slt, %rem3A_286, %lt3A_289 : i32
          %lt3A_291 = arith.constant 0 : i32
          %lt3A_292 = arith.cmpi slt, %select_n3A_285, %lt3A_291 : i32
          %ne3A_293 = arith.xori %lt3A_290, %lt3A_292 : i1
          %and3A_294 = arith.andi %ne3A_293, %ne3A_288 : i1
          %add3A_295 = arith.addi %rem3A_286, %select_n3A_285 : i32
          %select_n3A_296 = arith.select %and3A_294, %add3A_295, %rem3A_286 : i32
          %eq3A_297 = arith.constant 3 : i32
          %eq3A_298 = arith.cmpi eq, %select_n3A_296, %eq3A_297 : i32
          %convert_element_type3A_299 = arith.extui %eq3A_298 : i1 to i32
          %cond3A_300 = arith.constant 0 : i32
          %cond3A_301 = arith.cmpi ne, %convert_element_type3A_299, %cond3A_300 : i32
          scf.if %cond3A_301 {
            %dma_start3A_302 = tpu.memref_slice %arg3[%mul3A_215] : memref<320000xi32, #tpu.memory_space<hbm>> -> memref<80xi32, #tpu.memory_space<hbm>>
            %dma_start3A_303 = tpu.memref_slice %arg3[%mul3A_215] : memref<320000xi32, #tpu.memory_space<hbm>> -> memref<80xi32, #tpu.memory_space<hbm>>
            tpu.enqueue_dma source(%dma_start3A_303 : memref<80xi32, #tpu.memory_space<hbm>>) target(%arg14 : memref<80xi32, #tpu.memory_space<vmem>>) target_semaphore(%arg19 : memref<!tpu.dma_semaphore, #tpu.memory_space<semaphore_mem>>)
          } else {
          }
        } else {
        }
      } else {
      }
      %mul3A_95 = arith.constant 2 : i32
      %mul3A_96 = arith.muli %while3A_86, %mul3A_95 : i32
      %add3A_97 = arith.constant 1 : i32
      %add3A_98 = arith.addi %mul3A_96, %add3A_97 : i32
      %lt3A_99 = arith.cmpi slt, %add3A_98, %add3A_8 : i32
      %convert_element_type3A_100 = arith.extui %lt3A_99 : i1 to i32
      %cond3A_101 = arith.constant 0 : i32
      %cond3A_102 = arith.cmpi ne, %convert_element_type3A_100, %cond3A_101 : i32
      scf.if %cond3A_102 {
        %add3A_103 = arith.constant 1 : i32
        %add3A_104 = arith.addi %add3A_98, %add3A_103 : i32
        %lt3A_105 = arith.cmpi slt, %add3A_104, %add3A_8 : i32
        %convert_element_type3A_106 = arith.extui %lt3A_105 : i1 to i32
        %cond3A_107 = arith.constant 0 : i32
        %cond3A_108 = arith.cmpi ne, %convert_element_type3A_106, %cond3A_107 : i32
        scf.if %cond3A_108 {
          %ge3A = arith.constant 1 : i32
          %ge3A_209 = arith.cmpi sge, %add3A_98, %ge3A : i32
          %convert_element_type3A_210 = arith.extui %ge3A_209 : i1 to i32
          %cond3A_211 = arith.constant 0 : i32
          %cond3A_212 = arith.cmpi ne, %convert_element_type3A_210, %cond3A_211 : i32
          scf.if %cond3A_212 {
            %dma_wait3A_233 = arith.constant 0 : i32
            %dma_wait3A_234 = arith.constant 0 : i32
            %dma_wait3A_235 = tpu.memref_slice %arg8[%dma_wait3A_233, %dma_wait3A_234] : memref<10112x128xf32, #tpu.memory_space<vmem_shared>> -> memref<10112x128xf32, #tpu.memory_space<vmem_shared>>
            tpu.wait_indirect_dma semaphore(%arg23 : memref<!tpu.dma_semaphore, #tpu.memory_space<semaphore_mem>>) src(%arg15 : memref<80x128xf32, #tpu.memory_space<vmem>>) dst(%dma_wait3A_235 : memref<10112x128xf32, #tpu.memory_space<vmem_shared>>)
          } else {
          }
          %dma_wait3A_213 = arith.constant 0 : i32
          %dma_wait3A_214 = tpu.memref_slice %arg2[%dma_wait3A_213] : memref<320000xi32, #tpu.memory_space<hbm>> -> memref<80xi32, #tpu.memory_space<hbm>>
          %dma_wait3A_215 = arith.constant 0 : i32
          %dma_wait3A_216 = tpu.memref_slice %arg2[%dma_wait3A_215] : memref<320000xi32, #tpu.memory_space<hbm>> -> memref<80xi32, #tpu.memory_space<hbm>>
          tpu.wait_dma2 semaphore(%arg19 : memref<!tpu.dma_semaphore, #tpu.memory_space<semaphore_mem>>) src(%dma_wait3A_216 : memref<80xi32, #tpu.memory_space<hbm>>) dst(%arg9 : memref<80xi32, #tpu.memory_space<vmem>>)
          %dma_wait3A_217 = arith.constant 0 : i32
          %dma_wait3A_218 = tpu.memref_slice %arg3[%dma_wait3A_217] : memref<320000xi32, #tpu.memory_space<hbm>> -> memref<80xi32, #tpu.memory_space<hbm>>
          %dma_wait3A_219 = arith.constant 0 : i32
          %dma_wait3A_220 = tpu.memref_slice %arg3[%dma_wait3A_219] : memref<320000xi32, #tpu.memory_space<hbm>> -> memref<80xi32, #tpu.memory_space<hbm>>
          tpu.wait_dma2 semaphore(%arg19 : memref<!tpu.dma_semaphore, #tpu.memory_space<semaphore_mem>>) src(%dma_wait3A_220 : memref<80xi32, #tpu.memory_space<hbm>>) dst(%arg11 : memref<80xi32, #tpu.memory_space<vmem>>)
          %add3A_221 = arith.constant 1 : i32
          %add3A_222 = arith.addi %add3A_98, %add3A_221 : i32
          %add3A_223 = arith.addi %add3A_4, %add3A_222 : i32
          %mul3A_224 = arith.constant 80 : i32
          %mul3A_225 = arith.muli %add3A_223, %mul3A_224 : i32
          %dma_start3A_226 = arith.constant 0 : i32
          %dma_start3A_227 = arith.constant 0 : i32
          %dma_start3A_228 = tpu.memref_slice %arg4[%dma_start3A_226, %dma_start3A_227] : memref<10000x128xf32, #tpu.memory_space<hbm>> -> memref<10000x128xf32, #tpu.memory_space<hbm>>
          tpu.enqueue_indirect_dma source(%dma_start3A_228 : memref<10000x128xf32, #tpu.memory_space<hbm>>) target(%arg15 : memref<80x128xf32, #tpu.memory_space<vmem>>) offsets(%arg9 : memref<80xi32, #tpu.memory_space<vmem>>) semaphore(%arg21 : memref<!tpu.dma_semaphore, #tpu.memory_space<semaphore_mem>>)
          %dma_start3A_229 = arith.constant 0 : i32
          %dma_start3A_230 = tpu.memref_slice %arg5[%mul3A_225, %dma_start3A_229] : memref<160000x128xf32, #tpu.memory_space<hbm>> -> memref<80x128xf32, #tpu.memory_space<hbm>>
          %dma_start3A_231 = arith.constant 0 : i32
          %dma_start3A_232 = tpu.memref_slice %arg5[%mul3A_225, %dma_start3A_231] : memref<160000x128xf32, #tpu.memory_space<hbm>> -> memref<80x128xf32, #tpu.memory_space<hbm>>
          tpu.enqueue_dma source(%dma_start3A_232 : memref<80x128xf32, #tpu.memory_space<hbm>>) target(%arg17 : memref<80x128xf32, #tpu.memory_space<vmem>>) target_semaphore(%arg21 : memref<!tpu.dma_semaphore, #tpu.memory_space<semaphore_mem>>)
        } else {
        }
        %dma_wait3A_109 = arith.constant 0 : i32
        %dma_wait3A_110 = arith.constant 0 : i32
        %dma_wait3A_111 = tpu.memref_slice %arg4[%dma_wait3A_109, %dma_wait3A_110] : memref<10000x128xf32, #tpu.memory_space<hbm>> -> memref<10000x128xf32, #tpu.memory_space<hbm>>
        tpu.wait_indirect_dma semaphore(%arg22 : memref<!tpu.dma_semaphore, #tpu.memory_space<semaphore_mem>>) src(%dma_wait3A_111 : memref<10000x128xf32, #tpu.memory_space<hbm>>) dst(%arg16 : memref<80x128xf32, #tpu.memory_space<vmem>>)
        %dma_wait3A_112 = arith.constant 0 : i32
        %dma_wait3A_113 = arith.constant 0 : i32
        %dma_wait3A_114 = tpu.memref_slice %arg5[%dma_wait3A_112, %dma_wait3A_113] : memref<160000x128xf32, #tpu.memory_space<hbm>> -> memref<80x128xf32, #tpu.memory_space<hbm>>
        %dma_wait3A_115 = arith.constant 0 : i32
        %dma_wait3A_116 = arith.constant 0 : i32
        %dma_wait3A_117 = tpu.memref_slice %arg5[%dma_wait3A_115, %dma_wait3A_116] : memref<160000x128xf32, #tpu.memory_space<hbm>> -> memref<80x128xf32, #tpu.memory_space<hbm>>
        tpu.wait_dma2 semaphore(%arg22 : memref<!tpu.dma_semaphore, #tpu.memory_space<semaphore_mem>>) src(%dma_wait3A_117 : memref<80x128xf32, #tpu.memory_space<hbm>>) dst(%arg18 : memref<80x128xf32, #tpu.memory_space<vmem>>)
        %parallel_loop3A = arith.constant 0 : i32
        %parallel_loop3A_118 = arith.constant 80 : i32
        %parallel_loop3A_119 = arith.constant 1 : i32
        scf.for %parallel_loop3A_209 = %parallel_loop3A to %parallel_loop3A_118 step %parallel_loop3A_119  : i32 {
          %parallel_loop3A_210 = arith.index_cast %parallel_loop3A_209 : i32 to index
          %parallel_loop3A_211 = arith.constant 0 : index
          %parallel_loop3A_212 = tpu.vector_load %arg16[%parallel_loop3A_210, %parallel_loop3A_211] {strides = array<i32>} : memref<80x128xf32, #tpu.memory_space<vmem>>, vector<1x16xf32>,
          %parallel_loop3A_213 = vector.shape_cast %parallel_loop3A_212 : vector<1x16xf32> to vector<16xf32>
          %parallel_loop3A_214 = arith.index_cast %parallel_loop3A_209 : i32 to index
          %parallel_loop3A_215 = arith.constant 0 : index
          %parallel_loop3A_216 = tpu.vector_load %arg18[%parallel_loop3A_214, %parallel_loop3A_215] {strides = array<i32>} : memref<80x128xf32, #tpu.memory_space<vmem>>, vector<1x16xf32>,
          %parallel_loop3A_217 = vector.shape_cast %parallel_loop3A_216 : vector<1x16xf32> to vector<16xf32>
          %parallel_loop3A_218 = arith.addf %parallel_loop3A_213, %parallel_loop3A_217 : vector<16xf32>
          %parallel_loop3A_219 = arith.constant 0.000000e+00 : f32
          %parallel_loop3A_220 = vector.broadcast %parallel_loop3A_219 : f32 to vector<16xf32>
          %parallel_loop3A_221 = arith.maximumf %parallel_loop3A_218, %parallel_loop3A_220 : vector<16xf32>
          %parallel_loop3A_222 = arith.index_cast %parallel_loop3A_209 : i32 to index
          %parallel_loop3A_223 = arith.constant 0 : index
          %parallel_loop3A_224 = tpu.vector_load %arg16[%parallel_loop3A_222, %parallel_loop3A_223] {strides = array<i32>} : memref<80x128xf32, #tpu.memory_space<vmem>>, vector<1x16xf32>,
          %parallel_loop3A_225 = vector.shape_cast %parallel_loop3A_224 : vector<1x16xf32> to vector<16xf32>
          %parallel_loop3A_226 = vector.shape_cast %parallel_loop3A_221 : vector<16xf32> to vector<1x16xf32>
          tpu.vector_store %arg16[%parallel_loop3A_222, %parallel_loop3A_223], %parallel_loop3A_226 {strides = array<i32>} : memref<80x128xf32, #tpu.memory_space<vmem>>, vector<1x16xf32>,
          %parallel_loop3A_227 = arith.index_cast %parallel_loop3A_209 : i32 to index
          %parallel_loop3A_228 = arith.constant 16 : index
          %parallel_loop3A_229 = tpu.vector_load %arg16[%parallel_loop3A_227, %parallel_loop3A_228] {strides = array<i32>} : memref<80x128xf32, #tpu.memory_space<vmem>>, vector<1x16xf32>,
          %parallel_loop3A_230 = vector.shape_cast %parallel_loop3A_229 : vector<1x16xf32> to vector<16xf32>
          %parallel_loop3A_231 = arith.index_cast %parallel_loop3A_209 : i32 to index
          %parallel_loop3A_232 = arith.constant 16 : index
          %parallel_loop3A_233 = tpu.vector_load %arg18[%parallel_loop3A_231, %parallel_loop3A_232] {strides = array<i32>} : memref<80x128xf32, #tpu.memory_space<vmem>>, vector<1x16xf32>,
          %parallel_loop3A_234 = vector.shape_cast %parallel_loop3A_233 : vector<1x16xf32> to vector<16xf32>
          %parallel_loop3A_235 = arith.addf %parallel_loop3A_230, %parallel_loop3A_234 : vector<16xf32>
          %parallel_loop3A_236 = arith.constant 0.000000e+00 : f32
          %parallel_loop3A_237 = vector.broadcast %parallel_loop3A_236 : f32 to vector<16xf32>
          %parallel_loop3A_238 = arith.maximumf %parallel_loop3A_235, %parallel_loop3A_237 : vector<16xf32>
          %parallel_loop3A_239 = arith.index_cast %parallel_loop3A_209 : i32 to index
          %parallel_loop3A_240 = arith.constant 16 : index
          %parallel_loop3A_241 = tpu.vector_load %arg16[%parallel_loop3A_239, %parallel_loop3A_240] {strides = array<i32>} : memref<80x128xf32, #tpu.memory_space<vmem>>, vector<1x16xf32>,
          %parallel_loop3A_242 = vector.shape_cast %parallel_loop3A_241 : vector<1x16xf32> to vector<16xf32>
          %parallel_loop3A_243 = vector.shape_cast %parallel_loop3A_238 : vector<16xf32> to vector<1x16xf32>
          tpu.vector_store %arg16[%parallel_loop3A_239, %parallel_loop3A_240], %parallel_loop3A_243 {strides = array<i32>} : memref<80x128xf32, #tpu.memory_space<vmem>>, vector<1x16xf32>,
          %parallel_loop3A_244 = arith.index_cast %parallel_loop3A_209 : i32 to index
          %parallel_loop3A_245 = arith.constant 32 : index
          %parallel_loop3A_246 = tpu.vector_load %arg16[%parallel_loop3A_244, %parallel_loop3A_245] {strides = array<i32>} : memref<80x128xf32, #tpu.memory_space<vmem>>, vector<1x16xf32>,
          %parallel_loop3A_247 = vector.shape_cast %parallel_loop3A_246 : vector<1x16xf32> to vector<16xf32>
          %parallel_loop3A_248 = arith.index_cast %parallel_loop3A_209 : i32 to index
          %parallel_loop3A_249 = arith.constant 32 : index
          %parallel_loop3A_250 = tpu.vector_load %arg18[%parallel_loop3A_248, %parallel_loop3A_249] {strides = array<i32>} : memref<80x128xf32, #tpu.memory_space<vmem>>, vector<1x16xf32>,
          %parallel_loop3A_251 = vector.shape_cast %parallel_loop3A_250 : vector<1x16xf32> to vector<16xf32>
          %parallel_loop3A_252 = arith.addf %parallel_loop3A_247, %parallel_loop3A_251 : vector<16xf32>
          %parallel_loop3A_253 = arith.constant 0.000000e+00 : f32
          %parallel_loop3A_254 = vector.broadcast %parallel_loop3A_253 : f32 to vector<16xf32>
          %parallel_loop3A_255 = arith.maximumf %parallel_loop3A_252, %parallel_loop3A_254 : vector<16xf32>
          %parallel_loop3A_256 = arith.index_cast %parallel_loop3A_209 : i32 to index
          %parallel_loop3A_257 = arith.constant 32 : index
          %parallel_loop3A_258 = tpu.vector_load %arg16[%parallel_loop3A_256, %parallel_loop3A_257] {strides = array<i32>} : memref<80x128xf32, #tpu.memory_space<vmem>>, vector<1x16xf32>,
          %parallel_loop3A_259 = vector.shape_cast %parallel_loop3A_258 : vector<1x16xf32> to vector<16xf32>
          %parallel_loop3A_260 = vector.shape_cast %parallel_loop3A_255 : vector<16xf32> to vector<1x16xf32>
          tpu.vector_store %arg16[%parallel_loop3A_256, %parallel_loop3A_257], %parallel_loop3A_260 {strides = array<i32>} : memref<80x128xf32, #tpu.memory_space<vmem>>, vector<1x16xf32>,
          %parallel_loop3A_261 = arith.index_cast %parallel_loop3A_209 : i32 to index
          %parallel_loop3A_262 = arith.constant 48 : index
          %parallel_loop3A_263 = tpu.vector_load %arg16[%parallel_loop3A_261, %parallel_loop3A_262] {strides = array<i32>} : memref<80x128xf32, #tpu.memory_space<vmem>>, vector<1x16xf32>,
          %parallel_loop3A_264 = vector.shape_cast %parallel_loop3A_263 : vector<1x16xf32> to vector<16xf32>
          %parallel_loop3A_265 = arith.index_cast %parallel_loop3A_209 : i32 to index
          %parallel_loop3A_266 = arith.constant 48 : index
          %parallel_loop3A_267 = tpu.vector_load %arg18[%parallel_loop3A_265, %parallel_loop3A_266] {strides = array<i32>} : memref<80x128xf32, #tpu.memory_space<vmem>>, vector<1x16xf32>,
          %parallel_loop3A_268 = vector.shape_cast %parallel_loop3A_267 : vector<1x16xf32> to vector<16xf32>
          %parallel_loop3A_269 = arith.addf %parallel_loop3A_264, %parallel_loop3A_268 : vector<16xf32>
          %parallel_loop3A_270 = arith.constant 0.000000e+00 : f32
          %parallel_loop3A_271 = vector.broadcast %parallel_loop3A_270 : f32 to vector<16xf32>
          %parallel_loop3A_272 = arith.maximumf %parallel_loop3A_269, %parallel_loop3A_271 : vector<16xf32>
          %parallel_loop3A_273 = arith.index_cast %parallel_loop3A_209 : i32 to index
          %parallel_loop3A_274 = arith.constant 48 : index
          %parallel_loop3A_275 = tpu.vector_load %arg16[%parallel_loop3A_273, %parallel_loop3A_274] {strides = array<i32>} : memref<80x128xf32, #tpu.memory_space<vmem>>, vector<1x16xf32>,
          %parallel_loop3A_276 = vector.shape_cast %parallel_loop3A_275 : vector<1x16xf32> to vector<16xf32>
          %parallel_loop3A_277 = vector.shape_cast %parallel_loop3A_272 : vector<16xf32> to vector<1x16xf32>
          tpu.vector_store %arg16[%parallel_loop3A_273, %parallel_loop3A_274], %parallel_loop3A_277 {strides = array<i32>} : memref<80x128xf32, #tpu.memory_space<vmem>>, vector<1x16xf32>,
          %parallel_loop3A_278 = arith.index_cast %parallel_loop3A_209 : i32 to index
          %parallel_loop3A_279 = arith.constant 64 : index
          %parallel_loop3A_280 = tpu.vector_load %arg16[%parallel_loop3A_278, %parallel_loop3A_279] {strides = array<i32>} : memref<80x128xf32, #tpu.memory_space<vmem>>, vector<1x16xf32>,
          %parallel_loop3A_281 = vector.shape_cast %parallel_loop3A_280 : vector<1x16xf32> to vector<16xf32>
          %parallel_loop3A_282 = arith.index_cast %parallel_loop3A_209 : i32 to index
          %parallel_loop3A_283 = arith.constant 64 : index
          %parallel_loop3A_284 = tpu.vector_load %arg18[%parallel_loop3A_282, %parallel_loop3A_283] {strides = array<i32>} : memref<80x128xf32, #tpu.memory_space<vmem>>, vector<1x16xf32>,
          %parallel_loop3A_285 = vector.shape_cast %parallel_loop3A_284 : vector<1x16xf32> to vector<16xf32>
          %parallel_loop3A_286 = arith.addf %parallel_loop3A_281, %parallel_loop3A_285 : vector<16xf32>
          %parallel_loop3A_287 = arith.constant 0.000000e+00 : f32
          %parallel_loop3A_288 = vector.broadcast %parallel_loop3A_287 : f32 to vector<16xf32>
          %parallel_loop3A_289 = arith.maximumf %parallel_loop3A_286, %parallel_loop3A_288 : vector<16xf32>
          %parallel_loop3A_290 = arith.index_cast %parallel_loop3A_209 : i32 to index
          %parallel_loop3A_291 = arith.constant 64 : index
          %parallel_loop3A_292 = tpu.vector_load %arg16[%parallel_loop3A_290, %parallel_loop3A_291] {strides = array<i32>} : memref<80x128xf32, #tpu.memory_space<vmem>>, vector<1x16xf32>,
          %parallel_loop3A_293 = vector.shape_cast %parallel_loop3A_292 : vector<1x16xf32> to vector<16xf32>
          %parallel_loop3A_294 = vector.shape_cast %parallel_loop3A_289 : vector<16xf32> to vector<1x16xf32>
          tpu.vector_store %arg16[%parallel_loop3A_290, %parallel_loop3A_291], %parallel_loop3A_294 {strides = array<i32>} : memref<80x128xf32, #tpu.memory_space<vmem>>, vector<1x16xf32>,
          %parallel_loop3A_295 = arith.index_cast %parallel_loop3A_209 : i32 to index
          %parallel_loop3A_296 = arith.constant 80 : index
          %parallel_loop3A_297 = tpu.vector_load %arg16[%parallel_loop3A_295, %parallel_loop3A_296] {strides = array<i32>} : memref<80x128xf32, #tpu.memory_space<vmem>>, vector<1x16xf32>,
          %parallel_loop3A_298 = vector.shape_cast %parallel_loop3A_297 : vector<1x16xf32> to vector<16xf32>
          %parallel_loop3A_299 = arith.index_cast %parallel_loop3A_209 : i32 to index
          %parallel_loop3A_300 = arith.constant 80 : index
          %parallel_loop3A_301 = tpu.vector_load %arg18[%parallel_loop3A_299, %parallel_loop3A_300] {strides = array<i32>} : memref<80x128xf32, #tpu.memory_space<vmem>>, vector<1x16xf32>,
          %parallel_loop3A_302 = vector.shape_cast %parallel_loop3A_301 : vector<1x16xf32> to vector<16xf32>
          %parallel_loop3A_303 = arith.addf %parallel_loop3A_298, %parallel_loop3A_302 : vector<16xf32>
          %parallel_loop3A_304 = arith.constant 0.000000e+00 : f32
          %parallel_loop3A_305 = vector.broadcast %parallel_loop3A_304 : f32 to vector<16xf32>
          %parallel_loop3A_306 = arith.maximumf %parallel_loop3A_303, %parallel_loop3A_305 : vector<16xf32>
          %parallel_loop3A_307 = arith.index_cast %parallel_loop3A_209 : i32 to index
          %parallel_loop3A_308 = arith.constant 80 : index
          %parallel_loop3A_309 = tpu.vector_load %arg16[%parallel_loop3A_307, %parallel_loop3A_308] {strides = array<i32>} : memref<80x128xf32, #tpu.memory_space<vmem>>, vector<1x16xf32>,
          %parallel_loop3A_310 = vector.shape_cast %parallel_loop3A_309 : vector<1x16xf32> to vector<16xf32>
          %parallel_loop3A_311 = vector.shape_cast %parallel_loop3A_306 : vector<16xf32> to vector<1x16xf32>
          tpu.vector_store %arg16[%parallel_loop3A_307, %parallel_loop3A_308], %parallel_loop3A_311 {strides = array<i32>} : memref<80x128xf32, #tpu.memory_space<vmem>>, vector<1x16xf32>,
          %parallel_loop3A_312 = arith.index_cast %parallel_loop3A_209 : i32 to index
          %parallel_loop3A_313 = arith.constant 96 : index
          %parallel_loop3A_314 = tpu.vector_load %arg16[%parallel_loop3A_312, %parallel_loop3A_313] {strides = array<i32>} : memref<80x128xf32, #tpu.memory_space<vmem>>, vector<1x16xf32>,
          %parallel_loop3A_315 = vector.shape_cast %parallel_loop3A_314 : vector<1x16xf32> to vector<16xf32>
          %parallel_loop3A_316 = arith.index_cast %parallel_loop3A_209 : i32 to index
          %parallel_loop3A_317 = arith.constant 96 : index
          %parallel_loop3A_318 = tpu.vector_load %arg18[%parallel_loop3A_316, %parallel_loop3A_317] {strides = array<i32>} : memref<80x128xf32, #tpu.memory_space<vmem>>, vector<1x16xf32>,
          %parallel_loop3A_319 = vector.shape_cast %parallel_loop3A_318 : vector<1x16xf32> to vector<16xf32>
          %parallel_loop3A_320 = arith.addf %parallel_loop3A_315, %parallel_loop3A_319 : vector<16xf32>
          %parallel_loop3A_321 = arith.constant 0.000000e+00 : f32
          %parallel_loop3A_322 = vector.broadcast %parallel_loop3A_321 : f32 to vector<16xf32>
          %parallel_loop3A_323 = arith.maximumf %parallel_loop3A_320, %parallel_loop3A_322 : vector<16xf32>
          %parallel_loop3A_324 = arith.index_cast %parallel_loop3A_209 : i32 to index
          %parallel_loop3A_325 = arith.constant 96 : index
          %parallel_loop3A_326 = tpu.vector_load %arg16[%parallel_loop3A_324, %parallel_loop3A_325] {strides = array<i32>} : memref<80x128xf32, #tpu.memory_space<vmem>>, vector<1x16xf32>,
          %parallel_loop3A_327 = vector.shape_cast %parallel_loop3A_326 : vector<1x16xf32> to vector<16xf32>
          %parallel_loop3A_328 = vector.shape_cast %parallel_loop3A_323 : vector<16xf32> to vector<1x16xf32>
          tpu.vector_store %arg16[%parallel_loop3A_324, %parallel_loop3A_325], %parallel_loop3A_328 {strides = array<i32>} : memref<80x128xf32, #tpu.memory_space<vmem>>, vector<1x16xf32>,
          %parallel_loop3A_329 = arith.index_cast %parallel_loop3A_209 : i32 to index
          %parallel_loop3A_330 = arith.constant 112 : index
          %parallel_loop3A_331 = tpu.vector_load %arg16[%parallel_loop3A_329, %parallel_loop3A_330] {strides = array<i32>} : memref<80x128xf32, #tpu.memory_space<vmem>>, vector<1x16xf32>,
          %parallel_loop3A_332 = vector.shape_cast %parallel_loop3A_331 : vector<1x16xf32> to vector<16xf32>
          %parallel_loop3A_333 = arith.index_cast %parallel_loop3A_209 : i32 to index
          %parallel_loop3A_334 = arith.constant 112 : index
          %parallel_loop3A_335 = tpu.vector_load %arg18[%parallel_loop3A_333, %parallel_loop3A_334] {strides = array<i32>} : memref<80x128xf32, #tpu.memory_space<vmem>>, vector<1x16xf32>,
          %parallel_loop3A_336 = vector.shape_cast %parallel_loop3A_335 : vector<1x16xf32> to vector<16xf32>
          %parallel_loop3A_337 = arith.addf %parallel_loop3A_332, %parallel_loop3A_336 : vector<16xf32>
          %parallel_loop3A_338 = arith.constant 0.000000e+00 : f32
          %parallel_loop3A_339 = vector.broadcast %parallel_loop3A_338 : f32 to vector<16xf32>
          %parallel_loop3A_340 = arith.maximumf %parallel_loop3A_337, %parallel_loop3A_339 : vector<16xf32>
          %parallel_loop3A_341 = arith.index_cast %parallel_loop3A_209 : i32 to index
          %parallel_loop3A_342 = arith.constant 112 : index
          %parallel_loop3A_343 = tpu.vector_load %arg16[%parallel_loop3A_341, %parallel_loop3A_342] {strides = array<i32>} : memref<80x128xf32, #tpu.memory_space<vmem>>, vector<1x16xf32>,
          %parallel_loop3A_344 = vector.shape_cast %parallel_loop3A_343 : vector<1x16xf32> to vector<16xf32>
          %parallel_loop3A_345 = vector.shape_cast %parallel_loop3A_340 : vector<16xf32> to vector<1x16xf32>
          tpu.vector_store %arg16[%parallel_loop3A_341, %parallel_loop3A_342], %parallel_loop3A_345 {strides = array<i32>} : memref<80x128xf32, #tpu.memory_space<vmem>>, vector<1x16xf32>,
        } {sc.loop_unroll_factor = 4 : i64, sc.parallel_access}
        %jit3A_120 = arith.constant 4 : i32
        %eq3A = arith.constant 0 : i32
        %eq3A_121 = arith.cmpi eq, %jit3A_120, %eq3A : i32
        %jit3A_122 = arith.constant 1 : i32
        %select_n3A_123 = arith.select %eq3A_121, %jit3A_122, %jit3A_120 : i32
        %rem3A_124 = arith.remsi %add3A_98, %select_n3A_123 : i32
        %ne3A_125 = arith.constant 0 : i32
        %ne3A_126 = arith.cmpi ne, %rem3A_124, %ne3A_125 : i32
        %lt3A_127 = arith.constant 0 : i32
        %lt3A_128 = arith.cmpi slt, %rem3A_124, %lt3A_127 : i32
        %lt3A_129 = arith.constant 0 : i32
        %lt3A_130 = arith.cmpi slt, %select_n3A_123, %lt3A_129 : i32
        %ne3A_131 = arith.xori %lt3A_128, %lt3A_130 : i1
        %and3A_132 = arith.andi %ne3A_131, %ne3A_126 : i1
        %add3A_133 = arith.addi %rem3A_124, %select_n3A_123 : i32
        %select_n3A_134 = arith.select %and3A_132, %add3A_133, %rem3A_124 : i32
        %eq3A_135 = arith.constant 0 : i32
        %eq3A_136 = arith.cmpi eq, %select_n3A_134, %eq3A_135 : i32
        %convert_element_type3A_137 = arith.extui %eq3A_136 : i1 to i32
        %cond3A_138 = arith.constant 0 : i32
        %cond3A_139 = arith.cmpi ne, %convert_element_type3A_137, %cond3A_138 : i32
        scf.if %cond3A_139 {
          %dma_start3A_209 = arith.constant 0 : i32
          %dma_start3A_210 = arith.constant 0 : i32
          %dma_start3A_211 = tpu.memref_slice %arg8[%dma_start3A_209, %dma_start3A_210] : memref<10112x128xf32, #tpu.memory_space<vmem_shared>> -> memref<10112x128xf32, #tpu.memory_space<vmem_shared>>
          tpu.enqueue_indirect_dma source(%arg16 : memref<80x128xf32, #tpu.memory_space<vmem>>) target(%dma_start3A_211 : memref<10112x128xf32, #tpu.memory_space<vmem_shared>>) offsets(%arg11 : memref<80xi32, #tpu.memory_space<vmem>>) semaphore(%arg24 : memref<!tpu.dma_semaphore, #tpu.memory_space<semaphore_mem>>) {add = true}
        } else {
        }
        %jit3A_140 = arith.constant 4 : i32
        %eq3A_141 = arith.constant 0 : i32
        %eq3A_142 = arith.cmpi eq, %jit3A_140, %eq3A_141 : i32
        %jit3A_143 = arith.constant 1 : i32
        %select_n3A_144 = arith.select %eq3A_142, %jit3A_143, %jit3A_140 : i32
        %rem3A_145 = arith.remsi %add3A_98, %select_n3A_144 : i32
        %ne3A_146 = arith.constant 0 : i32
        %ne3A_147 = arith.cmpi ne, %rem3A_145, %ne3A_146 : i32
        %lt3A_148 = arith.constant 0 : i32
        %lt3A_149 = arith.cmpi slt, %rem3A_145, %lt3A_148 : i32
        %lt3A_150 = arith.constant 0 : i32
        %lt3A_151 = arith.cmpi slt, %select_n3A_144, %lt3A_150 : i32
        %ne3A_152 = arith.xori %lt3A_149, %lt3A_151 : i1
        %and3A_153 = arith.andi %ne3A_152, %ne3A_147 : i1
        %add3A_154 = arith.addi %rem3A_145, %select_n3A_144 : i32
        %select_n3A_155 = arith.select %and3A_153, %add3A_154, %rem3A_145 : i32
        %eq3A_156 = arith.constant 1 : i32
        %eq3A_157 = arith.cmpi eq, %select_n3A_155, %eq3A_156 : i32
        %convert_element_type3A_158 = arith.extui %eq3A_157 : i1 to i32
        %cond3A_159 = arith.constant 0 : i32
        %cond3A_160 = arith.cmpi ne, %convert_element_type3A_158, %cond3A_159 : i32
        scf.if %cond3A_160 {
          %dma_start3A_209 = arith.constant 0 : i32
          %dma_start3A_210 = arith.constant 0 : i32
          %dma_start3A_211 = tpu.memref_slice %arg8[%dma_start3A_209, %dma_start3A_210] : memref<10112x128xf32, #tpu.memory_space<vmem_shared>> -> memref<10112x128xf32, #tpu.memory_space<vmem_shared>>
          tpu.enqueue_indirect_dma source(%arg16 : memref<80x128xf32, #tpu.memory_space<vmem>>) target(%dma_start3A_211 : memref<10112x128xf32, #tpu.memory_space<vmem_shared>>) offsets(%arg12 : memref<80xi32, #tpu.memory_space<vmem>>) semaphore(%arg24 : memref<!tpu.dma_semaphore, #tpu.memory_space<semaphore_mem>>) {add = true}
        } else {
        }
        %jit3A_161 = arith.constant 4 : i32
        %eq3A_162 = arith.constant 0 : i32
        %eq3A_163 = arith.cmpi eq, %jit3A_161, %eq3A_162 : i32
        %jit3A_164 = arith.constant 1 : i32
        %select_n3A_165 = arith.select %eq3A_163, %jit3A_164, %jit3A_161 : i32
        %rem3A_166 = arith.remsi %add3A_98, %select_n3A_165 : i32
        %ne3A_167 = arith.constant 0 : i32
        %ne3A_168 = arith.cmpi ne, %rem3A_166, %ne3A_167 : i32
        %lt3A_169 = arith.constant 0 : i32
        %lt3A_170 = arith.cmpi slt, %rem3A_166, %lt3A_169 : i32
        %lt3A_171 = arith.constant 0 : i32
        %lt3A_172 = arith.cmpi slt, %select_n3A_165, %lt3A_171 : i32
        %ne3A_173 = arith.xori %lt3A_170, %lt3A_172 : i1
        %and3A_174 = arith.andi %ne3A_173, %ne3A_168 : i1
        %add3A_175 = arith.addi %rem3A_166, %select_n3A_165 : i32
        %select_n3A_176 = arith.select %and3A_174, %add3A_175, %rem3A_166 : i32
        %eq3A_177 = arith.constant 2 : i32
        %eq3A_178 = arith.cmpi eq, %select_n3A_176, %eq3A_177 : i32
        %convert_element_type3A_179 = arith.extui %eq3A_178 : i1 to i32
        %cond3A_180 = arith.constant 0 : i32
        %cond3A_181 = arith.cmpi ne, %convert_element_type3A_179, %cond3A_180 : i32
        scf.if %cond3A_181 {
          %dma_start3A_209 = arith.constant 0 : i32
          %dma_start3A_210 = arith.constant 0 : i32
          %dma_start3A_211 = tpu.memref_slice %arg8[%dma_start3A_209, %dma_start3A_210] : memref<10112x128xf32, #tpu.memory_space<vmem_shared>> -> memref<10112x128xf32, #tpu.memory_space<vmem_shared>>
          tpu.enqueue_indirect_dma source(%arg16 : memref<80x128xf32, #tpu.memory_space<vmem>>) target(%dma_start3A_211 : memref<10112x128xf32, #tpu.memory_space<vmem_shared>>) offsets(%arg13 : memref<80xi32, #tpu.memory_space<vmem>>) semaphore(%arg24 : memref<!tpu.dma_semaphore, #tpu.memory_space<semaphore_mem>>) {add = true}
        } else {
        }
        %jit3A_182 = arith.constant 4 : i32
        %eq3A_183 = arith.constant 0 : i32
        %eq3A_184 = arith.cmpi eq, %jit3A_182, %eq3A_183 : i32
        %jit3A_185 = arith.constant 1 : i32
        %select_n3A_186 = arith.select %eq3A_184, %jit3A_185, %jit3A_182 : i32
        %rem3A_187 = arith.remsi %add3A_98, %select_n3A_186 : i32
        %ne3A_188 = arith.constant 0 : i32
        %ne3A_189 = arith.cmpi ne, %rem3A_187, %ne3A_188 : i32
        %lt3A_190 = arith.constant 0 : i32
        %lt3A_191 = arith.cmpi slt, %rem3A_187, %lt3A_190 : i32
        %lt3A_192 = arith.constant 0 : i32
        %lt3A_193 = arith.cmpi slt, %select_n3A_186, %lt3A_192 : i32
        %ne3A_194 = arith.xori %lt3A_191, %lt3A_193 : i1
        %and3A_195 = arith.andi %ne3A_194, %ne3A_189 : i1
        %add3A_196 = arith.addi %rem3A_187, %select_n3A_186 : i32
        %select_n3A_197 = arith.select %and3A_195, %add3A_196, %rem3A_187 : i32
        %eq3A_198 = arith.constant 3 : i32
        %eq3A_199 = arith.cmpi eq, %select_n3A_197, %eq3A_198 : i32
        %convert_element_type3A_200 = arith.extui %eq3A_199 : i1 to i32
        %cond3A_201 = arith.constant 0 : i32
        %cond3A_202 = arith.cmpi ne, %convert_element_type3A_200, %cond3A_201 : i32
        scf.if %cond3A_202 {
          %dma_start3A_209 = arith.constant 0 : i32
          %dma_start3A_210 = arith.constant 0 : i32
          %dma_start3A_211 = tpu.memref_slice %arg8[%dma_start3A_209, %dma_start3A_210] : memref<10112x128xf32, #tpu.memory_space<vmem_shared>> -> memref<10112x128xf32, #tpu.memory_space<vmem_shared>>
          tpu.enqueue_indirect_dma source(%arg16 : memref<80x128xf32, #tpu.memory_space<vmem>>) target(%dma_start3A_211 : memref<10112x128xf32, #tpu.memory_space<vmem_shared>>) offsets(%arg14 : memref<80xi32, #tpu.memory_space<vmem>>) semaphore(%arg24 : memref<!tpu.dma_semaphore, #tpu.memory_space<semaphore_mem>>) {add = true}
        } else {
        }
        %add3A_203 = arith.constant 2 : i32
        %add3A_204 = arith.addi %add3A_98, %add3A_203 : i32
        %lt3A_205 = arith.cmpi slt, %add3A_204, %add3A_8 : i32
        %convert_element_type3A_206 = arith.extui %lt3A_205 : i1 to i32
        %cond3A_207 = arith.constant 0 : i32
        %cond3A_208 = arith.cmpi ne, %convert_element_type3A_206, %cond3A_207 : i32
        scf.if %cond3A_208 {
          %add3A_209 = arith.constant 2 : i32
          %add3A_210 = arith.addi %add3A_98, %add3A_209 : i32
          %add3A_211 = arith.constant 2000 : i32
          %add3A_212 = arith.addi %add3A_211, %add3A_4 : i32
          %add3A_213 = arith.addi %add3A_212, %add3A_210 : i32
          %mul3A_214 = arith.constant 80 : i32
          %mul3A_215 = arith.muli %add3A_213, %mul3A_214 : i32
          %dma_start3A_216 = tpu.memref_slice %arg2[%mul3A_215] : memref<320000xi32, #tpu.memory_space<hbm>> -> memref<80xi32, #tpu.memory_space<hbm>>
          %dma_start3A_217 = tpu.memref_slice %arg2[%mul3A_215] : memref<320000xi32, #tpu.memory_space<hbm>> -> memref<80xi32, #tpu.memory_space<hbm>>
          tpu.enqueue_dma source(%dma_start3A_217 : memref<80xi32, #tpu.memory_space<hbm>>) target(%arg10 : memref<80xi32, #tpu.memory_space<vmem>>) target_semaphore(%arg20 : memref<!tpu.dma_semaphore, #tpu.memory_space<semaphore_mem>>)
          %jit3A_218 = arith.constant 4 : i32
          %eq3A_219 = arith.constant 0 : i32
          %eq3A_220 = arith.cmpi eq, %jit3A_218, %eq3A_219 : i32
          %jit3A_221 = arith.constant 1 : i32
          %select_n3A_222 = arith.select %eq3A_220, %jit3A_221, %jit3A_218 : i32
          %rem3A_223 = arith.remsi %add3A_210, %select_n3A_222 : i32
          %ne3A_224 = arith.constant 0 : i32
          %ne3A_225 = arith.cmpi ne, %rem3A_223, %ne3A_224 : i32
          %lt3A_226 = arith.constant 0 : i32
          %lt3A_227 = arith.cmpi slt, %rem3A_223, %lt3A_226 : i32
          %lt3A_228 = arith.constant 0 : i32
          %lt3A_229 = arith.cmpi slt, %select_n3A_222, %lt3A_228 : i32
          %ne3A_230 = arith.xori %lt3A_227, %lt3A_229 : i1
          %and3A_231 = arith.andi %ne3A_230, %ne3A_225 : i1
          %add3A_232 = arith.addi %rem3A_223, %select_n3A_222 : i32
          %select_n3A_233 = arith.select %and3A_231, %add3A_232, %rem3A_223 : i32
          %eq3A_234 = arith.constant 0 : i32
          %eq3A_235 = arith.cmpi eq, %select_n3A_233, %eq3A_234 : i32
          %convert_element_type3A_236 = arith.extui %eq3A_235 : i1 to i32
          %cond3A_237 = arith.constant 0 : i32
          %cond3A_238 = arith.cmpi ne, %convert_element_type3A_236, %cond3A_237 : i32
          scf.if %cond3A_238 {
            %dma_start3A_302 = tpu.memref_slice %arg3[%mul3A_215] : memref<320000xi32, #tpu.memory_space<hbm>> -> memref<80xi32, #tpu.memory_space<hbm>>
            %dma_start3A_303 = tpu.memref_slice %arg3[%mul3A_215] : memref<320000xi32, #tpu.memory_space<hbm>> -> memref<80xi32, #tpu.memory_space<hbm>>
            tpu.enqueue_dma source(%dma_start3A_303 : memref<80xi32, #tpu.memory_space<hbm>>) target(%arg11 : memref<80xi32, #tpu.memory_space<vmem>>) target_semaphore(%arg20 : memref<!tpu.dma_semaphore, #tpu.memory_space<semaphore_mem>>)
          } else {
          }
          %jit3A_239 = arith.constant 4 : i32
          %eq3A_240 = arith.constant 0 : i32
          %eq3A_241 = arith.cmpi eq, %jit3A_239, %eq3A_240 : i32
          %jit3A_242 = arith.constant 1 : i32
          %select_n3A_243 = arith.select %eq3A_241, %jit3A_242, %jit3A_239 : i32
          %rem3A_244 = arith.remsi %add3A_210, %select_n3A_243 : i32
          %ne3A_245 = arith.constant 0 : i32
          %ne3A_246 = arith.cmpi ne, %rem3A_244, %ne3A_245 : i32
          %lt3A_247 = arith.constant 0 : i32
          %lt3A_248 = arith.cmpi slt, %rem3A_244, %lt3A_247 : i32
          %lt3A_249 = arith.constant 0 : i32
          %lt3A_250 = arith.cmpi slt, %select_n3A_243, %lt3A_249 : i32
          %ne3A_251 = arith.xori %lt3A_248, %lt3A_250 : i1
          %and3A_252 = arith.andi %ne3A_251, %ne3A_246 : i1
          %add3A_253 = arith.addi %rem3A_244, %select_n3A_243 : i32
          %select_n3A_254 = arith.select %and3A_252, %add3A_253, %rem3A_244 : i32
          %eq3A_255 = arith.constant 1 : i32
          %eq3A_256 = arith.cmpi eq, %select_n3A_254, %eq3A_255 : i32
          %convert_element_type3A_257 = arith.extui %eq3A_256 : i1 to i32
          %cond3A_258 = arith.constant 0 : i32
          %cond3A_259 = arith.cmpi ne, %convert_element_type3A_257, %cond3A_258 : i32
          scf.if %cond3A_259 {
            %dma_start3A_302 = tpu.memref_slice %arg3[%mul3A_215] : memref<320000xi32, #tpu.memory_space<hbm>> -> memref<80xi32, #tpu.memory_space<hbm>>
            %dma_start3A_303 = tpu.memref_slice %arg3[%mul3A_215] : memref<320000xi32, #tpu.memory_space<hbm>> -> memref<80xi32, #tpu.memory_space<hbm>>
            tpu.enqueue_dma source(%dma_start3A_303 : memref<80xi32, #tpu.memory_space<hbm>>) target(%arg12 : memref<80xi32, #tpu.memory_space<vmem>>) target_semaphore(%arg20 : memref<!tpu.dma_semaphore, #tpu.memory_space<semaphore_mem>>)
          } else {
          }
          %jit3A_260 = arith.constant 4 : i32
          %eq3A_261 = arith.constant 0 : i32
          %eq3A_262 = arith.cmpi eq, %jit3A_260, %eq3A_261 : i32
          %jit3A_263 = arith.constant 1 : i32
          %select_n3A_264 = arith.select %eq3A_262, %jit3A_263, %jit3A_260 : i32
          %rem3A_265 = arith.remsi %add3A_210, %select_n3A_264 : i32
          %ne3A_266 = arith.constant 0 : i32
          %ne3A_267 = arith.cmpi ne, %rem3A_265, %ne3A_266 : i32
          %lt3A_268 = arith.constant 0 : i32
          %lt3A_269 = arith.cmpi slt, %rem3A_265, %lt3A_268 : i32
          %lt3A_270 = arith.constant 0 : i32
          %lt3A_271 = arith.cmpi slt, %select_n3A_264, %lt3A_270 : i32
          %ne3A_272 = arith.xori %lt3A_269, %lt3A_271 : i1
          %and3A_273 = arith.andi %ne3A_272, %ne3A_267 : i1
          %add3A_274 = arith.addi %rem3A_265, %select_n3A_264 : i32
          %select_n3A_275 = arith.select %and3A_273, %add3A_274, %rem3A_265 : i32
          %eq3A_276 = arith.constant 2 : i32
          %eq3A_277 = arith.cmpi eq, %select_n3A_275, %eq3A_276 : i32
          %convert_element_type3A_278 = arith.extui %eq3A_277 : i1 to i32
          %cond3A_279 = arith.constant 0 : i32
          %cond3A_280 = arith.cmpi ne, %convert_element_type3A_278, %cond3A_279 : i32
          scf.if %cond3A_280 {
            %dma_start3A_302 = tpu.memref_slice %arg3[%mul3A_215] : memref<320000xi32, #tpu.memory_space<hbm>> -> memref<80xi32, #tpu.memory_space<hbm>>
            %dma_start3A_303 = tpu.memref_slice %arg3[%mul3A_215] : memref<320000xi32, #tpu.memory_space<hbm>> -> memref<80xi32, #tpu.memory_space<hbm>>
            tpu.enqueue_dma source(%dma_start3A_303 : memref<80xi32, #tpu.memory_space<hbm>>) target(%arg13 : memref<80xi32, #tpu.memory_space<vmem>>) target_semaphore(%arg20 : memref<!tpu.dma_semaphore, #tpu.memory_space<semaphore_mem>>)
          } else {
          }
          %jit3A_281 = arith.constant 4 : i32
          %eq3A_282 = arith.constant 0 : i32
          %eq3A_283 = arith.cmpi eq, %jit3A_281, %eq3A_282 : i32
          %jit3A_284 = arith.constant 1 : i32
          %select_n3A_285 = arith.select %eq3A_283, %jit3A_284, %jit3A_281 : i32
          %rem3A_286 = arith.remsi %add3A_210, %select_n3A_285 : i32
          %ne3A_287 = arith.constant 0 : i32
          %ne3A_288 = arith.cmpi ne, %rem3A_286, %ne3A_287 : i32
          %lt3A_289 = arith.constant 0 : i32
          %lt3A_290 = arith.cmpi slt, %rem3A_286, %lt3A_289 : i32
          %lt3A_291 = arith.constant 0 : i32
          %lt3A_292 = arith.cmpi slt, %select_n3A_285, %lt3A_291 : i32
          %ne3A_293 = arith.xori %lt3A_290, %lt3A_292 : i1
          %and3A_294 = arith.andi %ne3A_293, %ne3A_288 : i1
          %add3A_295 = arith.addi %rem3A_286, %select_n3A_285 : i32
          %select_n3A_296 = arith.select %and3A_294, %add3A_295, %rem3A_286 : i32
          %eq3A_297 = arith.constant 3 : i32
          %eq3A_298 = arith.cmpi eq, %select_n3A_296, %eq3A_297 : i32
          %convert_element_type3A_299 = arith.extui %eq3A_298 : i1 to i32
          %cond3A_300 = arith.constant 0 : i32
          %cond3A_301 = arith.cmpi ne, %convert_element_type3A_299, %cond3A_300 : i32
          scf.if %cond3A_301 {
            %dma_start3A_302 = tpu.memref_slice %arg3[%mul3A_215] : memref<320000xi32, #tpu.memory_space<hbm>> -> memref<80xi32, #tpu.memory_space<hbm>>
            %dma_start3A_303 = tpu.memref_slice %arg3[%mul3A_215] : memref<320000xi32, #tpu.memory_space<hbm>> -> memref<80xi32, #tpu.memory_space<hbm>>
            tpu.enqueue_dma source(%dma_start3A_303 : memref<80xi32, #tpu.memory_space<hbm>>) target(%arg14 : memref<80xi32, #tpu.memory_space<vmem>>) target_semaphore(%arg20 : memref<!tpu.dma_semaphore, #tpu.memory_space<semaphore_mem>>)
          } else {
          }
        } else {
        }
      } else {
      }
    }
    %dma_wait3A_73 = arith.constant 0 : i32
    %dma_wait3A_74 = arith.constant 0 : i32
    %dma_wait3A_75 = tpu.memref_slice %arg8[%dma_wait3A_73, %dma_wait3A_74] : memref<10112x128xf32, #tpu.memory_space<vmem_shared>> -> memref<10112x128xf32, #tpu.memory_space<vmem_shared>>
    tpu.wait_indirect_dma semaphore(%arg23 : memref<!tpu.dma_semaphore, #tpu.memory_space<semaphore_mem>>) src(%arg15 : memref<80x128xf32, #tpu.memory_space<vmem>>) dst(%dma_wait3A_75 : memref<10112x128xf32, #tpu.memory_space<vmem_shared>>)
    %gt3A_76 = arith.constant 1 : i32
    %gt3A_77 = arith.cmpi sgt, %add3A_8, %gt3A_76 : i32
    %convert_element_type3A_78 = arith.extui %gt3A_77 : i1 to i32
    %cond3A_79 = arith.constant 0 : i32
    %cond3A_80 = arith.cmpi ne, %convert_element_type3A_78, %cond3A_79 : i32
    scf.if %cond3A_80 {
      %dma_wait3A_86 = arith.constant 0 : i32
      %dma_wait3A_87 = arith.constant 0 : i32
      %dma_wait3A_88 = tpu.memref_slice %arg8[%dma_wait3A_86, %dma_wait3A_87] : memref<10112x128xf32, #tpu.memory_space<vmem_shared>> -> memref<10112x128xf32, #tpu.memory_space<vmem_shared>>
      tpu.wait_indirect_dma semaphore(%arg24 : memref<!tpu.dma_semaphore, #tpu.memory_space<semaphore_mem>>) src(%arg16 : memref<80x128xf32, #tpu.memory_space<vmem>>) dst(%dma_wait3A_88 : memref<10112x128xf32, #tpu.memory_space<vmem_shared>>)
    } else {
    }
    %barrier3A_81 = arith.constant 0 : index
    tpu.barrier barrier_id(%barrier3A_81)
    %mul3A_82 = arith.constant 632 : i32
    %mul3A_83 = arith.muli %arg1, %mul3A_82 : i32
    %mul3A_84 = arith.constant 632 : i32
    %mul3A_85 = arith.muli %arg1, %mul3A_84 : i32
    "tpu.region"() ({
      %run_scoped3A = tpu.sem_alloc : memref<!tpu.dma_semaphore, #tpu.memory_space<semaphore_mem>>
      %dma_start3A_86 = arith.constant 0 : i32
      %dma_start3A_87 = tpu.memref_slice %arg7[%arg0, %mul3A_85, %dma_start3A_86] : memref<2x10112x128xf32, #tpu.memory_space<hbm>> -> memref<1x632x128xf32, #tpu.memory_space<hbm>>
      %dma_start3A_88 = tpu.memref_squeeze %dma_start3A_87 : memref<1x632x128xf32, #tpu.memory_space<hbm>> -> memref<632x128xf32, #tpu.memory_space<hbm>>
      %dma_start3A_89 = arith.constant 0 : i32
      %dma_start3A_90 = tpu.memref_slice %arg8[%mul3A_83, %dma_start3A_89] : memref<10112x128xf32, #tpu.memory_space<vmem_shared>> -> memref<632x128xf32, #tpu.memory_space<vmem_shared>>
      tpu.enqueue_dma source(%dma_start3A_90 : memref<632x128xf32, #tpu.memory_space<vmem_shared>>) target(%dma_start3A_88 : memref<632x128xf32, #tpu.memory_space<hbm>>) target_semaphore(%run_scoped3A : memref<!tpu.dma_semaphore, #tpu.memory_space<semaphore_mem>>)
      %dma_wait3A_91 = arith.constant 0 : i32
      %dma_wait3A_92 = tpu.memref_slice %arg7[%arg0, %mul3A_85, %dma_wait3A_91] : memref<2x10112x128xf32, #tpu.memory_space<hbm>> -> memref<1x632x128xf32, #tpu.memory_space<hbm>>
      %dma_wait3A_93 = tpu.memref_squeeze %dma_wait3A_92 : memref<1x632x128xf32, #tpu.memory_space<hbm>> -> memref<632x128xf32, #tpu.memory_space<hbm>>
      %dma_wait3A_94 = arith.constant 0 : i32
      %dma_wait3A_95 = tpu.memref_slice %arg8[%mul3A_83, %dma_wait3A_94] : memref<10112x128xf32, #tpu.memory_space<vmem_shared>> -> memref<632x128xf32, #tpu.memory_space<vmem_shared>>
      tpu.wait_dma2 semaphore(%run_scoped3A : memref<!tpu.dma_semaphore, #tpu.memory_space<semaphore_mem>>) src(%dma_wait3A_95 : memref<632x128xf32, #tpu.memory_space<vmem_shared>>) dst(%dma_wait3A_93 : memref<632x128xf32, #tpu.memory_space<hbm>>)
      tpu.yield
    }) : () -> ()
    return
  }
}

module attributes {stable_mosaic.version = 14 : i64} {
  func.func @_matmul_kernel(%arg0: i32, %arg1: memref<8000x16xf32, #tpu.memory_space<vmem>>, %arg2: memref<16x128xf32, #tpu.memory_space<vmem>>, %arg3: memref<8000x128xf32, #tpu.memory_space<vmem>>) attributes {dimension_semantics = [#tpu.dimension_semantics<arbitrary>], iteration_bounds = array<i64: 20>, scalar_prefetch = 0 : i64, scratch_operands = 0 : i64, tpu.core_type = #tpu.core_type<tc>, window_params = [{transform_indices = @transform_0, window_bounds = array<i64: 8000, 16>}, {pipeline_mode = #tpu.pipeline_mode<synchronous>, transform_indices = @transform_1, window_bounds = array<i64: 16, 128>}, {transform_indices = @transform_2, window_bounds = array<i64: 8000, 128>}]} {
    %get3A = arith.constant 0 : index
    %get3A_0 = arith.constant 0 : index
    %get3A_1 = vector.load %arg1[%get3A, %get3A_0] : memref<8000x16xf32, #tpu.memory_space<vmem>>, vector<8000x16xf32>
    %get3A_2 = arith.constant 0 : index
    %get3A_3 = arith.constant 0 : index
    %get3A_4 = vector.load %arg2[%get3A_2, %get3A_3] : memref<16x128xf32, #tpu.memory_space<vmem>>, vector<16x128xf32>
    %dot_general3A = arith.constant dense<0.000000e+00> : vector<8000x128xf32>
    %dot_general3A_5 = tpu.matmul %get3A_1, %get3A_4, %dot_general3A {dimension_numbers = #tpu.dot_dimension_numbers<[1], [0], [0], [1], [0, 0, 1, 1], [], []>, transpose_lhs_hint = false} : vector<8000x16xf32>, vector<16x128xf32>, vector<8000x128xf32> -> vector<8000x128xf32>
    %swap3A = arith.constant 0 : index
    %swap3A_6 = arith.constant 0 : index
    %swap3A_7 = vector.load %arg3[%swap3A, %swap3A_6] : memref<8000x128xf32, #tpu.memory_space<vmem>>, vector<8000x128xf32>
    tpu.vector_store %arg3[%swap3A, %swap3A_6], %dot_general3A_5 {strides = array<i32>} : memref<8000x128xf32, #tpu.memory_space<vmem>>, vector<8000x128xf32>,
    return
  }
  func.func @transform_0(%arg0: i32) -> (i32, i32) {
    %c0_i32 = arith.constant 0 : i32
    %c0_i32_0 = arith.constant 0 : i32
    return %arg0, %c0_i32 : i32, i32
  }
  func.func @transform_1(%arg0: i32) -> (i32, i32) {
    %c0_i32 = arith.constant 0 : i32
    %c0_i32_0 = arith.constant 0 : i32
    %c0_i32_1 = arith.constant 0 : i32
    return %c0_i32, %c0_i32_0 : i32, i32
  }
  func.func @transform_2(%arg0: i32) -> (i32, i32) {
    %c0_i32 = arith.constant 0 : i32
    %c0_i32_0 = arith.constant 0 : i32
    return %arg0, %c0_i32 : i32, i32
  }
}

module attributes {stable_mosaic.version = 14 : i64} {
  func.func @_matmul_bias_kernel(%arg0: memref<10000x128xf32, #tpu.memory_space<vmem>>, %arg1: memref<128x128xf32, #tpu.memory_space<vmem>>, %arg2: memref<1x128xf32, #tpu.memory_space<vmem>>, %arg3: memref<10000x128xf32, #tpu.memory_space<vmem>>) attributes {dimension_semantics = [], scalar_prefetch = 0 : i64, scratch_operands = 0 : i64, tpu.core_type = #tpu.core_type<tc>} {
    %get3A = arith.constant 0 : index
    %get3A_0 = arith.constant 0 : index
    %get3A_1 = vector.load %arg0[%get3A, %get3A_0] : memref<10000x128xf32, #tpu.memory_space<vmem>>, vector<10000x128xf32>
    %get3A_2 = arith.constant 0 : index
    %get3A_3 = arith.constant 0 : index
    %get3A_4 = vector.load %arg1[%get3A_2, %get3A_3] : memref<128x128xf32, #tpu.memory_space<vmem>>, vector<128x128xf32>
    %dot_general3A = arith.constant dense<0.000000e+00> : vector<10000x128xf32>
    %dot_general3A_5 = tpu.matmul %get3A_1, %get3A_4, %dot_general3A {dimension_numbers = #tpu.dot_dimension_numbers<[1], [0], [0], [1], [0, 0, 1, 1], [], []>, transpose_lhs_hint = false} : vector<10000x128xf32>, vector<128x128xf32>, vector<10000x128xf32> -> vector<10000x128xf32>
    %get3A_6 = arith.constant 0 : index
    %get3A_7 = arith.constant 0 : index
    %get3A_8 = vector.load %arg2[%get3A_6, %get3A_7] : memref<1x128xf32, #tpu.memory_space<vmem>>, vector<1x128xf32>
    %add3A = vector.broadcast %get3A_8 : vector<1x128xf32> to vector<10000x128xf32>
    %add3A_9 = arith.addf %dot_general3A_5, %add3A : vector<10000x128xf32>
    %swap3A = arith.constant 0 : index
    %swap3A_10 = arith.constant 0 : index
    %swap3A_11 = vector.load %arg3[%swap3A, %swap3A_10] : memref<10000x128xf32, #tpu.memory_space<vmem>>, vector<10000x128xf32>
    tpu.vector_store %arg3[%swap3A, %swap3A_10], %add3A_9 {strides = array<i32>} : memref<10000x128xf32, #tpu.memory_space<vmem>>, vector<10000x128xf32>,
    return
  }
}

module attributes {stable_mosaic.version = 14 : i64} {
  func.func @_head_kernel(%arg0: memref<10000x128xf32, #tpu.memory_space<vmem>>, %arg1: memref<2x10112x128xf32, #tpu.memory_space<vmem>>, %arg2: memref<2x10112x128xf32, #tpu.memory_space<vmem>>, %arg3: memref<128x128xf32, #tpu.memory_space<vmem>>, %arg4: memref<128x128xf32, #tpu.memory_space<vmem>>, %arg5: memref<1x128xf32, #tpu.memory_space<vmem>>, %arg6: memref<128x8xf32, #tpu.memory_space<vmem>>, %arg7: memref<1x8xf32, #tpu.memory_space<vmem>>, %arg8: memref<1x8xf32, #tpu.memory_space<vmem>>, %arg9: memref<10000x8xf32, #tpu.memory_space<vmem>>, %arg10: memref<10000x8xf32, #tpu.memory_space<vmem>>) attributes {dimension_semantics = [], scalar_prefetch = 0 : i64, scratch_operands = 0 : i64, tpu.core_type = #tpu.core_type<tc>} {
    %get3A = arith.constant 0 : index
    %get3A_0 = arith.constant 0 : index
    %get3A_1 = arith.constant 0 : index
    %get3A_2 = vector.load %arg1[%get3A, %get3A_0, %get3A_1] : memref<2x10112x128xf32, #tpu.memory_space<vmem>>, vector<1x10000x128xf32>
    %get3A_3 = vector.shape_cast %get3A_2 : vector<1x10000x128xf32> to vector<10000x128xf32>
    %get3A_4 = arith.constant 1 : index
    %get3A_5 = arith.constant 0 : index
    %get3A_6 = arith.constant 0 : index
    %get3A_7 = vector.load %arg1[%get3A_4, %get3A_5, %get3A_6] : memref<2x10112x128xf32, #tpu.memory_space<vmem>>, vector<1x10000x128xf32>
    %get3A_8 = vector.shape_cast %get3A_7 : vector<1x10000x128xf32> to vector<10000x128xf32>
    %add3A = arith.addf %get3A_3, %get3A_8 : vector<10000x128xf32>
    %get3A_9 = arith.constant 0 : index
    %get3A_10 = arith.constant 0 : index
    %get3A_11 = arith.constant 0 : index
    %get3A_12 = vector.load %arg2[%get3A_9, %get3A_10, %get3A_11] : memref<2x10112x128xf32, #tpu.memory_space<vmem>>, vector<1x10000x128xf32>
    %get3A_13 = vector.shape_cast %get3A_12 : vector<1x10000x128xf32> to vector<10000x128xf32>
    %add3A_14 = arith.addf %add3A, %get3A_13 : vector<10000x128xf32>
    %get3A_15 = arith.constant 1 : index
    %get3A_16 = arith.constant 0 : index
    %get3A_17 = arith.constant 0 : index
    %get3A_18 = vector.load %arg2[%get3A_15, %get3A_16, %get3A_17] : memref<2x10112x128xf32, #tpu.memory_space<vmem>>, vector<1x10000x128xf32>
    %get3A_19 = vector.shape_cast %get3A_18 : vector<1x10000x128xf32> to vector<10000x128xf32>
    %add3A_20 = arith.addf %add3A_14, %get3A_19 : vector<10000x128xf32>
    %get3A_21 = arith.constant 0 : index
    %get3A_22 = arith.constant 0 : index
    %get3A_23 = vector.load %arg0[%get3A_21, %get3A_22] : memref<10000x128xf32, #tpu.memory_space<vmem>>, vector<10000x128xf32>
    %get3A_24 = arith.constant 0 : index
    %get3A_25 = arith.constant 0 : index
    %get3A_26 = vector.load %arg3[%get3A_24, %get3A_25] : memref<128x128xf32, #tpu.memory_space<vmem>>, vector<128x128xf32>
    %dot_general3A = arith.constant dense<0.000000e+00> : vector<10000x128xf32>
    %dot_general3A_27 = tpu.matmul %get3A_23, %get3A_26, %dot_general3A {dimension_numbers = #tpu.dot_dimension_numbers<[1], [0], [0], [1], [0, 0, 1, 1], [], []>, transpose_lhs_hint = false} : vector<10000x128xf32>, vector<128x128xf32>, vector<10000x128xf32> -> vector<10000x128xf32>
    %get3A_28 = arith.constant 0 : index
    %get3A_29 = arith.constant 0 : index
    %get3A_30 = vector.load %arg4[%get3A_28, %get3A_29] : memref<128x128xf32, #tpu.memory_space<vmem>>, vector<128x128xf32>
    %dot_general3A_31 = arith.constant dense<0.000000e+00> : vector<10000x128xf32>
    %dot_general3A_32 = tpu.matmul %add3A_20, %get3A_30, %dot_general3A_31 {dimension_numbers = #tpu.dot_dimension_numbers<[1], [0], [0], [1], [0, 0, 1, 1], [], []>, transpose_lhs_hint = false} : vector<10000x128xf32>, vector<128x128xf32>, vector<10000x128xf32> -> vector<10000x128xf32>
    %add3A_33 = arith.addf %dot_general3A_27, %dot_general3A_32 : vector<10000x128xf32>
    %get3A_34 = arith.constant 0 : index
    %get3A_35 = arith.constant 0 : index
    %get3A_36 = vector.load %arg5[%get3A_34, %get3A_35] : memref<1x128xf32, #tpu.memory_space<vmem>>, vector<1x128xf32>
    %add3A_37 = vector.broadcast %get3A_36 : vector<1x128xf32> to vector<10000x128xf32>
    %add3A_38 = arith.addf %add3A_33, %add3A_37 : vector<10000x128xf32>
    %max3A = arith.constant 0.000000e+00 : f32
    %max3A_39 = vector.broadcast %max3A : f32 to vector<10000x128xf32>
    %max3A_40 = arith.maximumf %add3A_38, %max3A_39 : vector<10000x128xf32>
    %get3A_41 = arith.constant 0 : index
    %get3A_42 = arith.constant 0 : index
    %get3A_43 = vector.load %arg6[%get3A_41, %get3A_42] : memref<128x8xf32, #tpu.memory_space<vmem>>, vector<128x8xf32>
    %dot_general3A_44 = arith.constant dense<0.000000e+00> : vector<10000x8xf32>
    %dot_general3A_45 = tpu.matmul %max3A_40, %get3A_43, %dot_general3A_44 {dimension_numbers = #tpu.dot_dimension_numbers<[1], [0], [0], [1], [0, 0, 1, 1], [], []>, transpose_lhs_hint = false} : vector<10000x128xf32>, vector<128x8xf32>, vector<10000x8xf32> -> vector<10000x8xf32>
    %get3A_46 = arith.constant 0 : index
    %get3A_47 = arith.constant 0 : index
    %get3A_48 = vector.load %arg7[%get3A_46, %get3A_47] : memref<1x8xf32, #tpu.memory_space<vmem>>, vector<1x8xf32>
    %add3A_49 = vector.broadcast %get3A_48 : vector<1x8xf32> to vector<10000x8xf32>
    %add3A_50 = arith.addf %dot_general3A_45, %add3A_49 : vector<10000x8xf32>
    %swap3A = arith.constant 0 : index
    %swap3A_51 = arith.constant 0 : index
    %swap3A_52 = vector.load %arg9[%swap3A, %swap3A_51] : memref<10000x8xf32, #tpu.memory_space<vmem>>, vector<10000x8xf32>
    tpu.vector_store %arg9[%swap3A, %swap3A_51], %add3A_50 {strides = array<i32>} : memref<10000x8xf32, #tpu.memory_space<vmem>>, vector<10000x8xf32>,
    %get3A_53 = arith.constant 0 : index
    %get3A_54 = arith.constant 0 : index
    %get3A_55 = vector.load %arg8[%get3A_53, %get3A_54] : memref<1x8xf32, #tpu.memory_space<vmem>>, vector<1x8xf32>
    %exp3A = math.exp %get3A_55 : vector<1x8xf32>
    %broadcast_in_dim3A = vector.shape_cast %exp3A : vector<1x8xf32> to vector<1x8xf32>
    %broadcast_in_dim3A_56 = vector.broadcast %broadcast_in_dim3A : vector<1x8xf32> to vector<10000x8xf32>
    %swap3A_57 = arith.constant 0 : index
    %swap3A_58 = arith.constant 0 : index
    %swap3A_59 = vector.load %arg10[%swap3A_57, %swap3A_58] : memref<10000x8xf32, #tpu.memory_space<vmem>>, vector<10000x8xf32>
    tpu.vector_store %arg10[%swap3A_57, %swap3A_58], %broadcast_in_dim3A_56 {strides = array<i32>} : memref<10000x8xf32, #tpu.memory_space<vmem>>, vector<10000x8xf32>,
    return
  }
}

</mosaic_0001>

<sc_bundles>
// kernel: kernel.11.cloned.1.call-start
scs
__scs_entry_jumppad:
0x0: {  	(pc) =	sbr.rel $0x88, $3  }
0x1: {  	(tag) =	ssettag $0x0;
	lr =	simm.s32 $0x1  }
0x2: {  	[smem:$0x3F97] =	sst lr;
	_ =	strace $0xD0000000  }
0x3: {  	_ = 	snop  }
0x4: {  	_ = 	snop  }
0x5: {  	_ = 	snop  }
0x6: {  	_ = 	snop  }
0x7: {  	_ = 	snop  }
__scs_overlays_trampoline_lowered:
0x8: {  	[smem:$0x3FA6] =	sst s0  }
0x9: {  	[smem:$0x3FA7] =	sst s1  }
0xa: {  	[smem:$0x3FA8] =	sst s2  }
0xb: {  	[smem:$0x3FA9] =	sst s3  }
0xc: {  	[smem:$0x3FAA] =	sst s4  }
0xd: {  	[smem:$0x3FAB] =	sst s5  }
0xe: {  	[smem:$0x3FAC] =	sst s6  }
0xf: {  	[smem:$0x3FAD] =	sst s7  }
0x10: {  	[smem:$0x3FAE] =	sst s8  }
0x11: {  	[smem:$0x3FAF] =	sst s9;
	s0 =	simm.s32 @!p0 $0x0  }
0x12: {  	s1 =	sld [smem:$0x3F95];
	s0 =	simm.s32 @p0 $0x1  }
0x13: {  	[smem:$0x3FB0] =	sst s0;
	s0 =	simm.s32 @!p1 $0x0  }
0x14: {  	s2 =	sld [smem:$0x3F94];
	s0 =	simm.s32 @p1 $0x1  }
0x15: {  	[smem:$0x3FB1] =	sst s0;
	s0 =	simm.s32 @!p2 $0x0  }
0x16: {  	s3 =	sld [smem:$0x3FDB];
	s0 =	simm.s32 @p2 $0x1  }
0x17: {  	s4 =	simm.s32 $0x1BF5;
	[smem:$0x3FB3] =	sst s0  }
0x18: {  	s0 =	sld [smem:$0x3F96];
	_ =	swait.ge [sflag:s4], $0x0  }
0x19: {  	s7 =	sld [smem:$0x3F97]  }
0x1a: {  	s8 =	sadd.s32 $0xFFFFE003, lr  }
0x1b: {  	s9 =	sadd.s32 $0xFFFFFEF7, lr;
	s5 =	simm.s32 $0xFFFFFFFF;
	p2 =	slt.u32 s8, $0xFFFFF086  }
0x1c: {  	p1 =	slt.u32 s9, $0xF7A;
	s5 =	simm.s32 @!p2 $0x0  }
0x1d: {  	s5 =	simm.s32 @p1 $0x1;
	p0 =	seq.s32 s7, s2  }
0x1e: {  	s7 =	smul.u32 @!p0 $0xF7A, s2;
	p2 =	seq.s32 @!p0 s5, $0x0  }
0x1f: {  	s9 =	smul.u32 $0xF7A, s1;
	s8 =	simm.s32 @!p0 $0x1BF5;
	p2 =	por !p2, p0  }
0x20: {  	[sflag:s8] =	ssyncset.s32 @!p0 $0xFFFFF086;
	s6 =	sadd.s32 @!p0 s3, s7;
	s7 =	simm.s32 @!p0 $0x108  }
0x21: {  	s3 =	sadd.s32 s3, s9;
	s6 =	sadd.s32 @!p0 $0x88, s6;
	s7 =	simm.s32 @p2 $0x1082  }
0x22: {  	[simem:s7], [sflag:s8] =	dma.local @!p0 [hbm:s6], $0xF7A  }
0x23: {  	s9 =	sor.u32 $0xD0000000, s2;
	s6 =	simm.s32 $0x108;
	_ =	swait.ge @!p0 [sflag:s8], $0x0  }
0x24: {  	s3 =	sadd.s32 $0x88, s3;
	s6 =	simm.s32 @!p1 $0x1082;
	[sflag:s4] =	ssyncset.s32 $0xFFFFF086  }
0x25: {  	[simem:s6], [sflag:s4] =	dma.local [hbm:s3], $0xF7A  }
0x26: {  	[smem:$0x3F97] =	sst s1;
	(tag) =	ssettag s2;
	_ =	strace s9  }
0x27: {  	s1 =	sld [smem:$0x3FA7]  }
0x28: {  	s2 =	sld [smem:$0x3FA8]  }
0x29: {  	s4 =	sld [smem:$0x3FAA]  }
0x2a: {  	p0 =	seq.s32 s5, $0x0;
	s5 =	sld [smem:$0x3FAB]  }
0x2b: {  	s6 =	sld [smem:$0x3FAC]  }
0x2c: {  	s7 =	sld [smem:$0x3FAD]  }
0x2d: {  	s3 =	simm.s32 $0x108;
	s8 =	sld [smem:$0x3FAE]  }
0x2e: {  	s3 =	simm.s32 @!p0 $0x1082;
	s9 =	sld [smem:$0x3FAF]  }
0x2f: {  	lr =	sadd.s32 s0, s3;
	s0 =	sld [smem:$0x3FA6]  }
0x30: {  	s3 =	sld [smem:$0x3FA9]  }
0x31: {  	[smem:$0x3FB2] =	sst s10  }
0x32: {  	s10 =	sld [smem:$0x3FB0];
	_ =	sdelay $0x3  }
0x33: {  	p0 =	seq.s32 s10, $0x1;
	s10 =	sld [smem:$0x3FB2];
	_ =	sdelay $0x3  }
0x34: {  	[smem:$0x3FB2] =	sst s10  }
0x35: {  	s10 =	sld [smem:$0x3FB1];
	_ =	sdelay $0x3  }
0x36: {  	p1 =	seq.s32 s10, $0x1;
	s10 =	sld [smem:$0x3FB2];
	_ =	sdelay $0x3  }
0x37: {  	[smem:$0x3FB2] =	sst s10  }
0x38: {  	s10 =	sld [smem:$0x3FB3]  }
0x39: {  	_ = 	snop;
	(pc) =	sbr.ind lr, $3  }
0x3a: {  	_ = 	snop  }
0x3b: {  	_ = 	snop  }
0x3c: {  	p2 =	seq.s32 s10, $0x1;
	s10 =	sld [smem:$0x3FB2]  }
0x3d: {  	_ =	shalt  }
0x3e: {  	_ =	shalt  }
0x3f: {  	_ =	shalt  }
0x40: {  	_ =	shalt  }
0x41: {  	_ =	shalt  }
0x42: {  	_ =	shalt  }
0x43: {  	_ =	shalt  }
0x44: {  	_ =	shalt  }
0x45: {  	_ =	shalt  }
0x46: {  	_ =	shalt  }
0x47: {  	_ =	shalt  }
0x48: {  	_ =	shalt  }
0x49: {  	_ =	shalt  }
0x4a: {  	_ =	shalt  }
0x4b: {  	_ =	shalt  }
0x4c: {  	_ =	shalt  }
0x4d: {  	_ =	shalt  }
0x4e: {  	_ =	shalt  }
0x4f: {  	_ =	shalt  }
0x50: {  	_ =	shalt  }
0x51: {  	_ =	shalt  }
0x52: {  	_ =	shalt  }
0x53: {  	_ =	shalt  }
0x54: {  	_ =	shalt  }
0x55: {  	_ =	shalt  }
0x56: {  	_ =	shalt  }
0x57: {  	_ =	shalt  }
0x58: {  	_ =	shalt  }
0x59: {  	_ =	shalt  }
0x5a: {  	_ =	shalt  }
0x5b: {  	_ =	shalt  }
0x5c: {  	_ =	shalt  }
0x5d: {  	_ =	shalt  }
0x5e: {  	_ =	shalt  }
0x5f: {  	_ =	shalt  }
0x60: {  	_ =	shalt  }
0x61: {  	_ =	shalt  }
0x62: {  	_ =	shalt  }
0x63: {  	_ =	shalt  }
0x64: {  	_ =	shalt  }
0x65: {  	_ =	shalt  }
0x66: {  	_ =	shalt  }
0x67: {  	_ =	shalt  }
0x68: {  	_ =	shalt  }
0x69: {  	_ =	shalt  }
0x6a: {  	_ =	shalt  }
0x6b: {  	_ =	shalt  }
0x6c: {  	_ =	shalt  }
0x6d: {  	_ =	shalt  }
0x6e: {  	_ =	shalt  }
0x6f: {  	_ =	shalt  }
0x70: {  	_ =	shalt  }
0x71: {  	_ =	shalt  }
0x72: {  	_ =	shalt  }
0x73: {  	_ =	shalt  }
0x74: {  	_ =	shalt  }
0x75: {  	_ =	shalt  }
0x76: {  	_ =	shalt  }
0x77: {  	_ =	shalt  }
0x78: {  	_ =	shalt  }
0x79: {  	_ =	shalt  }
0x7a: {  	_ =	shalt  }
0x7b: {  	_ =	shalt  }
0x7c: {  	_ =	shalt  }
0x7d: {  	_ =	shalt  }
0x7e: {  	_ =	shalt  }
0x7f: {  	_ =	shalt  }
0x80: {  	_ =	shalt  }
0x81: {  	_ =	shalt  }
0x82: {  	_ =	shalt  }
0x83: {  	_ =	shalt  }
0x84: {  	_ =	shalt  }
0x85: {  	_ =	shalt  }
0x86: {  	_ =	shalt  }
0x87: {  	_ =	shalt  }
.Lfunc_end0:
.L_simem_size_0:
called_computation.1_lowered:
.L_overlay_start_0:
0x88: {  	s2 =	sld [smem:$0x3FD9]  }
0x89: {  	s3 =	sld [smem:$0x3FFE];
	_ =	sdelay $0x1  }
0x8a: {  	s1 =	srdreg.scid  }
0x8b: {  	s0 =	sand.u32 $0x1, s1  }
0x8c: {  	s16 =	sshll.u32 s0, $0xA;
	s2 =	sadd.s32 s3, s2  }
0x8d: {  	s2 =	sadd.s32 s2, s16  }
0x8e: {  	[smem:$0x3FBE] =	sst s2  }
0x8f: {  	_ = 	snop  }
0x90: {  	(tm) =	ssettm $0x1  }
0x91: {  	s17 =	sld [smem:$0x3FFB];
	_ =	sdelay $0x3  }
0x92: {  	_ =	strace s17  }
0x93: {  	s2 =	sld [smem:$0x3FFC];
	_ =	sdelay $0x3  }
0x94: {  	_ =	strace s2  }
0x95: {  	s2 =	sld [smem:$0x3FFD];
	_ =	sdelay $0x3  }
0x96: {  	_ =	strace s2  }
0x97: {  	_ =	strace $0x8FFFFFFF  }
0x98: {  	s18 =	sld [smem:$0x3FDB];
	_ =	sdelay $0x1  }
0x99: {  	s19 =	simm.s32 $_scs_section_size  }
0x9a: {  	s4 =	simm.s32 $_size__tile_overlayer_lowered;
	s5 =	simm.s32 $_tile_overlayer_lowered  }
0x9b: {  	s22 =	simm.s32 $0x1BFF;
	s21 =	sshll.u32 s5, $0x1;
	s2 =	sadd.s32 s19, s18  }
0x9c: {  	s6 =	simm.s32 $0x0;
	s20 =	sshll.u32 s4, $0x1;
	s4 =	sadd.s32 s21, s2  }
0x9d: {  	[timem:s6], [sflag:s22] =	dma.local [hbm:s4], s20  }
0x9e: {  	_ =	swait.ge [sflag:s22], s20  }
0x9f: {  	s3 =	ssub.s32 $0x0, s20;
	[sflag:s22] =	ssyncset.done $0x0  }
0xa0: {  	[sflag:s22] =	ssyncadd.s32 s3;
	_ =	sdelay $0x1  }
0xa1: {  	s23 =	simm.s32 $0x1B8B  }
0xa2: {  	_ =	swait.ge [sflag:s23], $0x1  }
0xa3: {  	[sflag:s23] =	ssyncset.done $0x0  }
0xa4: {  	s25 =	simm.s32 $0x1B8E;
	s24 =	sld [smem:$0x3FFE];
	[sflag:s23] =	ssyncadd.s32 $0xFFFFFFFF  }
0xa5: {  	s26 =	simm.s32 $execute0_lowered;
	[smem:$0x3FD2] =	sst s25  }
0xa6: {  	s4 =	sshll.u32 s26, $0x1;
	_ =	strace $0x80000046;
	[dreg:$0x1] =	wrdreg $0xFFFFFFFF  }
0xa7: {  	s28 =	simm.s32 $_size_execute0_lowered;
	s2 =	sadd.s32 s2, s4;
	[dreg:$0x0] =	wrdreg $0x0  }
0xa8: {  	s4 =	sshll.u32 s28, $0x1;
	[dreg:$0x2] =	wrdreg s2  }
0xa9: {  	[dreg:$0x3] =	wrdreg s4  }
0xaa: {  	[dreg:$0x4] =	wrdreg $0xC0  }
0xab: {  	_ =	task [dreg:s6], $0x5FFFF  }
0xac: {  	[dreg:$0x1] =	wrdreg $0xFFFFFFFF  }
0xad: {  	[dreg:$0x0] =	wrdreg $0x60  }
0xae: {  	[dreg:$0x2] =	wrdreg s24  }
0xaf: {  	[dreg:$0x3] =	wrdreg $0x0  }
0xb0: {  	[dreg:$0x4] =	wrdreg $0xA  }
0xb1: {  	_ =	task.clear_ibuf [dreg:s6], $0x5FFFF;
	_ =	strace $0x90000046  }
0xb2: {  	s29 =	simm.s32 $0xA;
	_ =	strace $0x80000048  }
0xb3: {  	_ =	swait.ge [sflag:s29], $0x1  }
0xb4: {  	[sflag:s29] =	ssyncadd.s32 $0xFFFFFFFF  }
0xb5: {  	_ =	strace $0x90000048  }
0xb6: {  	_ =	sfence  }
0xb7: {  	s30 =	sld [smem:$0x0];
	_ =	sdelay $0x2  }
0xb8: {  	s31 =	sshll.u32 s1, $0xD;
	s1 =	sshrl.u32 s1, $0x2  }
0xb9: {  	s3 =	sand.u32 $0x4000, s31;
	s1 =	sadd.s32 s1, s30  }
0xba: {  	s0 =	sor.u32 s3, s0;
	s1 =	sshll.u32 s1, $0x11  }
0xbb: {  	s0 =	sor.u32 s1, s0  }
0xbc: {  	s0 =	sadd.s32 $0x8F2B, s0  }
0xbd: {  	[sflag:s0] =	ssyncadd.remote.s32 $0x1  }
0xbe: {  	_ =	sfence.sel $0xFFFF  }
0xbf: {  	[dreg:$0x0] =	wrdreg $0xFFFFFFFF;
	(pc) =	sbr.abs _section_cstart, $3  }
0xc0: {  	[dreg:$0x1] =	wrdreg $0xFFFFFFFF  }
0xc1: {  	_ =	task.clear_ibuf [dreg:s6], $0x2FFFF;
	_ =	strace $0x9FFFFFFF  }
0xc2: {  	(tm) =	ssettm $0x7FFFFFFF  }
0xc3: {  	_ =	shalt  }
tec
execute0_lowered:
.L_overlay_start_1:
0x0: {  	(tag) =	ssettag $0x1  }
0x1: {  	s0 =	rddreg [dreg:$0x0]  }
0x2: {  	s1 =	rddreg [dreg:$0x1];
	s3 =	simm.s32 $0x0;
	s15 =	stileid.u32  }
0x3: {  	s2 =	srdreg.scid;
	s28 =	simm.s32 $0x1;
	s29 =	simm.s32 $0x50  }
0x4: {  	s30 =	simm.s32 $0x13F00;
	s31 =	simm.s32 $0x0;
	[smem:$0x7FF] =	sst s3  }
0x5: {  	s4 =	sadd.s32 $0x2CC200, s0;
	s8 =	smul.u32 $0x13C00, s15;
	s2 =	sand.u32 $0x1, s2  }
0x6: {  	s5 =	sadd.s32 $0x2C2400, s0;
	s6 =	sadd.s32 $0x51400, s0;
	s7 =	sadd.s32 $0x2D6000, s0  }
0x7: {  	s14 =	smul.u32 $0x4F000, s15;
	s21 =	sshll.u32 s15, $0x6;
	_ =	strace $0x80000047  }
0x8: {  	s9 =	smul.u32 $0x13C000, s2;
	s11 =	sshll.u32 s2, $0x4;
	s19 =	ssub.s32 $0x2, s2  }
0x9: {  	s10 =	sshrl.u32 s8, $0x3;
	s18 =	sor.u32 s15, s11;
	s13 =	sshrl.u32 s19, $0x1  }
0xa: {  	s20 =	sshrl.u32 s14, $0x2;
	s10 =	sadd.s32 s10, s0;
	s8 =	sadd.s32 s8, s9  }
0xb: {  	s12 =	smul.u32 $0x3E, s18;
	s9 =	smin.u32 s18, $0x10;
	s13 =	ssub.s32 s19, s13  }
0xc: {  	s14 =	sadd.s32 s20, s1;
	s18 =	ssub.s32 $0x20, s2;
	s8 =	sshrl.u32 s8, $0x3  }
0xd: {  	s10 =	sadd.s32 $0x78600, s10;
	s0 =	sadd.s32 s8, s0;
	s8 =	sadd.s32 s9, s12  }
0xe: {  	s20 =	smax.u32 s13, $0x1;
	s9 =	sxor.u32 $0x3F, s2;
	s12 =	smul.u32 $0x50, s8  }
0xf: {  	[dreg:$0x3] =	wrdreg s10;
	s11 =	sadd.s32 $0x7D0, s8;
	s24 =	smul.u32 $0x500, s8  }
0x10: {  	s2 =	simm.s32 $0x4;
	s0 =	sadd.s32 $0x9FE00, s0;
	s22 =	smul.u32 $0xA, s11  }
0x11: {  	[dreg:$0x9] =	wrdreg s0;
	s0 =	simm.s32 $0x3;
	s16 =	sshrl.u32 s12, $0x3  }
0x12: {  	s12 =	sor.u32 $0x1C07, s21;
	s26 =	sadd.s32 s7, s24;
	s21 =	sshrl.u32 s14, $0x3  }
.Ltmp0:
0x13: {  	s17 =	sadd.s32 s4, s22;
	[dreg:$0x8] =	wrdreg s26;
	(pc) =	sbr.rel .LBB2_1-.Ltmp0, $4  }
0x14: {  	s23 =	sadd.s32 $0x4E2A, s16;
	s15 =	sadd.s32 s5, s22;
	[dreg:$0x4] =	wrdreg s17  }
0x15: {  	s24 =	simm.s32 $0x16700;
	[dreg:$0x5] =	wrdreg s15;
	s25 =	sadd.s32 s4, s23  }
0x16: {  	s22 =	simm.s32 $0x7;
	s10 =	sadd.s32 s5, s23;
	[dreg:$0x6] =	wrdreg s25  }
0x17: {  	s26 =	simm.s32 $0x6;
	[dreg:$0x7] =	wrdreg s10;
	s25 =	simm.s32 $0x5  }
.LBB2_11:
0x18: {  	_ =	swait.ge [sflag:s25], $0x2800  }
0x19: {  	[sflag:s25] =	ssyncset.done $0x0  }
0x1a: {  	[sflag:s25] =	ssyncadd.s32 $0xFFFFD800  }
0x1b: {  	_ =	swait.ge [sflag:s26], $0x2800  }
0x1c: {  	[sflag:s26] =	ssyncset.done $0x0  }
0x1d: {  	s31 =	sadd.s32 $0x1, s31;
	[sflag:s26] =	ssyncadd.s32 $0xFFFFD800  }
0x1e: {  	p0 =	sne.s32 s31, s20;
	[bflag:$0x0] =	sbarrier.arrive $0xFFFF  }
.Ltmp1:
0x1f: {  	s10 =	rddreg [dreg:$0x9];
	(pc) =	sbr.rel @!p0 .LBB2_12-.Ltmp1, $4  }
0x20: {  	[hbm:s10], [sflag:s12] =	dma.local [spmem:s21], $0x2780  }
0x21: {  	_ =	swait.ge [sflag:s22], $0x2780  }
0x22: {  	[sflag:s22] =	ssyncset.done $0x0  }
0x23: {  	[sflag:s22] =	ssyncadd.s32 $0xFFFFD880  }
.LBB2_1:
0x24: {  	s10 =	rddreg [dreg:$0x3]  }
0x25: {  	[spmem:s21], [sflag:s12] =	dma.local [hbm:s10], $0x2780  }
0x26: {  	_ =	swait.ge [sflag:s22], $0x2780  }
0x27: {  	[sflag:s22] =	ssyncset.done $0x0  }
0x28: {  	[sflag:s22] =	ssyncadd.s32 $0xFFFFD880  }
0x29: {  	[bflag:$0x0] =	sbarrier.arrive $0xFFFF  }
0x2a: {  	s13 =	simm.s32 $0x13C00;
	s19 =	rddreg [dreg:$0x4]  }
0x2b: {  	[tilespmem:s13], [sflag:$0x1] =	stream.linear.gather [hbm4b:s19+s3], $0x50, $0x38;
	[tilespmem:$0x1DF00] =	vst v63  }
0x2c: {  	s14 =	simm.s32 $0x13D00;
	s23 =	rddreg [dreg:$0x5]  }
0x2d: {  	[tilespmem:s14], [sflag:$0x1] =	stream.linear.gather [hbm4b:s23+s3], $0x50, $0x38;
	[tilespmem:$0x1DF00] =	vst v63  }
0x2e: {  	s15 =	simm.s32 $0x13C80;
	s14 =	rddreg [dreg:$0x6]  }
0x2f: {  	[tilespmem:s15], [sflag:$0x2] =	stream.linear.gather [hbm4b:s14+s3], $0x50, $0x38;
	[tilespmem:$0x1DF00] =	vst v63  }
0x30: {  	s17 =	simm.s32 $0x13D80;
	s16 =	rddreg [dreg:$0x7]  }
0x31: {  	[tilespmem:s17], [sflag:$0x2] =	stream.linear.gather [hbm4b:s16+s3], $0x50, $0x38;
	[tilespmem:$0x1DF00] =	vst v63  }
0x32: {  	_ =	swait.ge [sflag:s28], $0x50  }
0x33: {  	[sflag:s28] =	ssyncset.done $0x0  }
0x34: {  	[sflag:s28] =	ssyncadd.s32 $0xFFFFFFB0  }
0x35: {  	_ =	swait.ge [sflag:s28], $0x50  }
.Ltmp2:
0x36: {  	[sflag:s28] =	ssyncset.done $0x0;
	(pc) =	sbr.rel .LBB2_2-.Ltmp2, $4  }
0x37: {  	[sflag:s28] =	ssyncadd.s32 $0xFFFFFFB0  }
0x38: {  	[tilespmem:s30], [sflag:$0x3] =	stream.indirect.gather [hbm4b:s6+s29], $0x80, s13, s29, $0xb8;
	[tilespmem:$0x1DF00] =	vst v63  }
0x39: {  	s10 =	simm.s32 $0x0;
	s23 =	simm.s32 $0x18F00;
	s19 =	rddreg [dreg:$0x8]  }
0x3a: {  	[tilespmem:s23], [sflag:$0x3] =	stream.linear.gather [hbm4b:s19+s3], $0x2800, $0x38;
	[tilespmem:$0x1DF00] =	vst v63  }
.LBB2_10:
0x3b: {  	s10 =	sadd.s32 $0x1, s10  }
0x3c: {  	p0 =	sne.s32 s10, s18  }
.Ltmp3:
0x3d: {  	_ = 	snop;
	(pc) =	sbr.rel @!p0 .LBB2_11-.Ltmp3, $1  }
0x3e: {  	_ =	sdelay $0x3  }
.LBB2_2:
0x3f: {  	s13 =	sshll.u32 s10, $0x1  }
0x40: {  	p1 =	sge.u32 s13, s9  }
.Ltmp4:
0x41: {  	_ = 	snop;
	(pc) =	sbr.rel @p1 .LBB2_6-.Ltmp4, $3  }
0x42: {  	_ =	sdelay $0x1  }
0x43: {  	s23 =	sshllo.u32 s10, $0x1  }
0x44: {  	p0 =	sge.u32 s23, s9  }
0x45: {  	p1 =	seq.s32 @!p0 s10, $0x0  }
0x46: {  	p1 =	por p1, p0  }
0x47: {  	s14 =	simm.s32 @!p1 $0x6  }
0x48: {  	_ =	swait.ge @!p1 [sflag:s14], $0x2800  }
0x49: {  	[sflag:s14] =	ssyncset.done @!p1 $0x0  }
0x4a: {  	[sflag:s14] =	ssyncadd.s32 @!p1 $0xFFFFD800;
	s14 =	simm.s32 @!p0 $0x2  }
0x4b: {  	_ =	swait.ge @!p0 [sflag:s14], $0x50  }
0x4c: {  	[sflag:s14] =	ssyncset.done @!p0 $0x0  }
0x4d: {  	[sflag:s14] =	ssyncadd.s32 @!p0 $0xFFFFFFB0  }
0x4e: {  	s15 =	sadd.s32 @!p0 s8, s23;
	_ =	swait.ge @!p0 [sflag:s14], $0x50  }
0x4f: {  	s16 =	simm.s32 @!p0 $0x13C80;
	s17 =	simm.s32 @!p0 $0x16700;
	[sflag:s14] =	ssyncset.done @!p0 $0x0  }
0x50: {  	s15 =	smul.u32 @!p0 $0x500, s15;
	[sflag:s14] =	ssyncadd.s32 @!p0 $0xFFFFFFB0;
	s14 =	simm.s32 @!p0 $0x50  }
0x51: {  	[tilespmem:s17], [sflag:$0x4] =	stream.indirect.gather @!p0 [hbm4b:s6+s14], $0x80, s16, s14, $0xb8;
	[tilespmem:$0x1DF00] =	vst v63  }
0x52: {  	s14 =	sadd.s32 @!p0 s7, s15;
	s15 =	simm.s32 @!p0 $0x0;
	s16 =	simm.s32 @!p0 $0x1B700  }
0x53: {  	[tilespmem:s16], [sflag:$0x4] =	stream.linear.gather @!p0 [hbm4b:s14+s15], $0x2800, $0x38;
	[tilespmem:$0x1DF00] =	vst v63  }
0x54: {  	_ =	swait.ge [sflag:s0], $0x2800  }
0x55: {  	[sflag:s0] =	ssyncset.done $0x0  }
0x56: {  	[sflag:s0] =	ssyncadd.s32 $0xFFFFD800  }
0x57: {  	_ =	swait.ge [sflag:s0], $0x2800  }
0x58: {  	[sflag:s0] =	ssyncset.done $0x0  }
0x59: {  	s14 =	simm.s32 $0x14000;
	[sflag:s0] =	ssyncadd.s32 $0xFFFFD800  }
0x5a: {  	s15 =	simm.s32 $0x19000;
	v0 =	vld [tilespmem:s14+$0x80]  }
0x5b: {  	v1 =	vld [tilespmem:s15+$0x80]  }
0x5c: {  	v2 =	vld [tilespmem:s15+$0xFFFFFF00]  }
0x5d: {  	v3 =	vld [tilespmem:s14+$0xFFFFFF80]  }
0x5e: {  	v4 =	vld [tilespmem:s15+$0xFFFFFF80]  }
0x5f: {  	v5 =	vld [tilespmem:s15+$0x0]  }
0x60: {  	v0 =	vadd.f32 v1, v0;
	v1 =	vld [tilespmem:s14+$0x0]  }
0x61: {  	v6 =	vld [tilespmem:s14+$0xFFFFFF00]  }
0x62: {  	v0 =	vmax.f32 v0, $0.0e+00  }
0x63: {  	v3 =	vadd.f32 v4, v3;
	[tilespmem:s14+$0x80] =	vst v0;
	v0 =	vld [tilespmem:s14+$0x90]  }
0x64: {  	v7 =	vld [tilespmem:s15+$0x90]  }
0x65: {  	v8 =	vld [tilespmem:s14+$0xFFFFFF90];
	v3 =	vmax.f32 v3, $0.0e+00;
	v1 =	vadd.f32 v5, v1  }
0x66: {  	v4 =	vld [tilespmem:s14+$0xFFFFFF10];
	v2 =	vadd.f32 v2, v6;
	[tilespmem:s14+$0xFFFFFF80] =	vst v3  }
0x67: {  	v5 =	vld [tilespmem:s15+$0xFFFFFF90];
	v1 =	vmax.f32 v1, $0.0e+00  }
0x68: {  	v2 =	vmax.f32 v2, $0.0e+00;
	v3 =	vld [tilespmem:s14+$0x10];
	[tilespmem:s14+$0x0] =	vst v1  }
0x69: {  	[tilespmem:s14+$0xFFFFFF00] =	vst v2;
	v0 =	vadd.f32 v7, v0;
	v1 =	vld [tilespmem:s15+$0x10]  }
0x6a: {  	v2 =	vld [tilespmem:s15+$0xFFFFFF10]  }
0x6b: {  	v0 =	vmax.f32 v0, $0.0e+00  }
0x6c: {  	v5 =	vadd.f32 v5, v8;
	[tilespmem:s14+$0x90] =	vst v0;
	v0 =	vld [tilespmem:s14+$0xA0]  }
0x6d: {  	v7 =	vld [tilespmem:s15+$0xA0]  }
0x6e: {  	v6 =	vld [tilespmem:s14+$0xFFFFFF20];
	v5 =	vmax.f32 v5, $0.0e+00;
	v1 =	vadd.f32 v1, v3  }
0x6f: {  	v2 =	vadd.f32 v2, v4;
	v8 =	vld [tilespmem:s14+$0xFFFFFFA0];
	[tilespmem:s14+$0xFFFFFF90] =	vst v5  }
0x70: {  	v4 =	vld [tilespmem:s15+$0xFFFFFFA0];
	v1 =	vmax.f32 v1, $0.0e+00  }
0x71: {  	v2 =	vmax.f32 v2, $0.0e+00;
	v3 =	vld [tilespmem:s14+$0x20];
	[tilespmem:s14+$0x10] =	vst v1  }
0x72: {  	[tilespmem:s14+$0xFFFFFF10] =	vst v2;
	v0 =	vadd.f32 v7, v0;
	v1 =	vld [tilespmem:s15+$0x20]  }
0x73: {  	v2 =	vld [tilespmem:s15+$0xFFFFFF20]  }
0x74: {  	v0 =	vmax.f32 v0, $0.0e+00  }
0x75: {  	v4 =	vadd.f32 v4, v8;
	[tilespmem:s14+$0xA0] =	vst v0;
	v0 =	vld [tilespmem:s14+$0xB0]  }
0x76: {  	v7 =	vld [tilespmem:s15+$0xB0]  }
0x77: {  	v9 =	vld [tilespmem:s14+$0x30];
	v4 =	vmax.f32 v4, $0.0e+00;
	v1 =	vadd.f32 v1, v3  }
0x78: {  	v2 =	vadd.f32 v2, v6;
	v8 =	vld [tilespmem:s14+$0xFFFFFFB0];
	[tilespmem:s14+$0xFFFFFFA0] =	vst v4  }
0x79: {  	v3 =	vld [tilespmem:s15+$0xFFFFFFB0];
	v1 =	vmax.f32 v1, $0.0e+00  }
0x7a: {  	v5 =	vld [tilespmem:s14+$0xFFFFFF30];
	[tilespmem:s14+$0x20] =	vst v1;
	v1 =	vmax.f32 v2, $0.0e+00  }
0x7b: {  	v0 =	vadd.f32 v7, v0;
	[tilespmem:s14+$0xFFFFFF20] =	vst v1;
	v1 =	vld [tilespmem:s15+$0x30]  }
0x7c: {  	v6 =	vld [tilespmem:s15+$0xFFFFFF30]  }
0x7d: {  	v10 =	vld [tilespmem:s14+$0xFFFFFF40];
	v0 =	vmax.f32 v0, $0.0e+00  }
0x7e: {  	v3 =	vadd.f32 v3, v8;
	[tilespmem:s14+$0xB0] =	vst v0;
	v0 =	vld [tilespmem:s14+$0xC0]  }
0x7f: {  	v7 =	vld [tilespmem:s15+$0xC0]  }
0x80: {  	v11 =	vld [tilespmem:s14+$0xFFFFFFD0];
	v3 =	vmax.f32 v3, $0.0e+00;
	v1 =	vadd.f32 v1, v9  }
0x81: {  	v4 =	vld [tilespmem:s14+$0xFFFFFFC0];
	[tilespmem:s14+$0xFFFFFFB0] =	vst v3;
	v5 =	vadd.f32 v6, v5  }
0x82: {  	v6 =	vld [tilespmem:s15+$0xFFFFFFC0];
	v1 =	vmax.f32 v1, $0.0e+00  }
0x83: {  	v2 =	vld [tilespmem:s14+$0x40];
	[tilespmem:s14+$0x30] =	vst v1;
	v1 =	vmax.f32 v5, $0.0e+00  }
0x84: {  	v0 =	vadd.f32 v7, v0;
	v5 =	vld [tilespmem:s15+$0x40];
	[tilespmem:s14+$0xFFFFFF30] =	vst v1  }
0x85: {  	v1 =	vld [tilespmem:s15+$0xFFFFFF40]  }
0x86: {  	v8 =	vld [tilespmem:s14+$0xFFFFFF50];
	v0 =	vmax.f32 v0, $0.0e+00  }
0x87: {  	[tilespmem:s14+$0xC0] =	vst v0;
	v0 =	vadd.f32 v6, v4;
	v6 =	vld [tilespmem:s14+$0xD0]  }
0x88: {  	v7 =	vld [tilespmem:s15+$0xD0]  }
0x89: {  	v3 =	vld [tilespmem:s14+$0xFFFFFF60];
	v0 =	vmax.f32 v0, $0.0e+00;
	v2 =	vadd.f32 v5, v2  }
0x8a: {  	v9 =	vld [tilespmem:s14+$0x50];
	[tilespmem:s14+$0xFFFFFFC0] =	vst v0;
	v0 =	vadd.f32 v1, v10  }
0x8b: {  	v1 =	vld [tilespmem:s15+$0xFFFFFFD0];
	v2 =	vmax.f32 v2, $0.0e+00  }
0x8c: {  	v4 =	vld [tilespmem:s14+$0xFFFFFFE0];
	[tilespmem:s14+$0x40] =	vst v2;
	v0 =	vmax.f32 v0, $0.0e+00  }
0x8d: {  	v2 =	vld [tilespmem:s15+$0x50];
	v6 =	vadd.f32 v7, v6;
	[tilespmem:s14+$0xFFFFFF40] =	vst v0  }
0x8e: {  	v0 =	vld [tilespmem:s15+$0xFFFFFF50]  }
0x8f: {  	v5 =	vld [tilespmem:s14+$0x60];
	v6 =	vmax.f32 v6, $0.0e+00  }
0x90: {  	v1 =	vadd.f32 v1, v11;
	[tilespmem:s14+$0xD0] =	vst v6;
	v6 =	vld [tilespmem:s14+$0xE0]  }
0x91: {  	v10 =	vld [tilespmem:s15+$0xE0]  }
0x92: {  	v1 =	vmax.f32 v1, $0.0e+00;
	v7 =	vadd.f32 v2, v9;
	v2 =	vld [tilespmem:s14+$0xFFFFFF70]  }
0x93: {  	[tilespmem:s14+$0xFFFFFFD0] =	vst v1;
	v0 =	vadd.f32 v0, v8;
	v1 =	vld [tilespmem:s14+$0xFFFFFFF0]  }
0x94: {  	v8 =	vmax.f32 v7, $0.0e+00;
	v7 =	vld [tilespmem:s15+$0xFFFFFFE0]  }
0x95: {  	[tilespmem:s14+$0x50] =	vst v8;
	v8 =	vmax.f32 v0, $0.0e+00;
	v0 =	vld [tilespmem:s14+$0x70]  }
0x96: {  	[tilespmem:s14+$0xFFFFFF50] =	vst v8;
	v8 =	vld [tilespmem:s15+$0x60];
	v6 =	vadd.f32 v10, v6  }
0x97: {  	v9 =	vld [tilespmem:s15+$0xFFFFFF60]  }
0x98: {  	s19 =	simm.s32 $0x19000;
	s17 =	simm.s32 $0x14200;
	s16 =	simm.s32 $0x0;
	v10 =	vmax.f32 v6, $0.0e+00;
	v6 =	vld [tilespmem:s14+$0xF0]  }
.LBB2_4:
0x99: {  	v11 =	vld [tilespmem:s17+$0x80];
	v4 =	vadd.f32 v7, v4;
	[tilespmem:s14+$0xE0] =	vst v10  }
0x9a: {  	s19 =	sadd.s32 $0x200, s19;
	v7 =	vld [tilespmem:s15+$0xF0]  }
0x9b: {  	s16 =	sadd.s32 $0x4, s16;
	v10 =	vld [tilespmem:s19+$0x80];
	v4 =	vmax.f32 v4, $0.0e+00;
	v5 =	vadd.f32 v8, v5  }
0x9c: {  	p1 =	slt.u32 s16, $0x4C;
	v8 =	vld [tilespmem:s19+$0xFFFFFF00];
	v3 =	vadd.f32 v9, v3;
	[tilespmem:s14+$0xFFFFFFE0] =	vst v4  }
0x9d: {  	v4 =	vld [tilespmem:s17+$0xFFFFFF80];
	v5 =	vmax.f32 v5, $0.0e+00  }
0x9e: {  	v9 =	vld [tilespmem:s19+$0xFFFFFF80];
	v3 =	vmax.f32 v3, $0.0e+00;
	[tilespmem:s14+$0x60] =	vst v5  }
0x9f: {  	v5 =	vld [tilespmem:s17+$0x0];
	[tilespmem:s14+$0xFFFFFF60] =	vst v3;
	v3 =	vadd.f32 v7, v6  }
0xa0: {  	v6 =	vld [tilespmem:s19+$0x0];
	v7 =	vadd.f32 v10, v11  }
0xa1: {  	v10 =	vld [tilespmem:s17+$0xFFFFFF00];
	v3 =	vmax.f32 v3, $0.0e+00  }
0xa2: {  	v11 =	vld [tilespmem:s17+$0xFFFFFF10];
	v7 =	vmax.f32 v7, $0.0e+00;
	[tilespmem:s14+$0xF0] =	vst v3  }
0xa3: {  	v3 =	vadd.f32 v9, v4;
	[tilespmem:s17+$0x80] =	vst v7;
	v4 =	vld [tilespmem:s17+$0x90]  }
0xa4: {  	v7 =	vld [tilespmem:s19+$0x90]  }
0xa5: {  	v3 =	vmax.f32 v3, $0.0e+00;
	v9 =	vld [tilespmem:s17+$0xFFFFFF90];
	v5 =	vadd.f32 v6, v5  }
0xa6: {  	v6 =	vadd.f32 v8, v10;
	[tilespmem:s17+$0xFFFFFF80] =	vst v3;
	v3 =	vld [tilespmem:s17+$0x10]  }
0xa7: {  	v8 =	vld [tilespmem:s19+$0xFFFFFF90];
	v5 =	vmax.f32 v5, $0.0e+00  }
0xa8: {  	v6 =	vmax.f32 v6, $0.0e+00;
	v10 =	vld [tilespmem:s17+$0xFFFFFF20];
	[tilespmem:s17+$0x0] =	vst v5  }
0xa9: {  	[tilespmem:s17+$0xFFFFFF00] =	vst v6;
	v5 =	vld [tilespmem:s19+$0x10];
	v4 =	vadd.f32 v7, v4  }
0xaa: {  	v6 =	vld [tilespmem:s19+$0xFFFFFF10]  }
0xab: {  	v7 =	vld [tilespmem:s17+$0xFFFFFFA0];
	v4 =	vmax.f32 v4, $0.0e+00  }
0xac: {  	v8 =	vadd.f32 v8, v9;
	[tilespmem:s17+$0x90] =	vst v4;
	v4 =	vld [tilespmem:s17+$0xA0]  }
0xad: {  	v9 =	vld [tilespmem:s19+$0xA0]  }
0xae: {  	v8 =	vmax.f32 v8, $0.0e+00;
	v3 =	vadd.f32 v5, v3;
	v5 =	vld [tilespmem:s17+$0x20]  }
0xaf: {  	v6 =	vadd.f32 v6, v11;
	v11 =	vld [tilespmem:s17+$0xFFFFFF30];
	[tilespmem:s17+$0xFFFFFF90] =	vst v8  }
0xb0: {  	v8 =	vld [tilespmem:s19+$0xFFFFFFA0];
	v3 =	vmax.f32 v3, $0.0e+00  }
0xb1: {  	v6 =	vmax.f32 v6, $0.0e+00;
	v12 =	vld [tilespmem:s17+$0xFFFFFFB0];
	[tilespmem:s17+$0x10] =	vst v3  }
0xb2: {  	[tilespmem:s17+$0xFFFFFF10] =	vst v6;
	v3 =	vld [tilespmem:s19+$0x20];
	v4 =	vadd.f32 v9, v4  }
0xb3: {  	v6 =	vld [tilespmem:s19+$0xFFFFFF20]  }
0xb4: {  	v9 =	vld [tilespmem:s17+$0x30];
	v4 =	vmax.f32 v4, $0.0e+00  }
0xb5: {  	v7 =	vadd.f32 v8, v7;
	[tilespmem:s17+$0xA0] =	vst v4;
	v4 =	vld [tilespmem:s17+$0xB0]  }
0xb6: {  	v8 =	vld [tilespmem:s19+$0xB0]  }
0xb7: {  	v13 =	vld [tilespmem:s17+$0xFFFFFF40];
	v7 =	vmax.f32 v7, $0.0e+00;
	v3 =	vadd.f32 v3, v5  }
0xb8: {  	v5 =	vadd.f32 v6, v10;
	[tilespmem:s17+$0xFFFFFFA0] =	vst v7;
	v6 =	vld [tilespmem:s17+$0xFFFFFFC0]  }
0xb9: {  	v7 =	vld [tilespmem:s19+$0xFFFFFFB0];
	v3 =	vmax.f32 v3, $0.0e+00  }
0xba: {  	v5 =	vmax.f32 v5, $0.0e+00;
	[tilespmem:s17+$0x20] =	vst v3;
	v10 =	vld [tilespmem:s17+$0x40]  }
0xbb: {  	[tilespmem:s17+$0xFFFFFF20] =	vst v5;
	v3 =	vld [tilespmem:s19+$0x30];
	v4 =	vadd.f32 v8, v4  }
0xbc: {  	v5 =	vld [tilespmem:s19+$0xFFFFFF30]  }
0xbd: {  	v8 =	vld [tilespmem:s17+$0xFFFFFF50];
	v4 =	vmax.f32 v4, $0.0e+00  }
0xbe: {  	v7 =	vadd.f32 v7, v12;
	[tilespmem:s17+$0xB0] =	vst v4;
	v4 =	vld [tilespmem:s17+$0xC0]  }
0xbf: {  	v12 =	vld [tilespmem:s19+$0xC0]  }
0xc0: {  	v7 =	vmax.f32 v7, $0.0e+00;
	v14 =	vld [tilespmem:s17+$0xFFFFFFD0];
	v3 =	vadd.f32 v3, v9  }
0xc1: {  	v5 =	vadd.f32 v5, v11;
	[tilespmem:s17+$0xFFFFFFB0] =	vst v7;
	v7 =	vld [tilespmem:s17+$0x50]  }
0xc2: {  	v9 =	vld [tilespmem:s19+$0xFFFFFFC0];
	v11 =	vmax.f32 v3, $0.0e+00  }
0xc3: {  	v5 =	vmax.f32 v5, $0.0e+00;
	v3 =	vld [tilespmem:s17+$0xFFFFFF60];
	[tilespmem:s17+$0x30] =	vst v11  }
0xc4: {  	[tilespmem:s17+$0xFFFFFF30] =	vst v5;
	v5 =	vld [tilespmem:s19+$0x40];
	v11 =	vadd.f32 v12, v4  }
0xc5: {  	v12 =	vld [tilespmem:s19+$0xFFFFFF40]  }
0xc6: {  	v4 =	vld [tilespmem:s17+$0xFFFFFFE0];
	v11 =	vmax.f32 v11, $0.0e+00  }
0xc7: {  	v6 =	vadd.f32 v9, v6;
	[tilespmem:s17+$0xC0] =	vst v11;
	v9 =	vld [tilespmem:s17+$0xD0]  }
0xc8: {  	v11 =	vld [tilespmem:s19+$0xD0]  }
0xc9: {  	v6 =	vmax.f32 v6, $0.0e+00;
	v10 =	vadd.f32 v5, v10;
	v5 =	vld [tilespmem:s17+$0x60]  }
0xca: {  	v12 =	vadd.f32 v12, v13;
	[tilespmem:s17+$0xFFFFFFC0] =	vst v6;
	v6 =	vld [tilespmem:s15+$0xFFFFFF70]  }
0xcb: {  	v13 =	vld [tilespmem:s19+$0xFFFFFFD0];
	v10 =	vmax.f32 v10, $0.0e+00  }
0xcc: {  	v12 =	vmax.f32 v12, $0.0e+00;
	[tilespmem:s17+$0x40] =	vst v10;
	v10 =	vld [tilespmem:s15+$0xFFFFFFF0]  }
0xcd: {  	[tilespmem:s17+$0xFFFFFF40] =	vst v12;
	v12 =	vld [tilespmem:s19+$0x50];
	v9 =	vadd.f32 v11, v9  }
0xce: {  	v11 =	vld [tilespmem:s19+$0xFFFFFF50]  }
0xcf: {  	v9 =	vmax.f32 v9, $0.0e+00;
	v2 =	vadd.f32 v6, v2;
	v6 =	vld [tilespmem:s15+$0x70];
	s15 =	smov.u32 s19  }
0xd0: {  	v13 =	vadd.f32 v13, v14;
	[tilespmem:s17+$0xD0] =	vst v9;
	v9 =	vld [tilespmem:s17+$0xE0]  }
0xd1: {  	v14 =	vld [tilespmem:s19+$0xE0];
	v15 =	vmax.f32 v2, $0.0e+00;
	v10 =	vadd.f32 v10, v1  }
0xd2: {  	v2 =	vld [tilespmem:s17+$0xFFFFFF70];
	v1 =	vmax.f32 v13, $0.0e+00;
	v12 =	vadd.f32 v12, v7;
	[tilespmem:s14+$0xFFFFFF70] =	vst v15  }
0xd3: {  	v8 =	vadd.f32 v11, v8;
	[tilespmem:s17+$0xFFFFFFD0] =	vst v1;
	v1 =	vld [tilespmem:s17+$0xFFFFFFF0];
	v10 =	vmax.f32 v10, $0.0e+00  }
.Ltmp5:
0xd4: {  	v7 =	vld [tilespmem:s19+$0xFFFFFFE0];
	v11 =	vmax.f32 v12, $0.0e+00;
	[tilespmem:s14+$0xFFFFFFF0] =	vst v10;
	v6 =	vadd.f32 v6, v0;
	(pc) =	sbr.rel @p1 .LBB2_4-.Ltmp5, $4  }
0xd5: {  	v8 =	vmax.f32 v8, $0.0e+00;
	[tilespmem:s17+$0x50] =	vst v11;
	v0 =	vld [tilespmem:s17+$0x70]  }
0xd6: {  	[tilespmem:s17+$0xFFFFFF50] =	vst v8;
	v8 =	vld [tilespmem:s19+$0x60];
	v10 =	vadd.f32 v14, v9;
	v6 =	vmax.f32 v6, $0.0e+00  }
0xd7: {  	v9 =	vld [tilespmem:s19+$0xFFFFFF60];
	[tilespmem:s14+$0x70] =	vst v6;
	s14 =	smov.u32 s17  }
0xd8: {  	s17 =	sadd.s32 $0x200, s17;
	v10 =	vmax.f32 v10, $0.0e+00;
	v6 =	vld [tilespmem:s14+$0xF0]  }
0xd9: {  	_ = 	snop  }
0xda: {  	v4 =	vadd.f32 v7, v4  }
0xdb: {  	v5 =	vadd.f32 v8, v5  }
0xdc: {  	[tilespmem:s14+$0xE0] =	vst v10;
	v4 =	vmax.f32 v4, $0.0e+00;
	v3 =	vadd.f32 v9, v3  }
0xdd: {  	v58 =	vld [tilespmem:s15+$0xF0];
	[tilespmem:s14+$0xFFFFFFE0] =	vst v4;
	v59 =	vmax.f32 v5, $0.0e+00  }
0xde: {  	v61 =	vld [tilespmem:s15+$0xFFFFFFF0];
	v3 =	vmax.f32 v3, $0.0e+00;
	[tilespmem:s14+$0x60] =	vst v59  }
0xdf: {  	[tilespmem:s14+$0xFFFFFF60] =	vst v3;
	v62 =	vld [tilespmem:s15+$0x70]  }
0xe0: {  	v60 =	vld [tilespmem:s15+$0xFFFFFF70];
	_ =	sdelay $0x1  }
0xe1: {  	v6 =	vadd.f32 v58, v6  }
0xe2: {  	v1 =	vadd.f32 v61, v1  }
0xe3: {  	v63 =	vmax.f32 v6, $0.0e+00;
	v0 =	vadd.f32 v62, v0  }
0xe4: {  	[tilespmem:s14+$0xF0] =	vst v63;
	v1 =	vmax.f32 v1, $0.0e+00;
	v2 =	vadd.f32 v60, v2  }
0xe5: {  	s15 =	sand.u32 $0x1, s10;
	[tilespmem:s14+$0xFFFFFFF0] =	vst v1;
	v0 =	vmax.f32 v0, $0.0e+00  }
0xe6: {  	s16 =	simm.s32 $0x13D00;
	p1 =	seq.s32 s15, $0x0;
	v2 =	vmax.f32 v2, $0.0e+00;
	[tilespmem:s14+$0x70] =	vst v0  }
0xe7: {  	s16 =	simm.s32 @!p1 $0x13E00;
	[tilespmem:s14+$0xFFFFFF70] =	vst v2;
	s14 =	sadd.s32 $0x2, s13  }
0xe8: {  	[spmem:s1] =	stream.indirect.scatter.add.f32 [tilespmem:s30], [sflag:$0x5], $0x80, s16, s29, $0xb8;
	[tilespmem:$0x1DF00] =	vst v63  }
0xe9: {  	p1 =	sge.u32 s14, s9  }
0xea: {  	s14 =	sadd.s32 @!p1 s11, s14  }
0xeb: {  	s14 =	smul.u32 @!p1 $0xA, s14  }
0xec: {  	p2 =	seq.s32 @!p1 s15, $0x0  }
0xed: {  	s16 =	simm.s32 @!p1 $0x0;
	s17 =	simm.s32 @!p1 $0x13C00;
	s15 =	sadd.s32 @!p1 s4, s14  }
0xee: {  	[tilespmem:s17], [sflag:$0x1] =	stream.linear.gather @!p1 [hbm4b:s15+s16], $0x50, $0x38;
	[tilespmem:$0x1DF00] =	vst v63  }
0xef: {  	p2 =	por !p2, p1;
	s15 =	simm.s32 @!p1 $0x13E00  }
0xf0: {  	s14 =	sadd.s32 @!p1 s5, s14;
	s15 =	simm.s32 @p2 $0x13D00  }
0xf1: {  	[tilespmem:s15], [sflag:$0x1] =	stream.linear.gather @!p1 [hbm4b:s14+s16], $0x50, $0x38;
	[tilespmem:$0x1DF00] =	vst v63  }
.LBB2_6:
.Ltmp6:
0xf2: {  	(pc) =	sbr.rel @p0 .LBB2_10-.Ltmp6, $1  }
0xf3: {  	_ =	sdelay $0x3  }
0xf4: {  	s14 =	sadd.s32 $0x2, s13  }
0xf5: {  	p0 =	sge.u32 s14, s9  }
0xf6: {  	s15 =	simm.s32 @!p0 $0x5  }
0xf7: {  	_ =	swait.ge @!p0 [sflag:s15], $0x2800  }
0xf8: {  	[sflag:s15] =	ssyncset.done @!p0 $0x0  }
0xf9: {  	[sflag:s15] =	ssyncadd.s32 @!p0 $0xFFFFD800;
	s15 =	simm.s32 @!p0 $0x1  }
0xfa: {  	_ =	swait.ge @!p0 [sflag:s15], $0x50  }
0xfb: {  	[sflag:s15] =	ssyncset.done @!p0 $0x0  }
0xfc: {  	[sflag:s15] =	ssyncadd.s32 @!p0 $0xFFFFFFB0  }
0xfd: {  	s14 =	sadd.s32 @!p0 s8, s14;
	_ =	swait.ge @!p0 [sflag:s15], $0x50  }
0xfe: {  	s16 =	simm.s32 @!p0 $0x13C00;
	s17 =	simm.s32 @!p0 $0x13F00;
	[sflag:s15] =	ssyncset.done @!p0 $0x0  }
0xff: {  	s14 =	smul.u32 @!p0 $0x500, s14;
	[sflag:s15] =	ssyncadd.s32 @!p0 $0xFFFFFFB0;
	s15 =	simm.s32 @!p0 $0x50  }
0x100: {  	[tilespmem:s17], [sflag:$0x3] =	stream.indirect.gather @!p0 [hbm4b:s6+s15], $0x80, s16, s15, $0xb8;
	[tilespmem:$0x1DF00] =	vst v63  }
0x101: {  	s14 =	sadd.s32 @!p0 s7, s14;
	s15 =	simm.s32 @!p0 $0x0;
	s16 =	simm.s32 @!p0 $0x18F00  }
0x102: {  	[tilespmem:s16], [sflag:$0x3] =	stream.linear.gather @!p0 [hbm4b:s14+s15], $0x2800, $0x38;
	[tilespmem:$0x1DF00] =	vst v63  }
0x103: {  	_ =	swait.ge [sflag:s2], $0x2800  }
0x104: {  	[sflag:s2] =	ssyncset.done $0x0  }
0x105: {  	[sflag:s2] =	ssyncadd.s32 $0xFFFFD800  }
0x106: {  	_ =	swait.ge [sflag:s2], $0x2800  }
0x107: {  	[sflag:s2] =	ssyncset.done $0x0  }
0x108: {  	s14 =	simm.s32 $0x16800;
	[sflag:s2] =	ssyncadd.s32 $0xFFFFD800  }
0x109: {  	s15 =	simm.s32 $0x1B800;
	v0 =	vld [tilespmem:s14+$0x80]  }
0x10a: {  	v1 =	vld [tilespmem:s15+$0x80]  }
0x10b: {  	v2 =	vld [tilespmem:s15+$0xFFFFFF00]  }
0x10c: {  	v3 =	vld [tilespmem:s14+$0xFFFFFF80]  }
0x10d: {  	v4 =	vld [tilespmem:s15+$0xFFFFFF80]  }
0x10e: {  	v5 =	vld [tilespmem:s15+$0x0]  }
0x10f: {  	v0 =	vadd.f32 v1, v0;
	v1 =	vld [tilespmem:s14+$0x0]  }
0x110: {  	v6 =	vld [tilespmem:s14+$0xFFFFFF00]  }
0x111: {  	v0 =	vmax.f32 v0, $0.0e+00  }
0x112: {  	v3 =	vadd.f32 v4, v3;
	[tilespmem:s14+$0x80] =	vst v0;
	v0 =	vld [tilespmem:s14+$0x90]  }
0x113: {  	v7 =	vld [tilespmem:s15+$0x90]  }
0x114: {  	v8 =	vld [tilespmem:s14+$0xFFFFFF90];
	v3 =	vmax.f32 v3, $0.0e+00;
	v1 =	vadd.f32 v5, v1  }
0x115: {  	v4 =	vld [tilespmem:s14+$0xFFFFFF10];
	v2 =	vadd.f32 v2, v6;
	[tilespmem:s14+$0xFFFFFF80] =	vst v3  }
0x116: {  	v5 =	vld [tilespmem:s15+$0xFFFFFF90];
	v1 =	vmax.f32 v1, $0.0e+00  }
0x117: {  	v2 =	vmax.f32 v2, $0.0e+00;
	v3 =	vld [tilespmem:s14+$0x10];
	[tilespmem:s14+$0x0] =	vst v1  }
0x118: {  	[tilespmem:s14+$0xFFFFFF00] =	vst v2;
	v0 =	vadd.f32 v7, v0;
	v1 =	vld [tilespmem:s15+$0x10]  }
0x119: {  	v2 =	vld [tilespmem:s15+$0xFFFFFF10]  }
0x11a: {  	v0 =	vmax.f32 v0, $0.0e+00  }
0x11b: {  	v5 =	vadd.f32 v5, v8;
	[tilespmem:s14+$0x90] =	vst v0;
	v0 =	vld [tilespmem:s14+$0xA0]  }
0x11c: {  	v7 =	vld [tilespmem:s15+$0xA0]  }
0x11d: {  	v6 =	vld [tilespmem:s14+$0xFFFFFF20];
	v5 =	vmax.f32 v5, $0.0e+00;
	v1 =	vadd.f32 v1, v3  }
0x11e: {  	v2 =	vadd.f32 v2, v4;
	v8 =	vld [tilespmem:s14+$0xFFFFFFA0];
	[tilespmem:s14+$0xFFFFFF90] =	vst v5  }
0x11f: {  	v4 =	vld [tilespmem:s15+$0xFFFFFFA0];
	v1 =	vmax.f32 v1, $0.0e+00  }
0x120: {  	v2 =	vmax.f32 v2, $0.0e+00;
	v3 =	vld [tilespmem:s14+$0x20];
	[tilespmem:s14+$0x10] =	vst v1  }
0x121: {  	[tilespmem:s14+$0xFFFFFF10] =	vst v2;
	v0 =	vadd.f32 v7, v0;
	v1 =	vld [tilespmem:s15+$0x20]  }
0x122: {  	v2 =	vld [tilespmem:s15+$0xFFFFFF20]  }
0x123: {  	v0 =	vmax.f32 v0, $0.0e+00  }
0x124: {  	v4 =	vadd.f32 v4, v8;
	[tilespmem:s14+$0xA0] =	vst v0;
	v0 =	vld [tilespmem:s14+$0xB0]  }
0x125: {  	v7 =	vld [tilespmem:s15+$0xB0]  }
0x126: {  	v9 =	vld [tilespmem:s14+$0x30];
	v4 =	vmax.f32 v4, $0.0e+00;
	v1 =	vadd.f32 v1, v3  }
0x127: {  	v2 =	vadd.f32 v2, v6;
	v8 =	vld [tilespmem:s14+$0xFFFFFFB0];
	[tilespmem:s14+$0xFFFFFFA0] =	vst v4  }
0x128: {  	v3 =	vld [tilespmem:s15+$0xFFFFFFB0];
	v1 =	vmax.f32 v1, $0.0e+00  }
0x129: {  	v5 =	vld [tilespmem:s14+$0xFFFFFF30];
	[tilespmem:s14+$0x20] =	vst v1;
	v1 =	vmax.f32 v2, $0.0e+00  }
0x12a: {  	v0 =	vadd.f32 v7, v0;
	[tilespmem:s14+$0xFFFFFF20] =	vst v1;
	v1 =	vld [tilespmem:s15+$0x30]  }
0x12b: {  	v6 =	vld [tilespmem:s15+$0xFFFFFF30]  }
0x12c: {  	v10 =	vld [tilespmem:s14+$0xFFFFFF40];
	v0 =	vmax.f32 v0, $0.0e+00  }
0x12d: {  	v3 =	vadd.f32 v3, v8;
	[tilespmem:s14+$0xB0] =	vst v0;
	v0 =	vld [tilespmem:s14+$0xC0]  }
0x12e: {  	v7 =	vld [tilespmem:s15+$0xC0]  }
0x12f: {  	v11 =	vld [tilespmem:s14+$0xFFFFFFD0];
	v3 =	vmax.f32 v3, $0.0e+00;
	v1 =	vadd.f32 v1, v9  }
0x130: {  	v4 =	vld [tilespmem:s14+$0xFFFFFFC0];
	[tilespmem:s14+$0xFFFFFFB0] =	vst v3;
	v5 =	vadd.f32 v6, v5  }
0x131: {  	v6 =	vld [tilespmem:s15+$0xFFFFFFC0];
	v1 =	vmax.f32 v1, $0.0e+00  }
0x132: {  	v2 =	vld [tilespmem:s14+$0x40];
	[tilespmem:s14+$0x30] =	vst v1;
	v1 =	vmax.f32 v5, $0.0e+00  }
0x133: {  	v0 =	vadd.f32 v7, v0;
	v5 =	vld [tilespmem:s15+$0x40];
	[tilespmem:s14+$0xFFFFFF30] =	vst v1  }
0x134: {  	v1 =	vld [tilespmem:s15+$0xFFFFFF40]  }
0x135: {  	v8 =	vld [tilespmem:s14+$0xFFFFFF50];
	v0 =	vmax.f32 v0, $0.0e+00  }
0x136: {  	[tilespmem:s14+$0xC0] =	vst v0;
	v0 =	vadd.f32 v6, v4;
	v6 =	vld [tilespmem:s14+$0xD0]  }
0x137: {  	v7 =	vld [tilespmem:s15+$0xD0]  }
0x138: {  	v3 =	vld [tilespmem:s14+$0xFFFFFF60];
	v0 =	vmax.f32 v0, $0.0e+00;
	v2 =	vadd.f32 v5, v2  }
0x139: {  	v9 =	vld [tilespmem:s14+$0x50];
	[tilespmem:s14+$0xFFFFFFC0] =	vst v0;
	v0 =	vadd.f32 v1, v10  }
0x13a: {  	v1 =	vld [tilespmem:s15+$0xFFFFFFD0];
	v2 =	vmax.f32 v2, $0.0e+00  }
0x13b: {  	v4 =	vld [tilespmem:s14+$0xFFFFFFE0];
	[tilespmem:s14+$0x40] =	vst v2;
	v0 =	vmax.f32 v0, $0.0e+00  }
0x13c: {  	v2 =	vld [tilespmem:s15+$0x50];
	v6 =	vadd.f32 v7, v6;
	[tilespmem:s14+$0xFFFFFF40] =	vst v0  }
0x13d: {  	v0 =	vld [tilespmem:s15+$0xFFFFFF50]  }
0x13e: {  	v5 =	vld [tilespmem:s14+$0x60];
	v6 =	vmax.f32 v6, $0.0e+00  }
0x13f: {  	v1 =	vadd.f32 v1, v11;
	[tilespmem:s14+$0xD0] =	vst v6;
	v6 =	vld [tilespmem:s14+$0xE0]  }
0x140: {  	v10 =	vld [tilespmem:s15+$0xE0]  }
0x141: {  	v1 =	vmax.f32 v1, $0.0e+00;
	v7 =	vadd.f32 v2, v9;
	v2 =	vld [tilespmem:s14+$0xFFFFFF70]  }
0x142: {  	[tilespmem:s14+$0xFFFFFFD0] =	vst v1;
	v0 =	vadd.f32 v0, v8;
	v1 =	vld [tilespmem:s14+$0xFFFFFFF0]  }
0x143: {  	v8 =	vmax.f32 v7, $0.0e+00;
	v7 =	vld [tilespmem:s15+$0xFFFFFFE0]  }
0x144: {  	[tilespmem:s14+$0x50] =	vst v8;
	v8 =	vmax.f32 v0, $0.0e+00;
	v0 =	vld [tilespmem:s14+$0x70]  }
0x145: {  	[tilespmem:s14+$0xFFFFFF50] =	vst v8;
	v8 =	vld [tilespmem:s15+$0x60];
	v6 =	vadd.f32 v10, v6  }
0x146: {  	v9 =	vld [tilespmem:s15+$0xFFFFFF60]  }
0x147: {  	s19 =	simm.s32 $0x1B800;
	s17 =	simm.s32 $0x16A00;
	s16 =	simm.s32 $0x0;
	v10 =	vmax.f32 v6, $0.0e+00;
	v6 =	vld [tilespmem:s14+$0xF0]  }
.LBB2_8:
0x148: {  	v11 =	vld [tilespmem:s17+$0x80];
	v4 =	vadd.f32 v7, v4;
	[tilespmem:s14+$0xE0] =	vst v10  }
0x149: {  	s19 =	sadd.s32 $0x200, s19;
	v7 =	vld [tilespmem:s15+$0xF0]  }
0x14a: {  	s16 =	sadd.s32 $0x4, s16;
	v10 =	vld [tilespmem:s19+$0x80];
	v4 =	vmax.f32 v4, $0.0e+00;
	v5 =	vadd.f32 v8, v5  }
0x14b: {  	p0 =	slt.u32 s16, $0x4C;
	v8 =	vld [tilespmem:s19+$0xFFFFFF00];
	v3 =	vadd.f32 v9, v3;
	[tilespmem:s14+$0xFFFFFFE0] =	vst v4  }
0x14c: {  	v4 =	vld [tilespmem:s17+$0xFFFFFF80];
	v5 =	vmax.f32 v5, $0.0e+00  }
0x14d: {  	v9 =	vld [tilespmem:s19+$0xFFFFFF80];
	v3 =	vmax.f32 v3, $0.0e+00;
	[tilespmem:s14+$0x60] =	vst v5  }
0x14e: {  	v5 =	vld [tilespmem:s17+$0x0];
	[tilespmem:s14+$0xFFFFFF60] =	vst v3;
	v3 =	vadd.f32 v7, v6  }
0x14f: {  	v6 =	vld [tilespmem:s19+$0x0];
	v7 =	vadd.f32 v10, v11  }
0x150: {  	v10 =	vld [tilespmem:s17+$0xFFFFFF00];
	v3 =	vmax.f32 v3, $0.0e+00  }
0x151: {  	v11 =	vld [tilespmem:s17+$0xFFFFFF10];
	v7 =	vmax.f32 v7, $0.0e+00;
	[tilespmem:s14+$0xF0] =	vst v3  }
0x152: {  	v3 =	vadd.f32 v9, v4;
	[tilespmem:s17+$0x80] =	vst v7;
	v4 =	vld [tilespmem:s17+$0x90]  }
0x153: {  	v7 =	vld [tilespmem:s19+$0x90]  }
0x154: {  	v3 =	vmax.f32 v3, $0.0e+00;
	v9 =	vld [tilespmem:s17+$0xFFFFFF90];
	v5 =	vadd.f32 v6, v5  }
0x155: {  	v6 =	vadd.f32 v8, v10;
	[tilespmem:s17+$0xFFFFFF80] =	vst v3;
	v3 =	vld [tilespmem:s17+$0x10]  }
0x156: {  	v8 =	vld [tilespmem:s19+$0xFFFFFF90];
	v5 =	vmax.f32 v5, $0.0e+00  }
0x157: {  	v6 =	vmax.f32 v6, $0.0e+00;
	v10 =	vld [tilespmem:s17+$0xFFFFFF20];
	[tilespmem:s17+$0x0] =	vst v5  }
0x158: {  	[tilespmem:s17+$0xFFFFFF00] =	vst v6;
	v5 =	vld [tilespmem:s19+$0x10];
	v4 =	vadd.f32 v7, v4  }
0x159: {  	v6 =	vld [tilespmem:s19+$0xFFFFFF10]  }
0x15a: {  	v7 =	vld [tilespmem:s17+$0xFFFFFFA0];
	v4 =	vmax.f32 v4, $0.0e+00  }
0x15b: {  	v8 =	vadd.f32 v8, v9;
	[tilespmem:s17+$0x90] =	vst v4;
	v4 =	vld [tilespmem:s17+$0xA0]  }
0x15c: {  	v9 =	vld [tilespmem:s19+$0xA0]  }
0x15d: {  	v8 =	vmax.f32 v8, $0.0e+00;
	v3 =	vadd.f32 v5, v3;
	v5 =	vld [tilespmem:s17+$0x20]  }
0x15e: {  	v6 =	vadd.f32 v6, v11;
	v11 =	vld [tilespmem:s17+$0xFFFFFF30];
	[tilespmem:s17+$0xFFFFFF90] =	vst v8  }
0x15f: {  	v8 =	vld [tilespmem:s19+$0xFFFFFFA0];
	v3 =	vmax.f32 v3, $0.0e+00  }
0x160: {  	v6 =	vmax.f32 v6, $0.0e+00;
	v12 =	vld [tilespmem:s17+$0xFFFFFFB0];
	[tilespmem:s17+$0x10] =	vst v3  }
0x161: {  	[tilespmem:s17+$0xFFFFFF10] =	vst v6;
	v3 =	vld [tilespmem:s19+$0x20];
	v4 =	vadd.f32 v9, v4  }
0x162: {  	v6 =	vld [tilespmem:s19+$0xFFFFFF20]  }
0x163: {  	v9 =	vld [tilespmem:s17+$0x30];
	v4 =	vmax.f32 v4, $0.0e+00  }
0x164: {  	v7 =	vadd.f32 v8, v7;
	[tilespmem:s17+$0xA0] =	vst v4;
	v4 =	vld [tilespmem:s17+$0xB0]  }
0x165: {  	v8 =	vld [tilespmem:s19+$0xB0]  }
0x166: {  	v13 =	vld [tilespmem:s17+$0xFFFFFF40];
	v7 =	vmax.f32 v7, $0.0e+00;
	v3 =	vadd.f32 v3, v5  }
0x167: {  	v5 =	vadd.f32 v6, v10;
	[tilespmem:s17+$0xFFFFFFA0] =	vst v7;
	v6 =	vld [tilespmem:s17+$0xFFFFFFC0]  }
0x168: {  	v7 =	vld [tilespmem:s19+$0xFFFFFFB0];
	v3 =	vmax.f32 v3, $0.0e+00  }
0x169: {  	v5 =	vmax.f32 v5, $0.0e+00;
	[tilespmem:s17+$0x20] =	vst v3;
	v10 =	vld [tilespmem:s17+$0x40]  }
0x16a: {  	[tilespmem:s17+$0xFFFFFF20] =	vst v5;
	v3 =	vld [tilespmem:s19+$0x30];
	v4 =	vadd.f32 v8, v4  }
0x16b: {  	v5 =	vld [tilespmem:s19+$0xFFFFFF30]  }
0x16c: {  	v8 =	vld [tilespmem:s17+$0xFFFFFF50];
	v4 =	vmax.f32 v4, $0.0e+00  }
0x16d: {  	v7 =	vadd.f32 v7, v12;
	[tilespmem:s17+$0xB0] =	vst v4;
	v4 =	vld [tilespmem:s17+$0xC0]  }
0x16e: {  	v12 =	vld [tilespmem:s19+$0xC0]  }
0x16f: {  	v7 =	vmax.f32 v7, $0.0e+00;
	v14 =	vld [tilespmem:s17+$0xFFFFFFD0];
	v3 =	vadd.f32 v3, v9  }
0x170: {  	v5 =	vadd.f32 v5, v11;
	[tilespmem:s17+$0xFFFFFFB0] =	vst v7;
	v7 =	vld [tilespmem:s17+$0x50]  }
0x171: {  	v9 =	vld [tilespmem:s19+$0xFFFFFFC0];
	v11 =	vmax.f32 v3, $0.0e+00  }
0x172: {  	v5 =	vmax.f32 v5, $0.0e+00;
	v3 =	vld [tilespmem:s17+$0xFFFFFF60];
	[tilespmem:s17+$0x30] =	vst v11  }
0x173: {  	[tilespmem:s17+$0xFFFFFF30] =	vst v5;
	v5 =	vld [tilespmem:s19+$0x40];
	v11 =	vadd.f32 v12, v4  }
0x174: {  	v12 =	vld [tilespmem:s19+$0xFFFFFF40]  }
0x175: {  	v4 =	vld [tilespmem:s17+$0xFFFFFFE0];
	v11 =	vmax.f32 v11, $0.0e+00  }
0x176: {  	v6 =	vadd.f32 v9, v6;
	[tilespmem:s17+$0xC0] =	vst v11;
	v9 =	vld [tilespmem:s17+$0xD0]  }
0x177: {  	v11 =	vld [tilespmem:s19+$0xD0]  }
0x178: {  	v6 =	vmax.f32 v6, $0.0e+00;
	v10 =	vadd.f32 v5, v10;
	v5 =	vld [tilespmem:s17+$0x60]  }
0x179: {  	v12 =	vadd.f32 v12, v13;
	[tilespmem:s17+$0xFFFFFFC0] =	vst v6;
	v6 =	vld [tilespmem:s15+$0xFFFFFF70]  }
0x17a: {  	v13 =	vld [tilespmem:s19+$0xFFFFFFD0];
	v10 =	vmax.f32 v10, $0.0e+00  }
0x17b: {  	v12 =	vmax.f32 v12, $0.0e+00;
	[tilespmem:s17+$0x40] =	vst v10;
	v10 =	vld [tilespmem:s15+$0xFFFFFFF0]  }
0x17c: {  	[tilespmem:s17+$0xFFFFFF40] =	vst v12;
	v12 =	vld [tilespmem:s19+$0x50];
	v9 =	vadd.f32 v11, v9  }
0x17d: {  	v11 =	vld [tilespmem:s19+$0xFFFFFF50]  }
0x17e: {  	v9 =	vmax.f32 v9, $0.0e+00;
	v2 =	vadd.f32 v6, v2;
	v6 =	vld [tilespmem:s15+$0x70];
	s15 =	smov.u32 s19  }
0x17f: {  	v13 =	vadd.f32 v13, v14;
	[tilespmem:s17+$0xD0] =	vst v9;
	v9 =	vld [tilespmem:s17+$0xE0]  }
0x180: {  	v14 =	vld [tilespmem:s19+$0xE0];
	v15 =	vmax.f32 v2, $0.0e+00;
	v10 =	vadd.f32 v10, v1  }
0x181: {  	v2 =	vld [tilespmem:s17+$0xFFFFFF70];
	v1 =	vmax.f32 v13, $0.0e+00;
	v12 =	vadd.f32 v12, v7;
	[tilespmem:s14+$0xFFFFFF70] =	vst v15  }
0x182: {  	v8 =	vadd.f32 v11, v8;
	[tilespmem:s17+$0xFFFFFFD0] =	vst v1;
	v1 =	vld [tilespmem:s17+$0xFFFFFFF0];
	v10 =	vmax.f32 v10, $0.0e+00  }
.Ltmp7:
0x183: {  	v7 =	vld [tilespmem:s19+$0xFFFFFFE0];
	v11 =	vmax.f32 v12, $0.0e+00;
	[tilespmem:s14+$0xFFFFFFF0] =	vst v10;
	v6 =	vadd.f32 v6, v0;
	(pc) =	sbr.rel @p0 .LBB2_8-.Ltmp7, $4  }
0x184: {  	v8 =	vmax.f32 v8, $0.0e+00;
	[tilespmem:s17+$0x50] =	vst v11;
	v0 =	vld [tilespmem:s17+$0x70]  }
0x185: {  	[tilespmem:s17+$0xFFFFFF50] =	vst v8;
	v8 =	vld [tilespmem:s19+$0x60];
	v10 =	vadd.f32 v14, v9;
	v6 =	vmax.f32 v6, $0.0e+00  }
0x186: {  	v9 =	vld [tilespmem:s19+$0xFFFFFF60];
	[tilespmem:s14+$0x70] =	vst v6;
	s14 =	smov.u32 s17  }
0x187: {  	s17 =	sadd.s32 $0x200, s17;
	v10 =	vmax.f32 v10, $0.0e+00;
	v6 =	vld [tilespmem:s14+$0xF0]  }
0x188: {  	_ = 	snop  }
0x189: {  	v4 =	vadd.f32 v7, v4  }
0x18a: {  	v5 =	vadd.f32 v8, v5  }
0x18b: {  	[tilespmem:s14+$0xE0] =	vst v10;
	v4 =	vmax.f32 v4, $0.0e+00;
	v3 =	vadd.f32 v9, v3  }
0x18c: {  	v58 =	vld [tilespmem:s15+$0xF0];
	[tilespmem:s14+$0xFFFFFFE0] =	vst v4;
	v59 =	vmax.f32 v5, $0.0e+00  }
0x18d: {  	v61 =	vld [tilespmem:s15+$0xFFFFFFF0];
	v3 =	vmax.f32 v3, $0.0e+00;
	[tilespmem:s14+$0x60] =	vst v59  }
0x18e: {  	[tilespmem:s14+$0xFFFFFF60] =	vst v3;
	v62 =	vld [tilespmem:s15+$0x70]  }
0x18f: {  	v60 =	vld [tilespmem:s15+$0xFFFFFF70];
	_ =	sdelay $0x1  }
0x190: {  	v6 =	vadd.f32 v58, v6  }
0x191: {  	v1 =	vadd.f32 v61, v1  }
0x192: {  	v63 =	vmax.f32 v6, $0.0e+00;
	v0 =	vadd.f32 v62, v0  }
0x193: {  	s13 =	sadd.s32 $0x3, s13;
	s23 =	sand.u32 $0x3, s23;
	[tilespmem:s14+$0xF0] =	vst v63;
	v1 =	vmax.f32 v1, $0.0e+00;
	v2 =	vadd.f32 v60, v2  }
0x194: {  	p0 =	sge.u32 s13, s9;
	p1 =	seq.s32 s23, $0x3;
	[tilespmem:s14+$0xFFFFFFF0] =	vst v1;
	v0 =	vmax.f32 v0, $0.0e+00  }
0x195: {  	s16 =	sadd.s32 @!p0 s11, s13;
	s17 =	simm.s32 @!p0 $0x13C80;
	s15 =	simm.s32 $0x13E80;
	v2 =	vmax.f32 v2, $0.0e+00;
	[tilespmem:s14+$0x70] =	vst v0  }
0x196: {  	s13 =	sand.u32 @!p0 $0x3, s13;
	s15 =	simm.s32 @!p1 $0x13D80;
	[tilespmem:s14+$0xFFFFFF70] =	vst v2;
	s14 =	smul.u32 @!p0 $0xA, s16  }
0x197: {  	[spmem:s1] =	stream.indirect.scatter.add.f32 [tilespmem:s24], [sflag:$0x6], $0x80, s15, s29, $0xb8;
	[tilespmem:$0x1DF00] =	vst v63  }
.Ltmp8:
0x198: {  	p1 =	seq.s32 @!p0 s13, $0x3;
	s13 =	simm.s32 @!p0 $0x13E80;
	(pc) =	sbr.rel .LBB2_10-.Ltmp8, $4  }
0x199: {  	p1 =	por !p1, p0;
	s16 =	simm.s32 @!p0 $0x0;
	s15 =	sadd.s32 @!p0 s4, s14  }
0x19a: {  	[tilespmem:s17], [sflag:$0x2] =	stream.linear.gather @!p0 [hbm4b:s15+s16], $0x50, $0x38;
	[tilespmem:$0x1DF00] =	vst v63  }
0x19b: {  	s13 =	simm.s32 @p1 $0x13D80;
	s14 =	sadd.s32 @!p0 s5, s14  }
0x19c: {  	[tilespmem:s13], [sflag:$0x2] =	stream.linear.gather @!p0 [hbm4b:s14+s16], $0x50, $0x38;
	[tilespmem:$0x1DF00] =	vst v63  }
.LBB2_12:
0x19d: {  	_ =	sfence.sel $0x180000  }
0x19e: {  	[bflag:$0x0] =	sbarrier.arrive $0xFFFF  }
0x19f: {  	_ =	strace $0x90000047  }
0x1a0: {  	s0 =	stileid.u32;
	[bflag:$0x2] =	sbarrier.arrive $0xFFFF  }
0x1a1: {  	p0 =	sne.s32 s0, $0x0;
	s0 =	rddreg [dreg:$0x2]  }
0x1a2: {  	s0 =	sadd.s32 @!p0 $0x100000, s0  }
0x1a3: {  	[sflag:s0] =	ssyncadd.tile.s32 @!p0 $0x1;
	_ =	shalt  }
.Lfunc_end2:
_tile_overlayer_lowered:
.L_overlay_start_2:
0x1a4: {  	(tag) =	ssettag $0x2  }
0x1a5: {  	s0 =	rddreg [dreg:$0x0];
	s2 =	stileid.u32  }
0x1a6: {  	s1 =	rddreg [dreg:$0x1];
	p0 =	sne.s32 s2, $0x0  }
0x1a7: {  	s3 =	rddreg [dreg:$0x2];
	[bflag:$0x3] =	sbarrier.arrive $0xFFFF;
	s2 =	simm.s32 @!p0 $0x1C07  }
0x1a8: {  	[timem:s3], [sflag:s2] =	dma.local @!p0 [hbm:s0], s1  }
0x1a9: {  	s0 =	simm.s32 @!p0 $0x7  }
0x1aa: {  	_ =	swait.ge @!p0 [sflag:s0], s1  }
0x1ab: {  	s1 =	ssub.s32 @!p0 $0x0, s1;
	[sflag:s0] =	ssyncset.done @!p0 $0x0  }
0x1ac: {  	[sflag:s0] =	ssyncadd.s32 @!p0 s1  }
0x1ad: {  	[bflag:$0x3] =	sbarrier.arrive $0xFFFF  }
0x1ae: {  	_ =	shalt  }

// kernel: kernel.8.cloned.1.call-start
scs
__scs_entry_jumppad:
0x0: {  	(pc) =	sbr.rel $0x88, $3  }
0x1: {  	(tag) =	ssettag $0x0;
	lr =	simm.s32 $0x1  }
0x2: {  	[smem:$0x3F97] =	sst lr;
	_ =	strace $0xD0000000  }
0x3: {  	_ = 	snop  }
0x4: {  	_ = 	snop  }
0x5: {  	_ = 	snop  }
0x6: {  	_ = 	snop  }
0x7: {  	_ = 	snop  }
__scs_overlays_trampoline_lowered:
0x8: {  	[smem:$0x3FA6] =	sst s0  }
0x9: {  	[smem:$0x3FA7] =	sst s1  }
0xa: {  	[smem:$0x3FA8] =	sst s2  }
0xb: {  	[smem:$0x3FA9] =	sst s3  }
0xc: {  	[smem:$0x3FAA] =	sst s4  }
0xd: {  	[smem:$0x3FAB] =	sst s5  }
0xe: {  	[smem:$0x3FAC] =	sst s6  }
0xf: {  	[smem:$0x3FAD] =	sst s7  }
0x10: {  	[smem:$0x3FAE] =	sst s8  }
0x11: {  	[smem:$0x3FAF] =	sst s9;
	s0 =	simm.s32 @!p0 $0x0  }
0x12: {  	s1 =	sld [smem:$0x3F95];
	s0 =	simm.s32 @p0 $0x1  }
0x13: {  	[smem:$0x3FB0] =	sst s0;
	s0 =	simm.s32 @!p1 $0x0  }
0x14: {  	s2 =	sld [smem:$0x3F94];
	s0 =	simm.s32 @p1 $0x1  }
0x15: {  	[smem:$0x3FB1] =	sst s0;
	s0 =	simm.s32 @!p2 $0x0  }
0x16: {  	s3 =	sld [smem:$0x3FDB];
	s0 =	simm.s32 @p2 $0x1  }
0x17: {  	s4 =	simm.s32 $0x1BF5;
	[smem:$0x3FB3] =	sst s0  }
0x18: {  	s0 =	sld [smem:$0x3F96];
	_ =	swait.ge [sflag:s4], $0x0  }
0x19: {  	s7 =	sld [smem:$0x3F97]  }
0x1a: {  	s8 =	sadd.s32 $0xFFFFE003, lr  }
0x1b: {  	s9 =	sadd.s32 $0xFFFFFEF7, lr;
	s5 =	simm.s32 $0xFFFFFFFF;
	p2 =	slt.u32 s8, $0xFFFFF086  }
0x1c: {  	p1 =	slt.u32 s9, $0xF7A;
	s5 =	simm.s32 @!p2 $0x0  }
0x1d: {  	s5 =	simm.s32 @p1 $0x1;
	p0 =	seq.s32 s7, s2  }
0x1e: {  	s7 =	smul.u32 @!p0 $0xF7A, s2;
	p2 =	seq.s32 @!p0 s5, $0x0  }
0x1f: {  	s9 =	smul.u32 $0xF7A, s1;
	s8 =	simm.s32 @!p0 $0x1BF5;
	p2 =	por !p2, p0  }
0x20: {  	[sflag:s8] =	ssyncset.s32 @!p0 $0xFFFFF086;
	s6 =	sadd.s32 @!p0 s3, s7;
	s7 =	simm.s32 @!p0 $0x108  }
0x21: {  	s3 =	sadd.s32 s3, s9;
	s6 =	sadd.s32 @!p0 $0x88, s6;
	s7 =	simm.s32 @p2 $0x1082  }
0x22: {  	[simem:s7], [sflag:s8] =	dma.local @!p0 [hbm:s6], $0xF7A  }
0x23: {  	s9 =	sor.u32 $0xD0000000, s2;
	s6 =	simm.s32 $0x108;
	_ =	swait.ge @!p0 [sflag:s8], $0x0  }
0x24: {  	s3 =	sadd.s32 $0x88, s3;
	s6 =	simm.s32 @!p1 $0x1082;
	[sflag:s4] =	ssyncset.s32 $0xFFFFF086  }
0x25: {  	[simem:s6], [sflag:s4] =	dma.local [hbm:s3], $0xF7A  }
0x26: {  	[smem:$0x3F97] =	sst s1;
	(tag) =	ssettag s2;
	_ =	strace s9  }
0x27: {  	s1 =	sld [smem:$0x3FA7]  }
0x28: {  	s2 =	sld [smem:$0x3FA8]  }
0x29: {  	s4 =	sld [smem:$0x3FAA]  }
0x2a: {  	p0 =	seq.s32 s5, $0x0;
	s5 =	sld [smem:$0x3FAB]  }
0x2b: {  	s6 =	sld [smem:$0x3FAC]  }
0x2c: {  	s7 =	sld [smem:$0x3FAD]  }
0x2d: {  	s3 =	simm.s32 $0x108;
	s8 =	sld [smem:$0x3FAE]  }
0x2e: {  	s3 =	simm.s32 @!p0 $0x1082;
	s9 =	sld [smem:$0x3FAF]  }
0x2f: {  	lr =	sadd.s32 s0, s3;
	s0 =	sld [smem:$0x3FA6]  }
0x30: {  	s3 =	sld [smem:$0x3FA9]  }
0x31: {  	[smem:$0x3FB2] =	sst s10  }
0x32: {  	s10 =	sld [smem:$0x3FB0];
	_ =	sdelay $0x3  }
0x33: {  	p0 =	seq.s32 s10, $0x1;
	s10 =	sld [smem:$0x3FB2];
	_ =	sdelay $0x3  }
0x34: {  	[smem:$0x3FB2] =	sst s10  }
0x35: {  	s10 =	sld [smem:$0x3FB1];
	_ =	sdelay $0x3  }
0x36: {  	p1 =	seq.s32 s10, $0x1;
	s10 =	sld [smem:$0x3FB2];
	_ =	sdelay $0x3  }
0x37: {  	[smem:$0x3FB2] =	sst s10  }
0x38: {  	s10 =	sld [smem:$0x3FB3]  }
0x39: {  	_ = 	snop;
	(pc) =	sbr.ind lr, $3  }
0x3a: {  	_ = 	snop  }
0x3b: {  	_ = 	snop  }
0x3c: {  	p2 =	seq.s32 s10, $0x1;
	s10 =	sld [smem:$0x3FB2]  }
0x3d: {  	_ =	shalt  }
0x3e: {  	_ =	shalt  }
0x3f: {  	_ =	shalt  }
0x40: {  	_ =	shalt  }
0x41: {  	_ =	shalt  }
0x42: {  	_ =	shalt  }
0x43: {  	_ =	shalt  }
0x44: {  	_ =	shalt  }
0x45: {  	_ =	shalt  }
0x46: {  	_ =	shalt  }
0x47: {  	_ =	shalt  }
0x48: {  	_ =	shalt  }
0x49: {  	_ =	shalt  }
0x4a: {  	_ =	shalt  }
0x4b: {  	_ =	shalt  }
0x4c: {  	_ =	shalt  }
0x4d: {  	_ =	shalt  }
0x4e: {  	_ =	shalt  }
0x4f: {  	_ =	shalt  }
0x50: {  	_ =	shalt  }
0x51: {  	_ =	shalt  }
0x52: {  	_ =	shalt  }
0x53: {  	_ =	shalt  }
0x54: {  	_ =	shalt  }
0x55: {  	_ =	shalt  }
0x56: {  	_ =	shalt  }
0x57: {  	_ =	shalt  }
0x58: {  	_ =	shalt  }
0x59: {  	_ =	shalt  }
0x5a: {  	_ =	shalt  }
0x5b: {  	_ =	shalt  }
0x5c: {  	_ =	shalt  }
0x5d: {  	_ =	shalt  }
0x5e: {  	_ =	shalt  }
0x5f: {  	_ =	shalt  }
0x60: {  	_ =	shalt  }
0x61: {  	_ =	shalt  }
0x62: {  	_ =	shalt  }
0x63: {  	_ =	shalt  }
0x64: {  	_ =	shalt  }
0x65: {  	_ =	shalt  }
0x66: {  	_ =	shalt  }
0x67: {  	_ =	shalt  }
0x68: {  	_ =	shalt  }
0x69: {  	_ =	shalt  }
0x6a: {  	_ =	shalt  }
0x6b: {  	_ =	shalt  }
0x6c: {  	_ =	shalt  }
0x6d: {  	_ =	shalt  }
0x6e: {  	_ =	shalt  }
0x6f: {  	_ =	shalt  }
0x70: {  	_ =	shalt  }
0x71: {  	_ =	shalt  }
0x72: {  	_ =	shalt  }
0x73: {  	_ =	shalt  }
0x74: {  	_ =	shalt  }
0x75: {  	_ =	shalt  }
0x76: {  	_ =	shalt  }
0x77: {  	_ =	shalt  }
0x78: {  	_ =	shalt  }
0x79: {  	_ =	shalt  }
0x7a: {  	_ =	shalt  }
0x7b: {  	_ =	shalt  }
0x7c: {  	_ =	shalt  }
0x7d: {  	_ =	shalt  }
0x7e: {  	_ =	shalt  }
0x7f: {  	_ =	shalt  }
0x80: {  	_ =	shalt  }
0x81: {  	_ =	shalt  }
0x82: {  	_ =	shalt  }
0x83: {  	_ =	shalt  }
0x84: {  	_ =	shalt  }
0x85: {  	_ =	shalt  }
0x86: {  	_ =	shalt  }
0x87: {  	_ =	shalt  }
.Lfunc_end0:
.L_simem_size_0:
called_computation_lowered:
.L_overlay_start_0:
0x88: {  	s2 =	sld [smem:$0x3FD9]  }
0x89: {  	s3 =	sld [smem:$0x3FFE];
	_ =	sdelay $0x1  }
0x8a: {  	s1 =	srdreg.scid  }
0x8b: {  	s0 =	sand.u32 $0x1, s1  }
0x8c: {  	s17 =	sshll.u32 s0, $0xA;
	s2 =	sadd.s32 s3, s2  }
0x8d: {  	s2 =	sadd.s32 s2, s17  }
0x8e: {  	[smem:$0x3FBE] =	sst s2  }
0x8f: {  	_ = 	snop  }
0x90: {  	(tm) =	ssettm $0x1  }
0x91: {  	s18 =	sld [smem:$0x3FFB];
	_ =	sdelay $0x3  }
0x92: {  	_ =	strace s18  }
0x93: {  	s2 =	sld [smem:$0x3FFC];
	_ =	sdelay $0x3  }
0x94: {  	_ =	strace s2  }
0x95: {  	s2 =	sld [smem:$0x3FFD];
	_ =	sdelay $0x3  }
0x96: {  	_ =	strace s2  }
0x97: {  	_ =	strace $0x8FFFFFFF  }
0x98: {  	s19 =	sld [smem:$0x3FDB];
	_ =	sdelay $0x1  }
0x99: {  	s20 =	simm.s32 $_scs_section_size  }
0x9a: {  	s4 =	simm.s32 $_size__tile_overlayer_lowered;
	s5 =	simm.s32 $_tile_overlayer_lowered  }
0x9b: {  	s6 =	simm.s32 $0x1BFF;
	s21 =	sshll.u32 s5, $0x1;
	s3 =	sadd.s32 s20, s19  }
0x9c: {  	s22 =	simm.s32 $0x0;
	s4 =	sshll.u32 s4, $0x1;
	s5 =	sadd.s32 s21, s3  }
0x9d: {  	[timem:s22], [sflag:s6] =	dma.local [hbm:s5], s4  }
0x9e: {  	_ =	swait.ge [sflag:s6], s4  }
0x9f: {  	s4 =	ssub.s32 $0x0, s4;
	[sflag:s6] =	ssyncset.done $0x0  }
0xa0: {  	[sflag:s6] =	ssyncadd.s32 s4;
	_ =	sdelay $0x1  }
0xa1: {  	s23 =	simm.s32 $0x1B8B  }
0xa2: {  	_ =	swait.ge [sflag:s23], $0x1  }
0xa3: {  	[sflag:s23] =	ssyncset.done $0x0  }
0xa4: {  	[sflag:s23] =	ssyncadd.s32 $0xFFFFFFFF  }
0xa5: {  	s4 =	sld [smem:$0x0]  }
0xa6: {  	s5 =	sand.u32 $0xFFFFFFFE, s1  }
0xa7: {  	p0 =	sne.s32 s1, s5  }
0xa8: {  	s5 =	sshll.u32 @p0 s5, $0xE  }
0xa9: {  	s5 =	sadd.s32 @p0 $0x11B8D, s5;
	s6 =	sshll.u32 @p0 s4, $0x11  }
0xaa: {  	s5 =	sor.u32 @p0 s6, s5  }
0xab: {  	[sflag:s5] =	ssyncadd.remote.s32 @p0 $0x1;
	_ =	sdelay $0x1  }
0xac: {  	s5 =	simm.s32 @p0 $0x1B8D  }
0xad: {  	_ =	swait.eq @p0 [sflag:s5], $0x1  }
0xae: {  	[sflag:s5] =	ssyncadd.s32 @p0 $0xFFFFFFFF  }
0xaf: {  	s6 =	sshll.u32 @!p0 s1, $0xE  }
0xb0: {  	s6 =	sor.u32 @!p0 $0x4000, s6;
	s5 =	simm.s32 @!p0 $0x1B8D  }
0xb1: {  	s4 =	sshll.u32 @!p0 s4, $0x11;
	s6 =	sadd.s32 @!p0 $0x11B8D, s6;
	_ =	swait.eq @!p0 [sflag:s5], $0x1  }
0xb2: {  	s4 =	sor.u32 @!p0 s4, s6;
	[sflag:s5] =	ssyncadd.s32 @!p0 $0xFFFFFFFF  }
0xb3: {  	s25 =	simm.s32 $0x1B8E;
	s24 =	sld [smem:$0x3FFE];
	[sflag:s4] =	ssyncadd.remote.s32 @!p0 $0x1  }
0xb4: {  	s26 =	simm.s32 $execute0_lowered;
	[smem:$0x3FD2] =	sst s25  }
0xb5: {  	s5 =	sshll.u32 s26, $0x1;
	_ =	strace $0x80000049;
	[dreg:$0x1] =	wrdreg $0xFFFFFFFF  }
0xb6: {  	s28 =	simm.s32 $_size_execute0_lowered;
	s3 =	sadd.s32 s3, s5;
	[dreg:$0x0] =	wrdreg $0x0  }
0xb7: {  	s5 =	sshll.u32 s28, $0x1;
	[dreg:$0x2] =	wrdreg s3  }
0xb8: {  	[dreg:$0x3] =	wrdreg s5  }
0xb9: {  	[dreg:$0x4] =	wrdreg $0xC0  }
0xba: {  	_ =	task [dreg:s22], $0x5FFFF  }
0xbb: {  	[dreg:$0x1] =	wrdreg $0xFFFFFFFF  }
0xbc: {  	[dreg:$0x0] =	wrdreg $0x60  }
0xbd: {  	[dreg:$0x2] =	wrdreg s24  }
0xbe: {  	[dreg:$0x3] =	wrdreg $0x0  }
0xbf: {  	[dreg:$0x4] =	wrdreg $0x9  }
0xc0: {  	_ =	task.clear_ibuf [dreg:s22], $0x5FFFF;
	_ =	strace $0x90000049  }
0xc1: {  	s29 =	simm.s32 $0x9;
	_ =	strace $0x8000004B  }
0xc2: {  	_ =	swait.ge [sflag:s29], $0x1  }
0xc3: {  	[sflag:s29] =	ssyncadd.s32 $0xFFFFFFFF  }
0xc4: {  	_ =	strace $0x9000004B  }
0xc5: {  	_ =	sfence  }
0xc6: {  	s30 =	sld [smem:$0x0];
	_ =	sdelay $0x2  }
0xc7: {  	s31 =	sshll.u32 s1, $0xD;
	s1 =	sshrl.u32 s1, $0x2  }
0xc8: {  	s4 =	sand.u32 $0x4000, s31;
	s1 =	sadd.s32 s1, s30  }
0xc9: {  	s0 =	sor.u32 s4, s0;
	s1 =	sshll.u32 s1, $0x11  }
0xca: {  	s0 =	sor.u32 s1, s0  }
0xcb: {  	s0 =	sadd.s32 $0x8F2B, s0  }
0xcc: {  	[sflag:s0] =	ssyncadd.remote.s32 $0x1  }
0xcd: {  	_ =	sfence.sel $0xFFFF  }
0xce: {  	[dreg:$0x0] =	wrdreg $0xFFFFFFFF;
	(pc) =	sbr.abs _section_cstart, $3  }
0xcf: {  	[dreg:$0x1] =	wrdreg $0xFFFFFFFF  }
0xd0: {  	_ =	task.clear_ibuf [dreg:s22], $0x2FFFF;
	_ =	strace $0x9FFFFFFF  }
0xd1: {  	(tm) =	ssettm $0x7FFFFFFF  }
tec
execute0_lowered:
.L_overlay_start_1:
0x0: {  	(tag) =	ssettag $0x1  }
0x1: {  	s0 =	rddreg [dreg:$0x0]  }
0x2: {  	s1 =	rddreg [dreg:$0x1]  }
0x3: {  	s3 =	simm.s32 $0x0;
	s15 =	stileid.u32;
	s2 =	srdreg.scid  }
0x4: {  	s28 =	simm.s32 $0x50;
	s29 =	simm.s32 $0x13F00;
	s31 =	simm.s32 $0x3  }
0x5: {  	[smem:$0x7FF] =	sst s3;
	s4 =	sadd.s32 $0x2CC200, s0;
	s8 =	smul.u32 $0x13C00, s15  }
0x6: {  	s2 =	sand.u32 $0x1, s2;
	s5 =	sadd.s32 $0x2C2400, s0;
	s6 =	sadd.s32 $0x51400, s0  }
0x7: {  	s7 =	sadd.s32 $0x7B8000, s0;
	s13 =	smul.u32 $0x4F000, s15;
	s22 =	sshll.u32 s15, $0x6  }
0x8: {  	_ =	strace $0x8000004A;
	s9 =	smul.u32 $0x13C000, s2;
	s10 =	sshll.u32 s2, $0x4  }
0x9: {  	s12 =	ssub.s32 $0x2, s2;
	s11 =	sshrl.u32 s8, $0x3;
	s16 =	sor.u32 s15, s10  }
0xa: {  	s14 =	sshrl.u32 s12, $0x1;
	s19 =	sshrl.u32 s13, $0x2;
	s8 =	sadd.s32 s8, s9  }
0xb: {  	s17 =	sadd.s32 s11, s0;
	s18 =	smul.u32 $0x3E, s16;
	s9 =	smin.u32 s16, $0x10  }
0xc: {  	s12 =	ssub.s32 s12, s14;
	s21 =	sadd.s32 s19, s1;
	s8 =	sshrl.u32 s8, $0x3  }
0xd: {  	s11 =	sor.u32 $0x1C07, s22;
	s0 =	sadd.s32 s8, s0;
	s8 =	sadd.s32 s9, s18  }
0xe: {  	s10 =	sadd.s32 $0x78600, s17;
	s17 =	ssub.s32 $0x20, s2;
	s20 =	smul.u32 $0x50, s8  }
0xf: {  	s19 =	smax.u32 s12, $0x1;
	s9 =	sxor.u32 $0x3F, s2;
	s23 =	smul.u32 $0xA, s8  }
0x10: {  	[dreg:$0x3] =	wrdreg s10;
	s2 =	simm.s32 $0x16700;
	s25 =	smul.u32 $0x500, s8  }
0x11: {  	s18 =	sadd.s32 $0xEEE00, s0;
	s0 =	simm.s32 $0x4;
	s13 =	sshrl.u32 s20, $0x3  }
0x12: {  	s16 =	sadd.s32 s4, s23;
	s15 =	sadd.s32 s5, s23;
	s30 =	sadd.s32 s7, s25  }
.Ltmp0:
0x13: {  	s20 =	sshrl.u32 s21, $0x3;
	[dreg:$0x4] =	wrdreg s16;
	(pc) =	sbr.rel .LBB2_1-.Ltmp0, $4  }
0x14: {  	s21 =	simm.s32 $0x7;
	s24 =	sadd.s32 $0xA, s13;
	[dreg:$0x5] =	wrdreg s15  }
0x15: {  	s23 =	simm.s32 $0x5;
	[dreg:$0x8] =	wrdreg s30;
	s26 =	sadd.s32 s4, s24  }
0x16: {  	s25 =	simm.s32 $0x0;
	s10 =	sadd.s32 s5, s24;
	[dreg:$0x6] =	wrdreg s26  }
0x17: {  	s24 =	simm.s32 $0x6;
	[dreg:$0x7] =	wrdreg s10;
	s26 =	simm.s32 $0x1  }
.LBB2_11:
0x18: {  	_ =	swait.ge [sflag:s23], $0x2800  }
0x19: {  	[sflag:s23] =	ssyncset.done $0x0  }
0x1a: {  	[sflag:s23] =	ssyncadd.s32 $0xFFFFD800  }
0x1b: {  	_ =	swait.ge [sflag:s24], $0x2800  }
0x1c: {  	s25 =	sadd.s32 $0x1, s25;
	[sflag:s24] =	ssyncset.done $0x0  }
0x1d: {  	p0 =	sne.s32 s25, s19;
	[sflag:s24] =	ssyncadd.s32 $0xFFFFD800  }
.Ltmp1:
0x1e: {  	[bflag:$0x0] =	sbarrier.arrive $0xFFFF;
	(pc) =	sbr.rel @!p0 .LBB2_12-.Ltmp1, $4  }
0x1f: {  	[hbm:s18], [sflag:s11] =	dma.local [spmem:s20], $0x2780  }
0x20: {  	_ =	swait.ge [sflag:s21], $0x2780  }
0x21: {  	[sflag:s21] =	ssyncset.done $0x0  }
0x22: {  	[sflag:s21] =	ssyncadd.s32 $0xFFFFD880  }
.LBB2_1:
0x23: {  	s10 =	rddreg [dreg:$0x3]  }
0x24: {  	[spmem:s20], [sflag:s11] =	dma.local [hbm:s10], $0x2780  }
0x25: {  	_ =	swait.ge [sflag:s21], $0x2780  }
0x26: {  	[sflag:s21] =	ssyncset.done $0x0  }
0x27: {  	[sflag:s21] =	ssyncadd.s32 $0xFFFFD880  }
0x28: {  	[bflag:$0x0] =	sbarrier.arrive $0xFFFF  }
0x29: {  	s12 =	simm.s32 $0x13C00;
	s14 =	rddreg [dreg:$0x4]  }
0x2a: {  	[tilespmem:s12], [sflag:$0x1] =	stream.linear.gather [hbm4b:s14+s3], $0x50, $0x38;
	[tilespmem:$0x1DF00] =	vst v63  }
0x2b: {  	s13 =	simm.s32 $0x13D00;
	s15 =	rddreg [dreg:$0x5]  }
0x2c: {  	[tilespmem:s13], [sflag:$0x1] =	stream.linear.gather [hbm4b:s15+s3], $0x50, $0x38;
	[tilespmem:$0x1DF00] =	vst v63  }
0x2d: {  	s22 =	simm.s32 $0x13C80;
	s16 =	rddreg [dreg:$0x6]  }
0x2e: {  	[tilespmem:s22], [sflag:$0x2] =	stream.linear.gather [hbm4b:s16+s3], $0x50, $0x38;
	[tilespmem:$0x1DF00] =	vst v63  }
0x2f: {  	s14 =	rddreg [dreg:$0x7];
	s15 =	simm.s32 $0x13D80  }
0x30: {  	[tilespmem:s15], [sflag:$0x2] =	stream.linear.gather [hbm4b:s14+s3], $0x50, $0x38;
	[tilespmem:$0x1DF00] =	vst v63  }
0x31: {  	_ =	swait.ge [sflag:s26], $0x50  }
0x32: {  	[sflag:s26] =	ssyncset.done $0x0  }
0x33: {  	[sflag:s26] =	ssyncadd.s32 $0xFFFFFFB0  }
0x34: {  	_ =	swait.ge [sflag:s26], $0x50  }
.Ltmp2:
0x35: {  	[sflag:s26] =	ssyncset.done $0x0;
	(pc) =	sbr.rel .LBB2_2-.Ltmp2, $4  }
0x36: {  	[sflag:s26] =	ssyncadd.s32 $0xFFFFFFB0  }
0x37: {  	[tilespmem:s29], [sflag:$0x3] =	stream.indirect.gather [hbm4b:s6+s28], $0x80, s12, s28, $0xb8;
	[tilespmem:$0x1DF00] =	vst v63  }
0x38: {  	s30 =	simm.s32 $0x0;
	s22 =	simm.s32 $0x18F00;
	s16 =	rddreg [dreg:$0x8]  }
0x39: {  	[tilespmem:s22], [sflag:$0x3] =	stream.linear.gather [hbm4b:s16+s3], $0x2800, $0x38;
	[tilespmem:$0x1DF00] =	vst v63  }
.LBB2_10:
0x3a: {  	s30 =	sadd.s32 $0x1, s30  }
0x3b: {  	p0 =	sne.s32 s30, s17  }
.Ltmp3:
0x3c: {  	_ = 	snop;
	(pc) =	sbr.rel @!p0 .LBB2_11-.Ltmp3, $1  }
0x3d: {  	_ =	sdelay $0x3  }
.LBB2_2:
0x3e: {  	s22 =	sshll.u32 s30, $0x1  }
0x3f: {  	p1 =	sge.u32 s22, s9  }
.Ltmp4:
0x40: {  	_ = 	snop;
	(pc) =	sbr.rel @p1 .LBB2_6-.Ltmp4, $3  }
0x41: {  	_ =	sdelay $0x1  }
0x42: {  	s10 =	sshllo.u32 s30, $0x1  }
0x43: {  	p0 =	sge.u32 s10, s9  }
0x44: {  	p1 =	seq.s32 @!p0 s30, $0x0  }
0x45: {  	p1 =	por p1, p0  }
0x46: {  	s12 =	simm.s32 @!p1 $0x6  }
0x47: {  	_ =	swait.ge @!p1 [sflag:s12], $0x2800  }
0x48: {  	[sflag:s12] =	ssyncset.done @!p1 $0x0  }
0x49: {  	[sflag:s12] =	ssyncadd.s32 @!p1 $0xFFFFD800;
	s12 =	simm.s32 @!p0 $0x2  }
0x4a: {  	_ =	swait.ge @!p0 [sflag:s12], $0x50  }
0x4b: {  	[sflag:s12] =	ssyncset.done @!p0 $0x0  }
0x4c: {  	[sflag:s12] =	ssyncadd.s32 @!p0 $0xFFFFFFB0  }
0x4d: {  	s13 =	sadd.s32 @!p0 s8, s10;
	_ =	swait.ge @!p0 [sflag:s12], $0x50  }
0x4e: {  	s14 =	simm.s32 @!p0 $0x13C80;
	s15 =	simm.s32 @!p0 $0x16700;
	[sflag:s12] =	ssyncset.done @!p0 $0x0  }
0x4f: {  	s13 =	smul.u32 @!p0 $0x500, s13;
	[sflag:s12] =	ssyncadd.s32 @!p0 $0xFFFFFFB0;
	s12 =	simm.s32 @!p0 $0x50  }
0x50: {  	[tilespmem:s15], [sflag:$0x4] =	stream.indirect.gather @!p0 [hbm4b:s6+s12], $0x80, s14, s12, $0xb8;
	[tilespmem:$0x1DF00] =	vst v63  }
0x51: {  	s12 =	sadd.s32 @!p0 s7, s13;
	s13 =	simm.s32 @!p0 $0x0;
	s14 =	simm.s32 @!p0 $0x1B700  }
0x52: {  	[tilespmem:s14], [sflag:$0x4] =	stream.linear.gather @!p0 [hbm4b:s12+s13], $0x2800, $0x38;
	[tilespmem:$0x1DF00] =	vst v63  }
0x53: {  	_ =	swait.ge [sflag:s31], $0x2800  }
0x54: {  	[sflag:s31] =	ssyncset.done $0x0  }
0x55: {  	[sflag:s31] =	ssyncadd.s32 $0xFFFFD800  }
0x56: {  	_ =	swait.ge [sflag:s31], $0x2800  }
0x57: {  	[sflag:s31] =	ssyncset.done $0x0  }
0x58: {  	s12 =	simm.s32 $0x14000;
	[sflag:s31] =	ssyncadd.s32 $0xFFFFD800  }
0x59: {  	s13 =	simm.s32 $0x19000;
	v0 =	vld [tilespmem:s12+$0x80]  }
0x5a: {  	v1 =	vld [tilespmem:s13+$0x80]  }
0x5b: {  	v2 =	vld [tilespmem:s13+$0xFFFFFF00]  }
0x5c: {  	v3 =	vld [tilespmem:s12+$0xFFFFFF80]  }
0x5d: {  	v4 =	vld [tilespmem:s13+$0xFFFFFF80]  }
0x5e: {  	v5 =	vld [tilespmem:s13+$0x0]  }
0x5f: {  	v0 =	vadd.f32 v1, v0;
	v1 =	vld [tilespmem:s12+$0x0]  }
0x60: {  	v6 =	vld [tilespmem:s12+$0xFFFFFF00]  }
0x61: {  	v0 =	vmax.f32 v0, $0.0e+00  }
0x62: {  	v3 =	vadd.f32 v4, v3;
	[tilespmem:s12+$0x80] =	vst v0;
	v0 =	vld [tilespmem:s12+$0x90]  }
0x63: {  	v7 =	vld [tilespmem:s13+$0x90]  }
0x64: {  	v8 =	vld [tilespmem:s12+$0xFFFFFF90];
	v3 =	vmax.f32 v3, $0.0e+00;
	v1 =	vadd.f32 v5, v1  }
0x65: {  	v4 =	vld [tilespmem:s12+$0xFFFFFF10];
	v2 =	vadd.f32 v2, v6;
	[tilespmem:s12+$0xFFFFFF80] =	vst v3  }
0x66: {  	v5 =	vld [tilespmem:s13+$0xFFFFFF90];
	v1 =	vmax.f32 v1, $0.0e+00  }
0x67: {  	v2 =	vmax.f32 v2, $0.0e+00;
	v3 =	vld [tilespmem:s12+$0x10];
	[tilespmem:s12+$0x0] =	vst v1  }
0x68: {  	[tilespmem:s12+$0xFFFFFF00] =	vst v2;
	v0 =	vadd.f32 v7, v0;
	v1 =	vld [tilespmem:s13+$0x10]  }
0x69: {  	v2 =	vld [tilespmem:s13+$0xFFFFFF10]  }
0x6a: {  	v0 =	vmax.f32 v0, $0.0e+00  }
0x6b: {  	v5 =	vadd.f32 v5, v8;
	[tilespmem:s12+$0x90] =	vst v0;
	v0 =	vld [tilespmem:s12+$0xA0]  }
0x6c: {  	v7 =	vld [tilespmem:s13+$0xA0]  }
0x6d: {  	v6 =	vld [tilespmem:s12+$0xFFFFFF20];
	v5 =	vmax.f32 v5, $0.0e+00;
	v1 =	vadd.f32 v1, v3  }
0x6e: {  	v2 =	vadd.f32 v2, v4;
	v8 =	vld [tilespmem:s12+$0xFFFFFFA0];
	[tilespmem:s12+$0xFFFFFF90] =	vst v5  }
0x6f: {  	v4 =	vld [tilespmem:s13+$0xFFFFFFA0];
	v1 =	vmax.f32 v1, $0.0e+00  }
0x70: {  	v2 =	vmax.f32 v2, $0.0e+00;
	v3 =	vld [tilespmem:s12+$0x20];
	[tilespmem:s12+$0x10] =	vst v1  }
0x71: {  	[tilespmem:s12+$0xFFFFFF10] =	vst v2;
	v0 =	vadd.f32 v7, v0;
	v1 =	vld [tilespmem:s13+$0x20]  }
0x72: {  	v2 =	vld [tilespmem:s13+$0xFFFFFF20]  }
0x73: {  	v0 =	vmax.f32 v0, $0.0e+00  }
0x74: {  	v4 =	vadd.f32 v4, v8;
	[tilespmem:s12+$0xA0] =	vst v0;
	v0 =	vld [tilespmem:s12+$0xB0]  }
0x75: {  	v7 =	vld [tilespmem:s13+$0xB0]  }
0x76: {  	v9 =	vld [tilespmem:s12+$0x30];
	v4 =	vmax.f32 v4, $0.0e+00;
	v1 =	vadd.f32 v1, v3  }
0x77: {  	v2 =	vadd.f32 v2, v6;
	v8 =	vld [tilespmem:s12+$0xFFFFFFB0];
	[tilespmem:s12+$0xFFFFFFA0] =	vst v4  }
0x78: {  	v3 =	vld [tilespmem:s13+$0xFFFFFFB0];
	v1 =	vmax.f32 v1, $0.0e+00  }
0x79: {  	v5 =	vld [tilespmem:s12+$0xFFFFFF30];
	[tilespmem:s12+$0x20] =	vst v1;
	v1 =	vmax.f32 v2, $0.0e+00  }
0x7a: {  	v0 =	vadd.f32 v7, v0;
	[tilespmem:s12+$0xFFFFFF20] =	vst v1;
	v1 =	vld [tilespmem:s13+$0x30]  }
0x7b: {  	v6 =	vld [tilespmem:s13+$0xFFFFFF30]  }
0x7c: {  	v10 =	vld [tilespmem:s12+$0xFFFFFF40];
	v0 =	vmax.f32 v0, $0.0e+00  }
0x7d: {  	v3 =	vadd.f32 v3, v8;
	[tilespmem:s12+$0xB0] =	vst v0;
	v0 =	vld [tilespmem:s12+$0xC0]  }
0x7e: {  	v7 =	vld [tilespmem:s13+$0xC0]  }
0x7f: {  	v11 =	vld [tilespmem:s12+$0xFFFFFFD0];
	v3 =	vmax.f32 v3, $0.0e+00;
	v1 =	vadd.f32 v1, v9  }
0x80: {  	v4 =	vld [tilespmem:s12+$0xFFFFFFC0];
	[tilespmem:s12+$0xFFFFFFB0] =	vst v3;
	v5 =	vadd.f32 v6, v5  }
0x81: {  	v6 =	vld [tilespmem:s13+$0xFFFFFFC0];
	v1 =	vmax.f32 v1, $0.0e+00  }
0x82: {  	v2 =	vld [tilespmem:s12+$0x40];
	[tilespmem:s12+$0x30] =	vst v1;
	v1 =	vmax.f32 v5, $0.0e+00  }
0x83: {  	v0 =	vadd.f32 v7, v0;
	v5 =	vld [tilespmem:s13+$0x40];
	[tilespmem:s12+$0xFFFFFF30] =	vst v1  }
0x84: {  	v1 =	vld [tilespmem:s13+$0xFFFFFF40]  }
0x85: {  	v8 =	vld [tilespmem:s12+$0xFFFFFF50];
	v0 =	vmax.f32 v0, $0.0e+00  }
0x86: {  	[tilespmem:s12+$0xC0] =	vst v0;
	v0 =	vadd.f32 v6, v4;
	v6 =	vld [tilespmem:s12+$0xD0]  }
0x87: {  	v7 =	vld [tilespmem:s13+$0xD0]  }
0x88: {  	v3 =	vld [tilespmem:s12+$0xFFFFFF60];
	v0 =	vmax.f32 v0, $0.0e+00;
	v2 =	vadd.f32 v5, v2  }
0x89: {  	v9 =	vld [tilespmem:s12+$0x50];
	[tilespmem:s12+$0xFFFFFFC0] =	vst v0;
	v0 =	vadd.f32 v1, v10  }
0x8a: {  	v1 =	vld [tilespmem:s13+$0xFFFFFFD0];
	v2 =	vmax.f32 v2, $0.0e+00  }
0x8b: {  	v4 =	vld [tilespmem:s12+$0xFFFFFFE0];
	[tilespmem:s12+$0x40] =	vst v2;
	v0 =	vmax.f32 v0, $0.0e+00  }
0x8c: {  	v2 =	vld [tilespmem:s13+$0x50];
	v6 =	vadd.f32 v7, v6;
	[tilespmem:s12+$0xFFFFFF40] =	vst v0  }
0x8d: {  	v0 =	vld [tilespmem:s13+$0xFFFFFF50]  }
0x8e: {  	v5 =	vld [tilespmem:s12+$0x60];
	v6 =	vmax.f32 v6, $0.0e+00  }
0x8f: {  	v1 =	vadd.f32 v1, v11;
	[tilespmem:s12+$0xD0] =	vst v6;
	v6 =	vld [tilespmem:s12+$0xE0]  }
0x90: {  	v10 =	vld [tilespmem:s13+$0xE0]  }
0x91: {  	v1 =	vmax.f32 v1, $0.0e+00;
	v7 =	vadd.f32 v2, v9;
	v2 =	vld [tilespmem:s12+$0xFFFFFF70]  }
0x92: {  	[tilespmem:s12+$0xFFFFFFD0] =	vst v1;
	v0 =	vadd.f32 v0, v8;
	v1 =	vld [tilespmem:s12+$0xFFFFFFF0]  }
0x93: {  	v8 =	vmax.f32 v7, $0.0e+00;
	v7 =	vld [tilespmem:s13+$0xFFFFFFE0]  }
0x94: {  	[tilespmem:s12+$0x50] =	vst v8;
	v8 =	vmax.f32 v0, $0.0e+00;
	v0 =	vld [tilespmem:s12+$0x70]  }
0x95: {  	[tilespmem:s12+$0xFFFFFF50] =	vst v8;
	v8 =	vld [tilespmem:s13+$0x60];
	v6 =	vadd.f32 v10, v6  }
0x96: {  	v9 =	vld [tilespmem:s13+$0xFFFFFF60]  }
0x97: {  	s16 =	simm.s32 $0x19000;
	s15 =	simm.s32 $0x14200;
	s14 =	simm.s32 $0x0;
	v10 =	vmax.f32 v6, $0.0e+00;
	v6 =	vld [tilespmem:s12+$0xF0]  }
.LBB2_4:
0x98: {  	v11 =	vld [tilespmem:s15+$0x80];
	v4 =	vadd.f32 v7, v4;
	[tilespmem:s12+$0xE0] =	vst v10  }
0x99: {  	s16 =	sadd.s32 $0x200, s16;
	v7 =	vld [tilespmem:s13+$0xF0]  }
0x9a: {  	s14 =	sadd.s32 $0x4, s14;
	v10 =	vld [tilespmem:s16+$0x80];
	v4 =	vmax.f32 v4, $0.0e+00;
	v5 =	vadd.f32 v8, v5  }
0x9b: {  	p1 =	slt.u32 s14, $0x4C;
	v8 =	vld [tilespmem:s16+$0xFFFFFF00];
	v3 =	vadd.f32 v9, v3;
	[tilespmem:s12+$0xFFFFFFE0] =	vst v4  }
0x9c: {  	v4 =	vld [tilespmem:s15+$0xFFFFFF80];
	v5 =	vmax.f32 v5, $0.0e+00  }
0x9d: {  	v9 =	vld [tilespmem:s16+$0xFFFFFF80];
	v3 =	vmax.f32 v3, $0.0e+00;
	[tilespmem:s12+$0x60] =	vst v5  }
0x9e: {  	v5 =	vld [tilespmem:s15+$0x0];
	[tilespmem:s12+$0xFFFFFF60] =	vst v3;
	v3 =	vadd.f32 v7, v6  }
0x9f: {  	v6 =	vld [tilespmem:s16+$0x0];
	v7 =	vadd.f32 v10, v11  }
0xa0: {  	v10 =	vld [tilespmem:s15+$0xFFFFFF00];
	v3 =	vmax.f32 v3, $0.0e+00  }
0xa1: {  	v11 =	vld [tilespmem:s15+$0xFFFFFF10];
	v7 =	vmax.f32 v7, $0.0e+00;
	[tilespmem:s12+$0xF0] =	vst v3  }
0xa2: {  	v3 =	vadd.f32 v9, v4;
	[tilespmem:s15+$0x80] =	vst v7;
	v4 =	vld [tilespmem:s15+$0x90]  }
0xa3: {  	v7 =	vld [tilespmem:s16+$0x90]  }
0xa4: {  	v3 =	vmax.f32 v3, $0.0e+00;
	v9 =	vld [tilespmem:s15+$0xFFFFFF90];
	v5 =	vadd.f32 v6, v5  }
0xa5: {  	v6 =	vadd.f32 v8, v10;
	[tilespmem:s15+$0xFFFFFF80] =	vst v3;
	v3 =	vld [tilespmem:s15+$0x10]  }
0xa6: {  	v8 =	vld [tilespmem:s16+$0xFFFFFF90];
	v5 =	vmax.f32 v5, $0.0e+00  }
0xa7: {  	v6 =	vmax.f32 v6, $0.0e+00;
	v10 =	vld [tilespmem:s15+$0xFFFFFF20];
	[tilespmem:s15+$0x0] =	vst v5  }
0xa8: {  	[tilespmem:s15+$0xFFFFFF00] =	vst v6;
	v5 =	vld [tilespmem:s16+$0x10];
	v4 =	vadd.f32 v7, v4  }
0xa9: {  	v6 =	vld [tilespmem:s16+$0xFFFFFF10]  }
0xaa: {  	v7 =	vld [tilespmem:s15+$0xFFFFFFA0];
	v4 =	vmax.f32 v4, $0.0e+00  }
0xab: {  	v8 =	vadd.f32 v8, v9;
	[tilespmem:s15+$0x90] =	vst v4;
	v4 =	vld [tilespmem:s15+$0xA0]  }
0xac: {  	v9 =	vld [tilespmem:s16+$0xA0]  }
0xad: {  	v8 =	vmax.f32 v8, $0.0e+00;
	v3 =	vadd.f32 v5, v3;
	v5 =	vld [tilespmem:s15+$0x20]  }
0xae: {  	v6 =	vadd.f32 v6, v11;
	v11 =	vld [tilespmem:s15+$0xFFFFFF30];
	[tilespmem:s15+$0xFFFFFF90] =	vst v8  }
0xaf: {  	v8 =	vld [tilespmem:s16+$0xFFFFFFA0];
	v3 =	vmax.f32 v3, $0.0e+00  }
0xb0: {  	v6 =	vmax.f32 v6, $0.0e+00;
	v12 =	vld [tilespmem:s15+$0xFFFFFFB0];
	[tilespmem:s15+$0x10] =	vst v3  }
0xb1: {  	[tilespmem:s15+$0xFFFFFF10] =	vst v6;
	v3 =	vld [tilespmem:s16+$0x20];
	v4 =	vadd.f32 v9, v4  }
0xb2: {  	v6 =	vld [tilespmem:s16+$0xFFFFFF20]  }
0xb3: {  	v9 =	vld [tilespmem:s15+$0x30];
	v4 =	vmax.f32 v4, $0.0e+00  }
0xb4: {  	v7 =	vadd.f32 v8, v7;
	[tilespmem:s15+$0xA0] =	vst v4;
	v4 =	vld [tilespmem:s15+$0xB0]  }
0xb5: {  	v8 =	vld [tilespmem:s16+$0xB0]  }
0xb6: {  	v13 =	vld [tilespmem:s15+$0xFFFFFF40];
	v7 =	vmax.f32 v7, $0.0e+00;
	v3 =	vadd.f32 v3, v5  }
0xb7: {  	v5 =	vadd.f32 v6, v10;
	[tilespmem:s15+$0xFFFFFFA0] =	vst v7;
	v6 =	vld [tilespmem:s15+$0xFFFFFFC0]  }
0xb8: {  	v7 =	vld [tilespmem:s16+$0xFFFFFFB0];
	v3 =	vmax.f32 v3, $0.0e+00  }
0xb9: {  	v5 =	vmax.f32 v5, $0.0e+00;
	[tilespmem:s15+$0x20] =	vst v3;
	v10 =	vld [tilespmem:s15+$0x40]  }
0xba: {  	[tilespmem:s15+$0xFFFFFF20] =	vst v5;
	v3 =	vld [tilespmem:s16+$0x30];
	v4 =	vadd.f32 v8, v4  }
0xbb: {  	v5 =	vld [tilespmem:s16+$0xFFFFFF30]  }
0xbc: {  	v8 =	vld [tilespmem:s15+$0xFFFFFF50];
	v4 =	vmax.f32 v4, $0.0e+00  }
0xbd: {  	v7 =	vadd.f32 v7, v12;
	[tilespmem:s15+$0xB0] =	vst v4;
	v4 =	vld [tilespmem:s15+$0xC0]  }
0xbe: {  	v12 =	vld [tilespmem:s16+$0xC0]  }
0xbf: {  	v7 =	vmax.f32 v7, $0.0e+00;
	v14 =	vld [tilespmem:s15+$0xFFFFFFD0];
	v3 =	vadd.f32 v3, v9  }
0xc0: {  	v5 =	vadd.f32 v5, v11;
	[tilespmem:s15+$0xFFFFFFB0] =	vst v7;
	v7 =	vld [tilespmem:s15+$0x50]  }
0xc1: {  	v9 =	vld [tilespmem:s16+$0xFFFFFFC0];
	v11 =	vmax.f32 v3, $0.0e+00  }
0xc2: {  	v5 =	vmax.f32 v5, $0.0e+00;
	v3 =	vld [tilespmem:s15+$0xFFFFFF60];
	[tilespmem:s15+$0x30] =	vst v11  }
0xc3: {  	[tilespmem:s15+$0xFFFFFF30] =	vst v5;
	v5 =	vld [tilespmem:s16+$0x40];
	v11 =	vadd.f32 v12, v4  }
0xc4: {  	v12 =	vld [tilespmem:s16+$0xFFFFFF40]  }
0xc5: {  	v4 =	vld [tilespmem:s15+$0xFFFFFFE0];
	v11 =	vmax.f32 v11, $0.0e+00  }
0xc6: {  	v6 =	vadd.f32 v9, v6;
	[tilespmem:s15+$0xC0] =	vst v11;
	v9 =	vld [tilespmem:s15+$0xD0]  }
0xc7: {  	v11 =	vld [tilespmem:s16+$0xD0]  }
0xc8: {  	v6 =	vmax.f32 v6, $0.0e+00;
	v10 =	vadd.f32 v5, v10;
	v5 =	vld [tilespmem:s15+$0x60]  }
0xc9: {  	v12 =	vadd.f32 v12, v13;
	[tilespmem:s15+$0xFFFFFFC0] =	vst v6;
	v6 =	vld [tilespmem:s13+$0xFFFFFF70]  }
0xca: {  	v13 =	vld [tilespmem:s16+$0xFFFFFFD0];
	v10 =	vmax.f32 v10, $0.0e+00  }
0xcb: {  	v12 =	vmax.f32 v12, $0.0e+00;
	[tilespmem:s15+$0x40] =	vst v10;
	v10 =	vld [tilespmem:s13+$0xFFFFFFF0]  }
0xcc: {  	[tilespmem:s15+$0xFFFFFF40] =	vst v12;
	v12 =	vld [tilespmem:s16+$0x50];
	v9 =	vadd.f32 v11, v9  }
0xcd: {  	v11 =	vld [tilespmem:s16+$0xFFFFFF50]  }
0xce: {  	v9 =	vmax.f32 v9, $0.0e+00;
	v2 =	vadd.f32 v6, v2;
	v6 =	vld [tilespmem:s13+$0x70];
	s13 =	smov.u32 s16  }
0xcf: {  	v13 =	vadd.f32 v13, v14;
	[tilespmem:s15+$0xD0] =	vst v9;
	v9 =	vld [tilespmem:s15+$0xE0]  }
0xd0: {  	v14 =	vld [tilespmem:s16+$0xE0];
	v15 =	vmax.f32 v2, $0.0e+00;
	v10 =	vadd.f32 v10, v1  }
0xd1: {  	v2 =	vld [tilespmem:s15+$0xFFFFFF70];
	v1 =	vmax.f32 v13, $0.0e+00;
	v12 =	vadd.f32 v12, v7;
	[tilespmem:s12+$0xFFFFFF70] =	vst v15  }
0xd2: {  	v8 =	vadd.f32 v11, v8;
	[tilespmem:s15+$0xFFFFFFD0] =	vst v1;
	v1 =	vld [tilespmem:s15+$0xFFFFFFF0];
	v10 =	vmax.f32 v10, $0.0e+00  }
.Ltmp5:
0xd3: {  	v7 =	vld [tilespmem:s16+$0xFFFFFFE0];
	v11 =	vmax.f32 v12, $0.0e+00;
	[tilespmem:s12+$0xFFFFFFF0] =	vst v10;
	v6 =	vadd.f32 v6, v0;
	(pc) =	sbr.rel @p1 .LBB2_4-.Ltmp5, $4  }
0xd4: {  	v8 =	vmax.f32 v8, $0.0e+00;
	[tilespmem:s15+$0x50] =	vst v11;
	v0 =	vld [tilespmem:s15+$0x70]  }
0xd5: {  	[tilespmem:s15+$0xFFFFFF50] =	vst v8;
	v8 =	vld [tilespmem:s16+$0x60];
	v10 =	vadd.f32 v14, v9;
	v6 =	vmax.f32 v6, $0.0e+00  }
0xd6: {  	v9 =	vld [tilespmem:s16+$0xFFFFFF60];
	[tilespmem:s12+$0x70] =	vst v6;
	s12 =	smov.u32 s15  }
0xd7: {  	s15 =	sadd.s32 $0x200, s15;
	v10 =	vmax.f32 v10, $0.0e+00;
	v6 =	vld [tilespmem:s12+$0xF0]  }
0xd8: {  	_ = 	snop  }
0xd9: {  	v4 =	vadd.f32 v7, v4  }
0xda: {  	v5 =	vadd.f32 v8, v5  }
0xdb: {  	[tilespmem:s12+$0xE0] =	vst v10;
	v4 =	vmax.f32 v4, $0.0e+00;
	v3 =	vadd.f32 v9, v3  }
0xdc: {  	v58 =	vld [tilespmem:s13+$0xF0];
	[tilespmem:s12+$0xFFFFFFE0] =	vst v4;
	v59 =	vmax.f32 v5, $0.0e+00  }
0xdd: {  	v61 =	vld [tilespmem:s13+$0xFFFFFFF0];
	v3 =	vmax.f32 v3, $0.0e+00;
	[tilespmem:s12+$0x60] =	vst v59  }
0xde: {  	[tilespmem:s12+$0xFFFFFF60] =	vst v3;
	v62 =	vld [tilespmem:s13+$0x70]  }
0xdf: {  	v60 =	vld [tilespmem:s13+$0xFFFFFF70];
	_ =	sdelay $0x1  }
0xe0: {  	v6 =	vadd.f32 v58, v6  }
0xe1: {  	v1 =	vadd.f32 v61, v1  }
0xe2: {  	v63 =	vmax.f32 v6, $0.0e+00;
	v0 =	vadd.f32 v62, v0  }
0xe3: {  	[tilespmem:s12+$0xF0] =	vst v63;
	v1 =	vmax.f32 v1, $0.0e+00;
	v2 =	vadd.f32 v60, v2  }
0xe4: {  	s13 =	sand.u32 $0x1, s30;
	[tilespmem:s12+$0xFFFFFFF0] =	vst v1;
	v0 =	vmax.f32 v0, $0.0e+00  }
0xe5: {  	s14 =	simm.s32 $0x13D00;
	p1 =	seq.s32 s13, $0x0;
	v2 =	vmax.f32 v2, $0.0e+00;
	[tilespmem:s12+$0x70] =	vst v0  }
0xe6: {  	s14 =	simm.s32 @!p1 $0x13E00;
	[tilespmem:s12+$0xFFFFFF70] =	vst v2;
	s12 =	sadd.s32 $0x2, s22  }
0xe7: {  	[spmem:s1] =	stream.indirect.scatter.add.f32 [tilespmem:s29], [sflag:$0x5], $0x80, s14, s28, $0xb8;
	[tilespmem:$0x1DF00] =	vst v63  }
0xe8: {  	p1 =	sge.u32 s12, s9  }
0xe9: {  	s12 =	sadd.s32 @!p1 s8, s12  }
0xea: {  	s12 =	smul.u32 @!p1 $0xA, s12  }
0xeb: {  	p2 =	seq.s32 @!p1 s13, $0x0  }
0xec: {  	s14 =	simm.s32 @!p1 $0x0;
	s15 =	simm.s32 @!p1 $0x13C00;
	s13 =	sadd.s32 @!p1 s4, s12  }
0xed: {  	[tilespmem:s15], [sflag:$0x1] =	stream.linear.gather @!p1 [hbm4b:s13+s14], $0x50, $0x38;
	[tilespmem:$0x1DF00] =	vst v63  }
0xee: {  	p2 =	por !p2, p1;
	s13 =	simm.s32 @!p1 $0x13E00  }
0xef: {  	s12 =	sadd.s32 @!p1 s5, s12;
	s13 =	simm.s32 @p2 $0x13D00  }
0xf0: {  	[tilespmem:s13], [sflag:$0x1] =	stream.linear.gather @!p1 [hbm4b:s12+s14], $0x50, $0x38;
	[tilespmem:$0x1DF00] =	vst v63  }
.LBB2_6:
.Ltmp6:
0xf1: {  	(pc) =	sbr.rel @p0 .LBB2_10-.Ltmp6, $1  }
0xf2: {  	_ =	sdelay $0x3  }
0xf3: {  	s12 =	sadd.s32 $0x2, s22  }
0xf4: {  	p0 =	sge.u32 s12, s9  }
0xf5: {  	s13 =	simm.s32 @!p0 $0x5  }
0xf6: {  	_ =	swait.ge @!p0 [sflag:s13], $0x2800  }
0xf7: {  	[sflag:s13] =	ssyncset.done @!p0 $0x0  }
0xf8: {  	[sflag:s13] =	ssyncadd.s32 @!p0 $0xFFFFD800;
	s13 =	simm.s32 @!p0 $0x1  }
0xf9: {  	_ =	swait.ge @!p0 [sflag:s13], $0x50  }
0xfa: {  	[sflag:s13] =	ssyncset.done @!p0 $0x0  }
0xfb: {  	[sflag:s13] =	ssyncadd.s32 @!p0 $0xFFFFFFB0  }
0xfc: {  	s12 =	sadd.s32 @!p0 s8, s12;
	_ =	swait.ge @!p0 [sflag:s13], $0x50  }
0xfd: {  	s14 =	simm.s32 @!p0 $0x13C00;
	s15 =	simm.s32 @!p0 $0x13F00;
	[sflag:s13] =	ssyncset.done @!p0 $0x0  }
0xfe: {  	s12 =	smul.u32 @!p0 $0x500, s12;
	[sflag:s13] =	ssyncadd.s32 @!p0 $0xFFFFFFB0;
	s13 =	simm.s32 @!p0 $0x50  }
0xff: {  	[tilespmem:s15], [sflag:$0x3] =	stream.indirect.gather @!p0 [hbm4b:s6+s13], $0x80, s14, s13, $0xb8;
	[tilespmem:$0x1DF00] =	vst v63  }
0x100: {  	s12 =	sadd.s32 @!p0 s7, s12;
	s13 =	simm.s32 @!p0 $0x0;
	s14 =	simm.s32 @!p0 $0x18F00  }
0x101: {  	[tilespmem:s14], [sflag:$0x3] =	stream.linear.gather @!p0 [hbm4b:s12+s13], $0x2800, $0x38;
	[tilespmem:$0x1DF00] =	vst v63  }
0x102: {  	_ =	swait.ge [sflag:s0], $0x2800  }
0x103: {  	[sflag:s0] =	ssyncset.done $0x0  }
0x104: {  	[sflag:s0] =	ssyncadd.s32 $0xFFFFD800  }
0x105: {  	_ =	swait.ge [sflag:s0], $0x2800  }
0x106: {  	[sflag:s0] =	ssyncset.done $0x0  }
0x107: {  	s12 =	simm.s32 $0x16800;
	[sflag:s0] =	ssyncadd.s32 $0xFFFFD800  }
0x108: {  	s13 =	simm.s32 $0x1B800;
	v0 =	vld [tilespmem:s12+$0x80]  }
0x109: {  	v1 =	vld [tilespmem:s13+$0x80]  }
0x10a: {  	v2 =	vld [tilespmem:s13+$0xFFFFFF00]  }
0x10b: {  	v3 =	vld [tilespmem:s12+$0xFFFFFF80]  }
0x10c: {  	v4 =	vld [tilespmem:s13+$0xFFFFFF80]  }
0x10d: {  	v5 =	vld [tilespmem:s13+$0x0]  }
0x10e: {  	v0 =	vadd.f32 v1, v0;
	v1 =	vld [tilespmem:s12+$0x0]  }
0x10f: {  	v6 =	vld [tilespmem:s12+$0xFFFFFF00]  }
0x110: {  	v0 =	vmax.f32 v0, $0.0e+00  }
0x111: {  	v3 =	vadd.f32 v4, v3;
	[tilespmem:s12+$0x80] =	vst v0;
	v0 =	vld [tilespmem:s12+$0x90]  }
0x112: {  	v7 =	vld [tilespmem:s13+$0x90]  }
0x113: {  	v8 =	vld [tilespmem:s12+$0xFFFFFF90];
	v3 =	vmax.f32 v3, $0.0e+00;
	v1 =	vadd.f32 v5, v1  }
0x114: {  	v4 =	vld [tilespmem:s12+$0xFFFFFF10];
	v2 =	vadd.f32 v2, v6;
	[tilespmem:s12+$0xFFFFFF80] =	vst v3  }
0x115: {  	v5 =	vld [tilespmem:s13+$0xFFFFFF90];
	v1 =	vmax.f32 v1, $0.0e+00  }
0x116: {  	v2 =	vmax.f32 v2, $0.0e+00;
	v3 =	vld [tilespmem:s12+$0x10];
	[tilespmem:s12+$0x0] =	vst v1  }
0x117: {  	[tilespmem:s12+$0xFFFFFF00] =	vst v2;
	v0 =	vadd.f32 v7, v0;
	v1 =	vld [tilespmem:s13+$0x10]  }
0x118: {  	v2 =	vld [tilespmem:s13+$0xFFFFFF10]  }
0x119: {  	v0 =	vmax.f32 v0, $0.0e+00  }
0x11a: {  	v5 =	vadd.f32 v5, v8;
	[tilespmem:s12+$0x90] =	vst v0;
	v0 =	vld [tilespmem:s12+$0xA0]  }
0x11b: {  	v7 =	vld [tilespmem:s13+$0xA0]  }
0x11c: {  	v6 =	vld [tilespmem:s12+$0xFFFFFF20];
	v5 =	vmax.f32 v5, $0.0e+00;
	v1 =	vadd.f32 v1, v3  }
0x11d: {  	v2 =	vadd.f32 v2, v4;
	v8 =	vld [tilespmem:s12+$0xFFFFFFA0];
	[tilespmem:s12+$0xFFFFFF90] =	vst v5  }
0x11e: {  	v4 =	vld [tilespmem:s13+$0xFFFFFFA0];
	v1 =	vmax.f32 v1, $0.0e+00  }
0x11f: {  	v2 =	vmax.f32 v2, $0.0e+00;
	v3 =	vld [tilespmem:s12+$0x20];
	[tilespmem:s12+$0x10] =	vst v1  }
0x120: {  	[tilespmem:s12+$0xFFFFFF10] =	vst v2;
	v0 =	vadd.f32 v7, v0;
	v1 =	vld [tilespmem:s13+$0x20]  }
0x121: {  	v2 =	vld [tilespmem:s13+$0xFFFFFF20]  }
0x122: {  	v0 =	vmax.f32 v0, $0.0e+00  }
0x123: {  	v4 =	vadd.f32 v4, v8;
	[tilespmem:s12+$0xA0] =	vst v0;
	v0 =	vld [tilespmem:s12+$0xB0]  }
0x124: {  	v7 =	vld [tilespmem:s13+$0xB0]  }
0x125: {  	v9 =	vld [tilespmem:s12+$0x30];
	v4 =	vmax.f32 v4, $0.0e+00;
	v1 =	vadd.f32 v1, v3  }
0x126: {  	v2 =	vadd.f32 v2, v6;
	v8 =	vld [tilespmem:s12+$0xFFFFFFB0];
	[tilespmem:s12+$0xFFFFFFA0] =	vst v4  }
0x127: {  	v3 =	vld [tilespmem:s13+$0xFFFFFFB0];
	v1 =	vmax.f32 v1, $0.0e+00  }
0x128: {  	v5 =	vld [tilespmem:s12+$0xFFFFFF30];
	[tilespmem:s12+$0x20] =	vst v1;
	v1 =	vmax.f32 v2, $0.0e+00  }
0x129: {  	v0 =	vadd.f32 v7, v0;
	[tilespmem:s12+$0xFFFFFF20] =	vst v1;
	v1 =	vld [tilespmem:s13+$0x30]  }
0x12a: {  	v6 =	vld [tilespmem:s13+$0xFFFFFF30]  }
0x12b: {  	v10 =	vld [tilespmem:s12+$0xFFFFFF40];
	v0 =	vmax.f32 v0, $0.0e+00  }
0x12c: {  	v3 =	vadd.f32 v3, v8;
	[tilespmem:s12+$0xB0] =	vst v0;
	v0 =	vld [tilespmem:s12+$0xC0]  }
0x12d: {  	v7 =	vld [tilespmem:s13+$0xC0]  }
0x12e: {  	v11 =	vld [tilespmem:s12+$0xFFFFFFD0];
	v3 =	vmax.f32 v3, $0.0e+00;
	v1 =	vadd.f32 v1, v9  }
0x12f: {  	v4 =	vld [tilespmem:s12+$0xFFFFFFC0];
	[tilespmem:s12+$0xFFFFFFB0] =	vst v3;
	v5 =	vadd.f32 v6, v5  }
0x130: {  	v6 =	vld [tilespmem:s13+$0xFFFFFFC0];
	v1 =	vmax.f32 v1, $0.0e+00  }
0x131: {  	v2 =	vld [tilespmem:s12+$0x40];
	[tilespmem:s12+$0x30] =	vst v1;
	v1 =	vmax.f32 v5, $0.0e+00  }
0x132: {  	v0 =	vadd.f32 v7, v0;
	v5 =	vld [tilespmem:s13+$0x40];
	[tilespmem:s12+$0xFFFFFF30] =	vst v1  }
0x133: {  	v1 =	vld [tilespmem:s13+$0xFFFFFF40]  }
0x134: {  	v8 =	vld [tilespmem:s12+$0xFFFFFF50];
	v0 =	vmax.f32 v0, $0.0e+00  }
0x135: {  	[tilespmem:s12+$0xC0] =	vst v0;
	v0 =	vadd.f32 v6, v4;
	v6 =	vld [tilespmem:s12+$0xD0]  }
0x136: {  	v7 =	vld [tilespmem:s13+$0xD0]  }
0x137: {  	v3 =	vld [tilespmem:s12+$0xFFFFFF60];
	v0 =	vmax.f32 v0, $0.0e+00;
	v2 =	vadd.f32 v5, v2  }
0x138: {  	v9 =	vld [tilespmem:s12+$0x50];
	[tilespmem:s12+$0xFFFFFFC0] =	vst v0;
	v0 =	vadd.f32 v1, v10  }
0x139: {  	v1 =	vld [tilespmem:s13+$0xFFFFFFD0];
	v2 =	vmax.f32 v2, $0.0e+00  }
0x13a: {  	v4 =	vld [tilespmem:s12+$0xFFFFFFE0];
	[tilespmem:s12+$0x40] =	vst v2;
	v0 =	vmax.f32 v0, $0.0e+00  }
0x13b: {  	v2 =	vld [tilespmem:s13+$0x50];
	v6 =	vadd.f32 v7, v6;
	[tilespmem:s12+$0xFFFFFF40] =	vst v0  }
0x13c: {  	v0 =	vld [tilespmem:s13+$0xFFFFFF50]  }
0x13d: {  	v5 =	vld [tilespmem:s12+$0x60];
	v6 =	vmax.f32 v6, $0.0e+00  }
0x13e: {  	v1 =	vadd.f32 v1, v11;
	[tilespmem:s12+$0xD0] =	vst v6;
	v6 =	vld [tilespmem:s12+$0xE0]  }
0x13f: {  	v10 =	vld [tilespmem:s13+$0xE0]  }
0x140: {  	v1 =	vmax.f32 v1, $0.0e+00;
	v7 =	vadd.f32 v2, v9;
	v2 =	vld [tilespmem:s12+$0xFFFFFF70]  }
0x141: {  	[tilespmem:s12+$0xFFFFFFD0] =	vst v1;
	v0 =	vadd.f32 v0, v8;
	v1 =	vld [tilespmem:s12+$0xFFFFFFF0]  }
0x142: {  	v8 =	vmax.f32 v7, $0.0e+00;
	v7 =	vld [tilespmem:s13+$0xFFFFFFE0]  }
0x143: {  	[tilespmem:s12+$0x50] =	vst v8;
	v8 =	vmax.f32 v0, $0.0e+00;
	v0 =	vld [tilespmem:s12+$0x70]  }
0x144: {  	[tilespmem:s12+$0xFFFFFF50] =	vst v8;
	v8 =	vld [tilespmem:s13+$0x60];
	v6 =	vadd.f32 v10, v6  }
0x145: {  	v9 =	vld [tilespmem:s13+$0xFFFFFF60]  }
0x146: {  	s16 =	simm.s32 $0x1B800;
	s15 =	simm.s32 $0x16A00;
	s14 =	simm.s32 $0x0;
	v10 =	vmax.f32 v6, $0.0e+00;
	v6 =	vld [tilespmem:s12+$0xF0]  }
.LBB2_8:
0x147: {  	v11 =	vld [tilespmem:s15+$0x80];
	v4 =	vadd.f32 v7, v4;
	[tilespmem:s12+$0xE0] =	vst v10  }
0x148: {  	s16 =	sadd.s32 $0x200, s16;
	v7 =	vld [tilespmem:s13+$0xF0]  }
0x149: {  	s14 =	sadd.s32 $0x4, s14;
	v10 =	vld [tilespmem:s16+$0x80];
	v4 =	vmax.f32 v4, $0.0e+00;
	v5 =	vadd.f32 v8, v5  }
0x14a: {  	p0 =	slt.u32 s14, $0x4C;
	v8 =	vld [tilespmem:s16+$0xFFFFFF00];
	v3 =	vadd.f32 v9, v3;
	[tilespmem:s12+$0xFFFFFFE0] =	vst v4  }
0x14b: {  	v4 =	vld [tilespmem:s15+$0xFFFFFF80];
	v5 =	vmax.f32 v5, $0.0e+00  }
0x14c: {  	v9 =	vld [tilespmem:s16+$0xFFFFFF80];
	v3 =	vmax.f32 v3, $0.0e+00;
	[tilespmem:s12+$0x60] =	vst v5  }
0x14d: {  	v5 =	vld [tilespmem:s15+$0x0];
	[tilespmem:s12+$0xFFFFFF60] =	vst v3;
	v3 =	vadd.f32 v7, v6  }
0x14e: {  	v6 =	vld [tilespmem:s16+$0x0];
	v7 =	vadd.f32 v10, v11  }
0x14f: {  	v10 =	vld [tilespmem:s15+$0xFFFFFF00];
	v3 =	vmax.f32 v3, $0.0e+00  }
0x150: {  	v11 =	vld [tilespmem:s15+$0xFFFFFF10];
	v7 =	vmax.f32 v7, $0.0e+00;
	[tilespmem:s12+$0xF0] =	vst v3  }
0x151: {  	v3 =	vadd.f32 v9, v4;
	[tilespmem:s15+$0x80] =	vst v7;
	v4 =	vld [tilespmem:s15+$0x90]  }
0x152: {  	v7 =	vld [tilespmem:s16+$0x90]  }
0x153: {  	v3 =	vmax.f32 v3, $0.0e+00;
	v9 =	vld [tilespmem:s15+$0xFFFFFF90];
	v5 =	vadd.f32 v6, v5  }
0x154: {  	v6 =	vadd.f32 v8, v10;
	[tilespmem:s15+$0xFFFFFF80] =	vst v3;
	v3 =	vld [tilespmem:s15+$0x10]  }
0x155: {  	v8 =	vld [tilespmem:s16+$0xFFFFFF90];
	v5 =	vmax.f32 v5, $0.0e+00  }
0x156: {  	v6 =	vmax.f32 v6, $0.0e+00;
	v10 =	vld [tilespmem:s15+$0xFFFFFF20];
	[tilespmem:s15+$0x0] =	vst v5  }
0x157: {  	[tilespmem:s15+$0xFFFFFF00] =	vst v6;
	v5 =	vld [tilespmem:s16+$0x10];
	v4 =	vadd.f32 v7, v4  }
0x158: {  	v6 =	vld [tilespmem:s16+$0xFFFFFF10]  }
0x159: {  	v7 =	vld [tilespmem:s15+$0xFFFFFFA0];
	v4 =	vmax.f32 v4, $0.0e+00  }
0x15a: {  	v8 =	vadd.f32 v8, v9;
	[tilespmem:s15+$0x90] =	vst v4;
	v4 =	vld [tilespmem:s15+$0xA0]  }
0x15b: {  	v9 =	vld [tilespmem:s16+$0xA0]  }
0x15c: {  	v8 =	vmax.f32 v8, $0.0e+00;
	v3 =	vadd.f32 v5, v3;
	v5 =	vld [tilespmem:s15+$0x20]  }
0x15d: {  	v6 =	vadd.f32 v6, v11;
	v11 =	vld [tilespmem:s15+$0xFFFFFF30];
	[tilespmem:s15+$0xFFFFFF90] =	vst v8  }
0x15e: {  	v8 =	vld [tilespmem:s16+$0xFFFFFFA0];
	v3 =	vmax.f32 v3, $0.0e+00  }
0x15f: {  	v6 =	vmax.f32 v6, $0.0e+00;
	v12 =	vld [tilespmem:s15+$0xFFFFFFB0];
	[tilespmem:s15+$0x10] =	vst v3  }
0x160: {  	[tilespmem:s15+$0xFFFFFF10] =	vst v6;
	v3 =	vld [tilespmem:s16+$0x20];
	v4 =	vadd.f32 v9, v4  }
0x161: {  	v6 =	vld [tilespmem:s16+$0xFFFFFF20]  }
0x162: {  	v9 =	vld [tilespmem:s15+$0x30];
	v4 =	vmax.f32 v4, $0.0e+00  }
0x163: {  	v7 =	vadd.f32 v8, v7;
	[tilespmem:s15+$0xA0] =	vst v4;
	v4 =	vld [tilespmem:s15+$0xB0]  }
0x164: {  	v8 =	vld [tilespmem:s16+$0xB0]  }
0x165: {  	v13 =	vld [tilespmem:s15+$0xFFFFFF40];
	v7 =	vmax.f32 v7, $0.0e+00;
	v3 =	vadd.f32 v3, v5  }
0x166: {  	v5 =	vadd.f32 v6, v10;
	[tilespmem:s15+$0xFFFFFFA0] =	vst v7;
	v6 =	vld [tilespmem:s15+$0xFFFFFFC0]  }
0x167: {  	v7 =	vld [tilespmem:s16+$0xFFFFFFB0];
	v3 =	vmax.f32 v3, $0.0e+00  }
0x168: {  	v5 =	vmax.f32 v5, $0.0e+00;
	[tilespmem:s15+$0x20] =	vst v3;
	v10 =	vld [tilespmem:s15+$0x40]  }
0x169: {  	[tilespmem:s15+$0xFFFFFF20] =	vst v5;
	v3 =	vld [tilespmem:s16+$0x30];
	v4 =	vadd.f32 v8, v4  }
0x16a: {  	v5 =	vld [tilespmem:s16+$0xFFFFFF30]  }
0x16b: {  	v8 =	vld [tilespmem:s15+$0xFFFFFF50];
	v4 =	vmax.f32 v4, $0.0e+00  }
0x16c: {  	v7 =	vadd.f32 v7, v12;
	[tilespmem:s15+$0xB0] =	vst v4;
	v4 =	vld [tilespmem:s15+$0xC0]  }
0x16d: {  	v12 =	vld [tilespmem:s16+$0xC0]  }
0x16e: {  	v7 =	vmax.f32 v7, $0.0e+00;
	v14 =	vld [tilespmem:s15+$0xFFFFFFD0];
	v3 =	vadd.f32 v3, v9  }
0x16f: {  	v5 =	vadd.f32 v5, v11;
	[tilespmem:s15+$0xFFFFFFB0] =	vst v7;
	v7 =	vld [tilespmem:s15+$0x50]  }
0x170: {  	v9 =	vld [tilespmem:s16+$0xFFFFFFC0];
	v11 =	vmax.f32 v3, $0.0e+00  }
0x171: {  	v5 =	vmax.f32 v5, $0.0e+00;
	v3 =	vld [tilespmem:s15+$0xFFFFFF60];
	[tilespmem:s15+$0x30] =	vst v11  }
0x172: {  	[tilespmem:s15+$0xFFFFFF30] =	vst v5;
	v5 =	vld [tilespmem:s16+$0x40];
	v11 =	vadd.f32 v12, v4  }
0x173: {  	v12 =	vld [tilespmem:s16+$0xFFFFFF40]  }
0x174: {  	v4 =	vld [tilespmem:s15+$0xFFFFFFE0];
	v11 =	vmax.f32 v11, $0.0e+00  }
0x175: {  	v6 =	vadd.f32 v9, v6;
	[tilespmem:s15+$0xC0] =	vst v11;
	v9 =	vld [tilespmem:s15+$0xD0]  }
0x176: {  	v11 =	vld [tilespmem:s16+$0xD0]  }
0x177: {  	v6 =	vmax.f32 v6, $0.0e+00;
	v10 =	vadd.f32 v5, v10;
	v5 =	vld [tilespmem:s15+$0x60]  }
0x178: {  	v12 =	vadd.f32 v12, v13;
	[tilespmem:s15+$0xFFFFFFC0] =	vst v6;
	v6 =	vld [tilespmem:s13+$0xFFFFFF70]  }
0x179: {  	v13 =	vld [tilespmem:s16+$0xFFFFFFD0];
	v10 =	vmax.f32 v10, $0.0e+00  }
0x17a: {  	v12 =	vmax.f32 v12, $0.0e+00;
	[tilespmem:s15+$0x40] =	vst v10;
	v10 =	vld [tilespmem:s13+$0xFFFFFFF0]  }
0x17b: {  	[tilespmem:s15+$0xFFFFFF40] =	vst v12;
	v12 =	vld [tilespmem:s16+$0x50];
	v9 =	vadd.f32 v11, v9  }
0x17c: {  	v11 =	vld [tilespmem:s16+$0xFFFFFF50]  }
0x17d: {  	v9 =	vmax.f32 v9, $0.0e+00;
	v2 =	vadd.f32 v6, v2;
	v6 =	vld [tilespmem:s13+$0x70];
	s13 =	smov.u32 s16  }
0x17e: {  	v13 =	vadd.f32 v13, v14;
	[tilespmem:s15+$0xD0] =	vst v9;
	v9 =	vld [tilespmem:s15+$0xE0]  }
0x17f: {  	v14 =	vld [tilespmem:s16+$0xE0];
	v15 =	vmax.f32 v2, $0.0e+00;
	v10 =	vadd.f32 v10, v1  }
0x180: {  	v2 =	vld [tilespmem:s15+$0xFFFFFF70];
	v1 =	vmax.f32 v13, $0.0e+00;
	v12 =	vadd.f32 v12, v7;
	[tilespmem:s12+$0xFFFFFF70] =	vst v15  }
0x181: {  	v8 =	vadd.f32 v11, v8;
	[tilespmem:s15+$0xFFFFFFD0] =	vst v1;
	v1 =	vld [tilespmem:s15+$0xFFFFFFF0];
	v10 =	vmax.f32 v10, $0.0e+00  }
.Ltmp7:
0x182: {  	v7 =	vld [tilespmem:s16+$0xFFFFFFE0];
	v11 =	vmax.f32 v12, $0.0e+00;
	[tilespmem:s12+$0xFFFFFFF0] =	vst v10;
	v6 =	vadd.f32 v6, v0;
	(pc) =	sbr.rel @p0 .LBB2_8-.Ltmp7, $4  }
0x183: {  	v8 =	vmax.f32 v8, $0.0e+00;
	[tilespmem:s15+$0x50] =	vst v11;
	v0 =	vld [tilespmem:s15+$0x70]  }
0x184: {  	[tilespmem:s15+$0xFFFFFF50] =	vst v8;
	v8 =	vld [tilespmem:s16+$0x60];
	v10 =	vadd.f32 v14, v9;
	v6 =	vmax.f32 v6, $0.0e+00  }
0x185: {  	v9 =	vld [tilespmem:s16+$0xFFFFFF60];
	[tilespmem:s12+$0x70] =	vst v6;
	s12 =	smov.u32 s15  }
0x186: {  	s15 =	sadd.s32 $0x200, s15;
	v10 =	vmax.f32 v10, $0.0e+00;
	v6 =	vld [tilespmem:s12+$0xF0]  }
0x187: {  	_ = 	snop  }
0x188: {  	v4 =	vadd.f32 v7, v4  }
0x189: {  	v5 =	vadd.f32 v8, v5  }
0x18a: {  	[tilespmem:s12+$0xE0] =	vst v10;
	v4 =	vmax.f32 v4, $0.0e+00;
	v3 =	vadd.f32 v9, v3  }
0x18b: {  	v58 =	vld [tilespmem:s13+$0xF0];
	[tilespmem:s12+$0xFFFFFFE0] =	vst v4;
	v59 =	vmax.f32 v5, $0.0e+00  }
0x18c: {  	v61 =	vld [tilespmem:s13+$0xFFFFFFF0];
	v3 =	vmax.f32 v3, $0.0e+00;
	[tilespmem:s12+$0x60] =	vst v59  }
0x18d: {  	[tilespmem:s12+$0xFFFFFF60] =	vst v3;
	v62 =	vld [tilespmem:s13+$0x70]  }
0x18e: {  	v60 =	vld [tilespmem:s13+$0xFFFFFF70];
	_ =	sdelay $0x1  }
0x18f: {  	v6 =	vadd.f32 v58, v6  }
0x190: {  	v1 =	vadd.f32 v61, v1  }
0x191: {  	v63 =	vmax.f32 v6, $0.0e+00;
	v0 =	vadd.f32 v62, v0  }
0x192: {  	s13 =	sadd.s32 $0x3, s22;
	[tilespmem:s12+$0xF0] =	vst v63;
	v1 =	vmax.f32 v1, $0.0e+00;
	v2 =	vadd.f32 v60, v2  }
0x193: {  	s10 =	sand.u32 $0x3, s10;
	p0 =	sge.u32 s13, s9;
	[tilespmem:s12+$0xFFFFFFF0] =	vst v1;
	v0 =	vmax.f32 v0, $0.0e+00  }
0x194: {  	p1 =	seq.s32 s10, $0x3;
	s10 =	simm.s32 $0x13E80;
	s14 =	sadd.s32 @!p0 s8, s13;
	v2 =	vmax.f32 v2, $0.0e+00;
	[tilespmem:s12+$0x70] =	vst v0  }
0x195: {  	s10 =	simm.s32 @!p1 $0x13D80;
	[tilespmem:s12+$0xFFFFFF70] =	vst v2;
	s12 =	smul.u32 @!p0 $0xA, s14  }
0x196: {  	[spmem:s1] =	stream.indirect.scatter.add.f32 [tilespmem:s2], [sflag:$0x6], $0x80, s10, s28, $0xb8;
	[tilespmem:$0x1DF00] =	vst v63  }
0x197: {  	s15 =	simm.s32 @!p0 $0x13C80;
	s14 =	simm.s32 @!p0 $0x0;
	s10 =	sadd.s32 @!p0 s4, s12  }
0x198: {  	[tilespmem:s15], [sflag:$0x2] =	stream.linear.gather @!p0 [hbm4b:s10+s14], $0x50, $0x38;
	[tilespmem:$0x1DF00] =	vst v63  }
.Ltmp8:
0x199: {  	s10 =	sand.u32 @!p0 $0x3, s13;
	(pc) =	sbr.rel .LBB2_10-.Ltmp8, $4  }
0x19a: {  	p1 =	seq.s32 @!p0 s10, $0x3  }
0x19b: {  	s10 =	simm.s32 @!p0 $0x13E80;
	p1 =	por !p1, p0  }
0x19c: {  	s12 =	sadd.s32 @!p0 s5, s12;
	s10 =	simm.s32 @p1 $0x13D80  }
0x19d: {  	[tilespmem:s10], [sflag:$0x2] =	stream.linear.gather @!p0 [hbm4b:s12+s14], $0x50, $0x38;
	[tilespmem:$0x1DF00] =	vst v63  }
.LBB2_12:
0x19e: {  	_ =	sfence.sel $0x180000  }
0x19f: {  	[bflag:$0x0] =	sbarrier.arrive $0xFFFF  }
0x1a0: {  	_ =	strace $0x9000004A  }
0x1a1: {  	s0 =	stileid.u32;
	[bflag:$0x2] =	sbarrier.arrive $0xFFFF  }
0x1a2: {  	p0 =	sne.s32 s0, $0x0;
	s0 =	rddreg [dreg:$0x2]  }
0x1a3: {  	s0 =	sadd.s32 @!p0 $0x100000, s0  }
0x1a4: {  	[sflag:s0] =	ssyncadd.tile.s32 @!p0 $0x1;
	_ =	shalt  }
.Lfunc_end2:
_tile_overlayer_lowered:
.L_overlay_start_2:
0x1a5: {  	(tag) =	ssettag $0x2  }
0x1a6: {  	s0 =	rddreg [dreg:$0x0];
	s2 =	stileid.u32  }
0x1a7: {  	s1 =	rddreg [dreg:$0x1];
	p0 =	sne.s32 s2, $0x0  }
0x1a8: {  	s3 =	rddreg [dreg:$0x2];
	[bflag:$0x3] =	sbarrier.arrive $0xFFFF;
	s2 =	simm.s32 @!p0 $0x1C07  }
0x1a9: {  	[timem:s3], [sflag:s2] =	dma.local @!p0 [hbm:s0], s1  }
0x1aa: {  	s0 =	simm.s32 @!p0 $0x7  }
0x1ab: {  	_ =	swait.ge @!p0 [sflag:s0], s1  }
0x1ac: {  	s1 =	ssub.s32 @!p0 $0x0, s1;
	[sflag:s0] =	ssyncset.done @!p0 $0x0  }
0x1ad: {  	[sflag:s0] =	ssyncadd.s32 @!p0 s1  }
0x1ae: {  	[bflag:$0x3] =	sbarrier.arrive $0xFFFF  }
0x1af: {  	_ =	shalt  }

</sc_bundles>
